<compile_context>
chip_gen: v7x
topology: tpu7x:2x2x1
jax: 0.10.2.dev20260603
libtpu: 0.0.44.dev20260713+nightly
codegen_flags: <defaults>
</compile_context>

<pallas_src>
import functools

import jax
import jax.numpy as jnp
import numpy as np
from jax.experimental import pallas as pl
from jax.experimental.pallas import tpu as pltpu
from jax.experimental.pallas import tpu_sc as plsc

_ROWS = 64
_V = 100000
_BK = 2048
_NB = -(-_V // _BK)
_K_SC = 5
_NB_HEAD = _NB - _K_SC
_V_HEAD = _NB_HEAD * _BK
_V_SC = _K_SC * _BK

_K1 = np.uint32(0)
_K2 = np.uint32(42)
_K3 = np.uint32(int(_K1) ^ int(_K2) ^ 0x1BD11BDA)
_TINY = np.float32(np.finfo(np.float32).tiny)
_ROT_B = (17, 29, 16, 24)
_ROT_A = (13, 15, 26, 6)
_KS = (_K1, _K2, _K3)

_SC_IDX = (np.arange(_ROWS, dtype=np.uint32)[:, None] * np.uint32(_V)
           + np.arange(_V_SC, dtype=np.uint32)[None, :]
           + np.uint32(_V_HEAD + 42))


def _rotl(x, d):
    return (x << np.uint32(d)) | (x >> np.uint32(32 - d))


def _threefry_bits(x1):
    x0 = x1
    x1 = _rotl(x1, 13)
    x1 = x0 ^ x1
    rounds = ((15, 26, 6), _ROT_B, _ROT_A, _ROT_B, _ROT_A)
    for r in range(5):
        for d in rounds[r]:
            x0 = x0 + x1
            x1 = _rotl(x1, d)
            x1 = x0 ^ x1
        x0 = x0 + _KS[(r + 1) % 3]
        x1 = x1 + np.uint32((int(_KS[(r + 2) % 3]) + r + 1) & 0xFFFFFFFF)
    return x0 ^ x1


def _gumbel_from_bits(bits, logits):
    float_bits = (bits >> np.uint32(9)) | np.uint32(0x3F800000)
    f = jax.lax.bitcast_convert_type(float_bits, jnp.float32) - np.float32(1.0)
    u = jnp.maximum(f, _TINY)
    g = -jnp.log(-jnp.log(u))
    return g + logits


def _gumbel_plus(logits, x1_init):
    return _gumbel_from_bits(_threefry_bits(x1_init), logits)



_SC_MESH = plsc.VectorSubcoreMesh(core_axis_name="core",
                                  subcore_axis_name="subcore")
_SC_DMA_BLOCK = (8, 512)


def _sc_bits(idx):
    @functools.partial(
        pl.kernel,
        out_type=jax.ShapeDtypeStruct((_ROWS, _V_SC), jnp.uint32),
        mesh=_SC_MESH,
    )
    def sc_kernel(i_hbm, o_hbm):
        def body(i_vmem, o_vmem):
            @pl.loop(0, _SC_DMA_BLOCK[0])
            def _(r):
                @pl.loop(0, _SC_DMA_BLOCK[1], step=64)
                def _(c):
                    for t in range(4):
                        slc = (pl.ds(r, 1), pl.ds(c + t * 16, 16))
                        o_vmem.at[slc][...] = _threefry_bits(
                            i_vmem.at[slc][...])

        pltpu.emit_pipeline(
            body,
            grid=(_ROWS // _SC_DMA_BLOCK[0], _V_SC // _SC_DMA_BLOCK[1]),
            in_specs=[pl.BlockSpec(_SC_DMA_BLOCK, lambda i, j: (i, j))],
            out_specs=[pl.BlockSpec(_SC_DMA_BLOCK, lambda i, j: (i, j))],
            core_axis_name=("core", "subcore"),
            dimension_semantics=(pltpu.PARALLEL, pltpu.PARALLEL),
        )(i_hbm, o_hbm)

    return sc_kernel(idx)



def _head_kernel(x_ref, val_ref, idx_ref, x1_0, acc_val, acc_blk,
                 *, bk, nb, v, rows):
    j = pl.program_id(0)

    @pl.when(j == 0)
    def _():
        cols = jax.lax.broadcasted_iota(jnp.int32, (rows, bk), 1)
        r_iota = jax.lax.broadcasted_iota(jnp.int32, (rows, bk), 0)
        base = (r_iota * v + cols).astype(jnp.uint32) + np.uint32(42)
        x1_0[...] = base
        acc_val[...] = _gumbel_plus(x_ref[...], base)
        acc_blk[...] = jnp.zeros((rows, bk), jnp.int32)

    @pl.when(j > 0)
    def _():
        val = _gumbel_plus(x_ref[...], x1_0[...] + (j * bk).astype(jnp.uint32))
        better = val > acc_val[...]
        acc_blk[...] = jnp.where(better, j, acc_blk[...])
        acc_val[...] = jnp.maximum(val, acc_val[...])

    @pl.when(j == nb - 1)
    def _():
        cols = jax.lax.broadcasted_iota(jnp.int32, (rows, bk), 1)
        m = jnp.max(acc_val[...], axis=1, keepdims=True)
        cand = jnp.where(acc_val[...] == m, acc_blk[...] * bk + cols,
                         jnp.int32(2**31 - 1))
        val_ref[...] = m
        idx_ref[...] = jnp.min(cand, axis=1, keepdims=True)


def _tc_head(logits):
    rows, bk, nb = _ROWS, _BK, _NB_HEAD
    return pl.pallas_call(
        functools.partial(_head_kernel, bk=bk, nb=nb, v=_V, rows=rows),
        grid=(nb,),
        in_specs=[pl.BlockSpec((rows, bk), lambda j: (0, j))],
        out_specs=[pl.BlockSpec((rows, 1), lambda j: (0, 0)),
                   pl.BlockSpec((rows, 1), lambda j: (0, 0))],
        out_shape=[jax.ShapeDtypeStruct((rows, 1), jnp.float32),
                   jax.ShapeDtypeStruct((rows, 1), jnp.int32)],
        scratch_shapes=[
            pltpu.VMEM((rows, bk), jnp.uint32),
            pltpu.VMEM((rows, bk), jnp.float32),
            pltpu.VMEM((rows, bk), jnp.int32),
        ],
    )(logits)



def _tail_kernel(x_ref, b_ref, hval_ref, hidx_ref, o_ref, acc_val, acc_blk,
                 *, bk, nb, v, v0, rows):
    j = pl.program_id(0)

    @pl.when(j == 0)
    def _():
        acc_val[...] = _gumbel_from_bits(b_ref[...], x_ref[...])
        acc_blk[...] = jnp.zeros((rows, bk), jnp.int32)

    @pl.when(jnp.logical_and(j > 0, j < nb - 1))
    def _():
        val = _gumbel_from_bits(b_ref[...], x_ref[...])
        better = val > acc_val[...]
        acc_blk[...] = jnp.where(better, j, acc_blk[...])
        acc_val[...] = jnp.maximum(val, acc_val[...])

    @pl.when(j == nb - 1)
    def _():
        cols = jax.lax.broadcasted_iota(jnp.int32, (rows, bk), 1)
        val = _gumbel_from_bits(b_ref[...], x_ref[...])
        val = jnp.where(v0 + j * bk + cols < v, val, -jnp.inf)
        better = val > acc_val[...]
        a_blk = jnp.where(better, j, acc_blk[...])
        a_val = jnp.maximum(val, acc_val[...])
        m = jnp.max(a_val, axis=1, keepdims=True)
        cand = jnp.where(a_val == m, v0 + a_blk * bk + cols,
                         jnp.int32(2**31 - 1))
        t_idx = jnp.min(cand, axis=1, keepdims=True)
        pick_head = hval_ref[...] >= m
        res = jnp.where(pick_head, hidx_ref[...], t_idx)
        o_ref[...] = res.T


def _tc_tail(logits, bits, head_val, head_idx):
    rows, bk, nb = _ROWS, _BK, _K_SC
    return pl.pallas_call(
        functools.partial(_tail_kernel, bk=bk, nb=nb, v=_V, v0=_V_HEAD,
                          rows=rows),
        grid=(nb,),
        in_specs=[pl.BlockSpec((rows, bk), lambda j: (0, j + _NB_HEAD)),
                  pl.BlockSpec((rows, bk), lambda j: (0, j)),
                  pl.BlockSpec((rows, 1), lambda j: (0, 0)),
                  pl.BlockSpec((rows, 1), lambda j: (0, 0))],
        out_specs=pl.BlockSpec((1, rows), lambda j: (0, 0)),
        out_shape=jax.ShapeDtypeStruct((1, rows), jnp.int32),
        scratch_shapes=[
            pltpu.VMEM((rows, bk), jnp.float32),
            pltpu.VMEM((rows, bk), jnp.int32),
        ],
    )(logits, bits, head_val, head_idx)


def kernel(logits):
    rows, v = logits.shape
    bits = _sc_bits(jnp.asarray(_SC_IDX))
    head_val, head_idx = _tc_head(logits)
    out = _tc_tail(logits, bits, head_val, head_idx)
    return out.reshape(rows)

# --- scband reference (transcript-rebuilt; emitter-appended) ---
"""Pipeline reference for scband-my-model-61933428410617 (READ-ONLY COPY).

The authoritative reference and input builder live on the scoring server;
editing this copy changes nothing except your own understanding.
"""

import jax, jax.numpy as jnp
import numpy as np

def setup_inputs(seed: int = 0) -> dict:
    key = jax.random.key(seed)
    logits = jax.random.normal(jax.random.fold_in(key, 0), (64, 100000), dtype=jnp.float32)
    return {"logits": logits}

def reference(logits):
    # torch.distributions.Categorical(logits=logits).sample()
    # Equivalent to Gumbel-max sampling over the last axis.
    # jax.random.categorical implements exactly this.
    key = jax.random.key(42)
    samples = jax.random.categorical(key, logits, axis=-1)
    return samples

if __name__ == "__main__":
    import jax
    _d = setup_inputs()
    print(jax.jit(kernel)(*tuple(_d.values())))

</pallas_src>

<mosaic_0001>
#map = affine_map<(d0, d1) -> (0, 0)>
module attributes {stable_mosaic.version = 14 : i64} {
  func.func @sc_kernel(%arg0: i32, %arg1: i32, %arg2: memref<64x10240xi32, #tpu.memory_space<hbm>>, %arg3: memref<64x10240xi32, #tpu.memory_space<hbm>>) attributes {dimension_semantics = [#tpu.dimension_semantics<core_parallel>, #tpu.dimension_semantics<subcore_parallel>], iteration_bounds = array<i64: 2, 16>, scalar_prefetch = 0 : i64, scratch_operands = 0 : i64, tpu.core_type = #tpu.core_type<sc_vector_subcore>, window_params = [{transform_indices = #map}, {transform_indices = #map}]} {
    %mul3A = arith.constant 1 : i32
    %mul3A_0 = arith.muli %arg1, %mul3A : i32
    %add3A = arith.constant 0 : i32
    %add3A_1 = arith.addi %add3A, %mul3A_0 : i32
    %mul3A_2 = arith.constant 16 : i32
    %mul3A_3 = arith.muli %arg0, %mul3A_2 : i32
    %add3A_4 = arith.addi %add3A_1, %mul3A_3 : i32
    %lt3A = arith.constant 20 : i32
    %lt3A_5 = arith.cmpi slt, %add3A_4, %lt3A : i32
    %jit3A = arith.constant 1 : i32
    %jit3A_6 = arith.constant 0 : i32
    %select_n3A = arith.select %lt3A_5, %jit3A, %jit3A_6 : i32
    %lt3A_7 = arith.constant 20 : i32
    %lt3A_8 = arith.cmpi slt, %add3A_4, %lt3A_7 : i32
    %mul3A_9 = arith.muli %add3A_4, %select_n3A : i32
    %mul3A_10 = arith.constant 0 : i32
    %mul3A_11 = arith.muli %add3A_4, %mul3A_10 : i32
    %add3A_12 = arith.constant 20 : i32
    %add3A_13 = arith.addi %mul3A_11, %add3A_12 : i32
    %select_n3A_14 = arith.select %lt3A_8, %mul3A_9, %add3A_13 : i32
    %mul3A_15 = arith.constant 8 : i32
    %mul3A_16 = arith.muli %mul3A_15, %select_n3A : i32
    "tpu.region"() ({
      %run_scoped3A = memref.alloca() : memref<2x8x512xi32, #tpu.memory_space<vmem>>
      %run_scoped3A_17 = tpu.sem_alloc : memref<2x!tpu.dma_semaphore, #tpu.memory_space<semaphore_mem>>
      %run_scoped3A_18 = memref.alloca() : memref<2x8x512xi32, #tpu.memory_space<vmem>>
      %run_scoped3A_19 = tpu.sem_alloc : memref<2x!tpu.dma_semaphore, #tpu.memory_space<semaphore_mem>>
      %gt3A = arith.constant 0 : i32
      %gt3A_20 = arith.cmpi sgt, %mul3A_16, %gt3A : i32
      %convert_element_type3A = arith.extui %gt3A_20 : i1 to i32
      %cond3A = arith.constant 0 : i32
      %cond3A_21 = arith.cmpi ne, %convert_element_type3A, %cond3A : i32
      scf.if %cond3A_21 {
        %mul3A_22 = arith.constant 8 : i32
        %mul3A_23 = arith.muli %mul3A_22, %select_n3A : i32
        %sub3A = arith.constant 1 : i32
        %sub3A_24 = arith.subi %mul3A_23, %sub3A : i32
        %eq3A = arith.constant 0 : i32
        %eq3A_25 = arith.cmpi eq, %sub3A_24, %eq3A : i32
        %add3A_26 = arith.constant 0 : i32
        %add3A_27 = arith.addi %add3A_26, %select_n3A_14 : i32
        %select_n3A_28 = arith.constant true
        %select_n3A_29 = arith.constant 0 : i32
        %select_n3A_30 = arith.constant -1 : i32
        %select_n3A_31 = arith.select %select_n3A_28, %select_n3A_30, %select_n3A_29 : i32
        %eq3A_32 = arith.constant -1 : i32
        %eq3A_33 = arith.cmpi eq, %select_n3A_31, %eq3A_32 : i32
        %sub3A_34 = arith.constant 1 : i32
        %sub3A_35 = arith.subi %select_n3A, %sub3A_34 : i32
        %select_n3A_36 = arith.select %eq3A_33, %sub3A_35, %select_n3A_31 : i32
        %select_n3A_37 = arith.constant 0 : i32
        %select_n3A_38 = arith.constant -1 : i32
        %select_n3A_39 = arith.select %eq3A_33, %select_n3A_38, %select_n3A_37 : i32
        %eq3A_40 = arith.constant -1 : i32
        %eq3A_41 = arith.cmpi eq, %select_n3A_39, %eq3A_40 : i32
        %select_n3A_42 = arith.constant 7 : i32
        %select_n3A_43 = arith.select %eq3A_41, %select_n3A_42, %select_n3A_39 : i32
        %add3A_44 = arith.constant 0 : i32
        %add3A_45 = arith.addi %select_n3A_43, %add3A_44 : i32
        %add3A_46 = arith.addi %select_n3A_36, %select_n3A_14 : i32
        %select_n3A_47 = arith.constant true
        %select_n3A_48 = arith.constant 0 : i32
        %select_n3A_49 = arith.constant 1 : i32
        %select_n3A_50 = arith.select %select_n3A_47, %select_n3A_49, %select_n3A_48 : i32
        %eq3A_51 = arith.cmpi eq, %select_n3A_50, %select_n3A : i32
        %select_n3A_52 = arith.constant 0 : i32
        %select_n3A_53 = arith.select %eq3A_51, %select_n3A_52, %select_n3A_50 : i32
        %select_n3A_54 = arith.constant 0 : i32
        %select_n3A_55 = arith.constant 1 : i32
        %select_n3A_56 = arith.select %eq3A_51, %select_n3A_55, %select_n3A_54 : i32
        %eq3A_57 = arith.constant 8 : i32
        %eq3A_58 = arith.cmpi eq, %select_n3A_56, %eq3A_57 : i32
        %select_n3A_59 = arith.constant 0 : i32
        %select_n3A_60 = arith.select %eq3A_58, %select_n3A_59, %select_n3A_56 : i32
        %add3A_61 = arith.constant 0 : i32
        %add3A_62 = arith.addi %select_n3A_60, %add3A_61 : i32
        %add3A_63 = arith.addi %select_n3A_53, %select_n3A_14 : i32
        %add3A_64 = arith.constant 1 : i32
        %add3A_65 = arith.addi %select_n3A_53, %add3A_64 : i32
        %select_n3A_66 = arith.constant true
        %select_n3A_67 = arith.select %select_n3A_66, %add3A_65, %select_n3A_53 : i32
        %eq3A_68 = arith.cmpi eq, %select_n3A_67, %select_n3A : i32
        %select_n3A_69 = arith.constant 0 : i32
        %select_n3A_70 = arith.select %eq3A_68, %select_n3A_69, %select_n3A_67 : i32
        %add3A_71 = arith.constant 1 : i32
        %add3A_72 = arith.addi %select_n3A_60, %add3A_71 : i32
        %select_n3A_73 = arith.select %eq3A_68, %add3A_72, %select_n3A_60 : i32
        %eq3A_74 = arith.constant 8 : i32
        %eq3A_75 = arith.cmpi eq, %select_n3A_73, %eq3A_74 : i32
        %select_n3A_76 = arith.constant 0 : i32
        %select_n3A_77 = arith.select %eq3A_75, %select_n3A_76, %select_n3A_73 : i32
        %add3A_78 = arith.constant 0 : i32
        %add3A_79 = arith.addi %select_n3A_77, %add3A_78 : i32
        %add3A_80 = arith.addi %select_n3A_70, %select_n3A_14 : i32
        "tpu.trace_start"() <{level = 10 : i32, message = "ep_initialize_0"}> : () -> ()
        %rem3A = arith.constant 0 : i32
        %rem3A_81 = arith.constant 2 : i32
        %rem3A_82 = arith.remui %rem3A, %rem3A_81 : i32
        %mul3A_83 = arith.constant 512 : i32
        %mul3A_84 = arith.muli %mul3A_83, %add3A_27 : i32
        %dma_start3A = arith.constant 0 : i32
        %dma_start3A_85 = arith.constant 0 : i32
        %dma_start3A_86 = tpu.memref_slice %run_scoped3A[%rem3A_82, %dma_start3A, %dma_start3A_85] : memref<2x8x512xi32, #tpu.memory_space<vmem>> -> memref<1x8x512xi32, #tpu.memory_space<vmem>>
        %dma_start3A_87 = tpu.memref_squeeze %dma_start3A_86 : memref<1x8x512xi32, #tpu.memory_space<vmem>> -> memref<8x512xi32, #tpu.memory_space<vmem>>
        %dma_start3A_88 = arith.constant 0 : i32
        %dma_start3A_89 = tpu.memref_slice %arg2[%dma_start3A_88, %mul3A_84] : memref<64x10240xi32, #tpu.memory_space<hbm>> -> memref<8x512xi32, #tpu.memory_space<hbm>>
        %dma_start3A_90 = tpu.memref_slice %run_scoped3A_17[%rem3A_82] : memref<2x!tpu.dma_semaphore, #tpu.memory_space<semaphore_mem>> -> memref<1x!tpu.dma_semaphore, #tpu.memory_space<semaphore_mem>>
        %dma_start3A_91 = tpu.memref_squeeze %dma_start3A_90 : memref<1x!tpu.dma_semaphore, #tpu.memory_space<semaphore_mem>> -> memref<!tpu.dma_semaphore, #tpu.memory_space<semaphore_mem>>
        %dma_start3A_92 = arith.constant 0 : i32
        %dma_start3A_93 = arith.constant 0 : i32
        %dma_start3A_94 = tpu.memref_slice %run_scoped3A[%rem3A_82, %dma_start3A_92, %dma_start3A_93] : memref<2x8x512xi32, #tpu.memory_space<vmem>> -> memref<1x8x512xi32, #tpu.memory_space<vmem>>
        %dma_start3A_95 = tpu.memref_squeeze %dma_start3A_94 : memref<1x8x512xi32, #tpu.memory_space<vmem>> -> memref<8x512xi32, #tpu.memory_space<vmem>>
        %dma_start3A_96 = arith.constant 0 : i32
        %dma_start3A_97 = tpu.memref_slice %arg2[%dma_start3A_96, %mul3A_84] : memref<64x10240xi32, #tpu.memory_space<hbm>> -> memref<8x512xi32, #tpu.memory_space<hbm>>
        tpu.enqueue_dma source(%dma_start3A_97 : memref<8x512xi32, #tpu.memory_space<hbm>>) target(%dma_start3A_95 : memref<8x512xi32, #tpu.memory_space<vmem>>) target_semaphore(%dma_start3A_91 : memref<!tpu.dma_semaphore, #tpu.memory_space<semaphore_mem>>)
        %add3A_98 = arith.constant 0 : i32
        %add3A_99 = arith.constant 1 : i32
        %add3A_100 = arith.addi %add3A_98, %add3A_99 : i32
        %select_n3A_101 = arith.constant true
        %select_n3A_102 = arith.constant 0 : i32
        %select_n3A_103 = arith.select %select_n3A_101, %add3A_100, %select_n3A_102 : i32
        %while3A = arith.constant 0 : i32
        %while3A_104 = arith.constant 0 : i32
        %while3A_105 = arith.constant 0 : i32
        %while3A_106 = arith.constant 0 : i32
        %while3A_107 = arith.constant 0 : i32
        %while3A_108 = arith.constant 0 : i32
        "tpu.trace_stop"() : () -> ()
        %while3A_109 = arith.subi %mul3A_16, %while3A : i32
        %while3A_110 = arith.addi %while3A, %while3A_109 : i32
        %while3A_111 = arith.constant 1 : i32
        %while3A_112 = arith.divsi %while3A_109, %while3A_111 : i32
        %while3A_113 = arith.muli %while3A_112, %while3A_111 : i32
        %while3A_114 = arith.addi %while3A, %while3A_113 : i32
        %while3A_115 = arith.constant 1 : i32
        %while3A_116:6 = scf.for %while3A_206 = %while3A to %while3A_114 step %while3A_115 iter_args(%while3A_207 = %select_n3A_103, %while3A_208 = %while3A_104, %while3A_209 = %while3A_105, %while3A_210 = %while3A_106, %while3A_211 = %while3A_107, %while3A_212 = %while3A_108) -> (i32, i32, i32, i32, i32, i32)  : i32 {
          %mul3A_213 = arith.constant 8 : i32
          %mul3A_214 = arith.muli %mul3A_213, %select_n3A : i32
          %eq3A_215 = arith.constant 0 : i32
          %eq3A_216 = arith.cmpi eq, %while3A_206, %eq3A_215 : i32
          %sub3A_217 = arith.constant 1 : i32
          %sub3A_218 = arith.subi %mul3A_214, %sub3A_217 : i32
          %eq3A_219 = arith.cmpi eq, %while3A_206, %sub3A_218 : i32
          %add3A_220 = arith.constant 0 : i32
          %add3A_221 = arith.addi %while3A_211, %add3A_220 : i32
          %add3A_222 = arith.addi %while3A_212, %select_n3A_14 : i32
          %sub3A_223 = arith.constant 1 : i32
          %sub3A_224 = arith.subi %while3A_212, %sub3A_223 : i32
          %select_n3A_225 = arith.constant true
          %select_n3A_226 = arith.select %select_n3A_225, %sub3A_224, %while3A_212 : i32
          %eq3A_227 = arith.constant -1 : i32
          %eq3A_228 = arith.cmpi eq, %select_n3A_226, %eq3A_227 : i32
          %sub3A_229 = arith.constant 1 : i32
          %sub3A_230 = arith.subi %select_n3A, %sub3A_229 : i32
          %select_n3A_231 = arith.select %eq3A_228, %sub3A_230, %select_n3A_226 : i32
          %sub3A_232 = arith.constant 1 : i32
          %sub3A_233 = arith.subi %while3A_211, %sub3A_232 : i32
          %select_n3A_234 = arith.select %eq3A_228, %sub3A_233, %while3A_211 : i32
          %eq3A_235 = arith.constant -1 : i32
          %eq3A_236 = arith.cmpi eq, %select_n3A_234, %eq3A_235 : i32
          %select_n3A_237 = arith.constant 7 : i32
          %select_n3A_238 = arith.select %eq3A_236, %select_n3A_237, %select_n3A_234 : i32
          %add3A_239 = arith.constant 0 : i32
          %add3A_240 = arith.addi %select_n3A_238, %add3A_239 : i32
          %add3A_241 = arith.addi %select_n3A_231, %select_n3A_14 : i32
          %add3A_242 = arith.constant 1 : i32
          %add3A_243 = arith.addi %while3A_212, %add3A_242 : i32
          %select_n3A_244 = arith.constant true
          %select_n3A_245 = arith.select %select_n3A_244, %add3A_243, %while3A_212 : i32
          %eq3A_246 = arith.cmpi eq, %select_n3A_245, %select_n3A : i32
          %select_n3A_247 = arith.constant 0 : i32
          %select_n3A_248 = arith.select %eq3A_246, %select_n3A_247, %select_n3A_245 : i32
          %add3A_249 = arith.constant 1 : i32
          %add3A_250 = arith.addi %while3A_211, %add3A_249 : i32
          %select_n3A_251 = arith.select %eq3A_246, %add3A_250, %while3A_211 : i32
          %eq3A_252 = arith.constant 8 : i32
          %eq3A_253 = arith.cmpi eq, %select_n3A_251, %eq3A_252 : i32
          %select_n3A_254 = arith.constant 0 : i32
          %select_n3A_255 = arith.select %eq3A_253, %select_n3A_254, %select_n3A_251 : i32
          %add3A_256 = arith.constant 0 : i32
          %add3A_257 = arith.addi %select_n3A_255, %add3A_256 : i32
          %add3A_258 = arith.addi %select_n3A_248, %select_n3A_14 : i32
          %add3A_259 = arith.constant 1 : i32
          %add3A_260 = arith.addi %select_n3A_248, %add3A_259 : i32
          %select_n3A_261 = arith.constant true
          %select_n3A_262 = arith.select %select_n3A_261, %add3A_260, %select_n3A_248 : i32
          %eq3A_263 = arith.cmpi eq, %select_n3A_262, %select_n3A : i32
          %select_n3A_264 = arith.constant 0 : i32
          %select_n3A_265 = arith.select %eq3A_263, %select_n3A_264, %select_n3A_262 : i32
          %add3A_266 = arith.constant 1 : i32
          %add3A_267 = arith.addi %select_n3A_255, %add3A_266 : i32
          %select_n3A_268 = arith.select %eq3A_263, %add3A_267, %select_n3A_255 : i32
          %eq3A_269 = arith.constant 8 : i32
          %eq3A_270 = arith.cmpi eq, %select_n3A_268, %eq3A_269 : i32
          %select_n3A_271 = arith.constant 0 : i32
          %select_n3A_272 = arith.select %eq3A_270, %select_n3A_271, %select_n3A_268 : i32
          %add3A_273 = arith.constant 0 : i32
          %add3A_274 = arith.addi %select_n3A_272, %add3A_273 : i32
          %add3A_275 = arith.addi %select_n3A_265, %select_n3A_14 : i32
          %ne3A = arith.cmpi ne, %add3A_221, %add3A_257 : i32
          %ne3A_276 = arith.cmpi ne, %add3A_222, %add3A_258 : i32
          %or3A = arith.constant false
          %or3A_277 = arith.ori %or3A, %ne3A : i1
          %or3A_278 = arith.ori %or3A_277, %ne3A_276 : i1
          %sub3A_279 = arith.constant 2 : i32
          %sub3A_280 = arith.subi %mul3A_214, %sub3A_279 : i32
          %add3A_281 = arith.constant 1 : i32
          %add3A_282 = arith.addi %sub3A_280, %add3A_281 : i32
          %ge3A = arith.cmpi sge, %while3A_206, %add3A_282 : i32
          %not3A = arith.constant true
          %not3A_283 = arith.xori %ge3A, %not3A : i1
          %and3A = arith.andi %or3A_278, %not3A_283 : i1
          %convert_element_type3A_284 = arith.extui %and3A : i1 to i32
          %cond3A_285 = arith.constant 0 : i32
          %cond3A_286 = arith.cmpi ne, %convert_element_type3A_284, %cond3A_285 : i32
          scf.if %cond3A_286 {
            "tpu.trace_start"() <{level = 10 : i32, message = "ep_copy_in"}> : () -> ()
            %rem3A_408 = arith.constant 2 : i32
            %rem3A_409 = arith.remui %while3A_207, %rem3A_408 : i32
            %mul3A_410 = arith.constant 8 : i32
            %mul3A_411 = arith.muli %mul3A_410, %add3A_257 : i32
            %mul3A_412 = arith.constant 512 : i32
            %mul3A_413 = arith.muli %mul3A_412, %add3A_258 : i32
            %dma_start3A_414 = arith.constant 0 : i32
            %dma_start3A_415 = arith.constant 0 : i32
            %dma_start3A_416 = tpu.memref_slice %run_scoped3A[%rem3A_409, %dma_start3A_414, %dma_start3A_415] : memref<2x8x512xi32, #tpu.memory_space<vmem>> -> memref<1x8x512xi32, #tpu.memory_space<vmem>>
            %dma_start3A_417 = tpu.memref_squeeze %dma_start3A_416 : memref<1x8x512xi32, #tpu.memory_space<vmem>> -> memref<8x512xi32, #tpu.memory_space<vmem>>
            %dma_start3A_418 = tpu.memref_slice %arg2[%mul3A_411, %mul3A_413] : memref<64x10240xi32, #tpu.memory_space<hbm>> -> memref<8x512xi32, #tpu.memory_space<hbm>>
            %dma_start3A_419 = tpu.memref_slice %run_scoped3A_17[%rem3A_409] : memref<2x!tpu.dma_semaphore, #tpu.memory_space<semaphore_mem>> -> memref<1x!tpu.dma_semaphore, #tpu.memory_space<semaphore_mem>>
            %dma_start3A_420 = tpu.memref_squeeze %dma_start3A_419 : memref<1x!tpu.dma_semaphore, #tpu.memory_space<semaphore_mem>> -> memref<!tpu.dma_semaphore, #tpu.memory_space<semaphore_mem>>
            %dma_start3A_421 = arith.constant 0 : i32
            %dma_start3A_422 = arith.constant 0 : i32
            %dma_start3A_423 = tpu.memref_slice %run_scoped3A[%rem3A_409, %dma_start3A_421, %dma_start3A_422] : memref<2x8x512xi32, #tpu.memory_space<vmem>> -> memref<1x8x512xi32, #tpu.memory_space<vmem>>
            %dma_start3A_424 = tpu.memref_squeeze %dma_start3A_423 : memref<1x8x512xi32, #tpu.memory_space<vmem>> -> memref<8x512xi32, #tpu.memory_space<vmem>>
            %dma_start3A_425 = tpu.memref_slice %arg2[%mul3A_411, %mul3A_413] : memref<64x10240xi32, #tpu.memory_space<hbm>> -> memref<8x512xi32, #tpu.memory_space<hbm>>
            tpu.enqueue_dma source(%dma_start3A_425 : memref<8x512xi32, #tpu.memory_space<hbm>>) target(%dma_start3A_424 : memref<8x512xi32, #tpu.memory_space<vmem>>) target_semaphore(%dma_start3A_420 : memref<!tpu.dma_semaphore, #tpu.memory_space<semaphore_mem>>)
            "tpu.trace_stop"() : () -> ()
          } else {
          }
          %and3A_287 = arith.constant true
          %and3A_288 = arith.andi %and3A, %and3A_287 : i1
          %add3A_289 = arith.constant 1 : i32
          %add3A_290 = arith.addi %while3A_207, %add3A_289 : i32
          %select_n3A_291 = arith.select %and3A_288, %add3A_290, %while3A_207 : i32
          %ne3A_292 = arith.cmpi ne, %add3A_221, %add3A_257 : i32
          %ne3A_293 = arith.cmpi ne, %add3A_222, %add3A_258 : i32
          %or3A_294 = arith.constant false
          %or3A_295 = arith.ori %or3A_294, %ne3A_292 : i1
          %or3A_296 = arith.ori %or3A_295, %ne3A_293 : i1
          %sub3A_297 = arith.constant 2 : i32
          %sub3A_298 = arith.subi %mul3A_214, %sub3A_297 : i32
          %add3A_299 = arith.constant 1 : i32
          %add3A_300 = arith.addi %sub3A_298, %add3A_299 : i32
          %ge3A_301 = arith.cmpi sge, %while3A_206, %add3A_300 : i32
          %not3A_302 = arith.constant true
          %not3A_303 = arith.xori %ge3A_301, %not3A_302 : i1
          %and3A_304 = arith.andi %or3A_296, %not3A_303 : i1
          %ne3A_305 = arith.cmpi ne, %add3A_221, %add3A_240 : i32
          %ne3A_306 = arith.cmpi ne, %add3A_222, %add3A_241 : i32
          %or3A_307 = arith.constant false
          %or3A_308 = arith.ori %or3A_307, %ne3A_305 : i1
          %or3A_309 = arith.ori %or3A_308, %ne3A_306 : i1
          %or3A_310 = arith.ori %or3A_309, %eq3A_216 : i1
          %convert_element_type3A_311 = arith.extui %or3A_310 : i1 to i32
          %cond3A_312 = arith.constant 0 : i32
          %cond3A_313 = arith.cmpi ne, %convert_element_type3A_311, %cond3A_312 : i32
          scf.if %cond3A_313 {
            "tpu.trace_start"() <{level = 10 : i32, message = "ep_wait_in"}> : () -> ()
            %mul3A_408 = arith.constant 8 : i32
            %mul3A_409 = arith.muli %mul3A_408, %add3A_221 : i32
            %mul3A_410 = arith.constant 512 : i32
            %mul3A_411 = arith.muli %mul3A_410, %add3A_222 : i32
            %rem3A_412 = arith.constant 2 : i32
            %rem3A_413 = arith.remui %while3A_208, %rem3A_412 : i32
            %dma_wait3A = arith.constant 0 : i32
            %dma_wait3A_414 = arith.constant 0 : i32
            %dma_wait3A_415 = tpu.memref_slice %run_scoped3A[%rem3A_413, %dma_wait3A, %dma_wait3A_414] : memref<2x8x512xi32, #tpu.memory_space<vmem>> -> memref<1x8x512xi32, #tpu.memory_space<vmem>>
            %dma_wait3A_416 = tpu.memref_squeeze %dma_wait3A_415 : memref<1x8x512xi32, #tpu.memory_space<vmem>> -> memref<8x512xi32, #tpu.memory_space<vmem>>
            %dma_wait3A_417 = tpu.memref_slice %arg2[%mul3A_409, %mul3A_411] : memref<64x10240xi32, #tpu.memory_space<hbm>> -> memref<8x512xi32, #tpu.memory_space<hbm>>
            %dma_wait3A_418 = tpu.memref_slice %run_scoped3A_17[%rem3A_413] : memref<2x!tpu.dma_semaphore, #tpu.memory_space<semaphore_mem>> -> memref<1x!tpu.dma_semaphore, #tpu.memory_space<semaphore_mem>>
            %dma_wait3A_419 = tpu.memref_squeeze %dma_wait3A_418 : memref<1x!tpu.dma_semaphore, #tpu.memory_space<semaphore_mem>> -> memref<!tpu.dma_semaphore, #tpu.memory_space<semaphore_mem>>
            %dma_wait3A_420 = arith.constant 0 : i32
            %dma_wait3A_421 = arith.constant 0 : i32
            %dma_wait3A_422 = tpu.memref_slice %run_scoped3A[%rem3A_413, %dma_wait3A_420, %dma_wait3A_421] : memref<2x8x512xi32, #tpu.memory_space<vmem>> -> memref<1x8x512xi32, #tpu.memory_space<vmem>>
            %dma_wait3A_423 = tpu.memref_squeeze %dma_wait3A_422 : memref<1x8x512xi32, #tpu.memory_space<vmem>> -> memref<8x512xi32, #tpu.memory_space<vmem>>
            %dma_wait3A_424 = tpu.memref_slice %arg2[%mul3A_409, %mul3A_411] : memref<64x10240xi32, #tpu.memory_space<hbm>> -> memref<8x512xi32, #tpu.memory_space<hbm>>
            tpu.wait_dma2 semaphore(%dma_wait3A_419 : memref<!tpu.dma_semaphore, #tpu.memory_space<semaphore_mem>>) src(%dma_wait3A_424 : memref<8x512xi32, #tpu.memory_space<hbm>>) dst(%dma_wait3A_423 : memref<8x512xi32, #tpu.memory_space<vmem>>)
            "tpu.trace_stop"() : () -> ()
          } else {
          }
          %ne3A_314 = arith.cmpi ne, %add3A_221, %add3A_240 : i32
          %ne3A_315 = arith.cmpi ne, %add3A_222, %add3A_241 : i32
          %or3A_316 = arith.constant false
          %or3A_317 = arith.ori %or3A_316, %ne3A_314 : i1
          %or3A_318 = arith.ori %or3A_317, %ne3A_315 : i1
          %or3A_319 = arith.ori %or3A_318, %eq3A_216 : i1
          %convert_element_type3A_320 = arith.extui %or3A_319 : i1 to i32
          %cond3A_321 = arith.constant 0 : i32
          %cond3A_322 = arith.cmpi ne, %convert_element_type3A_320, %cond3A_321 : i32
          scf.if %cond3A_322 {
          } else {
          }
          %rem3A_323 = arith.constant 2 : i32
          %rem3A_324 = arith.remui %while3A_208, %rem3A_323 : i32
          %rem3A_325 = arith.constant 2 : i32
          %rem3A_326 = arith.remui %while3A_209, %rem3A_325 : i32
          "tpu.trace_start"() <{level = 10 : i32, message = "ep_run_kernel"}> : () -> ()
          %scan3A = arith.constant 0 : i32
          %scan3A_327 = arith.constant 8 : i32
          %scan3A_328 = arith.addi %scan3A, %scan3A_327 : i32
          %scan3A_329 = arith.constant 1 : i32
          scf.for %scan3A_408 = %scan3A to %scan3A_328 step %scan3A_329  : i32 {
            %mul3A_409 = arith.constant 1 : i32
            %mul3A_410 = arith.muli %scan3A_408, %mul3A_409 : i32
            %add3A_411 = arith.constant 0 : i32
            %add3A_412 = arith.addi %add3A_411, %mul3A_410 : i32
            %scan3A_413 = arith.constant 0 : i32
            %scan3A_414 = arith.constant 8 : i32
            %scan3A_415 = arith.addi %scan3A_413, %scan3A_414 : i32
            %scan3A_416 = arith.constant 1 : i32
            scf.for %scan3A_418 = %scan3A_413 to %scan3A_415 step %scan3A_416  : i32 {
              %mul3A_419 = arith.constant 64 : i32
              %mul3A_420 = arith.muli %scan3A_418, %mul3A_419 : i32
              %add3A_421 = arith.constant 0 : i32
              %add3A_422 = arith.addi %add3A_421, %mul3A_420 : i32
              %add3A_423 = arith.constant 0 : i32
              %add3A_424 = arith.addi %add3A_422, %add3A_423 : i32
              %get3A = arith.constant 0 : i32
              %get3A_425 = arith.constant 0 : i32
              %get3A_426 = tpu.memref_slice %run_scoped3A[%rem3A_324, %get3A, %get3A_425] : memref<2x8x512xi32, #tpu.memory_space<vmem>> -> memref<1x8x512xi32, #tpu.memory_space<vmem>>
              %get3A_427 = tpu.memref_squeeze %get3A_426 : memref<1x8x512xi32, #tpu.memory_space<vmem>> -> memref<8x512xi32, #tpu.memory_space<vmem>>
              %get3A_428 = arith.index_cast %add3A_412 : i32 to index
              %get3A_429 = arith.index_cast %add3A_424 : i32 to index
              %get3A_430 = tpu.vector_load %get3A_427[%get3A_428, %get3A_429] {strides = array<i32>} : memref<8x512xi32, #tpu.memory_space<vmem>>, vector<1x16xi32>,
              %get3A_431 = vector.shape_cast %get3A_430 : vector<1x16xi32> to vector<1x16xi32>
              %shift_left3A = arith.constant 13 : i32
              %shift_left3A_432 = vector.broadcast %shift_left3A : i32 to vector<1x16xi32>
              %shift_left3A_433 = arith.shli %get3A_431, %shift_left3A_432 : vector<1x16xi32>
              %shift_right_logical3A = arith.constant 19 : i32
              %shift_right_logical3A_434 = vector.broadcast %shift_right_logical3A : i32 to vector<1x16xi32>
              %shift_right_logical3A_435 = arith.shrui %get3A_431, %shift_right_logical3A_434 : vector<1x16xi32>
              %or3A_436 = arith.ori %shift_left3A_433, %shift_right_logical3A_435 : vector<1x16xi32>
              %xor3A = arith.xori %get3A_431, %or3A_436 : vector<1x16xi32>
              %add3A_437 = arith.addi %get3A_431, %xor3A : vector<1x16xi32>
              %shift_left3A_438 = arith.constant 15 : i32
              %shift_left3A_439 = vector.broadcast %shift_left3A_438 : i32 to vector<1x16xi32>
              %shift_left3A_440 = arith.shli %xor3A, %shift_left3A_439 : vector<1x16xi32>
              %shift_right_logical3A_441 = arith.constant 17 : i32
              %shift_right_logical3A_442 = vector.broadcast %shift_right_logical3A_441 : i32 to vector<1x16xi32>
              %shift_right_logical3A_443 = arith.shrui %xor3A, %shift_right_logical3A_442 : vector<1x16xi32>
              %or3A_444 = arith.ori %shift_left3A_440, %shift_right_logical3A_443 : vector<1x16xi32>
              %xor3A_445 = arith.xori %add3A_437, %or3A_444 : vector<1x16xi32>
              %add3A_446 = arith.addi %add3A_437, %xor3A_445 : vector<1x16xi32>
              %shift_left3A_447 = arith.constant 26 : i32
              %shift_left3A_448 = vector.broadcast %shift_left3A_447 : i32 to vector<1x16xi32>
              %shift_left3A_449 = arith.shli %xor3A_445, %shift_left3A_448 : vector<1x16xi32>
              %shift_right_logical3A_450 = arith.constant 6 : i32
              %shift_right_logical3A_451 = vector.broadcast %shift_right_logical3A_450 : i32 to vector<1x16xi32>
              %shift_right_logical3A_452 = arith.shrui %xor3A_445, %shift_right_logical3A_451 : vector<1x16xi32>
              %or3A_453 = arith.ori %shift_left3A_449, %shift_right_logical3A_452 : vector<1x16xi32>
              %xor3A_454 = arith.xori %add3A_446, %or3A_453 : vector<1x16xi32>
              %add3A_455 = arith.addi %add3A_446, %xor3A_454 : vector<1x16xi32>
              %shift_left3A_456 = arith.constant 6 : i32
              %shift_left3A_457 = vector.broadcast %shift_left3A_456 : i32 to vector<1x16xi32>
              %shift_left3A_458 = arith.shli %xor3A_454, %shift_left3A_457 : vector<1x16xi32>
              %shift_right_logical3A_459 = arith.constant 26 : i32
              %shift_right_logical3A_460 = vector.broadcast %shift_right_logical3A_459 : i32 to vector<1x16xi32>
              %shift_right_logical3A_461 = arith.shrui %xor3A_454, %shift_right_logical3A_460 : vector<1x16xi32>
              %or3A_462 = arith.ori %shift_left3A_458, %shift_right_logical3A_461 : vector<1x16xi32>
              %xor3A_463 = arith.xori %add3A_455, %or3A_462 : vector<1x16xi32>
              %add3A_464 = arith.constant 42 : i32
              %add3A_465 = vector.broadcast %add3A_464 : i32 to vector<1x16xi32>
              %add3A_466 = arith.addi %add3A_455, %add3A_465 : vector<1x16xi32>
              %add3A_467 = arith.constant 466689009 : i32
              %add3A_468 = vector.broadcast %add3A_467 : i32 to vector<1x16xi32>
              %add3A_469 = arith.addi %xor3A_463, %add3A_468 : vector<1x16xi32>
              %add3A_470 = arith.addi %add3A_466, %add3A_469 : vector<1x16xi32>
              %shift_left3A_471 = arith.constant 17 : i32
              %shift_left3A_472 = vector.broadcast %shift_left3A_471 : i32 to vector<1x16xi32>
              %shift_left3A_473 = arith.shli %add3A_469, %shift_left3A_472 : vector<1x16xi32>
              %shift_right_logical3A_474 = arith.constant 15 : i32
              %shift_right_logical3A_475 = vector.broadcast %shift_right_logical3A_474 : i32 to vector<1x16xi32>
              %shift_right_logical3A_476 = arith.shrui %add3A_469, %shift_right_logical3A_475 : vector<1x16xi32>
              %or3A_477 = arith.ori %shift_left3A_473, %shift_right_logical3A_476 : vector<1x16xi32>
              %xor3A_478 = arith.xori %add3A_470, %or3A_477 : vector<1x16xi32>
              %add3A_479 = arith.addi %add3A_470, %xor3A_478 : vector<1x16xi32>
              %shift_left3A_480 = arith.constant 29 : i32
              %shift_left3A_481 = vector.broadcast %shift_left3A_480 : i32 to vector<1x16xi32>
              %shift_left3A_482 = arith.shli %xor3A_478, %shift_left3A_481 : vector<1x16xi32>
              %shift_right_logical3A_483 = arith.constant 3 : i32
              %shift_right_logical3A_484 = vector.broadcast %shift_right_logical3A_483 : i32 to vector<1x16xi32>
              %shift_right_logical3A_485 = arith.shrui %xor3A_478, %shift_right_logical3A_484 : vector<1x16xi32>
              %or3A_486 = arith.ori %shift_left3A_482, %shift_right_logical3A_485 : vector<1x16xi32>
              %xor3A_487 = arith.xori %add3A_479, %or3A_486 : vector<1x16xi32>
              %add3A_488 = arith.addi %add3A_479, %xor3A_487 : vector<1x16xi32>
              %shift_left3A_489 = arith.constant 16 : i32
              %shift_left3A_490 = vector.broadcast %shift_left3A_489 : i32 to vector<1x16xi32>
              %shift_left3A_491 = arith.shli %xor3A_487, %shift_left3A_490 : vector<1x16xi32>
              %shift_right_logical3A_492 = arith.constant 16 : i32
              %shift_right_logical3A_493 = vector.broadcast %shift_right_logical3A_492 : i32 to vector<1x16xi32>
              %shift_right_logical3A_494 = arith.shrui %xor3A_487, %shift_right_logical3A_493 : vector<1x16xi32>
              %or3A_495 = arith.ori %shift_left3A_491, %shift_right_logical3A_494 : vector<1x16xi32>
              %xor3A_496 = arith.xori %add3A_488, %or3A_495 : vector<1x16xi32>
              %add3A_497 = arith.addi %add3A_488, %xor3A_496 : vector<1x16xi32>
              %shift_left3A_498 = arith.constant 24 : i32
              %shift_left3A_499 = vector.broadcast %shift_left3A_498 : i32 to vector<1x16xi32>
              %shift_left3A_500 = arith.shli %xor3A_496, %shift_left3A_499 : vector<1x16xi32>
              %shift_right_logical3A_501 = arith.constant 8 : i32
              %shift_right_logical3A_502 = vector.broadcast %shift_right_logical3A_501 : i32 to vector<1x16xi32>
              %shift_right_logical3A_503 = arith.shrui %xor3A_496, %shift_right_logical3A_502 : vector<1x16xi32>
              %or3A_504 = arith.ori %shift_left3A_500, %shift_right_logical3A_503 : vector<1x16xi32>
              %xor3A_505 = arith.xori %add3A_497, %or3A_504 : vector<1x16xi32>
              %add3A_506 = arith.constant 466689008 : i32
              %add3A_507 = vector.broadcast %add3A_506 : i32 to vector<1x16xi32>
              %add3A_508 = arith.addi %add3A_497, %add3A_507 : vector<1x16xi32>
              %add3A_509 = arith.constant 2 : i32
              %add3A_510 = vector.broadcast %add3A_509 : i32 to vector<1x16xi32>
              %add3A_511 = arith.addi %xor3A_505, %add3A_510 : vector<1x16xi32>
              %add3A_512 = arith.addi %add3A_508, %add3A_511 : vector<1x16xi32>
              %shift_left3A_513 = arith.constant 13 : i32
              %shift_left3A_514 = vector.broadcast %shift_left3A_513 : i32 to vector<1x16xi32>
              %shift_left3A_515 = arith.shli %add3A_511, %shift_left3A_514 : vector<1x16xi32>
              %shift_right_logical3A_516 = arith.constant 19 : i32
              %shift_right_logical3A_517 = vector.broadcast %shift_right_logical3A_516 : i32 to vector<1x16xi32>
              %shift_right_logical3A_518 = arith.shrui %add3A_511, %shift_right_logical3A_517 : vector<1x16xi32>
              %or3A_519 = arith.ori %shift_left3A_515, %shift_right_logical3A_518 : vector<1x16xi32>
              %xor3A_520 = arith.xori %add3A_512, %or3A_519 : vector<1x16xi32>
              %add3A_521 = arith.addi %add3A_512, %xor3A_520 : vector<1x16xi32>
              %shift_left3A_522 = arith.constant 15 : i32
              %shift_left3A_523 = vector.broadcast %shift_left3A_522 : i32 to vector<1x16xi32>
              %shift_left3A_524 = arith.shli %xor3A_520, %shift_left3A_523 : vector<1x16xi32>
              %shift_right_logical3A_525 = arith.constant 17 : i32
              %shift_right_logical3A_526 = vector.broadcast %shift_right_logical3A_525 : i32 to vector<1x16xi32>
              %shift_right_logical3A_527 = arith.shrui %xor3A_520, %shift_right_logical3A_526 : vector<1x16xi32>
              %or3A_528 = arith.ori %shift_left3A_524, %shift_right_logical3A_527 : vector<1x16xi32>
              %xor3A_529 = arith.xori %add3A_521, %or3A_528 : vector<1x16xi32>
              %add3A_530 = arith.addi %add3A_521, %xor3A_529 : vector<1x16xi32>
              %shift_left3A_531 = arith.constant 26 : i32
              %shift_left3A_532 = vector.broadcast %shift_left3A_531 : i32 to vector<1x16xi32>
              %shift_left3A_533 = arith.shli %xor3A_529, %shift_left3A_532 : vector<1x16xi32>
              %shift_right_logical3A_534 = arith.constant 6 : i32
              %shift_right_logical3A_535 = vector.broadcast %shift_right_logical3A_534 : i32 to vector<1x16xi32>
              %shift_right_logical3A_536 = arith.shrui %xor3A_529, %shift_right_logical3A_535 : vector<1x16xi32>
              %or3A_537 = arith.ori %shift_left3A_533, %shift_right_logical3A_536 : vector<1x16xi32>
              %xor3A_538 = arith.xori %add3A_530, %or3A_537 : vector<1x16xi32>
              %add3A_539 = arith.addi %add3A_530, %xor3A_538 : vector<1x16xi32>
              %shift_left3A_540 = arith.constant 6 : i32
              %shift_left3A_541 = vector.broadcast %shift_left3A_540 : i32 to vector<1x16xi32>
              %shift_left3A_542 = arith.shli %xor3A_538, %shift_left3A_541 : vector<1x16xi32>
              %shift_right_logical3A_543 = arith.constant 26 : i32
              %shift_right_logical3A_544 = vector.broadcast %shift_right_logical3A_543 : i32 to vector<1x16xi32>
              %shift_right_logical3A_545 = arith.shrui %xor3A_538, %shift_right_logical3A_544 : vector<1x16xi32>
              %or3A_546 = arith.ori %shift_left3A_542, %shift_right_logical3A_545 : vector<1x16xi32>
              %xor3A_547 = arith.xori %add3A_539, %or3A_546 : vector<1x16xi32>
              %add3A_548 = arith.constant 0 : i32
              %add3A_549 = vector.broadcast %add3A_548 : i32 to vector<1x16xi32>
              %add3A_550 = arith.addi %add3A_539, %add3A_549 : vector<1x16xi32>
              %add3A_551 = arith.constant 45 : i32
              %add3A_552 = vector.broadcast %add3A_551 : i32 to vector<1x16xi32>
              %add3A_553 = arith.addi %xor3A_547, %add3A_552 : vector<1x16xi32>
              %add3A_554 = arith.addi %add3A_550, %add3A_553 : vector<1x16xi32>
              %shift_left3A_555 = arith.constant 17 : i32
              %shift_left3A_556 = vector.broadcast %shift_left3A_555 : i32 to vector<1x16xi32>
              %shift_left3A_557 = arith.shli %add3A_553, %shift_left3A_556 : vector<1x16xi32>
              %shift_right_logical3A_558 = arith.constant 15 : i32
              %shift_right_logical3A_559 = vector.broadcast %shift_right_logical3A_558 : i32 to vector<1x16xi32>
              %shift_right_logical3A_560 = arith.shrui %add3A_553, %shift_right_logical3A_559 : vector<1x16xi32>
              %or3A_561 = arith.ori %shift_left3A_557, %shift_right_logical3A_560 : vector<1x16xi32>
              %xor3A_562 = arith.xori %add3A_554, %or3A_561 : vector<1x16xi32>
              %add3A_563 = arith.addi %add3A_554, %xor3A_562 : vector<1x16xi32>
              %shift_left3A_564 = arith.constant 29 : i32
              %shift_left3A_565 = vector.broadcast %shift_left3A_564 : i32 to vector<1x16xi32>
              %shift_left3A_566 = arith.shli %xor3A_562, %shift_left3A_565 : vector<1x16xi32>
              %shift_right_logical3A_567 = arith.constant 3 : i32
              %shift_right_logical3A_568 = vector.broadcast %shift_right_logical3A_567 : i32 to vector<1x16xi32>
              %shift_right_logical3A_569 = arith.shrui %xor3A_562, %shift_right_logical3A_568 : vector<1x16xi32>
              %or3A_570 = arith.ori %shift_left3A_566, %shift_right_logical3A_569 : vector<1x16xi32>
              %xor3A_571 = arith.xori %add3A_563, %or3A_570 : vector<1x16xi32>
              %add3A_572 = arith.addi %add3A_563, %xor3A_571 : vector<1x16xi32>
              %shift_left3A_573 = arith.constant 16 : i32
              %shift_left3A_574 = vector.broadcast %shift_left3A_573 : i32 to vector<1x16xi32>
              %shift_left3A_575 = arith.shli %xor3A_571, %shift_left3A_574 : vector<1x16xi32>
              %shift_right_logical3A_576 = arith.constant 16 : i32
              %shift_right_logical3A_577 = vector.broadcast %shift_right_logical3A_576 : i32 to vector<1x16xi32>
              %shift_right_logical3A_578 = arith.shrui %xor3A_571, %shift_right_logical3A_577 : vector<1x16xi32>
              %or3A_579 = arith.ori %shift_left3A_575, %shift_right_logical3A_578 : vector<1x16xi32>
              %xor3A_580 = arith.xori %add3A_572, %or3A_579 : vector<1x16xi32>
              %add3A_581 = arith.addi %add3A_572, %xor3A_580 : vector<1x16xi32>
              %shift_left3A_582 = arith.constant 24 : i32
              %shift_left3A_583 = vector.broadcast %shift_left3A_582 : i32 to vector<1x16xi32>
              %shift_left3A_584 = arith.shli %xor3A_580, %shift_left3A_583 : vector<1x16xi32>
              %shift_right_logical3A_585 = arith.constant 8 : i32
              %shift_right_logical3A_586 = vector.broadcast %shift_right_logical3A_585 : i32 to vector<1x16xi32>
              %shift_right_logical3A_587 = arith.shrui %xor3A_580, %shift_right_logical3A_586 : vector<1x16xi32>
              %or3A_588 = arith.ori %shift_left3A_584, %shift_right_logical3A_587 : vector<1x16xi32>
              %xor3A_589 = arith.xori %add3A_581, %or3A_588 : vector<1x16xi32>
              %add3A_590 = arith.constant 42 : i32
              %add3A_591 = vector.broadcast %add3A_590 : i32 to vector<1x16xi32>
              %add3A_592 = arith.addi %add3A_581, %add3A_591 : vector<1x16xi32>
              %add3A_593 = arith.constant 466689012 : i32
              %add3A_594 = vector.broadcast %add3A_593 : i32 to vector<1x16xi32>
              %add3A_595 = arith.addi %xor3A_589, %add3A_594 : vector<1x16xi32>
              %add3A_596 = arith.addi %add3A_592, %add3A_595 : vector<1x16xi32>
              %shift_left3A_597 = arith.constant 13 : i32
              %shift_left3A_598 = vector.broadcast %shift_left3A_597 : i32 to vector<1x16xi32>
              %shift_left3A_599 = arith.shli %add3A_595, %shift_left3A_598 : vector<1x16xi32>
              %shift_right_logical3A_600 = arith.constant 19 : i32
              %shift_right_logical3A_601 = vector.broadcast %shift_right_logical3A_600 : i32 to vector<1x16xi32>
              %shift_right_logical3A_602 = arith.shrui %add3A_595, %shift_right_logical3A_601 : vector<1x16xi32>
              %or3A_603 = arith.ori %shift_left3A_599, %shift_right_logical3A_602 : vector<1x16xi32>
              %xor3A_604 = arith.xori %add3A_596, %or3A_603 : vector<1x16xi32>
              %add3A_605 = arith.addi %add3A_596, %xor3A_604 : vector<1x16xi32>
              %shift_left3A_606 = arith.constant 15 : i32
              %shift_left3A_607 = vector.broadcast %shift_left3A_606 : i32 to vector<1x16xi32>
              %shift_left3A_608 = arith.shli %xor3A_604, %shift_left3A_607 : vector<1x16xi32>
              %shift_right_logical3A_609 = arith.constant 17 : i32
              %shift_right_logical3A_610 = vector.broadcast %shift_right_logical3A_609 : i32 to vector<1x16xi32>
              %shift_right_logical3A_611 = arith.shrui %xor3A_604, %shift_right_logical3A_610 : vector<1x16xi32>
              %or3A_612 = arith.ori %shift_left3A_608, %shift_right_logical3A_611 : vector<1x16xi32>
              %xor3A_613 = arith.xori %add3A_605, %or3A_612 : vector<1x16xi32>
              %add3A_614 = arith.addi %add3A_605, %xor3A_613 : vector<1x16xi32>
              %shift_left3A_615 = arith.constant 26 : i32
              %shift_left3A_616 = vector.broadcast %shift_left3A_615 : i32 to vector<1x16xi32>
              %shift_left3A_617 = arith.shli %xor3A_613, %shift_left3A_616 : vector<1x16xi32>
              %shift_right_logical3A_618 = arith.constant 6 : i32
              %shift_right_logical3A_619 = vector.broadcast %shift_right_logical3A_618 : i32 to vector<1x16xi32>
              %shift_right_logical3A_620 = arith.shrui %xor3A_613, %shift_right_logical3A_619 : vector<1x16xi32>
              %or3A_621 = arith.ori %shift_left3A_617, %shift_right_logical3A_620 : vector<1x16xi32>
              %xor3A_622 = arith.xori %add3A_614, %or3A_621 : vector<1x16xi32>
              %add3A_623 = arith.addi %add3A_614, %xor3A_622 : vector<1x16xi32>
              %shift_left3A_624 = arith.constant 6 : i32
              %shift_left3A_625 = vector.broadcast %shift_left3A_624 : i32 to vector<1x16xi32>
              %shift_left3A_626 = arith.shli %xor3A_622, %shift_left3A_625 : vector<1x16xi32>
              %shift_right_logical3A_627 = arith.constant 26 : i32
              %shift_right_logical3A_628 = vector.broadcast %shift_right_logical3A_627 : i32 to vector<1x16xi32>
              %shift_right_logical3A_629 = arith.shrui %xor3A_622, %shift_right_logical3A_628 : vector<1x16xi32>
              %or3A_630 = arith.ori %shift_left3A_626, %shift_right_logical3A_629 : vector<1x16xi32>
              %xor3A_631 = arith.xori %add3A_623, %or3A_630 : vector<1x16xi32>
              %add3A_632 = arith.constant 466689008 : i32
              %add3A_633 = vector.broadcast %add3A_632 : i32 to vector<1x16xi32>
              %add3A_634 = arith.addi %add3A_623, %add3A_633 : vector<1x16xi32>
              %add3A_635 = arith.constant 5 : i32
              %add3A_636 = vector.broadcast %add3A_635 : i32 to vector<1x16xi32>
              %add3A_637 = arith.addi %xor3A_631, %add3A_636 : vector<1x16xi32>
              %xor3A_638 = arith.xori %add3A_634, %add3A_637 : vector<1x16xi32>
              %swap3A = arith.constant 0 : i32
              %swap3A_639 = arith.constant 0 : i32
              %swap3A_640 = tpu.memref_slice %run_scoped3A_18[%rem3A_326, %swap3A, %swap3A_639] : memref<2x8x512xi32, #tpu.memory_space<vmem>> -> memref<1x8x512xi32, #tpu.memory_space<vmem>>
              %swap3A_641 = tpu.memref_squeeze %swap3A_640 : memref<1x8x512xi32, #tpu.memory_space<vmem>> -> memref<8x512xi32, #tpu.memory_space<vmem>>
              %swap3A_642 = arith.index_cast %add3A_412 : i32 to index
              %swap3A_643 = arith.index_cast %add3A_424 : i32 to index
              %swap3A_644 = tpu.vector_load %swap3A_641[%swap3A_642, %swap3A_643] {strides = array<i32>} : memref<8x512xi32, #tpu.memory_space<vmem>>, vector<1x16xi32>,
              %swap3A_645 = vector.shape_cast %swap3A_644 : vector<1x16xi32> to vector<1x16xi32>
              %swap3A_646 = vector.shape_cast %xor3A_638 : vector<1x16xi32> to vector<1x16xi32>
              tpu.vector_store %swap3A_641[%swap3A_642, %swap3A_643], %swap3A_646 {strides = array<i32>} : memref<8x512xi32, #tpu.memory_space<vmem>>, vector<1x16xi32>,
              %add3A_647 = arith.constant 16 : i32
              %add3A_648 = arith.addi %add3A_422, %add3A_647 : i32
              %get3A_649 = arith.constant 0 : i32
              %get3A_650 = arith.constant 0 : i32
              %get3A_651 = tpu.memref_slice %run_scoped3A[%rem3A_324, %get3A_649, %get3A_650] : memref<2x8x512xi32, #tpu.memory_space<vmem>> -> memref<1x8x512xi32, #tpu.memory_space<vmem>>
              %get3A_652 = tpu.memref_squeeze %get3A_651 : memref<1x8x512xi32, #tpu.memory_space<vmem>> -> memref<8x512xi32, #tpu.memory_space<vmem>>
              %get3A_653 = arith.index_cast %add3A_412 : i32 to index
              %get3A_654 = arith.index_cast %add3A_648 : i32 to index
              %get3A_655 = tpu.vector_load %get3A_652[%get3A_653, %get3A_654] {strides = array<i32>} : memref<8x512xi32, #tpu.memory_space<vmem>>, vector<1x16xi32>,
              %get3A_656 = vector.shape_cast %get3A_655 : vector<1x16xi32> to vector<1x16xi32>
              %shift_left3A_657 = arith.constant 13 : i32
              %shift_left3A_658 = vector.broadcast %shift_left3A_657 : i32 to vector<1x16xi32>
              %shift_left3A_659 = arith.shli %get3A_656, %shift_left3A_658 : vector<1x16xi32>
              %shift_right_logical3A_660 = arith.constant 19 : i32
              %shift_right_logical3A_661 = vector.broadcast %shift_right_logical3A_660 : i32 to vector<1x16xi32>
              %shift_right_logical3A_662 = arith.shrui %get3A_656, %shift_right_logical3A_661 : vector<1x16xi32>
              %or3A_663 = arith.ori %shift_left3A_659, %shift_right_logical3A_662 : vector<1x16xi32>
              %xor3A_664 = arith.xori %get3A_656, %or3A_663 : vector<1x16xi32>
              %add3A_665 = arith.addi %get3A_656, %xor3A_664 : vector<1x16xi32>
              %shift_left3A_666 = arith.constant 15 : i32
              %shift_left3A_667 = vector.broadcast %shift_left3A_666 : i32 to vector<1x16xi32>
              %shift_left3A_668 = arith.shli %xor3A_664, %shift_left3A_667 : vector<1x16xi32>
              %shift_right_logical3A_669 = arith.constant 17 : i32
              %shift_right_logical3A_670 = vector.broadcast %shift_right_logical3A_669 : i32 to vector<1x16xi32>
              %shift_right_logical3A_671 = arith.shrui %xor3A_664, %shift_right_logical3A_670 : vector<1x16xi32>
              %or3A_672 = arith.ori %shift_left3A_668, %shift_right_logical3A_671 : vector<1x16xi32>
              %xor3A_673 = arith.xori %add3A_665, %or3A_672 : vector<1x16xi32>
              %add3A_674 = arith.addi %add3A_665, %xor3A_673 : vector<1x16xi32>
              %shift_left3A_675 = arith.constant 26 : i32
              %shift_left3A_676 = vector.broadcast %shift_left3A_675 : i32 to vector<1x16xi32>
              %shift_left3A_677 = arith.shli %xor3A_673, %shift_left3A_676 : vector<1x16xi32>
              %shift_right_logical3A_678 = arith.constant 6 : i32
              %shift_right_logical3A_679 = vector.broadcast %shift_right_logical3A_678 : i32 to vector<1x16xi32>
              %shift_right_logical3A_680 = arith.shrui %xor3A_673, %shift_right_logical3A_679 : vector<1x16xi32>
              %or3A_681 = arith.ori %shift_left3A_677, %shift_right_logical3A_680 : vector<1x16xi32>
              %xor3A_682 = arith.xori %add3A_674, %or3A_681 : vector<1x16xi32>
              %add3A_683 = arith.addi %add3A_674, %xor3A_682 : vector<1x16xi32>
              %shift_left3A_684 = arith.constant 6 : i32
              %shift_left3A_685 = vector.broadcast %shift_left3A_684 : i32 to vector<1x16xi32>
              %shift_left3A_686 = arith.shli %xor3A_682, %shift_left3A_685 : vector<1x16xi32>
              %shift_right_logical3A_687 = arith.constant 26 : i32
              %shift_right_logical3A_688 = vector.broadcast %shift_right_logical3A_687 : i32 to vector<1x16xi32>
              %shift_right_logical3A_689 = arith.shrui %xor3A_682, %shift_right_logical3A_688 : vector<1x16xi32>
              %or3A_690 = arith.ori %shift_left3A_686, %shift_right_logical3A_689 : vector<1x16xi32>
              %xor3A_691 = arith.xori %add3A_683, %or3A_690 : vector<1x16xi32>
              %add3A_692 = arith.constant 42 : i32
              %add3A_693 = vector.broadcast %add3A_692 : i32 to vector<1x16xi32>
              %add3A_694 = arith.addi %add3A_683, %add3A_693 : vector<1x16xi32>
              %add3A_695 = arith.constant 466689009 : i32
              %add3A_696 = vector.broadcast %add3A_695 : i32 to vector<1x16xi32>
              %add3A_697 = arith.addi %xor3A_691, %add3A_696 : vector<1x16xi32>
              %add3A_698 = arith.addi %add3A_694, %add3A_697 : vector<1x16xi32>
              %shift_left3A_699 = arith.constant 17 : i32
              %shift_left3A_700 = vector.broadcast %shift_left3A_699 : i32 to vector<1x16xi32>
              %shift_left3A_701 = arith.shli %add3A_697, %shift_left3A_700 : vector<1x16xi32>
              %shift_right_logical3A_702 = arith.constant 15 : i32
              %shift_right_logical3A_703 = vector.broadcast %shift_right_logical3A_702 : i32 to vector<1x16xi32>
              %shift_right_logical3A_704 = arith.shrui %add3A_697, %shift_right_logical3A_703 : vector<1x16xi32>
              %or3A_705 = arith.ori %shift_left3A_701, %shift_right_logical3A_704 : vector<1x16xi32>
              %xor3A_706 = arith.xori %add3A_698, %or3A_705 : vector<1x16xi32>
              %add3A_707 = arith.addi %add3A_698, %xor3A_706 : vector<1x16xi32>
              %shift_left3A_708 = arith.constant 29 : i32
              %shift_left3A_709 = vector.broadcast %shift_left3A_708 : i32 to vector<1x16xi32>
              %shift_left3A_710 = arith.shli %xor3A_706, %shift_left3A_709 : vector<1x16xi32>
              %shift_right_logical3A_711 = arith.constant 3 : i32
              %shift_right_logical3A_712 = vector.broadcast %shift_right_logical3A_711 : i32 to vector<1x16xi32>
              %shift_right_logical3A_713 = arith.shrui %xor3A_706, %shift_right_logical3A_712 : vector<1x16xi32>
              %or3A_714 = arith.ori %shift_left3A_710, %shift_right_logical3A_713 : vector<1x16xi32>
              %xor3A_715 = arith.xori %add3A_707, %or3A_714 : vector<1x16xi32>
              %add3A_716 = arith.addi %add3A_707, %xor3A_715 : vector<1x16xi32>
              %shift_left3A_717 = arith.constant 16 : i32
              %shift_left3A_718 = vector.broadcast %shift_left3A_717 : i32 to vector<1x16xi32>
              %shift_left3A_719 = arith.shli %xor3A_715, %shift_left3A_718 : vector<1x16xi32>
              %shift_right_logical3A_720 = arith.constant 16 : i32
              %shift_right_logical3A_721 = vector.broadcast %shift_right_logical3A_720 : i32 to vector<1x16xi32>
              %shift_right_logical3A_722 = arith.shrui %xor3A_715, %shift_right_logical3A_721 : vector<1x16xi32>
              %or3A_723 = arith.ori %shift_left3A_719, %shift_right_logical3A_722 : vector<1x16xi32>
              %xor3A_724 = arith.xori %add3A_716, %or3A_723 : vector<1x16xi32>
              %add3A_725 = arith.addi %add3A_716, %xor3A_724 : vector<1x16xi32>
              %shift_left3A_726 = arith.constant 24 : i32
              %shift_left3A_727 = vector.broadcast %shift_left3A_726 : i32 to vector<1x16xi32>
              %shift_left3A_728 = arith.shli %xor3A_724, %shift_left3A_727 : vector<1x16xi32>
              %shift_right_logical3A_729 = arith.constant 8 : i32
              %shift_right_logical3A_730 = vector.broadcast %shift_right_logical3A_729 : i32 to vector<1x16xi32>
              %shift_right_logical3A_731 = arith.shrui %xor3A_724, %shift_right_logical3A_730 : vector<1x16xi32>
              %or3A_732 = arith.ori %shift_left3A_728, %shift_right_logical3A_731 : vector<1x16xi32>
              %xor3A_733 = arith.xori %add3A_725, %or3A_732 : vector<1x16xi32>
              %add3A_734 = arith.constant 466689008 : i32
              %add3A_735 = vector.broadcast %add3A_734 : i32 to vector<1x16xi32>
              %add3A_736 = arith.addi %add3A_725, %add3A_735 : vector<1x16xi32>
              %add3A_737 = arith.constant 2 : i32
              %add3A_738 = vector.broadcast %add3A_737 : i32 to vector<1x16xi32>
              %add3A_739 = arith.addi %xor3A_733, %add3A_738 : vector<1x16xi32>
              %add3A_740 = arith.addi %add3A_736, %add3A_739 : vector<1x16xi32>
              %shift_left3A_741 = arith.constant 13 : i32
              %shift_left3A_742 = vector.broadcast %shift_left3A_741 : i32 to vector<1x16xi32>
              %shift_left3A_743 = arith.shli %add3A_739, %shift_left3A_742 : vector<1x16xi32>
              %shift_right_logical3A_744 = arith.constant 19 : i32
              %shift_right_logical3A_745 = vector.broadcast %shift_right_logical3A_744 : i32 to vector<1x16xi32>
              %shift_right_logical3A_746 = arith.shrui %add3A_739, %shift_right_logical3A_745 : vector<1x16xi32>
              %or3A_747 = arith.ori %shift_left3A_743, %shift_right_logical3A_746 : vector<1x16xi32>
              %xor3A_748 = arith.xori %add3A_740, %or3A_747 : vector<1x16xi32>
              %add3A_749 = arith.addi %add3A_740, %xor3A_748 : vector<1x16xi32>
              %shift_left3A_750 = arith.constant 15 : i32
              %shift_left3A_751 = vector.broadcast %shift_left3A_750 : i32 to vector<1x16xi32>
              %shift_left3A_752 = arith.shli %xor3A_748, %shift_left3A_751 : vector<1x16xi32>
              %shift_right_logical3A_753 = arith.constant 17 : i32
              %shift_right_logical3A_754 = vector.broadcast %shift_right_logical3A_753 : i32 to vector<1x16xi32>
              %shift_right_logical3A_755 = arith.shrui %xor3A_748, %shift_right_logical3A_754 : vector<1x16xi32>
              %or3A_756 = arith.ori %shift_left3A_752, %shift_right_logical3A_755 : vector<1x16xi32>
              %xor3A_757 = arith.xori %add3A_749, %or3A_756 : vector<1x16xi32>
              %add3A_758 = arith.addi %add3A_749, %xor3A_757 : vector<1x16xi32>
              %shift_left3A_759 = arith.constant 26 : i32
              %shift_left3A_760 = vector.broadcast %shift_left3A_759 : i32 to vector<1x16xi32>
              %shift_left3A_761 = arith.shli %xor3A_757, %shift_left3A_760 : vector<1x16xi32>
              %shift_right_logical3A_762 = arith.constant 6 : i32
              %shift_right_logical3A_763 = vector.broadcast %shift_right_logical3A_762 : i32 to vector<1x16xi32>
              %shift_right_logical3A_764 = arith.shrui %xor3A_757, %shift_right_logical3A_763 : vector<1x16xi32>
              %or3A_765 = arith.ori %shift_left3A_761, %shift_right_logical3A_764 : vector<1x16xi32>
              %xor3A_766 = arith.xori %add3A_758, %or3A_765 : vector<1x16xi32>
              %add3A_767 = arith.addi %add3A_758, %xor3A_766 : vector<1x16xi32>
              %shift_left3A_768 = arith.constant 6 : i32
              %shift_left3A_769 = vector.broadcast %shift_left3A_768 : i32 to vector<1x16xi32>
              %shift_left3A_770 = arith.shli %xor3A_766, %shift_left3A_769 : vector<1x16xi32>
              %shift_right_logical3A_771 = arith.constant 26 : i32
              %shift_right_logical3A_772 = vector.broadcast %shift_right_logical3A_771 : i32 to vector<1x16xi32>
              %shift_right_logical3A_773 = arith.shrui %xor3A_766, %shift_right_logical3A_772 : vector<1x16xi32>
              %or3A_774 = arith.ori %shift_left3A_770, %shift_right_logical3A_773 : vector<1x16xi32>
              %xor3A_775 = arith.xori %add3A_767, %or3A_774 : vector<1x16xi32>
              %add3A_776 = arith.constant 0 : i32
              %add3A_777 = vector.broadcast %add3A_776 : i32 to vector<1x16xi32>
              %add3A_778 = arith.addi %add3A_767, %add3A_777 : vector<1x16xi32>
              %add3A_779 = arith.constant 45 : i32
              %add3A_780 = vector.broadcast %add3A_779 : i32 to vector<1x16xi32>
              %add3A_781 = arith.addi %xor3A_775, %add3A_780 : vector<1x16xi32>
              %add3A_782 = arith.addi %add3A_778, %add3A_781 : vector<1x16xi32>
              %shift_left3A_783 = arith.constant 17 : i32
              %shift_left3A_784 = vector.broadcast %shift_left3A_783 : i32 to vector<1x16xi32>
              %shift_left3A_785 = arith.shli %add3A_781, %shift_left3A_784 : vector<1x16xi32>
              %shift_right_logical3A_786 = arith.constant 15 : i32
              %shift_right_logical3A_787 = vector.broadcast %shift_right_logical3A_786 : i32 to vector<1x16xi32>
              %shift_right_logical3A_788 = arith.shrui %add3A_781, %shift_right_logical3A_787 : vector<1x16xi32>
              %or3A_789 = arith.ori %shift_left3A_785, %shift_right_logical3A_788 : vector<1x16xi32>
              %xor3A_790 = arith.xori %add3A_782, %or3A_789 : vector<1x16xi32>
              %add3A_791 = arith.addi %add3A_782, %xor3A_790 : vector<1x16xi32>
              %shift_left3A_792 = arith.constant 29 : i32
              %shift_left3A_793 = vector.broadcast %shift_left3A_792 : i32 to vector<1x16xi32>
              %shift_left3A_794 = arith.shli %xor3A_790, %shift_left3A_793 : vector<1x16xi32>
              %shift_right_logical3A_795 = arith.constant 3 : i32
              %shift_right_logical3A_796 = vector.broadcast %shift_right_logical3A_795 : i32 to vector<1x16xi32>
              %shift_right_logical3A_797 = arith.shrui %xor3A_790, %shift_right_logical3A_796 : vector<1x16xi32>
              %or3A_798 = arith.ori %shift_left3A_794, %shift_right_logical3A_797 : vector<1x16xi32>
              %xor3A_799 = arith.xori %add3A_791, %or3A_798 : vector<1x16xi32>
              %add3A_800 = arith.addi %add3A_791, %xor3A_799 : vector<1x16xi32>
              %shift_left3A_801 = arith.constant 16 : i32
              %shift_left3A_802 = vector.broadcast %shift_left3A_801 : i32 to vector<1x16xi32>
              %shift_left3A_803 = arith.shli %xor3A_799, %shift_left3A_802 : vector<1x16xi32>
              %shift_right_logical3A_804 = arith.constant 16 : i32
              %shift_right_logical3A_805 = vector.broadcast %shift_right_logical3A_804 : i32 to vector<1x16xi32>
              %shift_right_logical3A_806 = arith.shrui %xor3A_799, %shift_right_logical3A_805 : vector<1x16xi32>
              %or3A_807 = arith.ori %shift_left3A_803, %shift_right_logical3A_806 : vector<1x16xi32>
              %xor3A_808 = arith.xori %add3A_800, %or3A_807 : vector<1x16xi32>
              %add3A_809 = arith.addi %add3A_800, %xor3A_808 : vector<1x16xi32>
              %shift_left3A_810 = arith.constant 24 : i32
              %shift_left3A_811 = vector.broadcast %shift_left3A_810 : i32 to vector<1x16xi32>
              %shift_left3A_812 = arith.shli %xor3A_808, %shift_left3A_811 : vector<1x16xi32>
              %shift_right_logical3A_813 = arith.constant 8 : i32
              %shift_right_logical3A_814 = vector.broadcast %shift_right_logical3A_813 : i32 to vector<1x16xi32>
              %shift_right_logical3A_815 = arith.shrui %xor3A_808, %shift_right_logical3A_814 : vector<1x16xi32>
              %or3A_816 = arith.ori %shift_left3A_812, %shift_right_logical3A_815 : vector<1x16xi32>
              %xor3A_817 = arith.xori %add3A_809, %or3A_816 : vector<1x16xi32>
              %add3A_818 = arith.constant 42 : i32
              %add3A_819 = vector.broadcast %add3A_818 : i32 to vector<1x16xi32>
              %add3A_820 = arith.addi %add3A_809, %add3A_819 : vector<1x16xi32>
              %add3A_821 = arith.constant 466689012 : i32
              %add3A_822 = vector.broadcast %add3A_821 : i32 to vector<1x16xi32>
              %add3A_823 = arith.addi %xor3A_817, %add3A_822 : vector<1x16xi32>
              %add3A_824 = arith.addi %add3A_820, %add3A_823 : vector<1x16xi32>
              %shift_left3A_825 = arith.constant 13 : i32
              %shift_left3A_826 = vector.broadcast %shift_left3A_825 : i32 to vector<1x16xi32>
              %shift_left3A_827 = arith.shli %add3A_823, %shift_left3A_826 : vector<1x16xi32>
              %shift_right_logical3A_828 = arith.constant 19 : i32
              %shift_right_logical3A_829 = vector.broadcast %shift_right_logical3A_828 : i32 to vector<1x16xi32>
              %shift_right_logical3A_830 = arith.shrui %add3A_823, %shift_right_logical3A_829 : vector<1x16xi32>
              %or3A_831 = arith.ori %shift_left3A_827, %shift_right_logical3A_830 : vector<1x16xi32>
              %xor3A_832 = arith.xori %add3A_824, %or3A_831 : vector<1x16xi32>
              %add3A_833 = arith.addi %add3A_824, %xor3A_832 : vector<1x16xi32>
              %shift_left3A_834 = arith.constant 15 : i32
              %shift_left3A_835 = vector.broadcast %shift_left3A_834 : i32 to vector<1x16xi32>
              %shift_left3A_836 = arith.shli %xor3A_832, %shift_left3A_835 : vector<1x16xi32>
              %shift_right_logical3A_837 = arith.constant 17 : i32
              %shift_right_logical3A_838 = vector.broadcast %shift_right_logical3A_837 : i32 to vector<1x16xi32>
              %shift_right_logical3A_839 = arith.shrui %xor3A_832, %shift_right_logical3A_838 : vector<1x16xi32>
              %or3A_840 = arith.ori %shift_left3A_836, %shift_right_logical3A_839 : vector<1x16xi32>
              %xor3A_841 = arith.xori %add3A_833, %or3A_840 : vector<1x16xi32>
              %add3A_842 = arith.addi %add3A_833, %xor3A_841 : vector<1x16xi32>
              %shift_left3A_843 = arith.constant 26 : i32
              %shift_left3A_844 = vector.broadcast %shift_left3A_843 : i32 to vector<1x16xi32>
              %shift_left3A_845 = arith.shli %xor3A_841, %shift_left3A_844 : vector<1x16xi32>
              %shift_right_logical3A_846 = arith.constant 6 : i32
              %shift_right_logical3A_847 = vector.broadcast %shift_right_logical3A_846 : i32 to vector<1x16xi32>
              %shift_right_logical3A_848 = arith.shrui %xor3A_841, %shift_right_logical3A_847 : vector<1x16xi32>
              %or3A_849 = arith.ori %shift_left3A_845, %shift_right_logical3A_848 : vector<1x16xi32>
              %xor3A_850 = arith.xori %add3A_842, %or3A_849 : vector<1x16xi32>
              %add3A_851 = arith.addi %add3A_842, %xor3A_850 : vector<1x16xi32>
              %shift_left3A_852 = arith.constant 6 : i32
              %shift_left3A_853 = vector.broadcast %shift_left3A_852 : i32 to vector<1x16xi32>
              %shift_left3A_854 = arith.shli %xor3A_850, %shift_left3A_853 : vector<1x16xi32>
              %shift_right_logical3A_855 = arith.constant 26 : i32
              %shift_right_logical3A_856 = vector.broadcast %shift_right_logical3A_855 : i32 to vector<1x16xi32>
              %shift_right_logical3A_857 = arith.shrui %xor3A_850, %shift_right_logical3A_856 : vector<1x16xi32>
              %or3A_858 = arith.ori %shift_left3A_854, %shift_right_logical3A_857 : vector<1x16xi32>
              %xor3A_859 = arith.xori %add3A_851, %or3A_858 : vector<1x16xi32>
              %add3A_860 = arith.constant 466689008 : i32
              %add3A_861 = vector.broadcast %add3A_860 : i32 to vector<1x16xi32>
              %add3A_862 = arith.addi %add3A_851, %add3A_861 : vector<1x16xi32>
              %add3A_863 = arith.constant 5 : i32
              %add3A_864 = vector.broadcast %add3A_863 : i32 to vector<1x16xi32>
              %add3A_865 = arith.addi %xor3A_859, %add3A_864 : vector<1x16xi32>
              %xor3A_866 = arith.xori %add3A_862, %add3A_865 : vector<1x16xi32>
              %swap3A_867 = arith.constant 0 : i32
              %swap3A_868 = arith.constant 0 : i32
              %swap3A_869 = tpu.memref_slice %run_scoped3A_18[%rem3A_326, %swap3A_867, %swap3A_868] : memref<2x8x512xi32, #tpu.memory_space<vmem>> -> memref<1x8x512xi32, #tpu.memory_space<vmem>>
              %swap3A_870 = tpu.memref_squeeze %swap3A_869 : memref<1x8x512xi32, #tpu.memory_space<vmem>> -> memref<8x512xi32, #tpu.memory_space<vmem>>
              %swap3A_871 = arith.index_cast %add3A_412 : i32 to index
              %swap3A_872 = arith.index_cast %add3A_648 : i32 to index
              %swap3A_873 = tpu.vector_load %swap3A_870[%swap3A_871, %swap3A_872] {strides = array<i32>} : memref<8x512xi32, #tpu.memory_space<vmem>>, vector<1x16xi32>,
              %swap3A_874 = vector.shape_cast %swap3A_873 : vector<1x16xi32> to vector<1x16xi32>
              %swap3A_875 = vector.shape_cast %xor3A_866 : vector<1x16xi32> to vector<1x16xi32>
              tpu.vector_store %swap3A_870[%swap3A_871, %swap3A_872], %swap3A_875 {strides = array<i32>} : memref<8x512xi32, #tpu.memory_space<vmem>>, vector<1x16xi32>,
              %add3A_876 = arith.constant 32 : i32
              %add3A_877 = arith.addi %add3A_422, %add3A_876 : i32
              %get3A_878 = arith.constant 0 : i32
              %get3A_879 = arith.constant 0 : i32
              %get3A_880 = tpu.memref_slice %run_scoped3A[%rem3A_324, %get3A_878, %get3A_879] : memref<2x8x512xi32, #tpu.memory_space<vmem>> -> memref<1x8x512xi32, #tpu.memory_space<vmem>>
              %get3A_881 = tpu.memref_squeeze %get3A_880 : memref<1x8x512xi32, #tpu.memory_space<vmem>> -> memref<8x512xi32, #tpu.memory_space<vmem>>
              %get3A_882 = arith.index_cast %add3A_412 : i32 to index
              %get3A_883 = arith.index_cast %add3A_877 : i32 to index
              %get3A_884 = tpu.vector_load %get3A_881[%get3A_882, %get3A_883] {strides = array<i32>} : memref<8x512xi32, #tpu.memory_space<vmem>>, vector<1x16xi32>,
              %get3A_885 = vector.shape_cast %get3A_884 : vector<1x16xi32> to vector<1x16xi32>
              %shift_left3A_886 = arith.constant 13 : i32
              %shift_left3A_887 = vector.broadcast %shift_left3A_886 : i32 to vector<1x16xi32>
              %shift_left3A_888 = arith.shli %get3A_885, %shift_left3A_887 : vector<1x16xi32>
              %shift_right_logical3A_889 = arith.constant 19 : i32
              %shift_right_logical3A_890 = vector.broadcast %shift_right_logical3A_889 : i32 to vector<1x16xi32>
              %shift_right_logical3A_891 = arith.shrui %get3A_885, %shift_right_logical3A_890 : vector<1x16xi32>
              %or3A_892 = arith.ori %shift_left3A_888, %shift_right_logical3A_891 : vector<1x16xi32>
              %xor3A_893 = arith.xori %get3A_885, %or3A_892 : vector<1x16xi32>
              %add3A_894 = arith.addi %get3A_885, %xor3A_893 : vector<1x16xi32>
              %shift_left3A_895 = arith.constant 15 : i32
              %shift_left3A_896 = vector.broadcast %shift_left3A_895 : i32 to vector<1x16xi32>
              %shift_left3A_897 = arith.shli %xor3A_893, %shift_left3A_896 : vector<1x16xi32>
              %shift_right_logical3A_898 = arith.constant 17 : i32
              %shift_right_logical3A_899 = vector.broadcast %shift_right_logical3A_898 : i32 to vector<1x16xi32>
              %shift_right_logical3A_900 = arith.shrui %xor3A_893, %shift_right_logical3A_899 : vector<1x16xi32>
              %or3A_901 = arith.ori %shift_left3A_897, %shift_right_logical3A_900 : vector<1x16xi32>
              %xor3A_902 = arith.xori %add3A_894, %or3A_901 : vector<1x16xi32>
              %add3A_903 = arith.addi %add3A_894, %xor3A_902 : vector<1x16xi32>
              %shift_left3A_904 = arith.constant 26 : i32
              %shift_left3A_905 = vector.broadcast %shift_left3A_904 : i32 to vector<1x16xi32>
              %shift_left3A_906 = arith.shli %xor3A_902, %shift_left3A_905 : vector<1x16xi32>
              %shift_right_logical3A_907 = arith.constant 6 : i32
              %shift_right_logical3A_908 = vector.broadcast %shift_right_logical3A_907 : i32 to vector<1x16xi32>
              %shift_right_logical3A_909 = arith.shrui %xor3A_902, %shift_right_logical3A_908 : vector<1x16xi32>
              %or3A_910 = arith.ori %shift_left3A_906, %shift_right_logical3A_909 : vector<1x16xi32>
              %xor3A_911 = arith.xori %add3A_903, %or3A_910 : vector<1x16xi32>
              %add3A_912 = arith.addi %add3A_903, %xor3A_911 : vector<1x16xi32>
              %shift_left3A_913 = arith.constant 6 : i32
              %shift_left3A_914 = vector.broadcast %shift_left3A_913 : i32 to vector<1x16xi32>
              %shift_left3A_915 = arith.shli %xor3A_911, %shift_left3A_914 : vector<1x16xi32>
              %shift_right_logical3A_916 = arith.constant 26 : i32
              %shift_right_logical3A_917 = vector.broadcast %shift_right_logical3A_916 : i32 to vector<1x16xi32>
              %shift_right_logical3A_918 = arith.shrui %xor3A_911, %shift_right_logical3A_917 : vector<1x16xi32>
              %or3A_919 = arith.ori %shift_left3A_915, %shift_right_logical3A_918 : vector<1x16xi32>
              %xor3A_920 = arith.xori %add3A_912, %or3A_919 : vector<1x16xi32>
              %add3A_921 = arith.constant 42 : i32
              %add3A_922 = vector.broadcast %add3A_921 : i32 to vector<1x16xi32>
              %add3A_923 = arith.addi %add3A_912, %add3A_922 : vector<1x16xi32>
              %add3A_924 = arith.constant 466689009 : i32
              %add3A_925 = vector.broadcast %add3A_924 : i32 to vector<1x16xi32>
              %add3A_926 = arith.addi %xor3A_920, %add3A_925 : vector<1x16xi32>
              %add3A_927 = arith.addi %add3A_923, %add3A_926 : vector<1x16xi32>
              %shift_left3A_928 = arith.constant 17 : i32
              %shift_left3A_929 = vector.broadcast %shift_left3A_928 : i32 to vector<1x16xi32>
              %shift_left3A_930 = arith.shli %add3A_926, %shift_left3A_929 : vector<1x16xi32>
              %shift_right_logical3A_931 = arith.constant 15 : i32
              %shift_right_logical3A_932 = vector.broadcast %shift_right_logical3A_931 : i32 to vector<1x16xi32>
              %shift_right_logical3A_933 = arith.shrui %add3A_926, %shift_right_logical3A_932 : vector<1x16xi32>
              %or3A_934 = arith.ori %shift_left3A_930, %shift_right_logical3A_933 : vector<1x16xi32>
              %xor3A_935 = arith.xori %add3A_927, %or3A_934 : vector<1x16xi32>
              %add3A_936 = arith.addi %add3A_927, %xor3A_935 : vector<1x16xi32>
              %shift_left3A_937 = arith.constant 29 : i32
              %shift_left3A_938 = vector.broadcast %shift_left3A_937 : i32 to vector<1x16xi32>
              %shift_left3A_939 = arith.shli %xor3A_935, %shift_left3A_938 : vector<1x16xi32>
              %shift_right_logical3A_940 = arith.constant 3 : i32
              %shift_right_logical3A_941 = vector.broadcast %shift_right_logical3A_940 : i32 to vector<1x16xi32>
              %shift_right_logical3A_942 = arith.shrui %xor3A_935, %shift_right_logical3A_941 : vector<1x16xi32>
              %or3A_943 = arith.ori %shift_left3A_939, %shift_right_logical3A_942 : vector<1x16xi32>
              %xor3A_944 = arith.xori %add3A_936, %or3A_943 : vector<1x16xi32>
              %add3A_945 = arith.addi %add3A_936, %xor3A_944 : vector<1x16xi32>
              %shift_left3A_946 = arith.constant 16 : i32
              %shift_left3A_947 = vector.broadcast %shift_left3A_946 : i32 to vector<1x16xi32>
              %shift_left3A_948 = arith.shli %xor3A_944, %shift_left3A_947 : vector<1x16xi32>
              %shift_right_logical3A_949 = arith.constant 16 : i32
              %shift_right_logical3A_950 = vector.broadcast %shift_right_logical3A_949 : i32 to vector<1x16xi32>
              %shift_right_logical3A_951 = arith.shrui %xor3A_944, %shift_right_logical3A_950 : vector<1x16xi32>
              %or3A_952 = arith.ori %shift_left3A_948, %shift_right_logical3A_951 : vector<1x16xi32>
              %xor3A_953 = arith.xori %add3A_945, %or3A_952 : vector<1x16xi32>
              %add3A_954 = arith.addi %add3A_945, %xor3A_953 : vector<1x16xi32>
              %shift_left3A_955 = arith.constant 24 : i32
              %shift_left3A_956 = vector.broadcast %shift_left3A_955 : i32 to vector<1x16xi32>
              %shift_left3A_957 = arith.shli %xor3A_953, %shift_left3A_956 : vector<1x16xi32>
              %shift_right_logical3A_958 = arith.constant 8 : i32
              %shift_right_logical3A_959 = vector.broadcast %shift_right_logical3A_958 : i32 to vector<1x16xi32>
              %shift_right_logical3A_960 = arith.shrui %xor3A_953, %shift_right_logical3A_959 : vector<1x16xi32>
              %or3A_961 = arith.ori %shift_left3A_957, %shift_right_logical3A_960 : vector<1x16xi32>
              %xor3A_962 = arith.xori %add3A_954, %or3A_961 : vector<1x16xi32>
              %add3A_963 = arith.constant 466689008 : i32
              %add3A_964 = vector.broadcast %add3A_963 : i32 to vector<1x16xi32>
              %add3A_965 = arith.addi %add3A_954, %add3A_964 : vector<1x16xi32>
              %add3A_966 = arith.constant 2 : i32
              %add3A_967 = vector.broadcast %add3A_966 : i32 to vector<1x16xi32>
              %add3A_968 = arith.addi %xor3A_962, %add3A_967 : vector<1x16xi32>
              %add3A_969 = arith.addi %add3A_965, %add3A_968 : vector<1x16xi32>
              %shift_left3A_970 = arith.constant 13 : i32
              %shift_left3A_971 = vector.broadcast %shift_left3A_970 : i32 to vector<1x16xi32>
              %shift_left3A_972 = arith.shli %add3A_968, %shift_left3A_971 : vector<1x16xi32>
              %shift_right_logical3A_973 = arith.constant 19 : i32
              %shift_right_logical3A_974 = vector.broadcast %shift_right_logical3A_973 : i32 to vector<1x16xi32>
              %shift_right_logical3A_975 = arith.shrui %add3A_968, %shift_right_logical3A_974 : vector<1x16xi32>
              %or3A_976 = arith.ori %shift_left3A_972, %shift_right_logical3A_975 : vector<1x16xi32>
              %xor3A_977 = arith.xori %add3A_969, %or3A_976 : vector<1x16xi32>
              %add3A_978 = arith.addi %add3A_969, %xor3A_977 : vector<1x16xi32>
              %shift_left3A_979 = arith.constant 15 : i32
              %shift_left3A_980 = vector.broadcast %shift_left3A_979 : i32 to vector<1x16xi32>
              %shift_left3A_981 = arith.shli %xor3A_977, %shift_left3A_980 : vector<1x16xi32>
              %shift_right_logical3A_982 = arith.constant 17 : i32
              %shift_right_logical3A_983 = vector.broadcast %shift_right_logical3A_982 : i32 to vector<1x16xi32>
              %shift_right_logical3A_984 = arith.shrui %xor3A_977, %shift_right_logical3A_983 : vector<1x16xi32>
              %or3A_985 = arith.ori %shift_left3A_981, %shift_right_logical3A_984 : vector<1x16xi32>
              %xor3A_986 = arith.xori %add3A_978, %or3A_985 : vector<1x16xi32>
              %add3A_987 = arith.addi %add3A_978, %xor3A_986 : vector<1x16xi32>
              %shift_left3A_988 = arith.constant 26 : i32
              %shift_left3A_989 = vector.broadcast %shift_left3A_988 : i32 to vector<1x16xi32>
              %shift_left3A_990 = arith.shli %xor3A_986, %shift_left3A_989 : vector<1x16xi32>
              %shift_right_logical3A_991 = arith.constant 6 : i32
              %shift_right_logical3A_992 = vector.broadcast %shift_right_logical3A_991 : i32 to vector<1x16xi32>
              %shift_right_logical3A_993 = arith.shrui %xor3A_986, %shift_right_logical3A_992 : vector<1x16xi32>
              %or3A_994 = arith.ori %shift_left3A_990, %shift_right_logical3A_993 : vector<1x16xi32>
              %xor3A_995 = arith.xori %add3A_987, %or3A_994 : vector<1x16xi32>
              %add3A_996 = arith.addi %add3A_987, %xor3A_995 : vector<1x16xi32>
              %shift_left3A_997 = arith.constant 6 : i32
              %shift_left3A_998 = vector.broadcast %shift_left3A_997 : i32 to vector<1x16xi32>
              %shift_left3A_999 = arith.shli %xor3A_995, %shift_left3A_998 : vector<1x16xi32>
              %shift_right_logical3A_1000 = arith.constant 26 : i32
              %shift_right_logical3A_1001 = vector.broadcast %shift_right_logical3A_1000 : i32 to vector<1x16xi32>
              %shift_right_logical3A_1002 = arith.shrui %xor3A_995, %shift_right_logical3A_1001 : vector<1x16xi32>
              %or3A_1003 = arith.ori %shift_left3A_999, %shift_right_logical3A_1002 : vector<1x16xi32>
              %xor3A_1004 = arith.xori %add3A_996, %or3A_1003 : vector<1x16xi32>
              %add3A_1005 = arith.constant 0 : i32
              %add3A_1006 = vector.broadcast %add3A_1005 : i32 to vector<1x16xi32>
              %add3A_1007 = arith.addi %add3A_996, %add3A_1006 : vector<1x16xi32>
              %add3A_1008 = arith.constant 45 : i32
              %add3A_1009 = vector.broadcast %add3A_1008 : i32 to vector<1x16xi32>
              %add3A_1010 = arith.addi %xor3A_1004, %add3A_1009 : vector<1x16xi32>
              %add3A_1011 = arith.addi %add3A_1007, %add3A_1010 : vector<1x16xi32>
              %shift_left3A_1012 = arith.constant 17 : i32
              %shift_left3A_1013 = vector.broadcast %shift_left3A_1012 : i32 to vector<1x16xi32>
              %shift_left3A_1014 = arith.shli %add3A_1010, %shift_left3A_1013 : vector<1x16xi32>
              %shift_right_logical3A_1015 = arith.constant 15 : i32
              %shift_right_logical3A_1016 = vector.broadcast %shift_right_logical3A_1015 : i32 to vector<1x16xi32>
              %shift_right_logical3A_1017 = arith.shrui %add3A_1010, %shift_right_logical3A_1016 : vector<1x16xi32>
              %or3A_1018 = arith.ori %shift_left3A_1014, %shift_right_logical3A_1017 : vector<1x16xi32>
              %xor3A_1019 = arith.xori %add3A_1011, %or3A_1018 : vector<1x16xi32>
              %add3A_1020 = arith.addi %add3A_1011, %xor3A_1019 : vector<1x16xi32>
              %shift_left3A_1021 = arith.constant 29 : i32
              %shift_left3A_1022 = vector.broadcast %shift_left3A_1021 : i32 to vector<1x16xi32>
              %shift_left3A_1023 = arith.shli %xor3A_1019, %shift_left3A_1022 : vector<1x16xi32>
              %shift_right_logical3A_1024 = arith.constant 3 : i32
              %shift_right_logical3A_1025 = vector.broadcast %shift_right_logical3A_1024 : i32 to vector<1x16xi32>
              %shift_right_logical3A_1026 = arith.shrui %xor3A_1019, %shift_right_logical3A_1025 : vector<1x16xi32>
              %or3A_1027 = arith.ori %shift_left3A_1023, %shift_right_logical3A_1026 : vector<1x16xi32>
              %xor3A_1028 = arith.xori %add3A_1020, %or3A_1027 : vector<1x16xi32>
              %add3A_1029 = arith.addi %add3A_1020, %xor3A_1028 : vector<1x16xi32>
              %shift_left3A_1030 = arith.constant 16 : i32
              %shift_left3A_1031 = vector.broadcast %shift_left3A_1030 : i32 to vector<1x16xi32>
              %shift_left3A_1032 = arith.shli %xor3A_1028, %shift_left3A_1031 : vector<1x16xi32>
              %shift_right_logical3A_1033 = arith.constant 16 : i32
              %shift_right_logical3A_1034 = vector.broadcast %shift_right_logical3A_1033 : i32 to vector<1x16xi32>
              %shift_right_logical3A_1035 = arith.shrui %xor3A_1028, %shift_right_logical3A_1034 : vector<1x16xi32>
              %or3A_1036 = arith.ori %shift_left3A_1032, %shift_right_logical3A_1035 : vector<1x16xi32>
              %xor3A_1037 = arith.xori %add3A_1029, %or3A_1036 : vector<1x16xi32>
              %add3A_1038 = arith.addi %add3A_1029, %xor3A_1037 : vector<1x16xi32>
              %shift_left3A_1039 = arith.constant 24 : i32
              %shift_left3A_1040 = vector.broadcast %shift_left3A_1039 : i32 to vector<1x16xi32>
              %shift_left3A_1041 = arith.shli %xor3A_1037, %shift_left3A_1040 : vector<1x16xi32>
              %shift_right_logical3A_1042 = arith.constant 8 : i32
              %shift_right_logical3A_1043 = vector.broadcast %shift_right_logical3A_1042 : i32 to vector<1x16xi32>
              %shift_right_logical3A_1044 = arith.shrui %xor3A_1037, %shift_right_logical3A_1043 : vector<1x16xi32>
              %or3A_1045 = arith.ori %shift_left3A_1041, %shift_right_logical3A_1044 : vector<1x16xi32>
              %xor3A_1046 = arith.xori %add3A_1038, %or3A_1045 : vector<1x16xi32>
              %add3A_1047 = arith.constant 42 : i32
              %add3A_1048 = vector.broadcast %add3A_1047 : i32 to vector<1x16xi32>
              %add3A_1049 = arith.addi %add3A_1038, %add3A_1048 : vector<1x16xi32>
              %add3A_1050 = arith.constant 466689012 : i32
              %add3A_1051 = vector.broadcast %add3A_1050 : i32 to vector<1x16xi32>
              %add3A_1052 = arith.addi %xor3A_1046, %add3A_1051 : vector<1x16xi32>
              %add3A_1053 = arith.addi %add3A_1049, %add3A_1052 : vector<1x16xi32>
              %shift_left3A_1054 = arith.constant 13 : i32
              %shift_left3A_1055 = vector.broadcast %shift_left3A_1054 : i32 to vector<1x16xi32>
              %shift_left3A_1056 = arith.shli %add3A_1052, %shift_left3A_1055 : vector<1x16xi32>
              %shift_right_logical3A_1057 = arith.constant 19 : i32
              %shift_right_logical3A_1058 = vector.broadcast %shift_right_logical3A_1057 : i32 to vector<1x16xi32>
              %shift_right_logical3A_1059 = arith.shrui %add3A_1052, %shift_right_logical3A_1058 : vector<1x16xi32>
              %or3A_1060 = arith.ori %shift_left3A_1056, %shift_right_logical3A_1059 : vector<1x16xi32>
              %xor3A_1061 = arith.xori %add3A_1053, %or3A_1060 : vector<1x16xi32>
              %add3A_1062 = arith.addi %add3A_1053, %xor3A_1061 : vector<1x16xi32>
              %shift_left3A_1063 = arith.constant 15 : i32
              %shift_left3A_1064 = vector.broadcast %shift_left3A_1063 : i32 to vector<1x16xi32>
              %shift_left3A_1065 = arith.shli %xor3A_1061, %shift_left3A_1064 : vector<1x16xi32>
              %shift_right_logical3A_1066 = arith.constant 17 : i32
              %shift_right_logical3A_1067 = vector.broadcast %shift_right_logical3A_1066 : i32 to vector<1x16xi32>
              %shift_right_logical3A_1068 = arith.shrui %xor3A_1061, %shift_right_logical3A_1067 : vector<1x16xi32>
              %or3A_1069 = arith.ori %shift_left3A_1065, %shift_right_logical3A_1068 : vector<1x16xi32>
              %xor3A_1070 = arith.xori %add3A_1062, %or3A_1069 : vector<1x16xi32>
              %add3A_1071 = arith.addi %add3A_1062, %xor3A_1070 : vector<1x16xi32>
              %shift_left3A_1072 = arith.constant 26 : i32
              %shift_left3A_1073 = vector.broadcast %shift_left3A_1072 : i32 to vector<1x16xi32>
              %shift_left3A_1074 = arith.shli %xor3A_1070, %shift_left3A_1073 : vector<1x16xi32>
              %shift_right_logical3A_1075 = arith.constant 6 : i32
              %shift_right_logical3A_1076 = vector.broadcast %shift_right_logical3A_1075 : i32 to vector<1x16xi32>
              %shift_right_logical3A_1077 = arith.shrui %xor3A_1070, %shift_right_logical3A_1076 : vector<1x16xi32>
              %or3A_1078 = arith.ori %shift_left3A_1074, %shift_right_logical3A_1077 : vector<1x16xi32>
              %xor3A_1079 = arith.xori %add3A_1071, %or3A_1078 : vector<1x16xi32>
              %add3A_1080 = arith.addi %add3A_1071, %xor3A_1079 : vector<1x16xi32>
              %shift_left3A_1081 = arith.constant 6 : i32
              %shift_left3A_1082 = vector.broadcast %shift_left3A_1081 : i32 to vector<1x16xi32>
              %shift_left3A_1083 = arith.shli %xor3A_1079, %shift_left3A_1082 : vector<1x16xi32>
              %shift_right_logical3A_1084 = arith.constant 26 : i32
              %shift_right_logical3A_1085 = vector.broadcast %shift_right_logical3A_1084 : i32 to vector<1x16xi32>
              %shift_right_logical3A_1086 = arith.shrui %xor3A_1079, %shift_right_logical3A_1085 : vector<1x16xi32>
              %or3A_1087 = arith.ori %shift_left3A_1083, %shift_right_logical3A_1086 : vector<1x16xi32>
              %xor3A_1088 = arith.xori %add3A_1080, %or3A_1087 : vector<1x16xi32>
              %add3A_1089 = arith.constant 466689008 : i32
              %add3A_1090 = vector.broadcast %add3A_1089 : i32 to vector<1x16xi32>
              %add3A_1091 = arith.addi %add3A_1080, %add3A_1090 : vector<1x16xi32>
              %add3A_1092 = arith.constant 5 : i32
              %add3A_1093 = vector.broadcast %add3A_1092 : i32 to vector<1x16xi32>
              %add3A_1094 = arith.addi %xor3A_1088, %add3A_1093 : vector<1x16xi32>
              %xor3A_1095 = arith.xori %add3A_1091, %add3A_1094 : vector<1x16xi32>
              %swap3A_1096 = arith.constant 0 : i32
              %swap3A_1097 = arith.constant 0 : i32
              %swap3A_1098 = tpu.memref_slice %run_scoped3A_18[%rem3A_326, %swap3A_1096, %swap3A_1097] : memref<2x8x512xi32, #tpu.memory_space<vmem>> -> memref<1x8x512xi32, #tpu.memory_space<vmem>>
              %swap3A_1099 = tpu.memref_squeeze %swap3A_1098 : memref<1x8x512xi32, #tpu.memory_space<vmem>> -> memref<8x512xi32, #tpu.memory_space<vmem>>
              %swap3A_1100 = arith.index_cast %add3A_412 : i32 to index
              %swap3A_1101 = arith.index_cast %add3A_877 : i32 to index
              %swap3A_1102 = tpu.vector_load %swap3A_1099[%swap3A_1100, %swap3A_1101] {strides = array<i32>} : memref<8x512xi32, #tpu.memory_space<vmem>>, vector<1x16xi32>,
              %swap3A_1103 = vector.shape_cast %swap3A_1102 : vector<1x16xi32> to vector<1x16xi32>
              %swap3A_1104 = vector.shape_cast %xor3A_1095 : vector<1x16xi32> to vector<1x16xi32>
              tpu.vector_store %swap3A_1099[%swap3A_1100, %swap3A_1101], %swap3A_1104 {strides = array<i32>} : memref<8x512xi32, #tpu.memory_space<vmem>>, vector<1x16xi32>,
              %add3A_1105 = arith.constant 48 : i32
              %add3A_1106 = arith.addi %add3A_422, %add3A_1105 : i32
              %get3A_1107 = arith.constant 0 : i32
              %get3A_1108 = arith.constant 0 : i32
              %get3A_1109 = tpu.memref_slice %run_scoped3A[%rem3A_324, %get3A_1107, %get3A_1108] : memref<2x8x512xi32, #tpu.memory_space<vmem>> -> memref<1x8x512xi32, #tpu.memory_space<vmem>>
              %get3A_1110 = tpu.memref_squeeze %get3A_1109 : memref<1x8x512xi32, #tpu.memory_space<vmem>> -> memref<8x512xi32, #tpu.memory_space<vmem>>
              %get3A_1111 = arith.index_cast %add3A_412 : i32 to index
              %get3A_1112 = arith.index_cast %add3A_1106 : i32 to index
              %get3A_1113 = tpu.vector_load %get3A_1110[%get3A_1111, %get3A_1112] {strides = array<i32>} : memref<8x512xi32, #tpu.memory_space<vmem>>, vector<1x16xi32>,
              %get3A_1114 = vector.shape_cast %get3A_1113 : vector<1x16xi32> to vector<1x16xi32>
              %shift_left3A_1115 = arith.constant 13 : i32
              %shift_left3A_1116 = vector.broadcast %shift_left3A_1115 : i32 to vector<1x16xi32>
              %shift_left3A_1117 = arith.shli %get3A_1114, %shift_left3A_1116 : vector<1x16xi32>
              %shift_right_logical3A_1118 = arith.constant 19 : i32
              %shift_right_logical3A_1119 = vector.broadcast %shift_right_logical3A_1118 : i32 to vector<1x16xi32>
              %shift_right_logical3A_1120 = arith.shrui %get3A_1114, %shift_right_logical3A_1119 : vector<1x16xi32>
              %or3A_1121 = arith.ori %shift_left3A_1117, %shift_right_logical3A_1120 : vector<1x16xi32>
              %xor3A_1122 = arith.xori %get3A_1114, %or3A_1121 : vector<1x16xi32>
              %add3A_1123 = arith.addi %get3A_1114, %xor3A_1122 : vector<1x16xi32>
              %shift_left3A_1124 = arith.constant 15 : i32
              %shift_left3A_1125 = vector.broadcast %shift_left3A_1124 : i32 to vector<1x16xi32>
              %shift_left3A_1126 = arith.shli %xor3A_1122, %shift_left3A_1125 : vector<1x16xi32>
              %shift_right_logical3A_1127 = arith.constant 17 : i32
              %shift_right_logical3A_1128 = vector.broadcast %shift_right_logical3A_1127 : i32 to vector<1x16xi32>
              %shift_right_logical3A_1129 = arith.shrui %xor3A_1122, %shift_right_logical3A_1128 : vector<1x16xi32>
              %or3A_1130 = arith.ori %shift_left3A_1126, %shift_right_logical3A_1129 : vector<1x16xi32>
              %xor3A_1131 = arith.xori %add3A_1123, %or3A_1130 : vector<1x16xi32>
              %add3A_1132 = arith.addi %add3A_1123, %xor3A_1131 : vector<1x16xi32>
              %shift_left3A_1133 = arith.constant 26 : i32
              %shift_left3A_1134 = vector.broadcast %shift_left3A_1133 : i32 to vector<1x16xi32>
              %shift_left3A_1135 = arith.shli %xor3A_1131, %shift_left3A_1134 : vector<1x16xi32>
              %shift_right_logical3A_1136 = arith.constant 6 : i32
              %shift_right_logical3A_1137 = vector.broadcast %shift_right_logical3A_1136 : i32 to vector<1x16xi32>
              %shift_right_logical3A_1138 = arith.shrui %xor3A_1131, %shift_right_logical3A_1137 : vector<1x16xi32>
              %or3A_1139 = arith.ori %shift_left3A_1135, %shift_right_logical3A_1138 : vector<1x16xi32>
              %xor3A_1140 = arith.xori %add3A_1132, %or3A_1139 : vector<1x16xi32>
              %add3A_1141 = arith.addi %add3A_1132, %xor3A_1140 : vector<1x16xi32>
              %shift_left3A_1142 = arith.constant 6 : i32
              %shift_left3A_1143 = vector.broadcast %shift_left3A_1142 : i32 to vector<1x16xi32>
              %shift_left3A_1144 = arith.shli %xor3A_1140, %shift_left3A_1143 : vector<1x16xi32>
              %shift_right_logical3A_1145 = arith.constant 26 : i32
              %shift_right_logical3A_1146 = vector.broadcast %shift_right_logical3A_1145 : i32 to vector<1x16xi32>
              %shift_right_logical3A_1147 = arith.shrui %xor3A_1140, %shift_right_logical3A_1146 : vector<1x16xi32>
              %or3A_1148 = arith.ori %shift_left3A_1144, %shift_right_logical3A_1147 : vector<1x16xi32>
              %xor3A_1149 = arith.xori %add3A_1141, %or3A_1148 : vector<1x16xi32>
              %add3A_1150 = arith.constant 42 : i32
              %add3A_1151 = vector.broadcast %add3A_1150 : i32 to vector<1x16xi32>
              %add3A_1152 = arith.addi %add3A_1141, %add3A_1151 : vector<1x16xi32>
              %add3A_1153 = arith.constant 466689009 : i32
              %add3A_1154 = vector.broadcast %add3A_1153 : i32 to vector<1x16xi32>
              %add3A_1155 = arith.addi %xor3A_1149, %add3A_1154 : vector<1x16xi32>
              %add3A_1156 = arith.addi %add3A_1152, %add3A_1155 : vector<1x16xi32>
              %shift_left3A_1157 = arith.constant 17 : i32
              %shift_left3A_1158 = vector.broadcast %shift_left3A_1157 : i32 to vector<1x16xi32>
              %shift_left3A_1159 = arith.shli %add3A_1155, %shift_left3A_1158 : vector<1x16xi32>
              %shift_right_logical3A_1160 = arith.constant 15 : i32
              %shift_right_logical3A_1161 = vector.broadcast %shift_right_logical3A_1160 : i32 to vector<1x16xi32>
              %shift_right_logical3A_1162 = arith.shrui %add3A_1155, %shift_right_logical3A_1161 : vector<1x16xi32>
              %or3A_1163 = arith.ori %shift_left3A_1159, %shift_right_logical3A_1162 : vector<1x16xi32>
              %xor3A_1164 = arith.xori %add3A_1156, %or3A_1163 : vector<1x16xi32>
              %add3A_1165 = arith.addi %add3A_1156, %xor3A_1164 : vector<1x16xi32>
              %shift_left3A_1166 = arith.constant 29 : i32
              %shift_left3A_1167 = vector.broadcast %shift_left3A_1166 : i32 to vector<1x16xi32>
              %shift_left3A_1168 = arith.shli %xor3A_1164, %shift_left3A_1167 : vector<1x16xi32>
              %shift_right_logical3A_1169 = arith.constant 3 : i32
              %shift_right_logical3A_1170 = vector.broadcast %shift_right_logical3A_1169 : i32 to vector<1x16xi32>
              %shift_right_logical3A_1171 = arith.shrui %xor3A_1164, %shift_right_logical3A_1170 : vector<1x16xi32>
              %or3A_1172 = arith.ori %shift_left3A_1168, %shift_right_logical3A_1171 : vector<1x16xi32>
              %xor3A_1173 = arith.xori %add3A_1165, %or3A_1172 : vector<1x16xi32>
              %add3A_1174 = arith.addi %add3A_1165, %xor3A_1173 : vector<1x16xi32>
              %shift_left3A_1175 = arith.constant 16 : i32
              %shift_left3A_1176 = vector.broadcast %shift_left3A_1175 : i32 to vector<1x16xi32>
              %shift_left3A_1177 = arith.shli %xor3A_1173, %shift_left3A_1176 : vector<1x16xi32>
              %shift_right_logical3A_1178 = arith.constant 16 : i32
              %shift_right_logical3A_1179 = vector.broadcast %shift_right_logical3A_1178 : i32 to vector<1x16xi32>
              %shift_right_logical3A_1180 = arith.shrui %xor3A_1173, %shift_right_logical3A_1179 : vector<1x16xi32>
              %or3A_1181 = arith.ori %shift_left3A_1177, %shift_right_logical3A_1180 : vector<1x16xi32>
              %xor3A_1182 = arith.xori %add3A_1174, %or3A_1181 : vector<1x16xi32>
              %add3A_1183 = arith.addi %add3A_1174, %xor3A_1182 : vector<1x16xi32>
              %shift_left3A_1184 = arith.constant 24 : i32
              %shift_left3A_1185 = vector.broadcast %shift_left3A_1184 : i32 to vector<1x16xi32>
              %shift_left3A_1186 = arith.shli %xor3A_1182, %shift_left3A_1185 : vector<1x16xi32>
              %shift_right_logical3A_1187 = arith.constant 8 : i32
              %shift_right_logical3A_1188 = vector.broadcast %shift_right_logical3A_1187 : i32 to vector<1x16xi32>
              %shift_right_logical3A_1189 = arith.shrui %xor3A_1182, %shift_right_logical3A_1188 : vector<1x16xi32>
              %or3A_1190 = arith.ori %shift_left3A_1186, %shift_right_logical3A_1189 : vector<1x16xi32>
              %xor3A_1191 = arith.xori %add3A_1183, %or3A_1190 : vector<1x16xi32>
              %add3A_1192 = arith.constant 466689008 : i32
              %add3A_1193 = vector.broadcast %add3A_1192 : i32 to vector<1x16xi32>
              %add3A_1194 = arith.addi %add3A_1183, %add3A_1193 : vector<1x16xi32>
              %add3A_1195 = arith.constant 2 : i32
              %add3A_1196 = vector.broadcast %add3A_1195 : i32 to vector<1x16xi32>
              %add3A_1197 = arith.addi %xor3A_1191, %add3A_1196 : vector<1x16xi32>
              %add3A_1198 = arith.addi %add3A_1194, %add3A_1197 : vector<1x16xi32>
              %shift_left3A_1199 = arith.constant 13 : i32
              %shift_left3A_1200 = vector.broadcast %shift_left3A_1199 : i32 to vector<1x16xi32>
              %shift_left3A_1201 = arith.shli %add3A_1197, %shift_left3A_1200 : vector<1x16xi32>
              %shift_right_logical3A_1202 = arith.constant 19 : i32
              %shift_right_logical3A_1203 = vector.broadcast %shift_right_logical3A_1202 : i32 to vector<1x16xi32>
              %shift_right_logical3A_1204 = arith.shrui %add3A_1197, %shift_right_logical3A_1203 : vector<1x16xi32>
              %or3A_1205 = arith.ori %shift_left3A_1201, %shift_right_logical3A_1204 : vector<1x16xi32>
              %xor3A_1206 = arith.xori %add3A_1198, %or3A_1205 : vector<1x16xi32>
              %add3A_1207 = arith.addi %add3A_1198, %xor3A_1206 : vector<1x16xi32>
              %shift_left3A_1208 = arith.constant 15 : i32
              %shift_left3A_1209 = vector.broadcast %shift_left3A_1208 : i32 to vector<1x16xi32>
              %shift_left3A_1210 = arith.shli %xor3A_1206, %shift_left3A_1209 : vector<1x16xi32>
              %shift_right_logical3A_1211 = arith.constant 17 : i32
              %shift_right_logical3A_1212 = vector.broadcast %shift_right_logical3A_1211 : i32 to vector<1x16xi32>
              %shift_right_logical3A_1213 = arith.shrui %xor3A_1206, %shift_right_logical3A_1212 : vector<1x16xi32>
              %or3A_1214 = arith.ori %shift_left3A_1210, %shift_right_logical3A_1213 : vector<1x16xi32>
              %xor3A_1215 = arith.xori %add3A_1207, %or3A_1214 : vector<1x16xi32>
              %add3A_1216 = arith.addi %add3A_1207, %xor3A_1215 : vector<1x16xi32>
              %shift_left3A_1217 = arith.constant 26 : i32
              %shift_left3A_1218 = vector.broadcast %shift_left3A_1217 : i32 to vector<1x16xi32>
              %shift_left3A_1219 = arith.shli %xor3A_1215, %shift_left3A_1218 : vector<1x16xi32>
              %shift_right_logical3A_1220 = arith.constant 6 : i32
              %shift_right_logical3A_1221 = vector.broadcast %shift_right_logical3A_1220 : i32 to vector<1x16xi32>
              %shift_right_logical3A_1222 = arith.shrui %xor3A_1215, %shift_right_logical3A_1221 : vector<1x16xi32>
              %or3A_1223 = arith.ori %shift_left3A_1219, %shift_right_logical3A_1222 : vector<1x16xi32>
              %xor3A_1224 = arith.xori %add3A_1216, %or3A_1223 : vector<1x16xi32>
              %add3A_1225 = arith.addi %add3A_1216, %xor3A_1224 : vector<1x16xi32>
              %shift_left3A_1226 = arith.constant 6 : i32
              %shift_left3A_1227 = vector.broadcast %shift_left3A_1226 : i32 to vector<1x16xi32>
              %shift_left3A_1228 = arith.shli %xor3A_1224, %shift_left3A_1227 : vector<1x16xi32>
              %shift_right_logical3A_1229 = arith.constant 26 : i32
              %shift_right_logical3A_1230 = vector.broadcast %shift_right_logical3A_1229 : i32 to vector<1x16xi32>
              %shift_right_logical3A_1231 = arith.shrui %xor3A_1224, %shift_right_logical3A_1230 : vector<1x16xi32>
              %or3A_1232 = arith.ori %shift_left3A_1228, %shift_right_logical3A_1231 : vector<1x16xi32>
              %xor3A_1233 = arith.xori %add3A_1225, %or3A_1232 : vector<1x16xi32>
              %add3A_1234 = arith.constant 0 : i32
              %add3A_1235 = vector.broadcast %add3A_1234 : i32 to vector<1x16xi32>
              %add3A_1236 = arith.addi %add3A_1225, %add3A_1235 : vector<1x16xi32>
              %add3A_1237 = arith.constant 45 : i32
              %add3A_1238 = vector.broadcast %add3A_1237 : i32 to vector<1x16xi32>
              %add3A_1239 = arith.addi %xor3A_1233, %add3A_1238 : vector<1x16xi32>
              %add3A_1240 = arith.addi %add3A_1236, %add3A_1239 : vector<1x16xi32>
              %shift_left3A_1241 = arith.constant 17 : i32
              %shift_left3A_1242 = vector.broadcast %shift_left3A_1241 : i32 to vector<1x16xi32>
              %shift_left3A_1243 = arith.shli %add3A_1239, %shift_left3A_1242 : vector<1x16xi32>
              %shift_right_logical3A_1244 = arith.constant 15 : i32
              %shift_right_logical3A_1245 = vector.broadcast %shift_right_logical3A_1244 : i32 to vector<1x16xi32>
              %shift_right_logical3A_1246 = arith.shrui %add3A_1239, %shift_right_logical3A_1245 : vector<1x16xi32>
              %or3A_1247 = arith.ori %shift_left3A_1243, %shift_right_logical3A_1246 : vector<1x16xi32>
              %xor3A_1248 = arith.xori %add3A_1240, %or3A_1247 : vector<1x16xi32>
              %add3A_1249 = arith.addi %add3A_1240, %xor3A_1248 : vector<1x16xi32>
              %shift_left3A_1250 = arith.constant 29 : i32
              %shift_left3A_1251 = vector.broadcast %shift_left3A_1250 : i32 to vector<1x16xi32>
              %shift_left3A_1252 = arith.shli %xor3A_1248, %shift_left3A_1251 : vector<1x16xi32>
              %shift_right_logical3A_1253 = arith.constant 3 : i32
              %shift_right_logical3A_1254 = vector.broadcast %shift_right_logical3A_1253 : i32 to vector<1x16xi32>
              %shift_right_logical3A_1255 = arith.shrui %xor3A_1248, %shift_right_logical3A_1254 : vector<1x16xi32>
              %or3A_1256 = arith.ori %shift_left3A_1252, %shift_right_logical3A_1255 : vector<1x16xi32>
              %xor3A_1257 = arith.xori %add3A_1249, %or3A_1256 : vector<1x16xi32>
              %add3A_1258 = arith.addi %add3A_1249, %xor3A_1257 : vector<1x16xi32>
              %shift_left3A_1259 = arith.constant 16 : i32
              %shift_left3A_1260 = vector.broadcast %shift_left3A_1259 : i32 to vector<1x16xi32>
              %shift_left3A_1261 = arith.shli %xor3A_1257, %shift_left3A_1260 : vector<1x16xi32>
              %shift_right_logical3A_1262 = arith.constant 16 : i32
              %shift_right_logical3A_1263 = vector.broadcast %shift_right_logical3A_1262 : i32 to vector<1x16xi32>
              %shift_right_logical3A_1264 = arith.shrui %xor3A_1257, %shift_right_logical3A_1263 : vector<1x16xi32>
              %or3A_1265 = arith.ori %shift_left3A_1261, %shift_right_logical3A_1264 : vector<1x16xi32>
              %xor3A_1266 = arith.xori %add3A_1258, %or3A_1265 : vector<1x16xi32>
              %add3A_1267 = arith.addi %add3A_1258, %xor3A_1266 : vector<1x16xi32>
              %shift_left3A_1268 = arith.constant 24 : i32
              %shift_left3A_1269 = vector.broadcast %shift_left3A_1268 : i32 to vector<1x16xi32>
              %shift_left3A_1270 = arith.shli %xor3A_1266, %shift_left3A_1269 : vector<1x16xi32>
              %shift_right_logical3A_1271 = arith.constant 8 : i32
              %shift_right_logical3A_1272 = vector.broadcast %shift_right_logical3A_1271 : i32 to vector<1x16xi32>
              %shift_right_logical3A_1273 = arith.shrui %xor3A_1266, %shift_right_logical3A_1272 : vector<1x16xi32>
              %or3A_1274 = arith.ori %shift_left3A_1270, %shift_right_logical3A_1273 : vector<1x16xi32>
              %xor3A_1275 = arith.xori %add3A_1267, %or3A_1274 : vector<1x16xi32>
              %add3A_1276 = arith.constant 42 : i32
              %add3A_1277 = vector.broadcast %add3A_1276 : i32 to vector<1x16xi32>
              %add3A_1278 = arith.addi %add3A_1267, %add3A_1277 : vector<1x16xi32>
              %add3A_1279 = arith.constant 466689012 : i32
              %add3A_1280 = vector.broadcast %add3A_1279 : i32 to vector<1x16xi32>
              %add3A_1281 = arith.addi %xor3A_1275, %add3A_1280 : vector<1x16xi32>
              %add3A_1282 = arith.addi %add3A_1278, %add3A_1281 : vector<1x16xi32>
              %shift_left3A_1283 = arith.constant 13 : i32
              %shift_left3A_1284 = vector.broadcast %shift_left3A_1283 : i32 to vector<1x16xi32>
              %shift_left3A_1285 = arith.shli %add3A_1281, %shift_left3A_1284 : vector<1x16xi32>
              %shift_right_logical3A_1286 = arith.constant 19 : i32
              %shift_right_logical3A_1287 = vector.broadcast %shift_right_logical3A_1286 : i32 to vector<1x16xi32>
              %shift_right_logical3A_1288 = arith.shrui %add3A_1281, %shift_right_logical3A_1287 : vector<1x16xi32>
              %or3A_1289 = arith.ori %shift_left3A_1285, %shift_right_logical3A_1288 : vector<1x16xi32>
              %xor3A_1290 = arith.xori %add3A_1282, %or3A_1289 : vector<1x16xi32>
              %add3A_1291 = arith.addi %add3A_1282, %xor3A_1290 : vector<1x16xi32>
              %shift_left3A_1292 = arith.constant 15 : i32
              %shift_left3A_1293 = vector.broadcast %shift_left3A_1292 : i32 to vector<1x16xi32>
              %shift_left3A_1294 = arith.shli %xor3A_1290, %shift_left3A_1293 : vector<1x16xi32>
              %shift_right_logical3A_1295 = arith.constant 17 : i32
              %shift_right_logical3A_1296 = vector.broadcast %shift_right_logical3A_1295 : i32 to vector<1x16xi32>
              %shift_right_logical3A_1297 = arith.shrui %xor3A_1290, %shift_right_logical3A_1296 : vector<1x16xi32>
              %or3A_1298 = arith.ori %shift_left3A_1294, %shift_right_logical3A_1297 : vector<1x16xi32>
              %xor3A_1299 = arith.xori %add3A_1291, %or3A_1298 : vector<1x16xi32>
              %add3A_1300 = arith.addi %add3A_1291, %xor3A_1299 : vector<1x16xi32>
              %shift_left3A_1301 = arith.constant 26 : i32
              %shift_left3A_1302 = vector.broadcast %shift_left3A_1301 : i32 to vector<1x16xi32>
              %shift_left3A_1303 = arith.shli %xor3A_1299, %shift_left3A_1302 : vector<1x16xi32>
              %shift_right_logical3A_1304 = arith.constant 6 : i32
              %shift_right_logical3A_1305 = vector.broadcast %shift_right_logical3A_1304 : i32 to vector<1x16xi32>
              %shift_right_logical3A_1306 = arith.shrui %xor3A_1299, %shift_right_logical3A_1305 : vector<1x16xi32>
              %or3A_1307 = arith.ori %shift_left3A_1303, %shift_right_logical3A_1306 : vector<1x16xi32>
              %xor3A_1308 = arith.xori %add3A_1300, %or3A_1307 : vector<1x16xi32>
              %add3A_1309 = arith.addi %add3A_1300, %xor3A_1308 : vector<1x16xi32>
              %shift_left3A_1310 = arith.constant 6 : i32
              %shift_left3A_1311 = vector.broadcast %shift_left3A_1310 : i32 to vector<1x16xi32>
              %shift_left3A_1312 = arith.shli %xor3A_1308, %shift_left3A_1311 : vector<1x16xi32>
              %shift_right_logical3A_1313 = arith.constant 26 : i32
              %shift_right_logical3A_1314 = vector.broadcast %shift_right_logical3A_1313 : i32 to vector<1x16xi32>
              %shift_right_logical3A_1315 = arith.shrui %xor3A_1308, %shift_right_logical3A_1314 : vector<1x16xi32>
              %or3A_1316 = arith.ori %shift_left3A_1312, %shift_right_logical3A_1315 : vector<1x16xi32>
              %xor3A_1317 = arith.xori %add3A_1309, %or3A_1316 : vector<1x16xi32>
              %add3A_1318 = arith.constant 466689008 : i32
              %add3A_1319 = vector.broadcast %add3A_1318 : i32 to vector<1x16xi32>
              %add3A_1320 = arith.addi %add3A_1309, %add3A_1319 : vector<1x16xi32>
              %add3A_1321 = arith.constant 5 : i32
              %add3A_1322 = vector.broadcast %add3A_1321 : i32 to vector<1x16xi32>
              %add3A_1323 = arith.addi %xor3A_1317, %add3A_1322 : vector<1x16xi32>
              %xor3A_1324 = arith.xori %add3A_1320, %add3A_1323 : vector<1x16xi32>
              %swap3A_1325 = arith.constant 0 : i32
              %swap3A_1326 = arith.constant 0 : i32
              %swap3A_1327 = tpu.memref_slice %run_scoped3A_18[%rem3A_326, %swap3A_1325, %swap3A_1326] : memref<2x8x512xi32, #tpu.memory_space<vmem>> -> memref<1x8x512xi32, #tpu.memory_space<vmem>>
              %swap3A_1328 = tpu.memref_squeeze %swap3A_1327 : memref<1x8x512xi32, #tpu.memory_space<vmem>> -> memref<8x512xi32, #tpu.memory_space<vmem>>
              %swap3A_1329 = arith.index_cast %add3A_412 : i32 to index
              %swap3A_1330 = arith.index_cast %add3A_1106 : i32 to index
              %swap3A_1331 = tpu.vector_load %swap3A_1328[%swap3A_1329, %swap3A_1330] {strides = array<i32>} : memref<8x512xi32, #tpu.memory_space<vmem>>, vector<1x16xi32>,
              %swap3A_1332 = vector.shape_cast %swap3A_1331 : vector<1x16xi32> to vector<1x16xi32>
              %swap3A_1333 = vector.shape_cast %xor3A_1324 : vector<1x16xi32> to vector<1x16xi32>
              tpu.vector_store %swap3A_1328[%swap3A_1329, %swap3A_1330], %swap3A_1333 {strides = array<i32>} : memref<8x512xi32, #tpu.memory_space<vmem>>, vector<1x16xi32>,
            }
            %scan3A_417 = arith.constant 8 : i32
          }
          %scan3A_330 = arith.constant 8 : i32
          "tpu.trace_stop"() : () -> ()
          %ne3A_331 = arith.cmpi ne, %add3A_221, %add3A_257 : i32
          %ne3A_332 = arith.cmpi ne, %add3A_222, %add3A_258 : i32
          %or3A_333 = arith.constant false
          %or3A_334 = arith.ori %or3A_333, %ne3A_331 : i1
          %or3A_335 = arith.ori %or3A_334, %ne3A_332 : i1
          %or3A_336 = arith.ori %or3A_335, %eq3A_219 : i1
          %convert_element_type3A_337 = arith.extui %or3A_336 : i1 to i32
          %cond3A_338 = arith.constant 0 : i32
          %cond3A_339 = arith.cmpi ne, %convert_element_type3A_337, %cond3A_338 : i32
          scf.if %cond3A_339 {
          } else {
          }
          %and3A_340 = arith.constant false
          %and3A_341 = arith.andi %or3A_336, %and3A_340 : i1
          %ne3A_342 = arith.cmpi ne, %add3A_221, %add3A_257 : i32
          %ne3A_343 = arith.cmpi ne, %add3A_222, %add3A_258 : i32
          %or3A_344 = arith.constant false
          %or3A_345 = arith.ori %or3A_344, %ne3A_342 : i1
          %or3A_346 = arith.ori %or3A_345, %ne3A_343 : i1
          %or3A_347 = arith.ori %or3A_346, %eq3A_219 : i1
          %convert_element_type3A_348 = arith.extui %or3A_347 : i1 to i32
          %cond3A_349 = arith.constant 0 : i32
          %cond3A_350 = arith.cmpi ne, %convert_element_type3A_348, %cond3A_349 : i32
          scf.if %cond3A_350 {
            "tpu.trace_start"() <{level = 10 : i32, message = "ep_copy_out"}> : () -> ()
            %rem3A_408 = arith.constant 2 : i32
            %rem3A_409 = arith.remui %while3A_209, %rem3A_408 : i32
            %mul3A_410 = arith.constant 8 : i32
            %mul3A_411 = arith.muli %mul3A_410, %add3A_221 : i32
            %mul3A_412 = arith.constant 512 : i32
            %mul3A_413 = arith.muli %mul3A_412, %add3A_222 : i32
            %dma_start3A_414 = arith.constant 0 : i32
            %dma_start3A_415 = arith.constant 0 : i32
            %dma_start3A_416 = tpu.memref_slice %run_scoped3A_18[%rem3A_409, %dma_start3A_414, %dma_start3A_415] : memref<2x8x512xi32, #tpu.memory_space<vmem>> -> memref<1x8x512xi32, #tpu.memory_space<vmem>>
            %dma_start3A_417 = tpu.memref_squeeze %dma_start3A_416 : memref<1x8x512xi32, #tpu.memory_space<vmem>> -> memref<8x512xi32, #tpu.memory_space<vmem>>
            %dma_start3A_418 = tpu.memref_slice %arg3[%mul3A_411, %mul3A_413] : memref<64x10240xi32, #tpu.memory_space<hbm>> -> memref<8x512xi32, #tpu.memory_space<hbm>>
            %dma_start3A_419 = tpu.memref_slice %run_scoped3A_19[%rem3A_409] : memref<2x!tpu.dma_semaphore, #tpu.memory_space<semaphore_mem>> -> memref<1x!tpu.dma_semaphore, #tpu.memory_space<semaphore_mem>>
            %dma_start3A_420 = tpu.memref_squeeze %dma_start3A_419 : memref<1x!tpu.dma_semaphore, #tpu.memory_space<semaphore_mem>> -> memref<!tpu.dma_semaphore, #tpu.memory_space<semaphore_mem>>
            %dma_start3A_421 = tpu.memref_slice %arg3[%mul3A_411, %mul3A_413] : memref<64x10240xi32, #tpu.memory_space<hbm>> -> memref<8x512xi32, #tpu.memory_space<hbm>>
            %dma_start3A_422 = arith.constant 0 : i32
            %dma_start3A_423 = arith.constant 0 : i32
            %dma_start3A_424 = tpu.memref_slice %run_scoped3A_18[%rem3A_409, %dma_start3A_422, %dma_start3A_423] : memref<2x8x512xi32, #tpu.memory_space<vmem>> -> memref<1x8x512xi32, #tpu.memory_space<vmem>>
            %dma_start3A_425 = tpu.memref_squeeze %dma_start3A_424 : memref<1x8x512xi32, #tpu.memory_space<vmem>> -> memref<8x512xi32, #tpu.memory_space<vmem>>
            tpu.enqueue_dma source(%dma_start3A_425 : memref<8x512xi32, #tpu.memory_space<vmem>>) target(%dma_start3A_421 : memref<8x512xi32, #tpu.memory_space<hbm>>) target_semaphore(%dma_start3A_420 : memref<!tpu.dma_semaphore, #tpu.memory_space<semaphore_mem>>)
            "tpu.trace_stop"() : () -> ()
          } else {
          }
          %and3A_351 = arith.constant true
          %and3A_352 = arith.andi %or3A_347, %and3A_351 : i1
          %add3A_353 = arith.constant 1 : i32
          %add3A_354 = arith.addi %while3A_209, %add3A_353 : i32
          %select_n3A_355 = arith.select %and3A_352, %add3A_354, %while3A_209 : i32
          %ne3A_356 = arith.cmpi ne, %add3A_221, %add3A_240 : i32
          %ne3A_357 = arith.cmpi ne, %add3A_222, %add3A_241 : i32
          %or3A_358 = arith.constant false
          %or3A_359 = arith.ori %or3A_358, %ne3A_356 : i1
          %or3A_360 = arith.ori %or3A_359, %ne3A_357 : i1
          %not3A_361 = arith.constant true
          %not3A_362 = arith.xori %eq3A_216, %not3A_361 : i1
          %and3A_363 = arith.andi %or3A_360, %not3A_362 : i1
          %convert_element_type3A_364 = arith.extui %and3A_363 : i1 to i32
          %cond3A_365 = arith.constant 0 : i32
          %cond3A_366 = arith.cmpi ne, %convert_element_type3A_364, %cond3A_365 : i32
          scf.if %cond3A_366 {
          } else {
          }
          %and3A_367 = arith.constant false
          %and3A_368 = arith.andi %and3A_363, %and3A_367 : i1
          %ne3A_369 = arith.cmpi ne, %add3A_221, %add3A_240 : i32
          %ne3A_370 = arith.cmpi ne, %add3A_222, %add3A_241 : i32
          %or3A_371 = arith.constant false
          %or3A_372 = arith.ori %or3A_371, %ne3A_369 : i1
          %or3A_373 = arith.ori %or3A_372, %ne3A_370 : i1
          %not3A_374 = arith.constant true
          %not3A_375 = arith.xori %eq3A_216, %not3A_374 : i1
          %and3A_376 = arith.andi %or3A_373, %not3A_375 : i1
          %convert_element_type3A_377 = arith.extui %and3A_376 : i1 to i32
          %cond3A_378 = arith.constant 0 : i32
          %cond3A_379 = arith.cmpi ne, %convert_element_type3A_377, %cond3A_378 : i32
          scf.if %cond3A_379 {
            "tpu.trace_start"() <{level = 10 : i32, message = "ep_wait_out"}> : () -> ()
            %rem3A_408 = arith.constant 2 : i32
            %rem3A_409 = arith.remui %while3A_210, %rem3A_408 : i32
            %mul3A_410 = arith.constant 8 : i32
            %mul3A_411 = arith.muli %mul3A_410, %add3A_240 : i32
            %mul3A_412 = arith.constant 512 : i32
            %mul3A_413 = arith.muli %mul3A_412, %add3A_241 : i32
            %dma_wait3A = arith.constant 0 : i32
            %dma_wait3A_414 = arith.constant 0 : i32
            %dma_wait3A_415 = tpu.memref_slice %run_scoped3A_18[%rem3A_409, %dma_wait3A, %dma_wait3A_414] : memref<2x8x512xi32, #tpu.memory_space<vmem>> -> memref<1x8x512xi32, #tpu.memory_space<vmem>>
            %dma_wait3A_416 = tpu.memref_squeeze %dma_wait3A_415 : memref<1x8x512xi32, #tpu.memory_space<vmem>> -> memref<8x512xi32, #tpu.memory_space<vmem>>
            %dma_wait3A_417 = tpu.memref_slice %arg3[%mul3A_411, %mul3A_413] : memref<64x10240xi32, #tpu.memory_space<hbm>> -> memref<8x512xi32, #tpu.memory_space<hbm>>
            %dma_wait3A_418 = tpu.memref_slice %run_scoped3A_19[%rem3A_409] : memref<2x!tpu.dma_semaphore, #tpu.memory_space<semaphore_mem>> -> memref<1x!tpu.dma_semaphore, #tpu.memory_space<semaphore_mem>>
            %dma_wait3A_419 = tpu.memref_squeeze %dma_wait3A_418 : memref<1x!tpu.dma_semaphore, #tpu.memory_space<semaphore_mem>> -> memref<!tpu.dma_semaphore, #tpu.memory_space<semaphore_mem>>
            %dma_wait3A_420 = tpu.memref_slice %arg3[%mul3A_411, %mul3A_413] : memref<64x10240xi32, #tpu.memory_space<hbm>> -> memref<8x512xi32, #tpu.memory_space<hbm>>
            %dma_wait3A_421 = arith.constant 0 : i32
            %dma_wait3A_422 = arith.constant 0 : i32
            %dma_wait3A_423 = tpu.memref_slice %run_scoped3A_18[%rem3A_409, %dma_wait3A_421, %dma_wait3A_422] : memref<2x8x512xi32, #tpu.memory_space<vmem>> -> memref<1x8x512xi32, #tpu.memory_space<vmem>>
            %dma_wait3A_424 = tpu.memref_squeeze %dma_wait3A_423 : memref<1x8x512xi32, #tpu.memory_space<vmem>> -> memref<8x512xi32, #tpu.memory_space<vmem>>
            tpu.wait_dma2 semaphore(%dma_wait3A_419 : memref<!tpu.dma_semaphore, #tpu.memory_space<semaphore_mem>>) src(%dma_wait3A_424 : memref<8x512xi32, #tpu.memory_space<vmem>>) dst(%dma_wait3A_420 : memref<8x512xi32, #tpu.memory_space<hbm>>)
            "tpu.trace_stop"() : () -> ()
          } else {
          }
          %and3A_380 = arith.constant true
          %and3A_381 = arith.andi %and3A_376, %and3A_380 : i1
          %add3A_382 = arith.constant 1 : i32
          %add3A_383 = arith.addi %while3A_210, %add3A_382 : i32
          %select_n3A_384 = arith.select %and3A_381, %add3A_383, %while3A_210 : i32
          %ne3A_385 = arith.cmpi ne, %add3A_221, %add3A_257 : i32
          %ne3A_386 = arith.cmpi ne, %add3A_222, %add3A_258 : i32
          %or3A_387 = arith.constant false
          %or3A_388 = arith.ori %or3A_387, %ne3A_385 : i1
          %or3A_389 = arith.ori %or3A_388, %ne3A_386 : i1
          %or3A_390 = arith.ori %or3A_389, %eq3A_219 : i1
          %add3A_391 = arith.constant 1 : i32
          %add3A_392 = arith.addi %while3A_208, %add3A_391 : i32
          %select_n3A_393 = arith.select %or3A_390, %add3A_392, %while3A_208 : i32
          %add3A_394 = arith.constant 1 : i32
          %add3A_395 = arith.addi %while3A_212, %add3A_394 : i32
          %select_n3A_396 = arith.constant true
          %select_n3A_397 = arith.select %select_n3A_396, %add3A_395, %while3A_212 : i32
          %eq3A_398 = arith.cmpi eq, %select_n3A_397, %select_n3A : i32
          %select_n3A_399 = arith.constant 0 : i32
          %select_n3A_400 = arith.select %eq3A_398, %select_n3A_399, %select_n3A_397 : i32
          %add3A_401 = arith.constant 1 : i32
          %add3A_402 = arith.addi %while3A_211, %add3A_401 : i32
          %select_n3A_403 = arith.select %eq3A_398, %add3A_402, %while3A_211 : i32
          %eq3A_404 = arith.constant 8 : i32
          %eq3A_405 = arith.cmpi eq, %select_n3A_403, %eq3A_404 : i32
          %select_n3A_406 = arith.constant 0 : i32
          %select_n3A_407 = arith.select %eq3A_405, %select_n3A_406, %select_n3A_403 : i32
          scf.yield %select_n3A_291, %select_n3A_393, %select_n3A_355, %select_n3A_384, %select_n3A_407, %select_n3A_400 : i32, i32, i32, i32, i32, i32
        }
        %while3A_117 = arith.constant 1 : i32
        %while3A_118:6 = scf.for %while3A_206 = %while3A_114 to %while3A_110 step %while3A_117 iter_args(%while3A_207 = %while3A_116#0, %while3A_208 = %while3A_116#1, %while3A_209 = %while3A_116#2, %while3A_210 = %while3A_116#3, %while3A_211 = %while3A_116#4, %while3A_212 = %while3A_116#5) -> (i32, i32, i32, i32, i32, i32)  : i32 {
          %mul3A_213 = arith.constant 8 : i32
          %mul3A_214 = arith.muli %mul3A_213, %select_n3A : i32
          %eq3A_215 = arith.constant 0 : i32
          %eq3A_216 = arith.cmpi eq, %while3A_206, %eq3A_215 : i32
          %sub3A_217 = arith.constant 1 : i32
          %sub3A_218 = arith.subi %mul3A_214, %sub3A_217 : i32
          %eq3A_219 = arith.cmpi eq, %while3A_206, %sub3A_218 : i32
          %add3A_220 = arith.constant 0 : i32
          %add3A_221 = arith.addi %while3A_211, %add3A_220 : i32
          %add3A_222 = arith.addi %while3A_212, %select_n3A_14 : i32
          %sub3A_223 = arith.constant 1 : i32
          %sub3A_224 = arith.subi %while3A_212, %sub3A_223 : i32
          %select_n3A_225 = arith.constant true
          %select_n3A_226 = arith.select %select_n3A_225, %sub3A_224, %while3A_212 : i32
          %eq3A_227 = arith.constant -1 : i32
          %eq3A_228 = arith.cmpi eq, %select_n3A_226, %eq3A_227 : i32
          %sub3A_229 = arith.constant 1 : i32
          %sub3A_230 = arith.subi %select_n3A, %sub3A_229 : i32
          %select_n3A_231 = arith.select %eq3A_228, %sub3A_230, %select_n3A_226 : i32
          %sub3A_232 = arith.constant 1 : i32
          %sub3A_233 = arith.subi %while3A_211, %sub3A_232 : i32
          %select_n3A_234 = arith.select %eq3A_228, %sub3A_233, %while3A_211 : i32
          %eq3A_235 = arith.constant -1 : i32
          %eq3A_236 = arith.cmpi eq, %select_n3A_234, %eq3A_235 : i32
          %select_n3A_237 = arith.constant 7 : i32
          %select_n3A_238 = arith.select %eq3A_236, %select_n3A_237, %select_n3A_234 : i32
          %add3A_239 = arith.constant 0 : i32
          %add3A_240 = arith.addi %select_n3A_238, %add3A_239 : i32
          %add3A_241 = arith.addi %select_n3A_231, %select_n3A_14 : i32
          %add3A_242 = arith.constant 1 : i32
          %add3A_243 = arith.addi %while3A_212, %add3A_242 : i32
          %select_n3A_244 = arith.constant true
          %select_n3A_245 = arith.select %select_n3A_244, %add3A_243, %while3A_212 : i32
          %eq3A_246 = arith.cmpi eq, %select_n3A_245, %select_n3A : i32
          %select_n3A_247 = arith.constant 0 : i32
          %select_n3A_248 = arith.select %eq3A_246, %select_n3A_247, %select_n3A_245 : i32
          %add3A_249 = arith.constant 1 : i32
          %add3A_250 = arith.addi %while3A_211, %add3A_249 : i32
          %select_n3A_251 = arith.select %eq3A_246, %add3A_250, %while3A_211 : i32
          %eq3A_252 = arith.constant 8 : i32
          %eq3A_253 = arith.cmpi eq, %select_n3A_251, %eq3A_252 : i32
          %select_n3A_254 = arith.constant 0 : i32
          %select_n3A_255 = arith.select %eq3A_253, %select_n3A_254, %select_n3A_251 : i32
          %add3A_256 = arith.constant 0 : i32
          %add3A_257 = arith.addi %select_n3A_255, %add3A_256 : i32
          %add3A_258 = arith.addi %select_n3A_248, %select_n3A_14 : i32
          %add3A_259 = arith.constant 1 : i32
          %add3A_260 = arith.addi %select_n3A_248, %add3A_259 : i32
          %select_n3A_261 = arith.constant true
          %select_n3A_262 = arith.select %select_n3A_261, %add3A_260, %select_n3A_248 : i32
          %eq3A_263 = arith.cmpi eq, %select_n3A_262, %select_n3A : i32
          %select_n3A_264 = arith.constant 0 : i32
          %select_n3A_265 = arith.select %eq3A_263, %select_n3A_264, %select_n3A_262 : i32
          %add3A_266 = arith.constant 1 : i32
          %add3A_267 = arith.addi %select_n3A_255, %add3A_266 : i32
          %select_n3A_268 = arith.select %eq3A_263, %add3A_267, %select_n3A_255 : i32
          %eq3A_269 = arith.constant 8 : i32
          %eq3A_270 = arith.cmpi eq, %select_n3A_268, %eq3A_269 : i32
          %select_n3A_271 = arith.constant 0 : i32
          %select_n3A_272 = arith.select %eq3A_270, %select_n3A_271, %select_n3A_268 : i32
          %add3A_273 = arith.constant 0 : i32
          %add3A_274 = arith.addi %select_n3A_272, %add3A_273 : i32
          %add3A_275 = arith.addi %select_n3A_265, %select_n3A_14 : i32
          %ne3A = arith.cmpi ne, %add3A_221, %add3A_257 : i32
          %ne3A_276 = arith.cmpi ne, %add3A_222, %add3A_258 : i32
          %or3A = arith.constant false
          %or3A_277 = arith.ori %or3A, %ne3A : i1
          %or3A_278 = arith.ori %or3A_277, %ne3A_276 : i1
          %sub3A_279 = arith.constant 2 : i32
          %sub3A_280 = arith.subi %mul3A_214, %sub3A_279 : i32
          %add3A_281 = arith.constant 1 : i32
          %add3A_282 = arith.addi %sub3A_280, %add3A_281 : i32
          %ge3A = arith.cmpi sge, %while3A_206, %add3A_282 : i32
          %not3A = arith.constant true
          %not3A_283 = arith.xori %ge3A, %not3A : i1
          %and3A = arith.andi %or3A_278, %not3A_283 : i1
          %convert_element_type3A_284 = arith.extui %and3A : i1 to i32
          %cond3A_285 = arith.constant 0 : i32
          %cond3A_286 = arith.cmpi ne, %convert_element_type3A_284, %cond3A_285 : i32
          scf.if %cond3A_286 {
            "tpu.trace_start"() <{level = 10 : i32, message = "ep_copy_in"}> : () -> ()
            %rem3A_408 = arith.constant 2 : i32
            %rem3A_409 = arith.remui %while3A_207, %rem3A_408 : i32
            %mul3A_410 = arith.constant 8 : i32
            %mul3A_411 = arith.muli %mul3A_410, %add3A_257 : i32
            %mul3A_412 = arith.constant 512 : i32
            %mul3A_413 = arith.muli %mul3A_412, %add3A_258 : i32
            %dma_start3A_414 = arith.constant 0 : i32
            %dma_start3A_415 = arith.constant 0 : i32
            %dma_start3A_416 = tpu.memref_slice %run_scoped3A[%rem3A_409, %dma_start3A_414, %dma_start3A_415] : memref<2x8x512xi32, #tpu.memory_space<vmem>> -> memref<1x8x512xi32, #tpu.memory_space<vmem>>
            %dma_start3A_417 = tpu.memref_squeeze %dma_start3A_416 : memref<1x8x512xi32, #tpu.memory_space<vmem>> -> memref<8x512xi32, #tpu.memory_space<vmem>>
            %dma_start3A_418 = tpu.memref_slice %arg2[%mul3A_411, %mul3A_413] : memref<64x10240xi32, #tpu.memory_space<hbm>> -> memref<8x512xi32, #tpu.memory_space<hbm>>
            %dma_start3A_419 = tpu.memref_slice %run_scoped3A_17[%rem3A_409] : memref<2x!tpu.dma_semaphore, #tpu.memory_space<semaphore_mem>> -> memref<1x!tpu.dma_semaphore, #tpu.memory_space<semaphore_mem>>
            %dma_start3A_420 = tpu.memref_squeeze %dma_start3A_419 : memref<1x!tpu.dma_semaphore, #tpu.memory_space<semaphore_mem>> -> memref<!tpu.dma_semaphore, #tpu.memory_space<semaphore_mem>>
            %dma_start3A_421 = arith.constant 0 : i32
            %dma_start3A_422 = arith.constant 0 : i32
            %dma_start3A_423 = tpu.memref_slice %run_scoped3A[%rem3A_409, %dma_start3A_421, %dma_start3A_422] : memref<2x8x512xi32, #tpu.memory_space<vmem>> -> memref<1x8x512xi32, #tpu.memory_space<vmem>>
            %dma_start3A_424 = tpu.memref_squeeze %dma_start3A_423 : memref<1x8x512xi32, #tpu.memory_space<vmem>> -> memref<8x512xi32, #tpu.memory_space<vmem>>
            %dma_start3A_425 = tpu.memref_slice %arg2[%mul3A_411, %mul3A_413] : memref<64x10240xi32, #tpu.memory_space<hbm>> -> memref<8x512xi32, #tpu.memory_space<hbm>>
            tpu.enqueue_dma source(%dma_start3A_425 : memref<8x512xi32, #tpu.memory_space<hbm>>) target(%dma_start3A_424 : memref<8x512xi32, #tpu.memory_space<vmem>>) target_semaphore(%dma_start3A_420 : memref<!tpu.dma_semaphore, #tpu.memory_space<semaphore_mem>>)
            "tpu.trace_stop"() : () -> ()
          } else {
          }
          %and3A_287 = arith.constant true
          %and3A_288 = arith.andi %and3A, %and3A_287 : i1
          %add3A_289 = arith.constant 1 : i32
          %add3A_290 = arith.addi %while3A_207, %add3A_289 : i32
          %select_n3A_291 = arith.select %and3A_288, %add3A_290, %while3A_207 : i32
          %ne3A_292 = arith.cmpi ne, %add3A_221, %add3A_257 : i32
          %ne3A_293 = arith.cmpi ne, %add3A_222, %add3A_258 : i32
          %or3A_294 = arith.constant false
          %or3A_295 = arith.ori %or3A_294, %ne3A_292 : i1
          %or3A_296 = arith.ori %or3A_295, %ne3A_293 : i1
          %sub3A_297 = arith.constant 2 : i32
          %sub3A_298 = arith.subi %mul3A_214, %sub3A_297 : i32
          %add3A_299 = arith.constant 1 : i32
          %add3A_300 = arith.addi %sub3A_298, %add3A_299 : i32
          %ge3A_301 = arith.cmpi sge, %while3A_206, %add3A_300 : i32
          %not3A_302 = arith.constant true
          %not3A_303 = arith.xori %ge3A_301, %not3A_302 : i1
          %and3A_304 = arith.andi %or3A_296, %not3A_303 : i1
          %ne3A_305 = arith.cmpi ne, %add3A_221, %add3A_240 : i32
          %ne3A_306 = arith.cmpi ne, %add3A_222, %add3A_241 : i32
          %or3A_307 = arith.constant false
          %or3A_308 = arith.ori %or3A_307, %ne3A_305 : i1
          %or3A_309 = arith.ori %or3A_308, %ne3A_306 : i1
          %or3A_310 = arith.ori %or3A_309, %eq3A_216 : i1
          %convert_element_type3A_311 = arith.extui %or3A_310 : i1 to i32
          %cond3A_312 = arith.constant 0 : i32
          %cond3A_313 = arith.cmpi ne, %convert_element_type3A_311, %cond3A_312 : i32
          scf.if %cond3A_313 {
            "tpu.trace_start"() <{level = 10 : i32, message = "ep_wait_in"}> : () -> ()
            %mul3A_408 = arith.constant 8 : i32
            %mul3A_409 = arith.muli %mul3A_408, %add3A_221 : i32
            %mul3A_410 = arith.constant 512 : i32
            %mul3A_411 = arith.muli %mul3A_410, %add3A_222 : i32
            %rem3A_412 = arith.constant 2 : i32
            %rem3A_413 = arith.remui %while3A_208, %rem3A_412 : i32
            %dma_wait3A = arith.constant 0 : i32
            %dma_wait3A_414 = arith.constant 0 : i32
            %dma_wait3A_415 = tpu.memref_slice %run_scoped3A[%rem3A_413, %dma_wait3A, %dma_wait3A_414] : memref<2x8x512xi32, #tpu.memory_space<vmem>> -> memref<1x8x512xi32, #tpu.memory_space<vmem>>
            %dma_wait3A_416 = tpu.memref_squeeze %dma_wait3A_415 : memref<1x8x512xi32, #tpu.memory_space<vmem>> -> memref<8x512xi32, #tpu.memory_space<vmem>>
            %dma_wait3A_417 = tpu.memref_slice %arg2[%mul3A_409, %mul3A_411] : memref<64x10240xi32, #tpu.memory_space<hbm>> -> memref<8x512xi32, #tpu.memory_space<hbm>>
            %dma_wait3A_418 = tpu.memref_slice %run_scoped3A_17[%rem3A_413] : memref<2x!tpu.dma_semaphore, #tpu.memory_space<semaphore_mem>> -> memref<1x!tpu.dma_semaphore, #tpu.memory_space<semaphore_mem>>
            %dma_wait3A_419 = tpu.memref_squeeze %dma_wait3A_418 : memref<1x!tpu.dma_semaphore, #tpu.memory_space<semaphore_mem>> -> memref<!tpu.dma_semaphore, #tpu.memory_space<semaphore_mem>>
            %dma_wait3A_420 = arith.constant 0 : i32
            %dma_wait3A_421 = arith.constant 0 : i32
            %dma_wait3A_422 = tpu.memref_slice %run_scoped3A[%rem3A_413, %dma_wait3A_420, %dma_wait3A_421] : memref<2x8x512xi32, #tpu.memory_space<vmem>> -> memref<1x8x512xi32, #tpu.memory_space<vmem>>
            %dma_wait3A_423 = tpu.memref_squeeze %dma_wait3A_422 : memref<1x8x512xi32, #tpu.memory_space<vmem>> -> memref<8x512xi32, #tpu.memory_space<vmem>>
            %dma_wait3A_424 = tpu.memref_slice %arg2[%mul3A_409, %mul3A_411] : memref<64x10240xi32, #tpu.memory_space<hbm>> -> memref<8x512xi32, #tpu.memory_space<hbm>>
            tpu.wait_dma2 semaphore(%dma_wait3A_419 : memref<!tpu.dma_semaphore, #tpu.memory_space<semaphore_mem>>) src(%dma_wait3A_424 : memref<8x512xi32, #tpu.memory_space<hbm>>) dst(%dma_wait3A_423 : memref<8x512xi32, #tpu.memory_space<vmem>>)
            "tpu.trace_stop"() : () -> ()
          } else {
          }
          %ne3A_314 = arith.cmpi ne, %add3A_221, %add3A_240 : i32
          %ne3A_315 = arith.cmpi ne, %add3A_222, %add3A_241 : i32
          %or3A_316 = arith.constant false
          %or3A_317 = arith.ori %or3A_316, %ne3A_314 : i1
          %or3A_318 = arith.ori %or3A_317, %ne3A_315 : i1
          %or3A_319 = arith.ori %or3A_318, %eq3A_216 : i1
          %convert_element_type3A_320 = arith.extui %or3A_319 : i1 to i32
          %cond3A_321 = arith.constant 0 : i32
          %cond3A_322 = arith.cmpi ne, %convert_element_type3A_320, %cond3A_321 : i32
          scf.if %cond3A_322 {
          } else {
          }
          %rem3A_323 = arith.constant 2 : i32
          %rem3A_324 = arith.remui %while3A_208, %rem3A_323 : i32
          %rem3A_325 = arith.constant 2 : i32
          %rem3A_326 = arith.remui %while3A_209, %rem3A_325 : i32
          "tpu.trace_start"() <{level = 10 : i32, message = "ep_run_kernel"}> : () -> ()
          %scan3A = arith.constant 0 : i32
          %scan3A_327 = arith.constant 8 : i32
          %scan3A_328 = arith.addi %scan3A, %scan3A_327 : i32
          %scan3A_329 = arith.constant 1 : i32
          scf.for %scan3A_408 = %scan3A to %scan3A_328 step %scan3A_329  : i32 {
            %mul3A_409 = arith.constant 1 : i32
            %mul3A_410 = arith.muli %scan3A_408, %mul3A_409 : i32
            %add3A_411 = arith.constant 0 : i32
            %add3A_412 = arith.addi %add3A_411, %mul3A_410 : i32
            %scan3A_413 = arith.constant 0 : i32
            %scan3A_414 = arith.constant 8 : i32
            %scan3A_415 = arith.addi %scan3A_413, %scan3A_414 : i32
            %scan3A_416 = arith.constant 1 : i32
            scf.for %scan3A_418 = %scan3A_413 to %scan3A_415 step %scan3A_416  : i32 {
              %mul3A_419 = arith.constant 64 : i32
              %mul3A_420 = arith.muli %scan3A_418, %mul3A_419 : i32
              %add3A_421 = arith.constant 0 : i32
              %add3A_422 = arith.addi %add3A_421, %mul3A_420 : i32
              %add3A_423 = arith.constant 0 : i32
              %add3A_424 = arith.addi %add3A_422, %add3A_423 : i32
              %get3A = arith.constant 0 : i32
              %get3A_425 = arith.constant 0 : i32
              %get3A_426 = tpu.memref_slice %run_scoped3A[%rem3A_324, %get3A, %get3A_425] : memref<2x8x512xi32, #tpu.memory_space<vmem>> -> memref<1x8x512xi32, #tpu.memory_space<vmem>>
              %get3A_427 = tpu.memref_squeeze %get3A_426 : memref<1x8x512xi32, #tpu.memory_space<vmem>> -> memref<8x512xi32, #tpu.memory_space<vmem>>
              %get3A_428 = arith.index_cast %add3A_412 : i32 to index
              %get3A_429 = arith.index_cast %add3A_424 : i32 to index
              %get3A_430 = tpu.vector_load %get3A_427[%get3A_428, %get3A_429] {strides = array<i32>} : memref<8x512xi32, #tpu.memory_space<vmem>>, vector<1x16xi32>,
              %get3A_431 = vector.shape_cast %get3A_430 : vector<1x16xi32> to vector<1x16xi32>
              %shift_left3A = arith.constant 13 : i32
              %shift_left3A_432 = vector.broadcast %shift_left3A : i32 to vector<1x16xi32>
              %shift_left3A_433 = arith.shli %get3A_431, %shift_left3A_432 : vector<1x16xi32>
              %shift_right_logical3A = arith.constant 19 : i32
              %shift_right_logical3A_434 = vector.broadcast %shift_right_logical3A : i32 to vector<1x16xi32>
              %shift_right_logical3A_435 = arith.shrui %get3A_431, %shift_right_logical3A_434 : vector<1x16xi32>
              %or3A_436 = arith.ori %shift_left3A_433, %shift_right_logical3A_435 : vector<1x16xi32>
              %xor3A = arith.xori %get3A_431, %or3A_436 : vector<1x16xi32>
              %add3A_437 = arith.addi %get3A_431, %xor3A : vector<1x16xi32>
              %shift_left3A_438 = arith.constant 15 : i32
              %shift_left3A_439 = vector.broadcast %shift_left3A_438 : i32 to vector<1x16xi32>
              %shift_left3A_440 = arith.shli %xor3A, %shift_left3A_439 : vector<1x16xi32>
              %shift_right_logical3A_441 = arith.constant 17 : i32
              %shift_right_logical3A_442 = vector.broadcast %shift_right_logical3A_441 : i32 to vector<1x16xi32>
              %shift_right_logical3A_443 = arith.shrui %xor3A, %shift_right_logical3A_442 : vector<1x16xi32>
              %or3A_444 = arith.ori %shift_left3A_440, %shift_right_logical3A_443 : vector<1x16xi32>
              %xor3A_445 = arith.xori %add3A_437, %or3A_444 : vector<1x16xi32>
              %add3A_446 = arith.addi %add3A_437, %xor3A_445 : vector<1x16xi32>
              %shift_left3A_447 = arith.constant 26 : i32
              %shift_left3A_448 = vector.broadcast %shift_left3A_447 : i32 to vector<1x16xi32>
              %shift_left3A_449 = arith.shli %xor3A_445, %shift_left3A_448 : vector<1x16xi32>
              %shift_right_logical3A_450 = arith.constant 6 : i32
              %shift_right_logical3A_451 = vector.broadcast %shift_right_logical3A_450 : i32 to vector<1x16xi32>
              %shift_right_logical3A_452 = arith.shrui %xor3A_445, %shift_right_logical3A_451 : vector<1x16xi32>
              %or3A_453 = arith.ori %shift_left3A_449, %shift_right_logical3A_452 : vector<1x16xi32>
              %xor3A_454 = arith.xori %add3A_446, %or3A_453 : vector<1x16xi32>
              %add3A_455 = arith.addi %add3A_446, %xor3A_454 : vector<1x16xi32>
              %shift_left3A_456 = arith.constant 6 : i32
              %shift_left3A_457 = vector.broadcast %shift_left3A_456 : i32 to vector<1x16xi32>
              %shift_left3A_458 = arith.shli %xor3A_454, %shift_left3A_457 : vector<1x16xi32>
              %shift_right_logical3A_459 = arith.constant 26 : i32
              %shift_right_logical3A_460 = vector.broadcast %shift_right_logical3A_459 : i32 to vector<1x16xi32>
              %shift_right_logical3A_461 = arith.shrui %xor3A_454, %shift_right_logical3A_460 : vector<1x16xi32>
              %or3A_462 = arith.ori %shift_left3A_458, %shift_right_logical3A_461 : vector<1x16xi32>
              %xor3A_463 = arith.xori %add3A_455, %or3A_462 : vector<1x16xi32>
              %add3A_464 = arith.constant 42 : i32
              %add3A_465 = vector.broadcast %add3A_464 : i32 to vector<1x16xi32>
              %add3A_466 = arith.addi %add3A_455, %add3A_465 : vector<1x16xi32>
              %add3A_467 = arith.constant 466689009 : i32
              %add3A_468 = vector.broadcast %add3A_467 : i32 to vector<1x16xi32>
              %add3A_469 = arith.addi %xor3A_463, %add3A_468 : vector<1x16xi32>
              %add3A_470 = arith.addi %add3A_466, %add3A_469 : vector<1x16xi32>
              %shift_left3A_471 = arith.constant 17 : i32
              %shift_left3A_472 = vector.broadcast %shift_left3A_471 : i32 to vector<1x16xi32>
              %shift_left3A_473 = arith.shli %add3A_469, %shift_left3A_472 : vector<1x16xi32>
              %shift_right_logical3A_474 = arith.constant 15 : i32
              %shift_right_logical3A_475 = vector.broadcast %shift_right_logical3A_474 : i32 to vector<1x16xi32>
              %shift_right_logical3A_476 = arith.shrui %add3A_469, %shift_right_logical3A_475 : vector<1x16xi32>
              %or3A_477 = arith.ori %shift_left3A_473, %shift_right_logical3A_476 : vector<1x16xi32>
              %xor3A_478 = arith.xori %add3A_470, %or3A_477 : vector<1x16xi32>
              %add3A_479 = arith.addi %add3A_470, %xor3A_478 : vector<1x16xi32>
              %shift_left3A_480 = arith.constant 29 : i32
              %shift_left3A_481 = vector.broadcast %shift_left3A_480 : i32 to vector<1x16xi32>
              %shift_left3A_482 = arith.shli %xor3A_478, %shift_left3A_481 : vector<1x16xi32>
              %shift_right_logical3A_483 = arith.constant 3 : i32
              %shift_right_logical3A_484 = vector.broadcast %shift_right_logical3A_483 : i32 to vector<1x16xi32>
              %shift_right_logical3A_485 = arith.shrui %xor3A_478, %shift_right_logical3A_484 : vector<1x16xi32>
              %or3A_486 = arith.ori %shift_left3A_482, %shift_right_logical3A_485 : vector<1x16xi32>
              %xor3A_487 = arith.xori %add3A_479, %or3A_486 : vector<1x16xi32>
              %add3A_488 = arith.addi %add3A_479, %xor3A_487 : vector<1x16xi32>
              %shift_left3A_489 = arith.constant 16 : i32
              %shift_left3A_490 = vector.broadcast %shift_left3A_489 : i32 to vector<1x16xi32>
              %shift_left3A_491 = arith.shli %xor3A_487, %shift_left3A_490 : vector<1x16xi32>
              %shift_right_logical3A_492 = arith.constant 16 : i32
              %shift_right_logical3A_493 = vector.broadcast %shift_right_logical3A_492 : i32 to vector<1x16xi32>
              %shift_right_logical3A_494 = arith.shrui %xor3A_487, %shift_right_logical3A_493 : vector<1x16xi32>
              %or3A_495 = arith.ori %shift_left3A_491, %shift_right_logical3A_494 : vector<1x16xi32>
              %xor3A_496 = arith.xori %add3A_488, %or3A_495 : vector<1x16xi32>
              %add3A_497 = arith.addi %add3A_488, %xor3A_496 : vector<1x16xi32>
              %shift_left3A_498 = arith.constant 24 : i32
              %shift_left3A_499 = vector.broadcast %shift_left3A_498 : i32 to vector<1x16xi32>
              %shift_left3A_500 = arith.shli %xor3A_496, %shift_left3A_499 : vector<1x16xi32>
              %shift_right_logical3A_501 = arith.constant 8 : i32
              %shift_right_logical3A_502 = vector.broadcast %shift_right_logical3A_501 : i32 to vector<1x16xi32>
              %shift_right_logical3A_503 = arith.shrui %xor3A_496, %shift_right_logical3A_502 : vector<1x16xi32>
              %or3A_504 = arith.ori %shift_left3A_500, %shift_right_logical3A_503 : vector<1x16xi32>
              %xor3A_505 = arith.xori %add3A_497, %or3A_504 : vector<1x16xi32>
              %add3A_506 = arith.constant 466689008 : i32
              %add3A_507 = vector.broadcast %add3A_506 : i32 to vector<1x16xi32>
              %add3A_508 = arith.addi %add3A_497, %add3A_507 : vector<1x16xi32>
              %add3A_509 = arith.constant 2 : i32
              %add3A_510 = vector.broadcast %add3A_509 : i32 to vector<1x16xi32>
              %add3A_511 = arith.addi %xor3A_505, %add3A_510 : vector<1x16xi32>
              %add3A_512 = arith.addi %add3A_508, %add3A_511 : vector<1x16xi32>
              %shift_left3A_513 = arith.constant 13 : i32
              %shift_left3A_514 = vector.broadcast %shift_left3A_513 : i32 to vector<1x16xi32>
              %shift_left3A_515 = arith.shli %add3A_511, %shift_left3A_514 : vector<1x16xi32>
              %shift_right_logical3A_516 = arith.constant 19 : i32
              %shift_right_logical3A_517 = vector.broadcast %shift_right_logical3A_516 : i32 to vector<1x16xi32>
              %shift_right_logical3A_518 = arith.shrui %add3A_511, %shift_right_logical3A_517 : vector<1x16xi32>
              %or3A_519 = arith.ori %shift_left3A_515, %shift_right_logical3A_518 : vector<1x16xi32>
              %xor3A_520 = arith.xori %add3A_512, %or3A_519 : vector<1x16xi32>
              %add3A_521 = arith.addi %add3A_512, %xor3A_520 : vector<1x16xi32>
              %shift_left3A_522 = arith.constant 15 : i32
              %shift_left3A_523 = vector.broadcast %shift_left3A_522 : i32 to vector<1x16xi32>
              %shift_left3A_524 = arith.shli %xor3A_520, %shift_left3A_523 : vector<1x16xi32>
              %shift_right_logical3A_525 = arith.constant 17 : i32
              %shift_right_logical3A_526 = vector.broadcast %shift_right_logical3A_525 : i32 to vector<1x16xi32>
              %shift_right_logical3A_527 = arith.shrui %xor3A_520, %shift_right_logical3A_526 : vector<1x16xi32>
              %or3A_528 = arith.ori %shift_left3A_524, %shift_right_logical3A_527 : vector<1x16xi32>
              %xor3A_529 = arith.xori %add3A_521, %or3A_528 : vector<1x16xi32>
              %add3A_530 = arith.addi %add3A_521, %xor3A_529 : vector<1x16xi32>
              %shift_left3A_531 = arith.constant 26 : i32
              %shift_left3A_532 = vector.broadcast %shift_left3A_531 : i32 to vector<1x16xi32>
              %shift_left3A_533 = arith.shli %xor3A_529, %shift_left3A_532 : vector<1x16xi32>
              %shift_right_logical3A_534 = arith.constant 6 : i32
              %shift_right_logical3A_535 = vector.broadcast %shift_right_logical3A_534 : i32 to vector<1x16xi32>
              %shift_right_logical3A_536 = arith.shrui %xor3A_529, %shift_right_logical3A_535 : vector<1x16xi32>
              %or3A_537 = arith.ori %shift_left3A_533, %shift_right_logical3A_536 : vector<1x16xi32>
              %xor3A_538 = arith.xori %add3A_530, %or3A_537 : vector<1x16xi32>
              %add3A_539 = arith.addi %add3A_530, %xor3A_538 : vector<1x16xi32>
              %shift_left3A_540 = arith.constant 6 : i32
              %shift_left3A_541 = vector.broadcast %shift_left3A_540 : i32 to vector<1x16xi32>
              %shift_left3A_542 = arith.shli %xor3A_538, %shift_left3A_541 : vector<1x16xi32>
              %shift_right_logical3A_543 = arith.constant 26 : i32
              %shift_right_logical3A_544 = vector.broadcast %shift_right_logical3A_543 : i32 to vector<1x16xi32>
              %shift_right_logical3A_545 = arith.shrui %xor3A_538, %shift_right_logical3A_544 : vector<1x16xi32>
              %or3A_546 = arith.ori %shift_left3A_542, %shift_right_logical3A_545 : vector<1x16xi32>
              %xor3A_547 = arith.xori %add3A_539, %or3A_546 : vector<1x16xi32>
              %add3A_548 = arith.constant 0 : i32
              %add3A_549 = vector.broadcast %add3A_548 : i32 to vector<1x16xi32>
              %add3A_550 = arith.addi %add3A_539, %add3A_549 : vector<1x16xi32>
              %add3A_551 = arith.constant 45 : i32
              %add3A_552 = vector.broadcast %add3A_551 : i32 to vector<1x16xi32>
              %add3A_553 = arith.addi %xor3A_547, %add3A_552 : vector<1x16xi32>
              %add3A_554 = arith.addi %add3A_550, %add3A_553 : vector<1x16xi32>
              %shift_left3A_555 = arith.constant 17 : i32
              %shift_left3A_556 = vector.broadcast %shift_left3A_555 : i32 to vector<1x16xi32>
              %shift_left3A_557 = arith.shli %add3A_553, %shift_left3A_556 : vector<1x16xi32>
              %shift_right_logical3A_558 = arith.constant 15 : i32
              %shift_right_logical3A_559 = vector.broadcast %shift_right_logical3A_558 : i32 to vector<1x16xi32>
              %shift_right_logical3A_560 = arith.shrui %add3A_553, %shift_right_logical3A_559 : vector<1x16xi32>
              %or3A_561 = arith.ori %shift_left3A_557, %shift_right_logical3A_560 : vector<1x16xi32>
              %xor3A_562 = arith.xori %add3A_554, %or3A_561 : vector<1x16xi32>
              %add3A_563 = arith.addi %add3A_554, %xor3A_562 : vector<1x16xi32>
              %shift_left3A_564 = arith.constant 29 : i32
              %shift_left3A_565 = vector.broadcast %shift_left3A_564 : i32 to vector<1x16xi32>
              %shift_left3A_566 = arith.shli %xor3A_562, %shift_left3A_565 : vector<1x16xi32>
              %shift_right_logical3A_567 = arith.constant 3 : i32
              %shift_right_logical3A_568 = vector.broadcast %shift_right_logical3A_567 : i32 to vector<1x16xi32>
              %shift_right_logical3A_569 = arith.shrui %xor3A_562, %shift_right_logical3A_568 : vector<1x16xi32>
              %or3A_570 = arith.ori %shift_left3A_566, %shift_right_logical3A_569 : vector<1x16xi32>
              %xor3A_571 = arith.xori %add3A_563, %or3A_570 : vector<1x16xi32>
              %add3A_572 = arith.addi %add3A_563, %xor3A_571 : vector<1x16xi32>
              %shift_left3A_573 = arith.constant 16 : i32
              %shift_left3A_574 = vector.broadcast %shift_left3A_573 : i32 to vector<1x16xi32>
              %shift_left3A_575 = arith.shli %xor3A_571, %shift_left3A_574 : vector<1x16xi32>
              %shift_right_logical3A_576 = arith.constant 16 : i32
              %shift_right_logical3A_577 = vector.broadcast %shift_right_logical3A_576 : i32 to vector<1x16xi32>
              %shift_right_logical3A_578 = arith.shrui %xor3A_571, %shift_right_logical3A_577 : vector<1x16xi32>
              %or3A_579 = arith.ori %shift_left3A_575, %shift_right_logical3A_578 : vector<1x16xi32>
              %xor3A_580 = arith.xori %add3A_572, %or3A_579 : vector<1x16xi32>
              %add3A_581 = arith.addi %add3A_572, %xor3A_580 : vector<1x16xi32>
              %shift_left3A_582 = arith.constant 24 : i32
              %shift_left3A_583 = vector.broadcast %shift_left3A_582 : i32 to vector<1x16xi32>
              %shift_left3A_584 = arith.shli %xor3A_580, %shift_left3A_583 : vector<1x16xi32>
              %shift_right_logical3A_585 = arith.constant 8 : i32
              %shift_right_logical3A_586 = vector.broadcast %shift_right_logical3A_585 : i32 to vector<1x16xi32>
              %shift_right_logical3A_587 = arith.shrui %xor3A_580, %shift_right_logical3A_586 : vector<1x16xi32>
              %or3A_588 = arith.ori %shift_left3A_584, %shift_right_logical3A_587 : vector<1x16xi32>
              %xor3A_589 = arith.xori %add3A_581, %or3A_588 : vector<1x16xi32>
              %add3A_590 = arith.constant 42 : i32
              %add3A_591 = vector.broadcast %add3A_590 : i32 to vector<1x16xi32>
              %add3A_592 = arith.addi %add3A_581, %add3A_591 : vector<1x16xi32>
              %add3A_593 = arith.constant 466689012 : i32
              %add3A_594 = vector.broadcast %add3A_593 : i32 to vector<1x16xi32>
              %add3A_595 = arith.addi %xor3A_589, %add3A_594 : vector<1x16xi32>
              %add3A_596 = arith.addi %add3A_592, %add3A_595 : vector<1x16xi32>
              %shift_left3A_597 = arith.constant 13 : i32
              %shift_left3A_598 = vector.broadcast %shift_left3A_597 : i32 to vector<1x16xi32>
              %shift_left3A_599 = arith.shli %add3A_595, %shift_left3A_598 : vector<1x16xi32>
              %shift_right_logical3A_600 = arith.constant 19 : i32
              %shift_right_logical3A_601 = vector.broadcast %shift_right_logical3A_600 : i32 to vector<1x16xi32>
              %shift_right_logical3A_602 = arith.shrui %add3A_595, %shift_right_logical3A_601 : vector<1x16xi32>
              %or3A_603 = arith.ori %shift_left3A_599, %shift_right_logical3A_602 : vector<1x16xi32>
              %xor3A_604 = arith.xori %add3A_596, %or3A_603 : vector<1x16xi32>
              %add3A_605 = arith.addi %add3A_596, %xor3A_604 : vector<1x16xi32>
              %shift_left3A_606 = arith.constant 15 : i32
              %shift_left3A_607 = vector.broadcast %shift_left3A_606 : i32 to vector<1x16xi32>
              %shift_left3A_608 = arith.shli %xor3A_604, %shift_left3A_607 : vector<1x16xi32>
              %shift_right_logical3A_609 = arith.constant 17 : i32
              %shift_right_logical3A_610 = vector.broadcast %shift_right_logical3A_609 : i32 to vector<1x16xi32>
              %shift_right_logical3A_611 = arith.shrui %xor3A_604, %shift_right_logical3A_610 : vector<1x16xi32>
              %or3A_612 = arith.ori %shift_left3A_608, %shift_right_logical3A_611 : vector<1x16xi32>
              %xor3A_613 = arith.xori %add3A_605, %or3A_612 : vector<1x16xi32>
              %add3A_614 = arith.addi %add3A_605, %xor3A_613 : vector<1x16xi32>
              %shift_left3A_615 = arith.constant 26 : i32
              %shift_left3A_616 = vector.broadcast %shift_left3A_615 : i32 to vector<1x16xi32>
              %shift_left3A_617 = arith.shli %xor3A_613, %shift_left3A_616 : vector<1x16xi32>
              %shift_right_logical3A_618 = arith.constant 6 : i32
              %shift_right_logical3A_619 = vector.broadcast %shift_right_logical3A_618 : i32 to vector<1x16xi32>
              %shift_right_logical3A_620 = arith.shrui %xor3A_613, %shift_right_logical3A_619 : vector<1x16xi32>
              %or3A_621 = arith.ori %shift_left3A_617, %shift_right_logical3A_620 : vector<1x16xi32>
              %xor3A_622 = arith.xori %add3A_614, %or3A_621 : vector<1x16xi32>
              %add3A_623 = arith.addi %add3A_614, %xor3A_622 : vector<1x16xi32>
              %shift_left3A_624 = arith.constant 6 : i32
              %shift_left3A_625 = vector.broadcast %shift_left3A_624 : i32 to vector<1x16xi32>
              %shift_left3A_626 = arith.shli %xor3A_622, %shift_left3A_625 : vector<1x16xi32>
              %shift_right_logical3A_627 = arith.constant 26 : i32
              %shift_right_logical3A_628 = vector.broadcast %shift_right_logical3A_627 : i32 to vector<1x16xi32>
              %shift_right_logical3A_629 = arith.shrui %xor3A_622, %shift_right_logical3A_628 : vector<1x16xi32>
              %or3A_630 = arith.ori %shift_left3A_626, %shift_right_logical3A_629 : vector<1x16xi32>
              %xor3A_631 = arith.xori %add3A_623, %or3A_630 : vector<1x16xi32>
              %add3A_632 = arith.constant 466689008 : i32
              %add3A_633 = vector.broadcast %add3A_632 : i32 to vector<1x16xi32>
              %add3A_634 = arith.addi %add3A_623, %add3A_633 : vector<1x16xi32>
              %add3A_635 = arith.constant 5 : i32
              %add3A_636 = vector.broadcast %add3A_635 : i32 to vector<1x16xi32>
              %add3A_637 = arith.addi %xor3A_631, %add3A_636 : vector<1x16xi32>
              %xor3A_638 = arith.xori %add3A_634, %add3A_637 : vector<1x16xi32>
              %swap3A = arith.constant 0 : i32
              %swap3A_639 = arith.constant 0 : i32
              %swap3A_640 = tpu.memref_slice %run_scoped3A_18[%rem3A_326, %swap3A, %swap3A_639] : memref<2x8x512xi32, #tpu.memory_space<vmem>> -> memref<1x8x512xi32, #tpu.memory_space<vmem>>
              %swap3A_641 = tpu.memref_squeeze %swap3A_640 : memref<1x8x512xi32, #tpu.memory_space<vmem>> -> memref<8x512xi32, #tpu.memory_space<vmem>>
              %swap3A_642 = arith.index_cast %add3A_412 : i32 to index
              %swap3A_643 = arith.index_cast %add3A_424 : i32 to index
              %swap3A_644 = tpu.vector_load %swap3A_641[%swap3A_642, %swap3A_643] {strides = array<i32>} : memref<8x512xi32, #tpu.memory_space<vmem>>, vector<1x16xi32>,
              %swap3A_645 = vector.shape_cast %swap3A_644 : vector<1x16xi32> to vector<1x16xi32>
              %swap3A_646 = vector.shape_cast %xor3A_638 : vector<1x16xi32> to vector<1x16xi32>
              tpu.vector_store %swap3A_641[%swap3A_642, %swap3A_643], %swap3A_646 {strides = array<i32>} : memref<8x512xi32, #tpu.memory_space<vmem>>, vector<1x16xi32>,
              %add3A_647 = arith.constant 16 : i32
              %add3A_648 = arith.addi %add3A_422, %add3A_647 : i32
              %get3A_649 = arith.constant 0 : i32
              %get3A_650 = arith.constant 0 : i32
              %get3A_651 = tpu.memref_slice %run_scoped3A[%rem3A_324, %get3A_649, %get3A_650] : memref<2x8x512xi32, #tpu.memory_space<vmem>> -> memref<1x8x512xi32, #tpu.memory_space<vmem>>
              %get3A_652 = tpu.memref_squeeze %get3A_651 : memref<1x8x512xi32, #tpu.memory_space<vmem>> -> memref<8x512xi32, #tpu.memory_space<vmem>>
              %get3A_653 = arith.index_cast %add3A_412 : i32 to index
              %get3A_654 = arith.index_cast %add3A_648 : i32 to index
              %get3A_655 = tpu.vector_load %get3A_652[%get3A_653, %get3A_654] {strides = array<i32>} : memref<8x512xi32, #tpu.memory_space<vmem>>, vector<1x16xi32>,
              %get3A_656 = vector.shape_cast %get3A_655 : vector<1x16xi32> to vector<1x16xi32>
              %shift_left3A_657 = arith.constant 13 : i32
              %shift_left3A_658 = vector.broadcast %shift_left3A_657 : i32 to vector<1x16xi32>
              %shift_left3A_659 = arith.shli %get3A_656, %shift_left3A_658 : vector<1x16xi32>
              %shift_right_logical3A_660 = arith.constant 19 : i32
              %shift_right_logical3A_661 = vector.broadcast %shift_right_logical3A_660 : i32 to vector<1x16xi32>
              %shift_right_logical3A_662 = arith.shrui %get3A_656, %shift_right_logical3A_661 : vector<1x16xi32>
              %or3A_663 = arith.ori %shift_left3A_659, %shift_right_logical3A_662 : vector<1x16xi32>
              %xor3A_664 = arith.xori %get3A_656, %or3A_663 : vector<1x16xi32>
              %add3A_665 = arith.addi %get3A_656, %xor3A_664 : vector<1x16xi32>
              %shift_left3A_666 = arith.constant 15 : i32
              %shift_left3A_667 = vector.broadcast %shift_left3A_666 : i32 to vector<1x16xi32>
              %shift_left3A_668 = arith.shli %xor3A_664, %shift_left3A_667 : vector<1x16xi32>
              %shift_right_logical3A_669 = arith.constant 17 : i32
              %shift_right_logical3A_670 = vector.broadcast %shift_right_logical3A_669 : i32 to vector<1x16xi32>
              %shift_right_logical3A_671 = arith.shrui %xor3A_664, %shift_right_logical3A_670 : vector<1x16xi32>
              %or3A_672 = arith.ori %shift_left3A_668, %shift_right_logical3A_671 : vector<1x16xi32>
              %xor3A_673 = arith.xori %add3A_665, %or3A_672 : vector<1x16xi32>
              %add3A_674 = arith.addi %add3A_665, %xor3A_673 : vector<1x16xi32>
              %shift_left3A_675 = arith.constant 26 : i32
              %shift_left3A_676 = vector.broadcast %shift_left3A_675 : i32 to vector<1x16xi32>
              %shift_left3A_677 = arith.shli %xor3A_673, %shift_left3A_676 : vector<1x16xi32>
              %shift_right_logical3A_678 = arith.constant 6 : i32
              %shift_right_logical3A_679 = vector.broadcast %shift_right_logical3A_678 : i32 to vector<1x16xi32>
              %shift_right_logical3A_680 = arith.shrui %xor3A_673, %shift_right_logical3A_679 : vector<1x16xi32>
              %or3A_681 = arith.ori %shift_left3A_677, %shift_right_logical3A_680 : vector<1x16xi32>
              %xor3A_682 = arith.xori %add3A_674, %or3A_681 : vector<1x16xi32>
              %add3A_683 = arith.addi %add3A_674, %xor3A_682 : vector<1x16xi32>
              %shift_left3A_684 = arith.constant 6 : i32
              %shift_left3A_685 = vector.broadcast %shift_left3A_684 : i32 to vector<1x16xi32>
              %shift_left3A_686 = arith.shli %xor3A_682, %shift_left3A_685 : vector<1x16xi32>
              %shift_right_logical3A_687 = arith.constant 26 : i32
              %shift_right_logical3A_688 = vector.broadcast %shift_right_logical3A_687 : i32 to vector<1x16xi32>
              %shift_right_logical3A_689 = arith.shrui %xor3A_682, %shift_right_logical3A_688 : vector<1x16xi32>
              %or3A_690 = arith.ori %shift_left3A_686, %shift_right_logical3A_689 : vector<1x16xi32>
              %xor3A_691 = arith.xori %add3A_683, %or3A_690 : vector<1x16xi32>
              %add3A_692 = arith.constant 42 : i32
              %add3A_693 = vector.broadcast %add3A_692 : i32 to vector<1x16xi32>
              %add3A_694 = arith.addi %add3A_683, %add3A_693 : vector<1x16xi32>
              %add3A_695 = arith.constant 466689009 : i32
              %add3A_696 = vector.broadcast %add3A_695 : i32 to vector<1x16xi32>
              %add3A_697 = arith.addi %xor3A_691, %add3A_696 : vector<1x16xi32>
              %add3A_698 = arith.addi %add3A_694, %add3A_697 : vector<1x16xi32>
              %shift_left3A_699 = arith.constant 17 : i32
              %shift_left3A_700 = vector.broadcast %shift_left3A_699 : i32 to vector<1x16xi32>
              %shift_left3A_701 = arith.shli %add3A_697, %shift_left3A_700 : vector<1x16xi32>
              %shift_right_logical3A_702 = arith.constant 15 : i32
              %shift_right_logical3A_703 = vector.broadcast %shift_right_logical3A_702 : i32 to vector<1x16xi32>
              %shift_right_logical3A_704 = arith.shrui %add3A_697, %shift_right_logical3A_703 : vector<1x16xi32>
              %or3A_705 = arith.ori %shift_left3A_701, %shift_right_logical3A_704 : vector<1x16xi32>
              %xor3A_706 = arith.xori %add3A_698, %or3A_705 : vector<1x16xi32>
              %add3A_707 = arith.addi %add3A_698, %xor3A_706 : vector<1x16xi32>
              %shift_left3A_708 = arith.constant 29 : i32
              %shift_left3A_709 = vector.broadcast %shift_left3A_708 : i32 to vector<1x16xi32>
              %shift_left3A_710 = arith.shli %xor3A_706, %shift_left3A_709 : vector<1x16xi32>
              %shift_right_logical3A_711 = arith.constant 3 : i32
              %shift_right_logical3A_712 = vector.broadcast %shift_right_logical3A_711 : i32 to vector<1x16xi32>
              %shift_right_logical3A_713 = arith.shrui %xor3A_706, %shift_right_logical3A_712 : vector<1x16xi32>
              %or3A_714 = arith.ori %shift_left3A_710, %shift_right_logical3A_713 : vector<1x16xi32>
              %xor3A_715 = arith.xori %add3A_707, %or3A_714 : vector<1x16xi32>
              %add3A_716 = arith.addi %add3A_707, %xor3A_715 : vector<1x16xi32>
              %shift_left3A_717 = arith.constant 16 : i32
              %shift_left3A_718 = vector.broadcast %shift_left3A_717 : i32 to vector<1x16xi32>
              %shift_left3A_719 = arith.shli %xor3A_715, %shift_left3A_718 : vector<1x16xi32>
              %shift_right_logical3A_720 = arith.constant 16 : i32
              %shift_right_logical3A_721 = vector.broadcast %shift_right_logical3A_720 : i32 to vector<1x16xi32>
              %shift_right_logical3A_722 = arith.shrui %xor3A_715, %shift_right_logical3A_721 : vector<1x16xi32>
              %or3A_723 = arith.ori %shift_left3A_719, %shift_right_logical3A_722 : vector<1x16xi32>
              %xor3A_724 = arith.xori %add3A_716, %or3A_723 : vector<1x16xi32>
              %add3A_725 = arith.addi %add3A_716, %xor3A_724 : vector<1x16xi32>
              %shift_left3A_726 = arith.constant 24 : i32
              %shift_left3A_727 = vector.broadcast %shift_left3A_726 : i32 to vector<1x16xi32>
              %shift_left3A_728 = arith.shli %xor3A_724, %shift_left3A_727 : vector<1x16xi32>
              %shift_right_logical3A_729 = arith.constant 8 : i32
              %shift_right_logical3A_730 = vector.broadcast %shift_right_logical3A_729 : i32 to vector<1x16xi32>
              %shift_right_logical3A_731 = arith.shrui %xor3A_724, %shift_right_logical3A_730 : vector<1x16xi32>
              %or3A_732 = arith.ori %shift_left3A_728, %shift_right_logical3A_731 : vector<1x16xi32>
              %xor3A_733 = arith.xori %add3A_725, %or3A_732 : vector<1x16xi32>
              %add3A_734 = arith.constant 466689008 : i32
              %add3A_735 = vector.broadcast %add3A_734 : i32 to vector<1x16xi32>
              %add3A_736 = arith.addi %add3A_725, %add3A_735 : vector<1x16xi32>
              %add3A_737 = arith.constant 2 : i32
              %add3A_738 = vector.broadcast %add3A_737 : i32 to vector<1x16xi32>
              %add3A_739 = arith.addi %xor3A_733, %add3A_738 : vector<1x16xi32>
              %add3A_740 = arith.addi %add3A_736, %add3A_739 : vector<1x16xi32>
              %shift_left3A_741 = arith.constant 13 : i32
              %shift_left3A_742 = vector.broadcast %shift_left3A_741 : i32 to vector<1x16xi32>
              %shift_left3A_743 = arith.shli %add3A_739, %shift_left3A_742 : vector<1x16xi32>
              %shift_right_logical3A_744 = arith.constant 19 : i32
              %shift_right_logical3A_745 = vector.broadcast %shift_right_logical3A_744 : i32 to vector<1x16xi32>
              %shift_right_logical3A_746 = arith.shrui %add3A_739, %shift_right_logical3A_745 : vector<1x16xi32>
              %or3A_747 = arith.ori %shift_left3A_743, %shift_right_logical3A_746 : vector<1x16xi32>
              %xor3A_748 = arith.xori %add3A_740, %or3A_747 : vector<1x16xi32>
              %add3A_749 = arith.addi %add3A_740, %xor3A_748 : vector<1x16xi32>
              %shift_left3A_750 = arith.constant 15 : i32
              %shift_left3A_751 = vector.broadcast %shift_left3A_750 : i32 to vector<1x16xi32>
              %shift_left3A_752 = arith.shli %xor3A_748, %shift_left3A_751 : vector<1x16xi32>
              %shift_right_logical3A_753 = arith.constant 17 : i32
              %shift_right_logical3A_754 = vector.broadcast %shift_right_logical3A_753 : i32 to vector<1x16xi32>
              %shift_right_logical3A_755 = arith.shrui %xor3A_748, %shift_right_logical3A_754 : vector<1x16xi32>
              %or3A_756 = arith.ori %shift_left3A_752, %shift_right_logical3A_755 : vector<1x16xi32>
              %xor3A_757 = arith.xori %add3A_749, %or3A_756 : vector<1x16xi32>
              %add3A_758 = arith.addi %add3A_749, %xor3A_757 : vector<1x16xi32>
              %shift_left3A_759 = arith.constant 26 : i32
              %shift_left3A_760 = vector.broadcast %shift_left3A_759 : i32 to vector<1x16xi32>
              %shift_left3A_761 = arith.shli %xor3A_757, %shift_left3A_760 : vector<1x16xi32>
              %shift_right_logical3A_762 = arith.constant 6 : i32
              %shift_right_logical3A_763 = vector.broadcast %shift_right_logical3A_762 : i32 to vector<1x16xi32>
              %shift_right_logical3A_764 = arith.shrui %xor3A_757, %shift_right_logical3A_763 : vector<1x16xi32>
              %or3A_765 = arith.ori %shift_left3A_761, %shift_right_logical3A_764 : vector<1x16xi32>
              %xor3A_766 = arith.xori %add3A_758, %or3A_765 : vector<1x16xi32>
              %add3A_767 = arith.addi %add3A_758, %xor3A_766 : vector<1x16xi32>
              %shift_left3A_768 = arith.constant 6 : i32
              %shift_left3A_769 = vector.broadcast %shift_left3A_768 : i32 to vector<1x16xi32>
              %shift_left3A_770 = arith.shli %xor3A_766, %shift_left3A_769 : vector<1x16xi32>
              %shift_right_logical3A_771 = arith.constant 26 : i32
              %shift_right_logical3A_772 = vector.broadcast %shift_right_logical3A_771 : i32 to vector<1x16xi32>
              %shift_right_logical3A_773 = arith.shrui %xor3A_766, %shift_right_logical3A_772 : vector<1x16xi32>
              %or3A_774 = arith.ori %shift_left3A_770, %shift_right_logical3A_773 : vector<1x16xi32>
              %xor3A_775 = arith.xori %add3A_767, %or3A_774 : vector<1x16xi32>
              %add3A_776 = arith.constant 0 : i32
              %add3A_777 = vector.broadcast %add3A_776 : i32 to vector<1x16xi32>
              %add3A_778 = arith.addi %add3A_767, %add3A_777 : vector<1x16xi32>
              %add3A_779 = arith.constant 45 : i32
              %add3A_780 = vector.broadcast %add3A_779 : i32 to vector<1x16xi32>
              %add3A_781 = arith.addi %xor3A_775, %add3A_780 : vector<1x16xi32>
              %add3A_782 = arith.addi %add3A_778, %add3A_781 : vector<1x16xi32>
              %shift_left3A_783 = arith.constant 17 : i32
              %shift_left3A_784 = vector.broadcast %shift_left3A_783 : i32 to vector<1x16xi32>
              %shift_left3A_785 = arith.shli %add3A_781, %shift_left3A_784 : vector<1x16xi32>
              %shift_right_logical3A_786 = arith.constant 15 : i32
              %shift_right_logical3A_787 = vector.broadcast %shift_right_logical3A_786 : i32 to vector<1x16xi32>
              %shift_right_logical3A_788 = arith.shrui %add3A_781, %shift_right_logical3A_787 : vector<1x16xi32>
              %or3A_789 = arith.ori %shift_left3A_785, %shift_right_logical3A_788 : vector<1x16xi32>
              %xor3A_790 = arith.xori %add3A_782, %or3A_789 : vector<1x16xi32>
              %add3A_791 = arith.addi %add3A_782, %xor3A_790 : vector<1x16xi32>
              %shift_left3A_792 = arith.constant 29 : i32
              %shift_left3A_793 = vector.broadcast %shift_left3A_792 : i32 to vector<1x16xi32>
              %shift_left3A_794 = arith.shli %xor3A_790, %shift_left3A_793 : vector<1x16xi32>
              %shift_right_logical3A_795 = arith.constant 3 : i32
              %shift_right_logical3A_796 = vector.broadcast %shift_right_logical3A_795 : i32 to vector<1x16xi32>
              %shift_right_logical3A_797 = arith.shrui %xor3A_790, %shift_right_logical3A_796 : vector<1x16xi32>
              %or3A_798 = arith.ori %shift_left3A_794, %shift_right_logical3A_797 : vector<1x16xi32>
              %xor3A_799 = arith.xori %add3A_791, %or3A_798 : vector<1x16xi32>
              %add3A_800 = arith.addi %add3A_791, %xor3A_799 : vector<1x16xi32>
              %shift_left3A_801 = arith.constant 16 : i32
              %shift_left3A_802 = vector.broadcast %shift_left3A_801 : i32 to vector<1x16xi32>
              %shift_left3A_803 = arith.shli %xor3A_799, %shift_left3A_802 : vector<1x16xi32>
              %shift_right_logical3A_804 = arith.constant 16 : i32
              %shift_right_logical3A_805 = vector.broadcast %shift_right_logical3A_804 : i32 to vector<1x16xi32>
              %shift_right_logical3A_806 = arith.shrui %xor3A_799, %shift_right_logical3A_805 : vector<1x16xi32>
              %or3A_807 = arith.ori %shift_left3A_803, %shift_right_logical3A_806 : vector<1x16xi32>
              %xor3A_808 = arith.xori %add3A_800, %or3A_807 : vector<1x16xi32>
              %add3A_809 = arith.addi %add3A_800, %xor3A_808 : vector<1x16xi32>
              %shift_left3A_810 = arith.constant 24 : i32
              %shift_left3A_811 = vector.broadcast %shift_left3A_810 : i32 to vector<1x16xi32>
              %shift_left3A_812 = arith.shli %xor3A_808, %shift_left3A_811 : vector<1x16xi32>
              %shift_right_logical3A_813 = arith.constant 8 : i32
              %shift_right_logical3A_814 = vector.broadcast %shift_right_logical3A_813 : i32 to vector<1x16xi32>
              %shift_right_logical3A_815 = arith.shrui %xor3A_808, %shift_right_logical3A_814 : vector<1x16xi32>
              %or3A_816 = arith.ori %shift_left3A_812, %shift_right_logical3A_815 : vector<1x16xi32>
              %xor3A_817 = arith.xori %add3A_809, %or3A_816 : vector<1x16xi32>
              %add3A_818 = arith.constant 42 : i32
              %add3A_819 = vector.broadcast %add3A_818 : i32 to vector<1x16xi32>
              %add3A_820 = arith.addi %add3A_809, %add3A_819 : vector<1x16xi32>
              %add3A_821 = arith.constant 466689012 : i32
              %add3A_822 = vector.broadcast %add3A_821 : i32 to vector<1x16xi32>
              %add3A_823 = arith.addi %xor3A_817, %add3A_822 : vector<1x16xi32>
              %add3A_824 = arith.addi %add3A_820, %add3A_823 : vector<1x16xi32>
              %shift_left3A_825 = arith.constant 13 : i32
              %shift_left3A_826 = vector.broadcast %shift_left3A_825 : i32 to vector<1x16xi32>
              %shift_left3A_827 = arith.shli %add3A_823, %shift_left3A_826 : vector<1x16xi32>
              %shift_right_logical3A_828 = arith.constant 19 : i32
              %shift_right_logical3A_829 = vector.broadcast %shift_right_logical3A_828 : i32 to vector<1x16xi32>
              %shift_right_logical3A_830 = arith.shrui %add3A_823, %shift_right_logical3A_829 : vector<1x16xi32>
              %or3A_831 = arith.ori %shift_left3A_827, %shift_right_logical3A_830 : vector<1x16xi32>
              %xor3A_832 = arith.xori %add3A_824, %or3A_831 : vector<1x16xi32>
              %add3A_833 = arith.addi %add3A_824, %xor3A_832 : vector<1x16xi32>
              %shift_left3A_834 = arith.constant 15 : i32
              %shift_left3A_835 = vector.broadcast %shift_left3A_834 : i32 to vector<1x16xi32>
              %shift_left3A_836 = arith.shli %xor3A_832, %shift_left3A_835 : vector<1x16xi32>
              %shift_right_logical3A_837 = arith.constant 17 : i32
              %shift_right_logical3A_838 = vector.broadcast %shift_right_logical3A_837 : i32 to vector<1x16xi32>
              %shift_right_logical3A_839 = arith.shrui %xor3A_832, %shift_right_logical3A_838 : vector<1x16xi32>
              %or3A_840 = arith.ori %shift_left3A_836, %shift_right_logical3A_839 : vector<1x16xi32>
              %xor3A_841 = arith.xori %add3A_833, %or3A_840 : vector<1x16xi32>
              %add3A_842 = arith.addi %add3A_833, %xor3A_841 : vector<1x16xi32>
              %shift_left3A_843 = arith.constant 26 : i32
              %shift_left3A_844 = vector.broadcast %shift_left3A_843 : i32 to vector<1x16xi32>
              %shift_left3A_845 = arith.shli %xor3A_841, %shift_left3A_844 : vector<1x16xi32>
              %shift_right_logical3A_846 = arith.constant 6 : i32
              %shift_right_logical3A_847 = vector.broadcast %shift_right_logical3A_846 : i32 to vector<1x16xi32>
              %shift_right_logical3A_848 = arith.shrui %xor3A_841, %shift_right_logical3A_847 : vector<1x16xi32>
              %or3A_849 = arith.ori %shift_left3A_845, %shift_right_logical3A_848 : vector<1x16xi32>
              %xor3A_850 = arith.xori %add3A_842, %or3A_849 : vector<1x16xi32>
              %add3A_851 = arith.addi %add3A_842, %xor3A_850 : vector<1x16xi32>
              %shift_left3A_852 = arith.constant 6 : i32
              %shift_left3A_853 = vector.broadcast %shift_left3A_852 : i32 to vector<1x16xi32>
              %shift_left3A_854 = arith.shli %xor3A_850, %shift_left3A_853 : vector<1x16xi32>
              %shift_right_logical3A_855 = arith.constant 26 : i32
              %shift_right_logical3A_856 = vector.broadcast %shift_right_logical3A_855 : i32 to vector<1x16xi32>
              %shift_right_logical3A_857 = arith.shrui %xor3A_850, %shift_right_logical3A_856 : vector<1x16xi32>
              %or3A_858 = arith.ori %shift_left3A_854, %shift_right_logical3A_857 : vector<1x16xi32>
              %xor3A_859 = arith.xori %add3A_851, %or3A_858 : vector<1x16xi32>
              %add3A_860 = arith.constant 466689008 : i32
              %add3A_861 = vector.broadcast %add3A_860 : i32 to vector<1x16xi32>
              %add3A_862 = arith.addi %add3A_851, %add3A_861 : vector<1x16xi32>
              %add3A_863 = arith.constant 5 : i32
              %add3A_864 = vector.broadcast %add3A_863 : i32 to vector<1x16xi32>
              %add3A_865 = arith.addi %xor3A_859, %add3A_864 : vector<1x16xi32>
              %xor3A_866 = arith.xori %add3A_862, %add3A_865 : vector<1x16xi32>
              %swap3A_867 = arith.constant 0 : i32
              %swap3A_868 = arith.constant 0 : i32
              %swap3A_869 = tpu.memref_slice %run_scoped3A_18[%rem3A_326, %swap3A_867, %swap3A_868] : memref<2x8x512xi32, #tpu.memory_space<vmem>> -> memref<1x8x512xi32, #tpu.memory_space<vmem>>
              %swap3A_870 = tpu.memref_squeeze %swap3A_869 : memref<1x8x512xi32, #tpu.memory_space<vmem>> -> memref<8x512xi32, #tpu.memory_space<vmem>>
              %swap3A_871 = arith.index_cast %add3A_412 : i32 to index
              %swap3A_872 = arith.index_cast %add3A_648 : i32 to index
              %swap3A_873 = tpu.vector_load %swap3A_870[%swap3A_871, %swap3A_872] {strides = array<i32>} : memref<8x512xi32, #tpu.memory_space<vmem>>, vector<1x16xi32>,
              %swap3A_874 = vector.shape_cast %swap3A_873 : vector<1x16xi32> to vector<1x16xi32>
              %swap3A_875 = vector.shape_cast %xor3A_866 : vector<1x16xi32> to vector<1x16xi32>
              tpu.vector_store %swap3A_870[%swap3A_871, %swap3A_872], %swap3A_875 {strides = array<i32>} : memref<8x512xi32, #tpu.memory_space<vmem>>, vector<1x16xi32>,
              %add3A_876 = arith.constant 32 : i32
              %add3A_877 = arith.addi %add3A_422, %add3A_876 : i32
              %get3A_878 = arith.constant 0 : i32
              %get3A_879 = arith.constant 0 : i32
              %get3A_880 = tpu.memref_slice %run_scoped3A[%rem3A_324, %get3A_878, %get3A_879] : memref<2x8x512xi32, #tpu.memory_space<vmem>> -> memref<1x8x512xi32, #tpu.memory_space<vmem>>
              %get3A_881 = tpu.memref_squeeze %get3A_880 : memref<1x8x512xi32, #tpu.memory_space<vmem>> -> memref<8x512xi32, #tpu.memory_space<vmem>>
              %get3A_882 = arith.index_cast %add3A_412 : i32 to index
              %get3A_883 = arith.index_cast %add3A_877 : i32 to index
              %get3A_884 = tpu.vector_load %get3A_881[%get3A_882, %get3A_883] {strides = array<i32>} : memref<8x512xi32, #tpu.memory_space<vmem>>, vector<1x16xi32>,
              %get3A_885 = vector.shape_cast %get3A_884 : vector<1x16xi32> to vector<1x16xi32>
              %shift_left3A_886 = arith.constant 13 : i32
              %shift_left3A_887 = vector.broadcast %shift_left3A_886 : i32 to vector<1x16xi32>
              %shift_left3A_888 = arith.shli %get3A_885, %shift_left3A_887 : vector<1x16xi32>
              %shift_right_logical3A_889 = arith.constant 19 : i32
              %shift_right_logical3A_890 = vector.broadcast %shift_right_logical3A_889 : i32 to vector<1x16xi32>
              %shift_right_logical3A_891 = arith.shrui %get3A_885, %shift_right_logical3A_890 : vector<1x16xi32>
              %or3A_892 = arith.ori %shift_left3A_888, %shift_right_logical3A_891 : vector<1x16xi32>
              %xor3A_893 = arith.xori %get3A_885, %or3A_892 : vector<1x16xi32>
              %add3A_894 = arith.addi %get3A_885, %xor3A_893 : vector<1x16xi32>
              %shift_left3A_895 = arith.constant 15 : i32
              %shift_left3A_896 = vector.broadcast %shift_left3A_895 : i32 to vector<1x16xi32>
              %shift_left3A_897 = arith.shli %xor3A_893, %shift_left3A_896 : vector<1x16xi32>
              %shift_right_logical3A_898 = arith.constant 17 : i32
              %shift_right_logical3A_899 = vector.broadcast %shift_right_logical3A_898 : i32 to vector<1x16xi32>
              %shift_right_logical3A_900 = arith.shrui %xor3A_893, %shift_right_logical3A_899 : vector<1x16xi32>
              %or3A_901 = arith.ori %shift_left3A_897, %shift_right_logical3A_900 : vector<1x16xi32>
              %xor3A_902 = arith.xori %add3A_894, %or3A_901 : vector<1x16xi32>
              %add3A_903 = arith.addi %add3A_894, %xor3A_902 : vector<1x16xi32>
              %shift_left3A_904 = arith.constant 26 : i32
              %shift_left3A_905 = vector.broadcast %shift_left3A_904 : i32 to vector<1x16xi32>
              %shift_left3A_906 = arith.shli %xor3A_902, %shift_left3A_905 : vector<1x16xi32>
              %shift_right_logical3A_907 = arith.constant 6 : i32
              %shift_right_logical3A_908 = vector.broadcast %shift_right_logical3A_907 : i32 to vector<1x16xi32>
              %shift_right_logical3A_909 = arith.shrui %xor3A_902, %shift_right_logical3A_908 : vector<1x16xi32>
              %or3A_910 = arith.ori %shift_left3A_906, %shift_right_logical3A_909 : vector<1x16xi32>
              %xor3A_911 = arith.xori %add3A_903, %or3A_910 : vector<1x16xi32>
              %add3A_912 = arith.addi %add3A_903, %xor3A_911 : vector<1x16xi32>
              %shift_left3A_913 = arith.constant 6 : i32
              %shift_left3A_914 = vector.broadcast %shift_left3A_913 : i32 to vector<1x16xi32>
              %shift_left3A_915 = arith.shli %xor3A_911, %shift_left3A_914 : vector<1x16xi32>
              %shift_right_logical3A_916 = arith.constant 26 : i32
              %shift_right_logical3A_917 = vector.broadcast %shift_right_logical3A_916 : i32 to vector<1x16xi32>
              %shift_right_logical3A_918 = arith.shrui %xor3A_911, %shift_right_logical3A_917 : vector<1x16xi32>
              %or3A_919 = arith.ori %shift_left3A_915, %shift_right_logical3A_918 : vector<1x16xi32>
              %xor3A_920 = arith.xori %add3A_912, %or3A_919 : vector<1x16xi32>
              %add3A_921 = arith.constant 42 : i32
              %add3A_922 = vector.broadcast %add3A_921 : i32 to vector<1x16xi32>
              %add3A_923 = arith.addi %add3A_912, %add3A_922 : vector<1x16xi32>
              %add3A_924 = arith.constant 466689009 : i32
              %add3A_925 = vector.broadcast %add3A_924 : i32 to vector<1x16xi32>
              %add3A_926 = arith.addi %xor3A_920, %add3A_925 : vector<1x16xi32>
              %add3A_927 = arith.addi %add3A_923, %add3A_926 : vector<1x16xi32>
              %shift_left3A_928 = arith.constant 17 : i32
              %shift_left3A_929 = vector.broadcast %shift_left3A_928 : i32 to vector<1x16xi32>
              %shift_left3A_930 = arith.shli %add3A_926, %shift_left3A_929 : vector<1x16xi32>
              %shift_right_logical3A_931 = arith.constant 15 : i32
              %shift_right_logical3A_932 = vector.broadcast %shift_right_logical3A_931 : i32 to vector<1x16xi32>
              %shift_right_logical3A_933 = arith.shrui %add3A_926, %shift_right_logical3A_932 : vector<1x16xi32>
              %or3A_934 = arith.ori %shift_left3A_930, %shift_right_logical3A_933 : vector<1x16xi32>
              %xor3A_935 = arith.xori %add3A_927, %or3A_934 : vector<1x16xi32>
              %add3A_936 = arith.addi %add3A_927, %xor3A_935 : vector<1x16xi32>
              %shift_left3A_937 = arith.constant 29 : i32
              %shift_left3A_938 = vector.broadcast %shift_left3A_937 : i32 to vector<1x16xi32>
              %shift_left3A_939 = arith.shli %xor3A_935, %shift_left3A_938 : vector<1x16xi32>
              %shift_right_logical3A_940 = arith.constant 3 : i32
              %shift_right_logical3A_941 = vector.broadcast %shift_right_logical3A_940 : i32 to vector<1x16xi32>
              %shift_right_logical3A_942 = arith.shrui %xor3A_935, %shift_right_logical3A_941 : vector<1x16xi32>
              %or3A_943 = arith.ori %shift_left3A_939, %shift_right_logical3A_942 : vector<1x16xi32>
              %xor3A_944 = arith.xori %add3A_936, %or3A_943 : vector<1x16xi32>
              %add3A_945 = arith.addi %add3A_936, %xor3A_944 : vector<1x16xi32>
              %shift_left3A_946 = arith.constant 16 : i32
              %shift_left3A_947 = vector.broadcast %shift_left3A_946 : i32 to vector<1x16xi32>
              %shift_left3A_948 = arith.shli %xor3A_944, %shift_left3A_947 : vector<1x16xi32>
              %shift_right_logical3A_949 = arith.constant 16 : i32
              %shift_right_logical3A_950 = vector.broadcast %shift_right_logical3A_949 : i32 to vector<1x16xi32>
              %shift_right_logical3A_951 = arith.shrui %xor3A_944, %shift_right_logical3A_950 : vector<1x16xi32>
              %or3A_952 = arith.ori %shift_left3A_948, %shift_right_logical3A_951 : vector<1x16xi32>
              %xor3A_953 = arith.xori %add3A_945, %or3A_952 : vector<1x16xi32>
              %add3A_954 = arith.addi %add3A_945, %xor3A_953 : vector<1x16xi32>
              %shift_left3A_955 = arith.constant 24 : i32
              %shift_left3A_956 = vector.broadcast %shift_left3A_955 : i32 to vector<1x16xi32>
              %shift_left3A_957 = arith.shli %xor3A_953, %shift_left3A_956 : vector<1x16xi32>
              %shift_right_logical3A_958 = arith.constant 8 : i32
              %shift_right_logical3A_959 = vector.broadcast %shift_right_logical3A_958 : i32 to vector<1x16xi32>
              %shift_right_logical3A_960 = arith.shrui %xor3A_953, %shift_right_logical3A_959 : vector<1x16xi32>
              %or3A_961 = arith.ori %shift_left3A_957, %shift_right_logical3A_960 : vector<1x16xi32>
              %xor3A_962 = arith.xori %add3A_954, %or3A_961 : vector<1x16xi32>
              %add3A_963 = arith.constant 466689008 : i32
              %add3A_964 = vector.broadcast %add3A_963 : i32 to vector<1x16xi32>
              %add3A_965 = arith.addi %add3A_954, %add3A_964 : vector<1x16xi32>
              %add3A_966 = arith.constant 2 : i32
              %add3A_967 = vector.broadcast %add3A_966 : i32 to vector<1x16xi32>
              %add3A_968 = arith.addi %xor3A_962, %add3A_967 : vector<1x16xi32>
              %add3A_969 = arith.addi %add3A_965, %add3A_968 : vector<1x16xi32>
              %shift_left3A_970 = arith.constant 13 : i32
              %shift_left3A_971 = vector.broadcast %shift_left3A_970 : i32 to vector<1x16xi32>
              %shift_left3A_972 = arith.shli %add3A_968, %shift_left3A_971 : vector<1x16xi32>
              %shift_right_logical3A_973 = arith.constant 19 : i32
              %shift_right_logical3A_974 = vector.broadcast %shift_right_logical3A_973 : i32 to vector<1x16xi32>
              %shift_right_logical3A_975 = arith.shrui %add3A_968, %shift_right_logical3A_974 : vector<1x16xi32>
              %or3A_976 = arith.ori %shift_left3A_972, %shift_right_logical3A_975 : vector<1x16xi32>
              %xor3A_977 = arith.xori %add3A_969, %or3A_976 : vector<1x16xi32>
              %add3A_978 = arith.addi %add3A_969, %xor3A_977 : vector<1x16xi32>
              %shift_left3A_979 = arith.constant 15 : i32
              %shift_left3A_980 = vector.broadcast %shift_left3A_979 : i32 to vector<1x16xi32>
              %shift_left3A_981 = arith.shli %xor3A_977, %shift_left3A_980 : vector<1x16xi32>
              %shift_right_logical3A_982 = arith.constant 17 : i32
              %shift_right_logical3A_983 = vector.broadcast %shift_right_logical3A_982 : i32 to vector<1x16xi32>
              %shift_right_logical3A_984 = arith.shrui %xor3A_977, %shift_right_logical3A_983 : vector<1x16xi32>
              %or3A_985 = arith.ori %shift_left3A_981, %shift_right_logical3A_984 : vector<1x16xi32>
              %xor3A_986 = arith.xori %add3A_978, %or3A_985 : vector<1x16xi32>
              %add3A_987 = arith.addi %add3A_978, %xor3A_986 : vector<1x16xi32>
              %shift_left3A_988 = arith.constant 26 : i32
              %shift_left3A_989 = vector.broadcast %shift_left3A_988 : i32 to vector<1x16xi32>
              %shift_left3A_990 = arith.shli %xor3A_986, %shift_left3A_989 : vector<1x16xi32>
              %shift_right_logical3A_991 = arith.constant 6 : i32
              %shift_right_logical3A_992 = vector.broadcast %shift_right_logical3A_991 : i32 to vector<1x16xi32>
              %shift_right_logical3A_993 = arith.shrui %xor3A_986, %shift_right_logical3A_992 : vector<1x16xi32>
              %or3A_994 = arith.ori %shift_left3A_990, %shift_right_logical3A_993 : vector<1x16xi32>
              %xor3A_995 = arith.xori %add3A_987, %or3A_994 : vector<1x16xi32>
              %add3A_996 = arith.addi %add3A_987, %xor3A_995 : vector<1x16xi32>
              %shift_left3A_997 = arith.constant 6 : i32
              %shift_left3A_998 = vector.broadcast %shift_left3A_997 : i32 to vector<1x16xi32>
              %shift_left3A_999 = arith.shli %xor3A_995, %shift_left3A_998 : vector<1x16xi32>
              %shift_right_logical3A_1000 = arith.constant 26 : i32
              %shift_right_logical3A_1001 = vector.broadcast %shift_right_logical3A_1000 : i32 to vector<1x16xi32>
              %shift_right_logical3A_1002 = arith.shrui %xor3A_995, %shift_right_logical3A_1001 : vector<1x16xi32>
              %or3A_1003 = arith.ori %shift_left3A_999, %shift_right_logical3A_1002 : vector<1x16xi32>
              %xor3A_1004 = arith.xori %add3A_996, %or3A_1003 : vector<1x16xi32>
              %add3A_1005 = arith.constant 0 : i32
              %add3A_1006 = vector.broadcast %add3A_1005 : i32 to vector<1x16xi32>
              %add3A_1007 = arith.addi %add3A_996, %add3A_1006 : vector<1x16xi32>
              %add3A_1008 = arith.constant 45 : i32
              %add3A_1009 = vector.broadcast %add3A_1008 : i32 to vector<1x16xi32>
              %add3A_1010 = arith.addi %xor3A_1004, %add3A_1009 : vector<1x16xi32>
              %add3A_1011 = arith.addi %add3A_1007, %add3A_1010 : vector<1x16xi32>
              %shift_left3A_1012 = arith.constant 17 : i32
              %shift_left3A_1013 = vector.broadcast %shift_left3A_1012 : i32 to vector<1x16xi32>
              %shift_left3A_1014 = arith.shli %add3A_1010, %shift_left3A_1013 : vector<1x16xi32>
              %shift_right_logical3A_1015 = arith.constant 15 : i32
              %shift_right_logical3A_1016 = vector.broadcast %shift_right_logical3A_1015 : i32 to vector<1x16xi32>
              %shift_right_logical3A_1017 = arith.shrui %add3A_1010, %shift_right_logical3A_1016 : vector<1x16xi32>
              %or3A_1018 = arith.ori %shift_left3A_1014, %shift_right_logical3A_1017 : vector<1x16xi32>
              %xor3A_1019 = arith.xori %add3A_1011, %or3A_1018 : vector<1x16xi32>
              %add3A_1020 = arith.addi %add3A_1011, %xor3A_1019 : vector<1x16xi32>
              %shift_left3A_1021 = arith.constant 29 : i32
              %shift_left3A_1022 = vector.broadcast %shift_left3A_1021 : i32 to vector<1x16xi32>
              %shift_left3A_1023 = arith.shli %xor3A_1019, %shift_left3A_1022 : vector<1x16xi32>
              %shift_right_logical3A_1024 = arith.constant 3 : i32
              %shift_right_logical3A_1025 = vector.broadcast %shift_right_logical3A_1024 : i32 to vector<1x16xi32>
              %shift_right_logical3A_1026 = arith.shrui %xor3A_1019, %shift_right_logical3A_1025 : vector<1x16xi32>
              %or3A_1027 = arith.ori %shift_left3A_1023, %shift_right_logical3A_1026 : vector<1x16xi32>
              %xor3A_1028 = arith.xori %add3A_1020, %or3A_1027 : vector<1x16xi32>
              %add3A_1029 = arith.addi %add3A_1020, %xor3A_1028 : vector<1x16xi32>
              %shift_left3A_1030 = arith.constant 16 : i32
              %shift_left3A_1031 = vector.broadcast %shift_left3A_1030 : i32 to vector<1x16xi32>
              %shift_left3A_1032 = arith.shli %xor3A_1028, %shift_left3A_1031 : vector<1x16xi32>
              %shift_right_logical3A_1033 = arith.constant 16 : i32
              %shift_right_logical3A_1034 = vector.broadcast %shift_right_logical3A_1033 : i32 to vector<1x16xi32>
              %shift_right_logical3A_1035 = arith.shrui %xor3A_1028, %shift_right_logical3A_1034 : vector<1x16xi32>
              %or3A_1036 = arith.ori %shift_left3A_1032, %shift_right_logical3A_1035 : vector<1x16xi32>
              %xor3A_1037 = arith.xori %add3A_1029, %or3A_1036 : vector<1x16xi32>
              %add3A_1038 = arith.addi %add3A_1029, %xor3A_1037 : vector<1x16xi32>
              %shift_left3A_1039 = arith.constant 24 : i32
              %shift_left3A_1040 = vector.broadcast %shift_left3A_1039 : i32 to vector<1x16xi32>
              %shift_left3A_1041 = arith.shli %xor3A_1037, %shift_left3A_1040 : vector<1x16xi32>
              %shift_right_logical3A_1042 = arith.constant 8 : i32
              %shift_right_logical3A_1043 = vector.broadcast %shift_right_logical3A_1042 : i32 to vector<1x16xi32>
              %shift_right_logical3A_1044 = arith.shrui %xor3A_1037, %shift_right_logical3A_1043 : vector<1x16xi32>
              %or3A_1045 = arith.ori %shift_left3A_1041, %shift_right_logical3A_1044 : vector<1x16xi32>
              %xor3A_1046 = arith.xori %add3A_1038, %or3A_1045 : vector<1x16xi32>
              %add3A_1047 = arith.constant 42 : i32
              %add3A_1048 = vector.broadcast %add3A_1047 : i32 to vector<1x16xi32>
              %add3A_1049 = arith.addi %add3A_1038, %add3A_1048 : vector<1x16xi32>
              %add3A_1050 = arith.constant 466689012 : i32
              %add3A_1051 = vector.broadcast %add3A_1050 : i32 to vector<1x16xi32>
              %add3A_1052 = arith.addi %xor3A_1046, %add3A_1051 : vector<1x16xi32>
              %add3A_1053 = arith.addi %add3A_1049, %add3A_1052 : vector<1x16xi32>
              %shift_left3A_1054 = arith.constant 13 : i32
              %shift_left3A_1055 = vector.broadcast %shift_left3A_1054 : i32 to vector<1x16xi32>
              %shift_left3A_1056 = arith.shli %add3A_1052, %shift_left3A_1055 : vector<1x16xi32>
              %shift_right_logical3A_1057 = arith.constant 19 : i32
              %shift_right_logical3A_1058 = vector.broadcast %shift_right_logical3A_1057 : i32 to vector<1x16xi32>
              %shift_right_logical3A_1059 = arith.shrui %add3A_1052, %shift_right_logical3A_1058 : vector<1x16xi32>
              %or3A_1060 = arith.ori %shift_left3A_1056, %shift_right_logical3A_1059 : vector<1x16xi32>
              %xor3A_1061 = arith.xori %add3A_1053, %or3A_1060 : vector<1x16xi32>
              %add3A_1062 = arith.addi %add3A_1053, %xor3A_1061 : vector<1x16xi32>
              %shift_left3A_1063 = arith.constant 15 : i32
              %shift_left3A_1064 = vector.broadcast %shift_left3A_1063 : i32 to vector<1x16xi32>
              %shift_left3A_1065 = arith.shli %xor3A_1061, %shift_left3A_1064 : vector<1x16xi32>
              %shift_right_logical3A_1066 = arith.constant 17 : i32
              %shift_right_logical3A_1067 = vector.broadcast %shift_right_logical3A_1066 : i32 to vector<1x16xi32>
              %shift_right_logical3A_1068 = arith.shrui %xor3A_1061, %shift_right_logical3A_1067 : vector<1x16xi32>
              %or3A_1069 = arith.ori %shift_left3A_1065, %shift_right_logical3A_1068 : vector<1x16xi32>
              %xor3A_1070 = arith.xori %add3A_1062, %or3A_1069 : vector<1x16xi32>
              %add3A_1071 = arith.addi %add3A_1062, %xor3A_1070 : vector<1x16xi32>
              %shift_left3A_1072 = arith.constant 26 : i32
              %shift_left3A_1073 = vector.broadcast %shift_left3A_1072 : i32 to vector<1x16xi32>
              %shift_left3A_1074 = arith.shli %xor3A_1070, %shift_left3A_1073 : vector<1x16xi32>
              %shift_right_logical3A_1075 = arith.constant 6 : i32
              %shift_right_logical3A_1076 = vector.broadcast %shift_right_logical3A_1075 : i32 to vector<1x16xi32>
              %shift_right_logical3A_1077 = arith.shrui %xor3A_1070, %shift_right_logical3A_1076 : vector<1x16xi32>
              %or3A_1078 = arith.ori %shift_left3A_1074, %shift_right_logical3A_1077 : vector<1x16xi32>
              %xor3A_1079 = arith.xori %add3A_1071, %or3A_1078 : vector<1x16xi32>
              %add3A_1080 = arith.addi %add3A_1071, %xor3A_1079 : vector<1x16xi32>
              %shift_left3A_1081 = arith.constant 6 : i32
              %shift_left3A_1082 = vector.broadcast %shift_left3A_1081 : i32 to vector<1x16xi32>
              %shift_left3A_1083 = arith.shli %xor3A_1079, %shift_left3A_1082 : vector<1x16xi32>
              %shift_right_logical3A_1084 = arith.constant 26 : i32
              %shift_right_logical3A_1085 = vector.broadcast %shift_right_logical3A_1084 : i32 to vector<1x16xi32>
              %shift_right_logical3A_1086 = arith.shrui %xor3A_1079, %shift_right_logical3A_1085 : vector<1x16xi32>
              %or3A_1087 = arith.ori %shift_left3A_1083, %shift_right_logical3A_1086 : vector<1x16xi32>
              %xor3A_1088 = arith.xori %add3A_1080, %or3A_1087 : vector<1x16xi32>
              %add3A_1089 = arith.constant 466689008 : i32
              %add3A_1090 = vector.broadcast %add3A_1089 : i32 to vector<1x16xi32>
              %add3A_1091 = arith.addi %add3A_1080, %add3A_1090 : vector<1x16xi32>
              %add3A_1092 = arith.constant 5 : i32
              %add3A_1093 = vector.broadcast %add3A_1092 : i32 to vector<1x16xi32>
              %add3A_1094 = arith.addi %xor3A_1088, %add3A_1093 : vector<1x16xi32>
              %xor3A_1095 = arith.xori %add3A_1091, %add3A_1094 : vector<1x16xi32>
              %swap3A_1096 = arith.constant 0 : i32
              %swap3A_1097 = arith.constant 0 : i32
              %swap3A_1098 = tpu.memref_slice %run_scoped3A_18[%rem3A_326, %swap3A_1096, %swap3A_1097] : memref<2x8x512xi32, #tpu.memory_space<vmem>> -> memref<1x8x512xi32, #tpu.memory_space<vmem>>
              %swap3A_1099 = tpu.memref_squeeze %swap3A_1098 : memref<1x8x512xi32, #tpu.memory_space<vmem>> -> memref<8x512xi32, #tpu.memory_space<vmem>>
              %swap3A_1100 = arith.index_cast %add3A_412 : i32 to index
              %swap3A_1101 = arith.index_cast %add3A_877 : i32 to index
              %swap3A_1102 = tpu.vector_load %swap3A_1099[%swap3A_1100, %swap3A_1101] {strides = array<i32>} : memref<8x512xi32, #tpu.memory_space<vmem>>, vector<1x16xi32>,
              %swap3A_1103 = vector.shape_cast %swap3A_1102 : vector<1x16xi32> to vector<1x16xi32>
              %swap3A_1104 = vector.shape_cast %xor3A_1095 : vector<1x16xi32> to vector<1x16xi32>
              tpu.vector_store %swap3A_1099[%swap3A_1100, %swap3A_1101], %swap3A_1104 {strides = array<i32>} : memref<8x512xi32, #tpu.memory_space<vmem>>, vector<1x16xi32>,
              %add3A_1105 = arith.constant 48 : i32
              %add3A_1106 = arith.addi %add3A_422, %add3A_1105 : i32
              %get3A_1107 = arith.constant 0 : i32
              %get3A_1108 = arith.constant 0 : i32
              %get3A_1109 = tpu.memref_slice %run_scoped3A[%rem3A_324, %get3A_1107, %get3A_1108] : memref<2x8x512xi32, #tpu.memory_space<vmem>> -> memref<1x8x512xi32, #tpu.memory_space<vmem>>
              %get3A_1110 = tpu.memref_squeeze %get3A_1109 : memref<1x8x512xi32, #tpu.memory_space<vmem>> -> memref<8x512xi32, #tpu.memory_space<vmem>>
              %get3A_1111 = arith.index_cast %add3A_412 : i32 to index
              %get3A_1112 = arith.index_cast %add3A_1106 : i32 to index
              %get3A_1113 = tpu.vector_load %get3A_1110[%get3A_1111, %get3A_1112] {strides = array<i32>} : memref<8x512xi32, #tpu.memory_space<vmem>>, vector<1x16xi32>,
              %get3A_1114 = vector.shape_cast %get3A_1113 : vector<1x16xi32> to vector<1x16xi32>
              %shift_left3A_1115 = arith.constant 13 : i32
              %shift_left3A_1116 = vector.broadcast %shift_left3A_1115 : i32 to vector<1x16xi32>
              %shift_left3A_1117 = arith.shli %get3A_1114, %shift_left3A_1116 : vector<1x16xi32>
              %shift_right_logical3A_1118 = arith.constant 19 : i32
              %shift_right_logical3A_1119 = vector.broadcast %shift_right_logical3A_1118 : i32 to vector<1x16xi32>
              %shift_right_logical3A_1120 = arith.shrui %get3A_1114, %shift_right_logical3A_1119 : vector<1x16xi32>
              %or3A_1121 = arith.ori %shift_left3A_1117, %shift_right_logical3A_1120 : vector<1x16xi32>
              %xor3A_1122 = arith.xori %get3A_1114, %or3A_1121 : vector<1x16xi32>
              %add3A_1123 = arith.addi %get3A_1114, %xor3A_1122 : vector<1x16xi32>
              %shift_left3A_1124 = arith.constant 15 : i32
              %shift_left3A_1125 = vector.broadcast %shift_left3A_1124 : i32 to vector<1x16xi32>
              %shift_left3A_1126 = arith.shli %xor3A_1122, %shift_left3A_1125 : vector<1x16xi32>
              %shift_right_logical3A_1127 = arith.constant 17 : i32
              %shift_right_logical3A_1128 = vector.broadcast %shift_right_logical3A_1127 : i32 to vector<1x16xi32>
              %shift_right_logical3A_1129 = arith.shrui %xor3A_1122, %shift_right_logical3A_1128 : vector<1x16xi32>
              %or3A_1130 = arith.ori %shift_left3A_1126, %shift_right_logical3A_1129 : vector<1x16xi32>
              %xor3A_1131 = arith.xori %add3A_1123, %or3A_1130 : vector<1x16xi32>
              %add3A_1132 = arith.addi %add3A_1123, %xor3A_1131 : vector<1x16xi32>
              %shift_left3A_1133 = arith.constant 26 : i32
              %shift_left3A_1134 = vector.broadcast %shift_left3A_1133 : i32 to vector<1x16xi32>
              %shift_left3A_1135 = arith.shli %xor3A_1131, %shift_left3A_1134 : vector<1x16xi32>
              %shift_right_logical3A_1136 = arith.constant 6 : i32
              %shift_right_logical3A_1137 = vector.broadcast %shift_right_logical3A_1136 : i32 to vector<1x16xi32>
              %shift_right_logical3A_1138 = arith.shrui %xor3A_1131, %shift_right_logical3A_1137 : vector<1x16xi32>
              %or3A_1139 = arith.ori %shift_left3A_1135, %shift_right_logical3A_1138 : vector<1x16xi32>
              %xor3A_1140 = arith.xori %add3A_1132, %or3A_1139 : vector<1x16xi32>
              %add3A_1141 = arith.addi %add3A_1132, %xor3A_1140 : vector<1x16xi32>
              %shift_left3A_1142 = arith.constant 6 : i32
              %shift_left3A_1143 = vector.broadcast %shift_left3A_1142 : i32 to vector<1x16xi32>
              %shift_left3A_1144 = arith.shli %xor3A_1140, %shift_left3A_1143 : vector<1x16xi32>
              %shift_right_logical3A_1145 = arith.constant 26 : i32
              %shift_right_logical3A_1146 = vector.broadcast %shift_right_logical3A_1145 : i32 to vector<1x16xi32>
              %shift_right_logical3A_1147 = arith.shrui %xor3A_1140, %shift_right_logical3A_1146 : vector<1x16xi32>
              %or3A_1148 = arith.ori %shift_left3A_1144, %shift_right_logical3A_1147 : vector<1x16xi32>
              %xor3A_1149 = arith.xori %add3A_1141, %or3A_1148 : vector<1x16xi32>
              %add3A_1150 = arith.constant 42 : i32
              %add3A_1151 = vector.broadcast %add3A_1150 : i32 to vector<1x16xi32>
              %add3A_1152 = arith.addi %add3A_1141, %add3A_1151 : vector<1x16xi32>
              %add3A_1153 = arith.constant 466689009 : i32
              %add3A_1154 = vector.broadcast %add3A_1153 : i32 to vector<1x16xi32>
              %add3A_1155 = arith.addi %xor3A_1149, %add3A_1154 : vector<1x16xi32>
              %add3A_1156 = arith.addi %add3A_1152, %add3A_1155 : vector<1x16xi32>
              %shift_left3A_1157 = arith.constant 17 : i32
              %shift_left3A_1158 = vector.broadcast %shift_left3A_1157 : i32 to vector<1x16xi32>
              %shift_left3A_1159 = arith.shli %add3A_1155, %shift_left3A_1158 : vector<1x16xi32>
              %shift_right_logical3A_1160 = arith.constant 15 : i32
              %shift_right_logical3A_1161 = vector.broadcast %shift_right_logical3A_1160 : i32 to vector<1x16xi32>
              %shift_right_logical3A_1162 = arith.shrui %add3A_1155, %shift_right_logical3A_1161 : vector<1x16xi32>
              %or3A_1163 = arith.ori %shift_left3A_1159, %shift_right_logical3A_1162 : vector<1x16xi32>
              %xor3A_1164 = arith.xori %add3A_1156, %or3A_1163 : vector<1x16xi32>
              %add3A_1165 = arith.addi %add3A_1156, %xor3A_1164 : vector<1x16xi32>
              %shift_left3A_1166 = arith.constant 29 : i32
              %shift_left3A_1167 = vector.broadcast %shift_left3A_1166 : i32 to vector<1x16xi32>
              %shift_left3A_1168 = arith.shli %xor3A_1164, %shift_left3A_1167 : vector<1x16xi32>
              %shift_right_logical3A_1169 = arith.constant 3 : i32
              %shift_right_logical3A_1170 = vector.broadcast %shift_right_logical3A_1169 : i32 to vector<1x16xi32>
              %shift_right_logical3A_1171 = arith.shrui %xor3A_1164, %shift_right_logical3A_1170 : vector<1x16xi32>
              %or3A_1172 = arith.ori %shift_left3A_1168, %shift_right_logical3A_1171 : vector<1x16xi32>
              %xor3A_1173 = arith.xori %add3A_1165, %or3A_1172 : vector<1x16xi32>
              %add3A_1174 = arith.addi %add3A_1165, %xor3A_1173 : vector<1x16xi32>
              %shift_left3A_1175 = arith.constant 16 : i32
              %shift_left3A_1176 = vector.broadcast %shift_left3A_1175 : i32 to vector<1x16xi32>
              %shift_left3A_1177 = arith.shli %xor3A_1173, %shift_left3A_1176 : vector<1x16xi32>
              %shift_right_logical3A_1178 = arith.constant 16 : i32
              %shift_right_logical3A_1179 = vector.broadcast %shift_right_logical3A_1178 : i32 to vector<1x16xi32>
              %shift_right_logical3A_1180 = arith.shrui %xor3A_1173, %shift_right_logical3A_1179 : vector<1x16xi32>
              %or3A_1181 = arith.ori %shift_left3A_1177, %shift_right_logical3A_1180 : vector<1x16xi32>
              %xor3A_1182 = arith.xori %add3A_1174, %or3A_1181 : vector<1x16xi32>
              %add3A_1183 = arith.addi %add3A_1174, %xor3A_1182 : vector<1x16xi32>
              %shift_left3A_1184 = arith.constant 24 : i32
              %shift_left3A_1185 = vector.broadcast %shift_left3A_1184 : i32 to vector<1x16xi32>
              %shift_left3A_1186 = arith.shli %xor3A_1182, %shift_left3A_1185 : vector<1x16xi32>
              %shift_right_logical3A_1187 = arith.constant 8 : i32
              %shift_right_logical3A_1188 = vector.broadcast %shift_right_logical3A_1187 : i32 to vector<1x16xi32>
              %shift_right_logical3A_1189 = arith.shrui %xor3A_1182, %shift_right_logical3A_1188 : vector<1x16xi32>
              %or3A_1190 = arith.ori %shift_left3A_1186, %shift_right_logical3A_1189 : vector<1x16xi32>
              %xor3A_1191 = arith.xori %add3A_1183, %or3A_1190 : vector<1x16xi32>
              %add3A_1192 = arith.constant 466689008 : i32
              %add3A_1193 = vector.broadcast %add3A_1192 : i32 to vector<1x16xi32>
              %add3A_1194 = arith.addi %add3A_1183, %add3A_1193 : vector<1x16xi32>
              %add3A_1195 = arith.constant 2 : i32
              %add3A_1196 = vector.broadcast %add3A_1195 : i32 to vector<1x16xi32>
              %add3A_1197 = arith.addi %xor3A_1191, %add3A_1196 : vector<1x16xi32>
              %add3A_1198 = arith.addi %add3A_1194, %add3A_1197 : vector<1x16xi32>
              %shift_left3A_1199 = arith.constant 13 : i32
              %shift_left3A_1200 = vector.broadcast %shift_left3A_1199 : i32 to vector<1x16xi32>
              %shift_left3A_1201 = arith.shli %add3A_1197, %shift_left3A_1200 : vector<1x16xi32>
              %shift_right_logical3A_1202 = arith.constant 19 : i32
              %shift_right_logical3A_1203 = vector.broadcast %shift_right_logical3A_1202 : i32 to vector<1x16xi32>
              %shift_right_logical3A_1204 = arith.shrui %add3A_1197, %shift_right_logical3A_1203 : vector<1x16xi32>
              %or3A_1205 = arith.ori %shift_left3A_1201, %shift_right_logical3A_1204 : vector<1x16xi32>
              %xor3A_1206 = arith.xori %add3A_1198, %or3A_1205 : vector<1x16xi32>
              %add3A_1207 = arith.addi %add3A_1198, %xor3A_1206 : vector<1x16xi32>
              %shift_left3A_1208 = arith.constant 15 : i32
              %shift_left3A_1209 = vector.broadcast %shift_left3A_1208 : i32 to vector<1x16xi32>
              %shift_left3A_1210 = arith.shli %xor3A_1206, %shift_left3A_1209 : vector<1x16xi32>
              %shift_right_logical3A_1211 = arith.constant 17 : i32
              %shift_right_logical3A_1212 = vector.broadcast %shift_right_logical3A_1211 : i32 to vector<1x16xi32>
              %shift_right_logical3A_1213 = arith.shrui %xor3A_1206, %shift_right_logical3A_1212 : vector<1x16xi32>
              %or3A_1214 = arith.ori %shift_left3A_1210, %shift_right_logical3A_1213 : vector<1x16xi32>
              %xor3A_1215 = arith.xori %add3A_1207, %or3A_1214 : vector<1x16xi32>
              %add3A_1216 = arith.addi %add3A_1207, %xor3A_1215 : vector<1x16xi32>
              %shift_left3A_1217 = arith.constant 26 : i32
              %shift_left3A_1218 = vector.broadcast %shift_left3A_1217 : i32 to vector<1x16xi32>
              %shift_left3A_1219 = arith.shli %xor3A_1215, %shift_left3A_1218 : vector<1x16xi32>
              %shift_right_logical3A_1220 = arith.constant 6 : i32
              %shift_right_logical3A_1221 = vector.broadcast %shift_right_logical3A_1220 : i32 to vector<1x16xi32>
              %shift_right_logical3A_1222 = arith.shrui %xor3A_1215, %shift_right_logical3A_1221 : vector<1x16xi32>
              %or3A_1223 = arith.ori %shift_left3A_1219, %shift_right_logical3A_1222 : vector<1x16xi32>
              %xor3A_1224 = arith.xori %add3A_1216, %or3A_1223 : vector<1x16xi32>
              %add3A_1225 = arith.addi %add3A_1216, %xor3A_1224 : vector<1x16xi32>
              %shift_left3A_1226 = arith.constant 6 : i32
              %shift_left3A_1227 = vector.broadcast %shift_left3A_1226 : i32 to vector<1x16xi32>
              %shift_left3A_1228 = arith.shli %xor3A_1224, %shift_left3A_1227 : vector<1x16xi32>
              %shift_right_logical3A_1229 = arith.constant 26 : i32
              %shift_right_logical3A_1230 = vector.broadcast %shift_right_logical3A_1229 : i32 to vector<1x16xi32>
              %shift_right_logical3A_1231 = arith.shrui %xor3A_1224, %shift_right_logical3A_1230 : vector<1x16xi32>
              %or3A_1232 = arith.ori %shift_left3A_1228, %shift_right_logical3A_1231 : vector<1x16xi32>
              %xor3A_1233 = arith.xori %add3A_1225, %or3A_1232 : vector<1x16xi32>
              %add3A_1234 = arith.constant 0 : i32
              %add3A_1235 = vector.broadcast %add3A_1234 : i32 to vector<1x16xi32>
              %add3A_1236 = arith.addi %add3A_1225, %add3A_1235 : vector<1x16xi32>
              %add3A_1237 = arith.constant 45 : i32
              %add3A_1238 = vector.broadcast %add3A_1237 : i32 to vector<1x16xi32>
              %add3A_1239 = arith.addi %xor3A_1233, %add3A_1238 : vector<1x16xi32>
              %add3A_1240 = arith.addi %add3A_1236, %add3A_1239 : vector<1x16xi32>
              %shift_left3A_1241 = arith.constant 17 : i32
              %shift_left3A_1242 = vector.broadcast %shift_left3A_1241 : i32 to vector<1x16xi32>
              %shift_left3A_1243 = arith.shli %add3A_1239, %shift_left3A_1242 : vector<1x16xi32>
              %shift_right_logical3A_1244 = arith.constant 15 : i32
              %shift_right_logical3A_1245 = vector.broadcast %shift_right_logical3A_1244 : i32 to vector<1x16xi32>
              %shift_right_logical3A_1246 = arith.shrui %add3A_1239, %shift_right_logical3A_1245 : vector<1x16xi32>
              %or3A_1247 = arith.ori %shift_left3A_1243, %shift_right_logical3A_1246 : vector<1x16xi32>
              %xor3A_1248 = arith.xori %add3A_1240, %or3A_1247 : vector<1x16xi32>
              %add3A_1249 = arith.addi %add3A_1240, %xor3A_1248 : vector<1x16xi32>
              %shift_left3A_1250 = arith.constant 29 : i32
              %shift_left3A_1251 = vector.broadcast %shift_left3A_1250 : i32 to vector<1x16xi32>
              %shift_left3A_1252 = arith.shli %xor3A_1248, %shift_left3A_1251 : vector<1x16xi32>
              %shift_right_logical3A_1253 = arith.constant 3 : i32
              %shift_right_logical3A_1254 = vector.broadcast %shift_right_logical3A_1253 : i32 to vector<1x16xi32>
              %shift_right_logical3A_1255 = arith.shrui %xor3A_1248, %shift_right_logical3A_1254 : vector<1x16xi32>
              %or3A_1256 = arith.ori %shift_left3A_1252, %shift_right_logical3A_1255 : vector<1x16xi32>
              %xor3A_1257 = arith.xori %add3A_1249, %or3A_1256 : vector<1x16xi32>
              %add3A_1258 = arith.addi %add3A_1249, %xor3A_1257 : vector<1x16xi32>
              %shift_left3A_1259 = arith.constant 16 : i32
              %shift_left3A_1260 = vector.broadcast %shift_left3A_1259 : i32 to vector<1x16xi32>
              %shift_left3A_1261 = arith.shli %xor3A_1257, %shift_left3A_1260 : vector<1x16xi32>
              %shift_right_logical3A_1262 = arith.constant 16 : i32
              %shift_right_logical3A_1263 = vector.broadcast %shift_right_logical3A_1262 : i32 to vector<1x16xi32>
              %shift_right_logical3A_1264 = arith.shrui %xor3A_1257, %shift_right_logical3A_1263 : vector<1x16xi32>
              %or3A_1265 = arith.ori %shift_left3A_1261, %shift_right_logical3A_1264 : vector<1x16xi32>
              %xor3A_1266 = arith.xori %add3A_1258, %or3A_1265 : vector<1x16xi32>
              %add3A_1267 = arith.addi %add3A_1258, %xor3A_1266 : vector<1x16xi32>
              %shift_left3A_1268 = arith.constant 24 : i32
              %shift_left3A_1269 = vector.broadcast %shift_left3A_1268 : i32 to vector<1x16xi32>
              %shift_left3A_1270 = arith.shli %xor3A_1266, %shift_left3A_1269 : vector<1x16xi32>
              %shift_right_logical3A_1271 = arith.constant 8 : i32
              %shift_right_logical3A_1272 = vector.broadcast %shift_right_logical3A_1271 : i32 to vector<1x16xi32>
              %shift_right_logical3A_1273 = arith.shrui %xor3A_1266, %shift_right_logical3A_1272 : vector<1x16xi32>
              %or3A_1274 = arith.ori %shift_left3A_1270, %shift_right_logical3A_1273 : vector<1x16xi32>
              %xor3A_1275 = arith.xori %add3A_1267, %or3A_1274 : vector<1x16xi32>
              %add3A_1276 = arith.constant 42 : i32
              %add3A_1277 = vector.broadcast %add3A_1276 : i32 to vector<1x16xi32>
              %add3A_1278 = arith.addi %add3A_1267, %add3A_1277 : vector<1x16xi32>
              %add3A_1279 = arith.constant 466689012 : i32
              %add3A_1280 = vector.broadcast %add3A_1279 : i32 to vector<1x16xi32>
              %add3A_1281 = arith.addi %xor3A_1275, %add3A_1280 : vector<1x16xi32>
              %add3A_1282 = arith.addi %add3A_1278, %add3A_1281 : vector<1x16xi32>
              %shift_left3A_1283 = arith.constant 13 : i32
              %shift_left3A_1284 = vector.broadcast %shift_left3A_1283 : i32 to vector<1x16xi32>
              %shift_left3A_1285 = arith.shli %add3A_1281, %shift_left3A_1284 : vector<1x16xi32>
              %shift_right_logical3A_1286 = arith.constant 19 : i32
              %shift_right_logical3A_1287 = vector.broadcast %shift_right_logical3A_1286 : i32 to vector<1x16xi32>
              %shift_right_logical3A_1288 = arith.shrui %add3A_1281, %shift_right_logical3A_1287 : vector<1x16xi32>
              %or3A_1289 = arith.ori %shift_left3A_1285, %shift_right_logical3A_1288 : vector<1x16xi32>
              %xor3A_1290 = arith.xori %add3A_1282, %or3A_1289 : vector<1x16xi32>
              %add3A_1291 = arith.addi %add3A_1282, %xor3A_1290 : vector<1x16xi32>
              %shift_left3A_1292 = arith.constant 15 : i32
              %shift_left3A_1293 = vector.broadcast %shift_left3A_1292 : i32 to vector<1x16xi32>
              %shift_left3A_1294 = arith.shli %xor3A_1290, %shift_left3A_1293 : vector<1x16xi32>
              %shift_right_logical3A_1295 = arith.constant 17 : i32
              %shift_right_logical3A_1296 = vector.broadcast %shift_right_logical3A_1295 : i32 to vector<1x16xi32>
              %shift_right_logical3A_1297 = arith.shrui %xor3A_1290, %shift_right_logical3A_1296 : vector<1x16xi32>
              %or3A_1298 = arith.ori %shift_left3A_1294, %shift_right_logical3A_1297 : vector<1x16xi32>
              %xor3A_1299 = arith.xori %add3A_1291, %or3A_1298 : vector<1x16xi32>
              %add3A_1300 = arith.addi %add3A_1291, %xor3A_1299 : vector<1x16xi32>
              %shift_left3A_1301 = arith.constant 26 : i32
              %shift_left3A_1302 = vector.broadcast %shift_left3A_1301 : i32 to vector<1x16xi32>
              %shift_left3A_1303 = arith.shli %xor3A_1299, %shift_left3A_1302 : vector<1x16xi32>
              %shift_right_logical3A_1304 = arith.constant 6 : i32
              %shift_right_logical3A_1305 = vector.broadcast %shift_right_logical3A_1304 : i32 to vector<1x16xi32>
              %shift_right_logical3A_1306 = arith.shrui %xor3A_1299, %shift_right_logical3A_1305 : vector<1x16xi32>
              %or3A_1307 = arith.ori %shift_left3A_1303, %shift_right_logical3A_1306 : vector<1x16xi32>
              %xor3A_1308 = arith.xori %add3A_1300, %or3A_1307 : vector<1x16xi32>
              %add3A_1309 = arith.addi %add3A_1300, %xor3A_1308 : vector<1x16xi32>
              %shift_left3A_1310 = arith.constant 6 : i32
              %shift_left3A_1311 = vector.broadcast %shift_left3A_1310 : i32 to vector<1x16xi32>
              %shift_left3A_1312 = arith.shli %xor3A_1308, %shift_left3A_1311 : vector<1x16xi32>
              %shift_right_logical3A_1313 = arith.constant 26 : i32
              %shift_right_logical3A_1314 = vector.broadcast %shift_right_logical3A_1313 : i32 to vector<1x16xi32>
              %shift_right_logical3A_1315 = arith.shrui %xor3A_1308, %shift_right_logical3A_1314 : vector<1x16xi32>
              %or3A_1316 = arith.ori %shift_left3A_1312, %shift_right_logical3A_1315 : vector<1x16xi32>
              %xor3A_1317 = arith.xori %add3A_1309, %or3A_1316 : vector<1x16xi32>
              %add3A_1318 = arith.constant 466689008 : i32
              %add3A_1319 = vector.broadcast %add3A_1318 : i32 to vector<1x16xi32>
              %add3A_1320 = arith.addi %add3A_1309, %add3A_1319 : vector<1x16xi32>
              %add3A_1321 = arith.constant 5 : i32
              %add3A_1322 = vector.broadcast %add3A_1321 : i32 to vector<1x16xi32>
              %add3A_1323 = arith.addi %xor3A_1317, %add3A_1322 : vector<1x16xi32>
              %xor3A_1324 = arith.xori %add3A_1320, %add3A_1323 : vector<1x16xi32>
              %swap3A_1325 = arith.constant 0 : i32
              %swap3A_1326 = arith.constant 0 : i32
              %swap3A_1327 = tpu.memref_slice %run_scoped3A_18[%rem3A_326, %swap3A_1325, %swap3A_1326] : memref<2x8x512xi32, #tpu.memory_space<vmem>> -> memref<1x8x512xi32, #tpu.memory_space<vmem>>
              %swap3A_1328 = tpu.memref_squeeze %swap3A_1327 : memref<1x8x512xi32, #tpu.memory_space<vmem>> -> memref<8x512xi32, #tpu.memory_space<vmem>>
              %swap3A_1329 = arith.index_cast %add3A_412 : i32 to index
              %swap3A_1330 = arith.index_cast %add3A_1106 : i32 to index
              %swap3A_1331 = tpu.vector_load %swap3A_1328[%swap3A_1329, %swap3A_1330] {strides = array<i32>} : memref<8x512xi32, #tpu.memory_space<vmem>>, vector<1x16xi32>,
              %swap3A_1332 = vector.shape_cast %swap3A_1331 : vector<1x16xi32> to vector<1x16xi32>
              %swap3A_1333 = vector.shape_cast %xor3A_1324 : vector<1x16xi32> to vector<1x16xi32>
              tpu.vector_store %swap3A_1328[%swap3A_1329, %swap3A_1330], %swap3A_1333 {strides = array<i32>} : memref<8x512xi32, #tpu.memory_space<vmem>>, vector<1x16xi32>,
            }
            %scan3A_417 = arith.constant 8 : i32
          }
          %scan3A_330 = arith.constant 8 : i32
          "tpu.trace_stop"() : () -> ()
          %ne3A_331 = arith.cmpi ne, %add3A_221, %add3A_257 : i32
          %ne3A_332 = arith.cmpi ne, %add3A_222, %add3A_258 : i32
          %or3A_333 = arith.constant false
          %or3A_334 = arith.ori %or3A_333, %ne3A_331 : i1
          %or3A_335 = arith.ori %or3A_334, %ne3A_332 : i1
          %or3A_336 = arith.ori %or3A_335, %eq3A_219 : i1
          %convert_element_type3A_337 = arith.extui %or3A_336 : i1 to i32
          %cond3A_338 = arith.constant 0 : i32
          %cond3A_339 = arith.cmpi ne, %convert_element_type3A_337, %cond3A_338 : i32
          scf.if %cond3A_339 {
          } else {
          }
          %and3A_340 = arith.constant false
          %and3A_341 = arith.andi %or3A_336, %and3A_340 : i1
          %ne3A_342 = arith.cmpi ne, %add3A_221, %add3A_257 : i32
          %ne3A_343 = arith.cmpi ne, %add3A_222, %add3A_258 : i32
          %or3A_344 = arith.constant false
          %or3A_345 = arith.ori %or3A_344, %ne3A_342 : i1
          %or3A_346 = arith.ori %or3A_345, %ne3A_343 : i1
          %or3A_347 = arith.ori %or3A_346, %eq3A_219 : i1
          %convert_element_type3A_348 = arith.extui %or3A_347 : i1 to i32
          %cond3A_349 = arith.constant 0 : i32
          %cond3A_350 = arith.cmpi ne, %convert_element_type3A_348, %cond3A_349 : i32
          scf.if %cond3A_350 {
            "tpu.trace_start"() <{level = 10 : i32, message = "ep_copy_out"}> : () -> ()
            %rem3A_408 = arith.constant 2 : i32
            %rem3A_409 = arith.remui %while3A_209, %rem3A_408 : i32
            %mul3A_410 = arith.constant 8 : i32
            %mul3A_411 = arith.muli %mul3A_410, %add3A_221 : i32
            %mul3A_412 = arith.constant 512 : i32
            %mul3A_413 = arith.muli %mul3A_412, %add3A_222 : i32
            %dma_start3A_414 = arith.constant 0 : i32
            %dma_start3A_415 = arith.constant 0 : i32
            %dma_start3A_416 = tpu.memref_slice %run_scoped3A_18[%rem3A_409, %dma_start3A_414, %dma_start3A_415] : memref<2x8x512xi32, #tpu.memory_space<vmem>> -> memref<1x8x512xi32, #tpu.memory_space<vmem>>
            %dma_start3A_417 = tpu.memref_squeeze %dma_start3A_416 : memref<1x8x512xi32, #tpu.memory_space<vmem>> -> memref<8x512xi32, #tpu.memory_space<vmem>>
            %dma_start3A_418 = tpu.memref_slice %arg3[%mul3A_411, %mul3A_413] : memref<64x10240xi32, #tpu.memory_space<hbm>> -> memref<8x512xi32, #tpu.memory_space<hbm>>
            %dma_start3A_419 = tpu.memref_slice %run_scoped3A_19[%rem3A_409] : memref<2x!tpu.dma_semaphore, #tpu.memory_space<semaphore_mem>> -> memref<1x!tpu.dma_semaphore, #tpu.memory_space<semaphore_mem>>
            %dma_start3A_420 = tpu.memref_squeeze %dma_start3A_419 : memref<1x!tpu.dma_semaphore, #tpu.memory_space<semaphore_mem>> -> memref<!tpu.dma_semaphore, #tpu.memory_space<semaphore_mem>>
            %dma_start3A_421 = tpu.memref_slice %arg3[%mul3A_411, %mul3A_413] : memref<64x10240xi32, #tpu.memory_space<hbm>> -> memref<8x512xi32, #tpu.memory_space<hbm>>
            %dma_start3A_422 = arith.constant 0 : i32
            %dma_start3A_423 = arith.constant 0 : i32
            %dma_start3A_424 = tpu.memref_slice %run_scoped3A_18[%rem3A_409, %dma_start3A_422, %dma_start3A_423] : memref<2x8x512xi32, #tpu.memory_space<vmem>> -> memref<1x8x512xi32, #tpu.memory_space<vmem>>
            %dma_start3A_425 = tpu.memref_squeeze %dma_start3A_424 : memref<1x8x512xi32, #tpu.memory_space<vmem>> -> memref<8x512xi32, #tpu.memory_space<vmem>>
            tpu.enqueue_dma source(%dma_start3A_425 : memref<8x512xi32, #tpu.memory_space<vmem>>) target(%dma_start3A_421 : memref<8x512xi32, #tpu.memory_space<hbm>>) target_semaphore(%dma_start3A_420 : memref<!tpu.dma_semaphore, #tpu.memory_space<semaphore_mem>>)
            "tpu.trace_stop"() : () -> ()
          } else {
          }
          %and3A_351 = arith.constant true
          %and3A_352 = arith.andi %or3A_347, %and3A_351 : i1
          %add3A_353 = arith.constant 1 : i32
          %add3A_354 = arith.addi %while3A_209, %add3A_353 : i32
          %select_n3A_355 = arith.select %and3A_352, %add3A_354, %while3A_209 : i32
          %ne3A_356 = arith.cmpi ne, %add3A_221, %add3A_240 : i32
          %ne3A_357 = arith.cmpi ne, %add3A_222, %add3A_241 : i32
          %or3A_358 = arith.constant false
          %or3A_359 = arith.ori %or3A_358, %ne3A_356 : i1
          %or3A_360 = arith.ori %or3A_359, %ne3A_357 : i1
          %not3A_361 = arith.constant true
          %not3A_362 = arith.xori %eq3A_216, %not3A_361 : i1
          %and3A_363 = arith.andi %or3A_360, %not3A_362 : i1
          %convert_element_type3A_364 = arith.extui %and3A_363 : i1 to i32
          %cond3A_365 = arith.constant 0 : i32
          %cond3A_366 = arith.cmpi ne, %convert_element_type3A_364, %cond3A_365 : i32
          scf.if %cond3A_366 {
          } else {
          }
          %and3A_367 = arith.constant false
          %and3A_368 = arith.andi %and3A_363, %and3A_367 : i1
          %ne3A_369 = arith.cmpi ne, %add3A_221, %add3A_240 : i32
          %ne3A_370 = arith.cmpi ne, %add3A_222, %add3A_241 : i32
          %or3A_371 = arith.constant false
          %or3A_372 = arith.ori %or3A_371, %ne3A_369 : i1
          %or3A_373 = arith.ori %or3A_372, %ne3A_370 : i1
          %not3A_374 = arith.constant true
          %not3A_375 = arith.xori %eq3A_216, %not3A_374 : i1
          %and3A_376 = arith.andi %or3A_373, %not3A_375 : i1
          %convert_element_type3A_377 = arith.extui %and3A_376 : i1 to i32
          %cond3A_378 = arith.constant 0 : i32
          %cond3A_379 = arith.cmpi ne, %convert_element_type3A_377, %cond3A_378 : i32
          scf.if %cond3A_379 {
            "tpu.trace_start"() <{level = 10 : i32, message = "ep_wait_out"}> : () -> ()
            %rem3A_408 = arith.constant 2 : i32
            %rem3A_409 = arith.remui %while3A_210, %rem3A_408 : i32
            %mul3A_410 = arith.constant 8 : i32
            %mul3A_411 = arith.muli %mul3A_410, %add3A_240 : i32
            %mul3A_412 = arith.constant 512 : i32
            %mul3A_413 = arith.muli %mul3A_412, %add3A_241 : i32
            %dma_wait3A = arith.constant 0 : i32
            %dma_wait3A_414 = arith.constant 0 : i32
            %dma_wait3A_415 = tpu.memref_slice %run_scoped3A_18[%rem3A_409, %dma_wait3A, %dma_wait3A_414] : memref<2x8x512xi32, #tpu.memory_space<vmem>> -> memref<1x8x512xi32, #tpu.memory_space<vmem>>
            %dma_wait3A_416 = tpu.memref_squeeze %dma_wait3A_415 : memref<1x8x512xi32, #tpu.memory_space<vmem>> -> memref<8x512xi32, #tpu.memory_space<vmem>>
            %dma_wait3A_417 = tpu.memref_slice %arg3[%mul3A_411, %mul3A_413] : memref<64x10240xi32, #tpu.memory_space<hbm>> -> memref<8x512xi32, #tpu.memory_space<hbm>>
            %dma_wait3A_418 = tpu.memref_slice %run_scoped3A_19[%rem3A_409] : memref<2x!tpu.dma_semaphore, #tpu.memory_space<semaphore_mem>> -> memref<1x!tpu.dma_semaphore, #tpu.memory_space<semaphore_mem>>
            %dma_wait3A_419 = tpu.memref_squeeze %dma_wait3A_418 : memref<1x!tpu.dma_semaphore, #tpu.memory_space<semaphore_mem>> -> memref<!tpu.dma_semaphore, #tpu.memory_space<semaphore_mem>>
            %dma_wait3A_420 = tpu.memref_slice %arg3[%mul3A_411, %mul3A_413] : memref<64x10240xi32, #tpu.memory_space<hbm>> -> memref<8x512xi32, #tpu.memory_space<hbm>>
            %dma_wait3A_421 = arith.constant 0 : i32
            %dma_wait3A_422 = arith.constant 0 : i32
            %dma_wait3A_423 = tpu.memref_slice %run_scoped3A_18[%rem3A_409, %dma_wait3A_421, %dma_wait3A_422] : memref<2x8x512xi32, #tpu.memory_space<vmem>> -> memref<1x8x512xi32, #tpu.memory_space<vmem>>
            %dma_wait3A_424 = tpu.memref_squeeze %dma_wait3A_423 : memref<1x8x512xi32, #tpu.memory_space<vmem>> -> memref<8x512xi32, #tpu.memory_space<vmem>>
            tpu.wait_dma2 semaphore(%dma_wait3A_419 : memref<!tpu.dma_semaphore, #tpu.memory_space<semaphore_mem>>) src(%dma_wait3A_424 : memref<8x512xi32, #tpu.memory_space<vmem>>) dst(%dma_wait3A_420 : memref<8x512xi32, #tpu.memory_space<hbm>>)
            "tpu.trace_stop"() : () -> ()
          } else {
          }
          %and3A_380 = arith.constant true
          %and3A_381 = arith.andi %and3A_376, %and3A_380 : i1
          %add3A_382 = arith.constant 1 : i32
          %add3A_383 = arith.addi %while3A_210, %add3A_382 : i32
          %select_n3A_384 = arith.select %and3A_381, %add3A_383, %while3A_210 : i32
          %ne3A_385 = arith.cmpi ne, %add3A_221, %add3A_257 : i32
          %ne3A_386 = arith.cmpi ne, %add3A_222, %add3A_258 : i32
          %or3A_387 = arith.constant false
          %or3A_388 = arith.ori %or3A_387, %ne3A_385 : i1
          %or3A_389 = arith.ori %or3A_388, %ne3A_386 : i1
          %or3A_390 = arith.ori %or3A_389, %eq3A_219 : i1
          %add3A_391 = arith.constant 1 : i32
          %add3A_392 = arith.addi %while3A_208, %add3A_391 : i32
          %select_n3A_393 = arith.select %or3A_390, %add3A_392, %while3A_208 : i32
          %add3A_394 = arith.constant 1 : i32
          %add3A_395 = arith.addi %while3A_212, %add3A_394 : i32
          %select_n3A_396 = arith.constant true
          %select_n3A_397 = arith.select %select_n3A_396, %add3A_395, %while3A_212 : i32
          %eq3A_398 = arith.cmpi eq, %select_n3A_397, %select_n3A : i32
          %select_n3A_399 = arith.constant 0 : i32
          %select_n3A_400 = arith.select %eq3A_398, %select_n3A_399, %select_n3A_397 : i32
          %add3A_401 = arith.constant 1 : i32
          %add3A_402 = arith.addi %while3A_211, %add3A_401 : i32
          %select_n3A_403 = arith.select %eq3A_398, %add3A_402, %while3A_211 : i32
          %eq3A_404 = arith.constant 8 : i32
          %eq3A_405 = arith.cmpi eq, %select_n3A_403, %eq3A_404 : i32
          %select_n3A_406 = arith.constant 0 : i32
          %select_n3A_407 = arith.select %eq3A_405, %select_n3A_406, %select_n3A_403 : i32
          scf.yield %select_n3A_291, %select_n3A_393, %select_n3A_355, %select_n3A_384, %select_n3A_407, %select_n3A_400 : i32, i32, i32, i32, i32, i32
        }
        %sub3A_119 = arith.constant 1 : i32
        %sub3A_120 = arith.subi %while3A_118#5, %sub3A_119 : i32
        %select_n3A_121 = arith.constant true
        %select_n3A_122 = arith.select %select_n3A_121, %sub3A_120, %while3A_118#5 : i32
        %eq3A_123 = arith.constant -1 : i32
        %eq3A_124 = arith.cmpi eq, %select_n3A_122, %eq3A_123 : i32
        %sub3A_125 = arith.constant 1 : i32
        %sub3A_126 = arith.subi %select_n3A, %sub3A_125 : i32
        %select_n3A_127 = arith.select %eq3A_124, %sub3A_126, %select_n3A_122 : i32
        %sub3A_128 = arith.constant 1 : i32
        %sub3A_129 = arith.subi %while3A_118#4, %sub3A_128 : i32
        %select_n3A_130 = arith.select %eq3A_124, %sub3A_129, %while3A_118#4 : i32
        %eq3A_131 = arith.constant -1 : i32
        %eq3A_132 = arith.cmpi eq, %select_n3A_130, %eq3A_131 : i32
        %select_n3A_133 = arith.constant 7 : i32
        %select_n3A_134 = arith.select %eq3A_132, %select_n3A_133, %select_n3A_130 : i32
        %sub3A_135 = arith.constant 1 : i32
        %sub3A_136 = arith.subi %mul3A_16, %sub3A_135 : i32
        %mul3A_137 = arith.constant 8 : i32
        %mul3A_138 = arith.muli %mul3A_137, %select_n3A : i32
        %eq3A_139 = arith.constant 0 : i32
        %eq3A_140 = arith.cmpi eq, %sub3A_136, %eq3A_139 : i32
        %sub3A_141 = arith.constant 1 : i32
        %sub3A_142 = arith.subi %mul3A_138, %sub3A_141 : i32
        %eq3A_143 = arith.cmpi eq, %sub3A_136, %sub3A_142 : i32
        %add3A_144 = arith.constant 0 : i32
        %add3A_145 = arith.addi %select_n3A_134, %add3A_144 : i32
        %add3A_146 = arith.addi %select_n3A_127, %select_n3A_14 : i32
        %sub3A_147 = arith.constant 1 : i32
        %sub3A_148 = arith.subi %select_n3A_127, %sub3A_147 : i32
        %select_n3A_149 = arith.constant true
        %select_n3A_150 = arith.select %select_n3A_149, %sub3A_148, %select_n3A_127 : i32
        %eq3A_151 = arith.constant -1 : i32
        %eq3A_152 = arith.cmpi eq, %select_n3A_150, %eq3A_151 : i32
        %sub3A_153 = arith.constant 1 : i32
        %sub3A_154 = arith.subi %select_n3A, %sub3A_153 : i32
        %select_n3A_155 = arith.select %eq3A_152, %sub3A_154, %select_n3A_150 : i32
        %sub3A_156 = arith.constant 1 : i32
        %sub3A_157 = arith.subi %select_n3A_134, %sub3A_156 : i32
        %select_n3A_158 = arith.select %eq3A_152, %sub3A_157, %select_n3A_134 : i32
        %eq3A_159 = arith.constant -1 : i32
        %eq3A_160 = arith.cmpi eq, %select_n3A_158, %eq3A_159 : i32
        %select_n3A_161 = arith.constant 7 : i32
        %select_n3A_162 = arith.select %eq3A_160, %select_n3A_161, %select_n3A_158 : i32
        %add3A_163 = arith.constant 0 : i32
        %add3A_164 = arith.addi %select_n3A_162, %add3A_163 : i32
        %add3A_165 = arith.addi %select_n3A_155, %select_n3A_14 : i32
        %add3A_166 = arith.constant 1 : i32
        %add3A_167 = arith.addi %select_n3A_127, %add3A_166 : i32
        %select_n3A_168 = arith.constant true
        %select_n3A_169 = arith.select %select_n3A_168, %add3A_167, %select_n3A_127 : i32
        %eq3A_170 = arith.cmpi eq, %select_n3A_169, %select_n3A : i32
        %select_n3A_171 = arith.constant 0 : i32
        %select_n3A_172 = arith.select %eq3A_170, %select_n3A_171, %select_n3A_169 : i32
        %add3A_173 = arith.constant 1 : i32
        %add3A_174 = arith.addi %select_n3A_134, %add3A_173 : i32
        %select_n3A_175 = arith.select %eq3A_170, %add3A_174, %select_n3A_134 : i32
        %eq3A_176 = arith.constant 8 : i32
        %eq3A_177 = arith.cmpi eq, %select_n3A_175, %eq3A_176 : i32
        %select_n3A_178 = arith.constant 0 : i32
        %select_n3A_179 = arith.select %eq3A_177, %select_n3A_178, %select_n3A_175 : i32
        %add3A_180 = arith.constant 0 : i32
        %add3A_181 = arith.addi %select_n3A_179, %add3A_180 : i32
        %add3A_182 = arith.addi %select_n3A_172, %select_n3A_14 : i32
        %add3A_183 = arith.constant 1 : i32
        %add3A_184 = arith.addi %select_n3A_172, %add3A_183 : i32
        %select_n3A_185 = arith.constant true
        %select_n3A_186 = arith.select %select_n3A_185, %add3A_184, %select_n3A_172 : i32
        %eq3A_187 = arith.cmpi eq, %select_n3A_186, %select_n3A : i32
        %select_n3A_188 = arith.constant 0 : i32
        %select_n3A_189 = arith.select %eq3A_187, %select_n3A_188, %select_n3A_186 : i32
        %add3A_190 = arith.constant 1 : i32
        %add3A_191 = arith.addi %select_n3A_179, %add3A_190 : i32
        %select_n3A_192 = arith.select %eq3A_187, %add3A_191, %select_n3A_179 : i32
        %eq3A_193 = arith.constant 8 : i32
        %eq3A_194 = arith.cmpi eq, %select_n3A_192, %eq3A_193 : i32
        %select_n3A_195 = arith.constant 0 : i32
        %select_n3A_196 = arith.select %eq3A_194, %select_n3A_195, %select_n3A_192 : i32
        %add3A_197 = arith.constant 0 : i32
        %add3A_198 = arith.addi %select_n3A_196, %add3A_197 : i32
        %add3A_199 = arith.addi %select_n3A_189, %select_n3A_14 : i32
        %convert_element_type3A_200 = arith.extui %eq3A_143 : i1 to i32
        %cond3A_201 = arith.constant 0 : i32
        %cond3A_202 = arith.cmpi ne, %convert_element_type3A_200, %cond3A_201 : i32
        scf.if %cond3A_202 {
        } else {
        }
        %convert_element_type3A_203 = arith.extui %eq3A_143 : i1 to i32
        %cond3A_204 = arith.constant 0 : i32
        %cond3A_205 = arith.cmpi ne, %convert_element_type3A_203, %cond3A_204 : i32
        scf.if %cond3A_205 {
          "tpu.trace_start"() <{level = 10 : i32, message = "ep_finalize"}> : () -> ()
          %rem3A_206 = arith.constant 2 : i32
          %rem3A_207 = arith.remui %while3A_118#3, %rem3A_206 : i32
          %mul3A_208 = arith.constant 8 : i32
          %mul3A_209 = arith.muli %mul3A_208, %add3A_145 : i32
          %mul3A_210 = arith.constant 512 : i32
          %mul3A_211 = arith.muli %mul3A_210, %add3A_146 : i32
          %dma_wait3A = arith.constant 0 : i32
          %dma_wait3A_212 = arith.constant 0 : i32
          %dma_wait3A_213 = tpu.memref_slice %run_scoped3A_18[%rem3A_207, %dma_wait3A, %dma_wait3A_212] : memref<2x8x512xi32, #tpu.memory_space<vmem>> -> memref<1x8x512xi32, #tpu.memory_space<vmem>>
          %dma_wait3A_214 = tpu.memref_squeeze %dma_wait3A_213 : memref<1x8x512xi32, #tpu.memory_space<vmem>> -> memref<8x512xi32, #tpu.memory_space<vmem>>
          %dma_wait3A_215 = tpu.memref_slice %arg3[%mul3A_209, %mul3A_211] : memref<64x10240xi32, #tpu.memory_space<hbm>> -> memref<8x512xi32, #tpu.memory_space<hbm>>
          %dma_wait3A_216 = tpu.memref_slice %run_scoped3A_19[%rem3A_207] : memref<2x!tpu.dma_semaphore, #tpu.memory_space<semaphore_mem>> -> memref<1x!tpu.dma_semaphore, #tpu.memory_space<semaphore_mem>>
          %dma_wait3A_217 = tpu.memref_squeeze %dma_wait3A_216 : memref<1x!tpu.dma_semaphore, #tpu.memory_space<semaphore_mem>> -> memref<!tpu.dma_semaphore, #tpu.memory_space<semaphore_mem>>
          %dma_wait3A_218 = tpu.memref_slice %arg3[%mul3A_209, %mul3A_211] : memref<64x10240xi32, #tpu.memory_space<hbm>> -> memref<8x512xi32, #tpu.memory_space<hbm>>
          %dma_wait3A_219 = arith.constant 0 : i32
          %dma_wait3A_220 = arith.constant 0 : i32
          %dma_wait3A_221 = tpu.memref_slice %run_scoped3A_18[%rem3A_207, %dma_wait3A_219, %dma_wait3A_220] : memref<2x8x512xi32, #tpu.memory_space<vmem>> -> memref<1x8x512xi32, #tpu.memory_space<vmem>>
          %dma_wait3A_222 = tpu.memref_squeeze %dma_wait3A_221 : memref<1x8x512xi32, #tpu.memory_space<vmem>> -> memref<8x512xi32, #tpu.memory_space<vmem>>
          tpu.wait_dma2 semaphore(%dma_wait3A_217 : memref<!tpu.dma_semaphore, #tpu.memory_space<semaphore_mem>>) src(%dma_wait3A_222 : memref<8x512xi32, #tpu.memory_space<vmem>>) dst(%dma_wait3A_218 : memref<8x512xi32, #tpu.memory_space<hbm>>)
          "tpu.trace_stop"() : () -> ()
        } else {
        }
      } else {
      }
      tpu.yield
    }) : () -> ()
    return
  }
}

module attributes {stable_mosaic.version = 14 : i64} {
  func.func @_tail_kernel(%arg0: i32, %arg1: memref<64x2048xf32, #tpu.memory_space<vmem>>, %arg2: memref<64x2048xi32, #tpu.memory_space<vmem>>, %arg3: memref<64x1xf32, #tpu.memory_space<vmem>>, %arg4: memref<64x1xi32, #tpu.memory_space<vmem>>, %arg5: memref<1x64xi32, #tpu.memory_space<vmem>>, %arg6: memref<64x2048xf32, #tpu.memory_space<vmem>>, %arg7: memref<64x2048xi32, #tpu.memory_space<vmem>>) attributes {dimension_semantics = [#tpu.dimension_semantics<arbitrary>], iteration_bounds = array<i64: 5>, scalar_prefetch = 0 : i64, scratch_operands = 2 : i64, tpu.core_type = #tpu.core_type<tc>, window_params = [{transform_indices = @transform_0, window_bounds = array<i64: 64, 2048>}, {transform_indices = @transform_1, window_bounds = array<i64: 64, 2048>}, {pipeline_mode = #tpu.pipeline_mode<synchronous>, transform_indices = @transform_2, window_bounds = array<i64: 64, 1>}, {pipeline_mode = #tpu.pipeline_mode<synchronous>, transform_indices = @transform_3, window_bounds = array<i64: 64, 1>}, {pipeline_mode = #tpu.pipeline_mode<synchronous>, transform_indices = @transform_4, window_bounds = array<i64: 1, 64>}]} {
    %eq3A = arith.constant 0 : i32
    %eq3A_0 = arith.cmpi eq, %arg0, %eq3A : i32
    %convert_element_type3A = arith.extui %eq3A_0 : i1 to i32
    %cond3A = arith.constant 0 : i32
    %cond3A_1 = arith.cmpi ne, %convert_element_type3A, %cond3A : i32
    scf.if %cond3A_1 {
      %get3A = arith.constant 0 : index
      %get3A_12 = arith.constant 0 : index
      %get3A_13 = vector.load %arg2[%get3A, %get3A_12] : memref<64x2048xi32, #tpu.memory_space<vmem>>, vector<64x2048xi32>
      %get3A_14 = arith.constant 0 : index
      %get3A_15 = arith.constant 0 : index
      %get3A_16 = vector.load %arg1[%get3A_14, %get3A_15] : memref<64x2048xf32, #tpu.memory_space<vmem>>, vector<64x2048xf32>
      %shift_right_logical3A = arith.constant 9 : i32
      %shift_right_logical3A_17 = vector.broadcast %shift_right_logical3A : i32 to vector<64x2048xi32>
      %shift_right_logical3A_18 = arith.shrui %get3A_13, %shift_right_logical3A_17 : vector<64x2048xi32>
      %or3A = arith.constant 1065353216 : i32
      %or3A_19 = vector.broadcast %or3A : i32 to vector<64x2048xi32>
      %or3A_20 = arith.ori %shift_right_logical3A_18, %or3A_19 : vector<64x2048xi32>
      %bitcast_convert_type3A = tpu.bitcast %or3A_20 : vector<64x2048xi32> -> vector<64x2048xf32>
      %sub3A = arith.constant 1.000000e+00 : f32
      %sub3A_21 = vector.broadcast %sub3A : f32 to vector<64x2048xf32>
      %sub3A_22 = arith.subf %bitcast_convert_type3A, %sub3A_21 : vector<64x2048xf32>
      %max3A = arith.constant 1.17549435E-38 : f32
      %max3A_23 = vector.broadcast %max3A : f32 to vector<64x2048xf32>
      %max3A_24 = arith.maximumf %sub3A_22, %max3A_23 : vector<64x2048xf32>
      %log3A = math.log %max3A_24 : vector<64x2048xf32>
      %neg3A = arith.constant 0.000000e+00 : f32
      %neg3A_25 = vector.broadcast %neg3A : f32 to vector<64x2048xf32>
      %neg3A_26 = arith.subf %neg3A_25, %log3A : vector<64x2048xf32>
      %log3A_27 = math.log %neg3A_26 : vector<64x2048xf32>
      %neg3A_28 = arith.constant 0.000000e+00 : f32
      %neg3A_29 = vector.broadcast %neg3A_28 : f32 to vector<64x2048xf32>
      %neg3A_30 = arith.subf %neg3A_29, %log3A_27 : vector<64x2048xf32>
      %add3A = arith.addf %neg3A_30, %get3A_16 : vector<64x2048xf32>
      %swap3A = arith.constant 0 : index
      %swap3A_31 = arith.constant 0 : index
      %swap3A_32 = vector.load %arg6[%swap3A, %swap3A_31] : memref<64x2048xf32, #tpu.memory_space<vmem>>, vector<64x2048xf32>
      tpu.vector_store %arg6[%swap3A, %swap3A_31], %add3A {strides = array<i32>} : memref<64x2048xf32, #tpu.memory_space<vmem>>, vector<64x2048xf32>,
      %broadcast_in_dim3A = arith.constant 0 : i32
      %broadcast_in_dim3A_33 = vector.broadcast %broadcast_in_dim3A : i32 to vector<64x2048xi32>
      %swap3A_34 = arith.constant 0 : index
      %swap3A_35 = arith.constant 0 : index
      %swap3A_36 = vector.load %arg7[%swap3A_34, %swap3A_35] : memref<64x2048xi32, #tpu.memory_space<vmem>>, vector<64x2048xi32>
      tpu.vector_store %arg7[%swap3A_34, %swap3A_35], %broadcast_in_dim3A_33 {strides = array<i32>} : memref<64x2048xi32, #tpu.memory_space<vmem>>, vector<64x2048xi32>,
    } else {
    }
    %gt3A = arith.constant 0 : i32
    %gt3A_2 = arith.cmpi sgt, %arg0, %gt3A : i32
    %lt3A = arith.constant 4 : i32
    %lt3A_3 = arith.cmpi slt, %arg0, %lt3A : i32
    %and3A = arith.andi %gt3A_2, %lt3A_3 : i1
    %convert_element_type3A_4 = arith.extui %and3A : i1 to i32
    %cond3A_5 = arith.constant 0 : i32
    %cond3A_6 = arith.cmpi ne, %convert_element_type3A_4, %cond3A_5 : i32
    scf.if %cond3A_6 {
      %get3A = arith.constant 0 : index
      %get3A_12 = arith.constant 0 : index
      %get3A_13 = vector.load %arg2[%get3A, %get3A_12] : memref<64x2048xi32, #tpu.memory_space<vmem>>, vector<64x2048xi32>
      %get3A_14 = arith.constant 0 : index
      %get3A_15 = arith.constant 0 : index
      %get3A_16 = vector.load %arg1[%get3A_14, %get3A_15] : memref<64x2048xf32, #tpu.memory_space<vmem>>, vector<64x2048xf32>
      %shift_right_logical3A = arith.constant 9 : i32
      %shift_right_logical3A_17 = vector.broadcast %shift_right_logical3A : i32 to vector<64x2048xi32>
      %shift_right_logical3A_18 = arith.shrui %get3A_13, %shift_right_logical3A_17 : vector<64x2048xi32>
      %or3A = arith.constant 1065353216 : i32
      %or3A_19 = vector.broadcast %or3A : i32 to vector<64x2048xi32>
      %or3A_20 = arith.ori %shift_right_logical3A_18, %or3A_19 : vector<64x2048xi32>
      %bitcast_convert_type3A = tpu.bitcast %or3A_20 : vector<64x2048xi32> -> vector<64x2048xf32>
      %sub3A = arith.constant 1.000000e+00 : f32
      %sub3A_21 = vector.broadcast %sub3A : f32 to vector<64x2048xf32>
      %sub3A_22 = arith.subf %bitcast_convert_type3A, %sub3A_21 : vector<64x2048xf32>
      %max3A = arith.constant 1.17549435E-38 : f32
      %max3A_23 = vector.broadcast %max3A : f32 to vector<64x2048xf32>
      %max3A_24 = arith.maximumf %sub3A_22, %max3A_23 : vector<64x2048xf32>
      %log3A = math.log %max3A_24 : vector<64x2048xf32>
      %neg3A = arith.constant 0.000000e+00 : f32
      %neg3A_25 = vector.broadcast %neg3A : f32 to vector<64x2048xf32>
      %neg3A_26 = arith.subf %neg3A_25, %log3A : vector<64x2048xf32>
      %log3A_27 = math.log %neg3A_26 : vector<64x2048xf32>
      %neg3A_28 = arith.constant 0.000000e+00 : f32
      %neg3A_29 = vector.broadcast %neg3A_28 : f32 to vector<64x2048xf32>
      %neg3A_30 = arith.subf %neg3A_29, %log3A_27 : vector<64x2048xf32>
      %add3A = arith.addf %neg3A_30, %get3A_16 : vector<64x2048xf32>
      %get3A_31 = arith.constant 0 : index
      %get3A_32 = arith.constant 0 : index
      %get3A_33 = vector.load %arg6[%get3A_31, %get3A_32] : memref<64x2048xf32, #tpu.memory_space<vmem>>, vector<64x2048xf32>
      %gt3A_34 = arith.cmpf ogt, %add3A, %get3A_33 : vector<64x2048xf32>
      %get3A_35 = arith.constant 0 : index
      %get3A_36 = arith.constant 0 : index
      %get3A_37 = vector.load %arg7[%get3A_35, %get3A_36] : memref<64x2048xi32, #tpu.memory_space<vmem>>, vector<64x2048xi32>
      %broadcast_in_dim3A = vector.broadcast %arg0 : i32 to vector<64x2048xi32>
      %select_n3A = arith.select %gt3A_34, %broadcast_in_dim3A, %get3A_37 : vector<64x2048xi1>, vector<64x2048xi32>
      %swap3A = arith.constant 0 : index
      %swap3A_38 = arith.constant 0 : index
      %swap3A_39 = vector.load %arg7[%swap3A, %swap3A_38] : memref<64x2048xi32, #tpu.memory_space<vmem>>, vector<64x2048xi32>
      tpu.vector_store %arg7[%swap3A, %swap3A_38], %select_n3A {strides = array<i32>} : memref<64x2048xi32, #tpu.memory_space<vmem>>, vector<64x2048xi32>,
      %get3A_40 = arith.constant 0 : index
      %get3A_41 = arith.constant 0 : index
      %get3A_42 = vector.load %arg6[%get3A_40, %get3A_41] : memref<64x2048xf32, #tpu.memory_space<vmem>>, vector<64x2048xf32>
      %max3A_43 = arith.maximumf %add3A, %get3A_42 : vector<64x2048xf32>
      %swap3A_44 = arith.constant 0 : index
      %swap3A_45 = arith.constant 0 : index
      %swap3A_46 = vector.load %arg6[%swap3A_44, %swap3A_45] : memref<64x2048xf32, #tpu.memory_space<vmem>>, vector<64x2048xf32>
      tpu.vector_store %arg6[%swap3A_44, %swap3A_45], %max3A_43 {strides = array<i32>} : memref<64x2048xf32, #tpu.memory_space<vmem>>, vector<64x2048xf32>,
    } else {
    }
    %eq3A_7 = arith.constant 4 : i32
    %eq3A_8 = arith.cmpi eq, %arg0, %eq3A_7 : i32
    %convert_element_type3A_9 = arith.extui %eq3A_8 : i1 to i32
    %cond3A_10 = arith.constant 0 : i32
    %cond3A_11 = arith.cmpi ne, %convert_element_type3A_9, %cond3A_10 : i32
    scf.if %cond3A_11 {
      %iota3A = tpu.iota {dimensions = array<i32: 1>} : vector<64x2048xi32>
      %get3A = arith.constant 0 : index
      %get3A_12 = arith.constant 0 : index
      %get3A_13 = vector.load %arg2[%get3A, %get3A_12] : memref<64x2048xi32, #tpu.memory_space<vmem>>, vector<64x2048xi32>
      %get3A_14 = arith.constant 0 : index
      %get3A_15 = arith.constant 0 : index
      %get3A_16 = vector.load %arg1[%get3A_14, %get3A_15] : memref<64x2048xf32, #tpu.memory_space<vmem>>, vector<64x2048xf32>
      %shift_right_logical3A = arith.constant 9 : i32
      %shift_right_logical3A_17 = vector.broadcast %shift_right_logical3A : i32 to vector<64x2048xi32>
      %shift_right_logical3A_18 = arith.shrui %get3A_13, %shift_right_logical3A_17 : vector<64x2048xi32>
      %or3A = arith.constant 1065353216 : i32
      %or3A_19 = vector.broadcast %or3A : i32 to vector<64x2048xi32>
      %or3A_20 = arith.ori %shift_right_logical3A_18, %or3A_19 : vector<64x2048xi32>
      %bitcast_convert_type3A = tpu.bitcast %or3A_20 : vector<64x2048xi32> -> vector<64x2048xf32>
      %sub3A = arith.constant 1.000000e+00 : f32
      %sub3A_21 = vector.broadcast %sub3A : f32 to vector<64x2048xf32>
      %sub3A_22 = arith.subf %bitcast_convert_type3A, %sub3A_21 : vector<64x2048xf32>
      %max3A = arith.constant 1.17549435E-38 : f32
      %max3A_23 = vector.broadcast %max3A : f32 to vector<64x2048xf32>
      %max3A_24 = arith.maximumf %sub3A_22, %max3A_23 : vector<64x2048xf32>
      %log3A = math.log %max3A_24 : vector<64x2048xf32>
      %neg3A = arith.constant 0.000000e+00 : f32
      %neg3A_25 = vector.broadcast %neg3A : f32 to vector<64x2048xf32>
      %neg3A_26 = arith.subf %neg3A_25, %log3A : vector<64x2048xf32>
      %log3A_27 = math.log %neg3A_26 : vector<64x2048xf32>
      %neg3A_28 = arith.constant 0.000000e+00 : f32
      %neg3A_29 = vector.broadcast %neg3A_28 : f32 to vector<64x2048xf32>
      %neg3A_30 = arith.subf %neg3A_29, %log3A_27 : vector<64x2048xf32>
      %add3A = arith.addf %neg3A_30, %get3A_16 : vector<64x2048xf32>
      %mul3A = arith.constant 2048 : i32
      %mul3A_31 = arith.muli %arg0, %mul3A : i32
      %add3A_32 = arith.constant 90112 : i32
      %add3A_33 = arith.addi %add3A_32, %mul3A_31 : i32
      %add3A_34 = vector.broadcast %add3A_33 : i32 to vector<64x2048xi32>
      %add3A_35 = arith.addi %add3A_34, %iota3A : vector<64x2048xi32>
      %lt3A_36 = arith.constant 100000 : i32
      %lt3A_37 = vector.broadcast %lt3A_36 : i32 to vector<64x2048xi32>
      %lt3A_38 = arith.cmpi slt, %add3A_35, %lt3A_37 : vector<64x2048xi32>
      %jit3A = arith.constant 0xFF800000 : f32
      %broadcast_in_dim3A = vector.broadcast %jit3A : f32 to vector<64x2048xf32>
      %select_n3A = arith.select %lt3A_38, %add3A, %broadcast_in_dim3A : vector<64x2048xi1>, vector<64x2048xf32>
      %get3A_39 = arith.constant 0 : index
      %get3A_40 = arith.constant 0 : index
      %get3A_41 = vector.load %arg6[%get3A_39, %get3A_40] : memref<64x2048xf32, #tpu.memory_space<vmem>>, vector<64x2048xf32>
      %gt3A_42 = arith.cmpf ogt, %select_n3A, %get3A_41 : vector<64x2048xf32>
      %get3A_43 = arith.constant 0 : index
      %get3A_44 = arith.constant 0 : index
      %get3A_45 = vector.load %arg7[%get3A_43, %get3A_44] : memref<64x2048xi32, #tpu.memory_space<vmem>>, vector<64x2048xi32>
      %broadcast_in_dim3A_46 = vector.broadcast %arg0 : i32 to vector<64x2048xi32>
      %select_n3A_47 = arith.select %gt3A_42, %broadcast_in_dim3A_46, %get3A_45 : vector<64x2048xi1>, vector<64x2048xi32>
      %get3A_48 = arith.constant 0 : index
      %get3A_49 = arith.constant 0 : index
      %get3A_50 = vector.load %arg6[%get3A_48, %get3A_49] : memref<64x2048xf32, #tpu.memory_space<vmem>>, vector<64x2048xf32>
      %max3A_51 = arith.maximumf %select_n3A, %get3A_50 : vector<64x2048xf32>
      %reduce_max3A = arith.constant dense<0xFF800000> : vector<64xf32>
      %reduce_max3A_52 = vector.multi_reduction <maximumf>, %max3A_51, %reduce_max3A [1] : vector<64x2048xf32> to vector<64xf32>
      %broadcast_in_dim3A_53 = vector.shape_cast %reduce_max3A_52 : vector<64xf32> to vector<64x1xf32>
      %eq3A_54 = vector.broadcast %broadcast_in_dim3A_53 : vector<64x1xf32> to vector<64x2048xf32>
      %eq3A_55 = arith.cmpf oeq, %max3A_51, %eq3A_54 : vector<64x2048xf32>
      %mul3A_56 = arith.constant 2048 : i32
      %mul3A_57 = vector.broadcast %mul3A_56 : i32 to vector<64x2048xi32>
      %mul3A_58 = arith.muli %select_n3A_47, %mul3A_57 : vector<64x2048xi32>
      %add3A_59 = arith.constant 90112 : i32
      %add3A_60 = vector.broadcast %add3A_59 : i32 to vector<64x2048xi32>
      %add3A_61 = arith.addi %add3A_60, %mul3A_58 : vector<64x2048xi32>
      %add3A_62 = arith.addi %add3A_61, %iota3A : vector<64x2048xi32>
      %jit3A_63 = arith.constant 2147483647 : i32
      %broadcast_in_dim3A_64 = vector.broadcast %jit3A_63 : i32 to vector<64x2048xi32>
      %select_n3A_65 = arith.select %eq3A_55, %add3A_62, %broadcast_in_dim3A_64 : vector<64x2048xi1>, vector<64x2048xi32>
      %reduce_min3A = arith.constant dense<2147483647> : vector<64xi32>
      %reduce_min3A_66 = vector.multi_reduction <minsi>, %select_n3A_65, %reduce_min3A [1] : vector<64x2048xi32> to vector<64xi32>
      %broadcast_in_dim3A_67 = vector.shape_cast %reduce_min3A_66 : vector<64xi32> to vector<64x1xi32>
      %get3A_68 = arith.constant 0 : index
      %get3A_69 = arith.constant 0 : index
      %get3A_70 = vector.load %arg3[%get3A_68, %get3A_69] : memref<64x1xf32, #tpu.memory_space<vmem>>, vector<64x1xf32>
      %ge3A = arith.cmpf oge, %get3A_70, %broadcast_in_dim3A_53 : vector<64x1xf32>
      %get3A_71 = arith.constant 0 : index
      %get3A_72 = arith.constant 0 : index
      %get3A_73 = vector.load %arg4[%get3A_71, %get3A_72] : memref<64x1xi32, #tpu.memory_space<vmem>>, vector<64x1xi32>
      %select_n3A_74 = arith.select %ge3A, %get3A_73, %broadcast_in_dim3A_67 : vector<64x1xi1>, vector<64x1xi32>
      %transpose3A = tpu.transpose %select_n3A_74, [1, 0] : vector<64x1xi32> -> vector<1x64xi32>
      %swap3A = arith.constant 0 : index
      %swap3A_75 = arith.constant 0 : index
      %swap3A_76 = vector.load %arg5[%swap3A, %swap3A_75] : memref<1x64xi32, #tpu.memory_space<vmem>>, vector<1x64xi32>
      tpu.vector_store %arg5[%swap3A, %swap3A_75], %transpose3A {strides = array<i32>} : memref<1x64xi32, #tpu.memory_space<vmem>>, vector<1x64xi32>,
    } else {
    }
    return
  }
  func.func @transform_0(%arg0: i32) -> (i32, i32) {
    %add3A = arith.constant 44 : i32
    %add3A_0 = arith.addi %arg0, %add3A : i32
    %c0_i32 = arith.constant 0 : i32
    %c0_i32_1 = arith.constant 0 : i32
    return %c0_i32, %add3A_0 : i32, i32
  }
  func.func @transform_1(%arg0: i32) -> (i32, i32) {
    %c0_i32 = arith.constant 0 : i32
    %c0_i32_0 = arith.constant 0 : i32
    return %c0_i32, %arg0 : i32, i32
  }
  func.func @transform_2(%arg0: i32) -> (i32, i32) {
    %c0_i32 = arith.constant 0 : i32
    %c0_i32_0 = arith.constant 0 : i32
    %c0_i32_1 = arith.constant 0 : i32
    return %c0_i32, %c0_i32_0 : i32, i32
  }
  func.func @transform_3(%arg0: i32) -> (i32, i32) {
    %c0_i32 = arith.constant 0 : i32
    %c0_i32_0 = arith.constant 0 : i32
    %c0_i32_1 = arith.constant 0 : i32
    return %c0_i32, %c0_i32_0 : i32, i32
  }
  func.func @transform_4(%arg0: i32) -> (i32, i32) {
    %c0_i32 = arith.constant 0 : i32
    %c0_i32_0 = arith.constant 0 : i32
    %c0_i32_1 = arith.constant 0 : i32
    return %c0_i32, %c0_i32_0 : i32, i32
  }
}

module attributes {stable_mosaic.version = 14 : i64} {
  func.func @_head_kernel(%arg0: i32, %arg1: memref<64x2048xf32, #tpu.memory_space<vmem>>, %arg2: memref<64x1xf32, #tpu.memory_space<vmem>>, %arg3: memref<64x1xi32, #tpu.memory_space<vmem>>, %arg4: memref<64x2048xi32, #tpu.memory_space<vmem>>, %arg5: memref<64x2048xf32, #tpu.memory_space<vmem>>, %arg6: memref<64x2048xi32, #tpu.memory_space<vmem>>) attributes {dimension_semantics = [#tpu.dimension_semantics<arbitrary>], iteration_bounds = array<i64: 44>, scalar_prefetch = 0 : i64, scratch_operands = 3 : i64, tpu.core_type = #tpu.core_type<tc>, window_params = [{transform_indices = @transform_0, window_bounds = array<i64: 64, 2048>}, {pipeline_mode = #tpu.pipeline_mode<synchronous>, transform_indices = @transform_1, window_bounds = array<i64: 64, 1>}, {pipeline_mode = #tpu.pipeline_mode<synchronous>, transform_indices = @transform_2, window_bounds = array<i64: 64, 1>}]} {
    %eq3A = arith.constant 0 : i32
    %eq3A_0 = arith.cmpi eq, %arg0, %eq3A : i32
    %convert_element_type3A = arith.extui %eq3A_0 : i1 to i32
    %cond3A = arith.constant 0 : i32
    %cond3A_1 = arith.cmpi ne, %convert_element_type3A, %cond3A : i32
    scf.if %cond3A_1 {
      %iota3A = tpu.iota {dimensions = array<i32: 1>} : vector<64x2048xi32>
      %iota3A_11 = tpu.iota {dimensions = array<i32: 0>} : vector<64x2048xi32>
      %mul3A = arith.constant 100000 : i32
      %mul3A_12 = vector.broadcast %mul3A : i32 to vector<64x2048xi32>
      %mul3A_13 = arith.muli %iota3A_11, %mul3A_12 : vector<64x2048xi32>
      %add3A = arith.addi %mul3A_13, %iota3A : vector<64x2048xi32>
      %add3A_14 = arith.constant 42 : i32
      %add3A_15 = vector.broadcast %add3A_14 : i32 to vector<64x2048xi32>
      %add3A_16 = arith.addi %add3A, %add3A_15 : vector<64x2048xi32>
      %swap3A = arith.constant 0 : index
      %swap3A_17 = arith.constant 0 : index
      %swap3A_18 = vector.load %arg4[%swap3A, %swap3A_17] : memref<64x2048xi32, #tpu.memory_space<vmem>>, vector<64x2048xi32>
      tpu.vector_store %arg4[%swap3A, %swap3A_17], %add3A_16 {strides = array<i32>} : memref<64x2048xi32, #tpu.memory_space<vmem>>, vector<64x2048xi32>,
      %get3A = arith.constant 0 : index
      %get3A_19 = arith.constant 0 : index
      %get3A_20 = vector.load %arg1[%get3A, %get3A_19] : memref<64x2048xf32, #tpu.memory_space<vmem>>, vector<64x2048xf32>
      %shift_left3A = arith.constant 13 : i32
      %shift_left3A_21 = vector.broadcast %shift_left3A : i32 to vector<64x2048xi32>
      %shift_left3A_22 = arith.shli %add3A_16, %shift_left3A_21 : vector<64x2048xi32>
      %shift_right_logical3A = arith.constant 19 : i32
      %shift_right_logical3A_23 = vector.broadcast %shift_right_logical3A : i32 to vector<64x2048xi32>
      %shift_right_logical3A_24 = arith.shrui %add3A_16, %shift_right_logical3A_23 : vector<64x2048xi32>
      %or3A = arith.ori %shift_left3A_22, %shift_right_logical3A_24 : vector<64x2048xi32>
      %xor3A = arith.xori %add3A_16, %or3A : vector<64x2048xi32>
      %add3A_25 = arith.addi %add3A_16, %xor3A : vector<64x2048xi32>
      %shift_left3A_26 = arith.constant 15 : i32
      %shift_left3A_27 = vector.broadcast %shift_left3A_26 : i32 to vector<64x2048xi32>
      %shift_left3A_28 = arith.shli %xor3A, %shift_left3A_27 : vector<64x2048xi32>
      %shift_right_logical3A_29 = arith.constant 17 : i32
      %shift_right_logical3A_30 = vector.broadcast %shift_right_logical3A_29 : i32 to vector<64x2048xi32>
      %shift_right_logical3A_31 = arith.shrui %xor3A, %shift_right_logical3A_30 : vector<64x2048xi32>
      %or3A_32 = arith.ori %shift_left3A_28, %shift_right_logical3A_31 : vector<64x2048xi32>
      %xor3A_33 = arith.xori %add3A_25, %or3A_32 : vector<64x2048xi32>
      %add3A_34 = arith.addi %add3A_25, %xor3A_33 : vector<64x2048xi32>
      %shift_left3A_35 = arith.constant 26 : i32
      %shift_left3A_36 = vector.broadcast %shift_left3A_35 : i32 to vector<64x2048xi32>
      %shift_left3A_37 = arith.shli %xor3A_33, %shift_left3A_36 : vector<64x2048xi32>
      %shift_right_logical3A_38 = arith.constant 6 : i32
      %shift_right_logical3A_39 = vector.broadcast %shift_right_logical3A_38 : i32 to vector<64x2048xi32>
      %shift_right_logical3A_40 = arith.shrui %xor3A_33, %shift_right_logical3A_39 : vector<64x2048xi32>
      %or3A_41 = arith.ori %shift_left3A_37, %shift_right_logical3A_40 : vector<64x2048xi32>
      %xor3A_42 = arith.xori %add3A_34, %or3A_41 : vector<64x2048xi32>
      %add3A_43 = arith.addi %add3A_34, %xor3A_42 : vector<64x2048xi32>
      %shift_left3A_44 = arith.constant 6 : i32
      %shift_left3A_45 = vector.broadcast %shift_left3A_44 : i32 to vector<64x2048xi32>
      %shift_left3A_46 = arith.shli %xor3A_42, %shift_left3A_45 : vector<64x2048xi32>
      %shift_right_logical3A_47 = arith.constant 26 : i32
      %shift_right_logical3A_48 = vector.broadcast %shift_right_logical3A_47 : i32 to vector<64x2048xi32>
      %shift_right_logical3A_49 = arith.shrui %xor3A_42, %shift_right_logical3A_48 : vector<64x2048xi32>
      %or3A_50 = arith.ori %shift_left3A_46, %shift_right_logical3A_49 : vector<64x2048xi32>
      %xor3A_51 = arith.xori %add3A_43, %or3A_50 : vector<64x2048xi32>
      %add3A_52 = arith.constant 42 : i32
      %add3A_53 = vector.broadcast %add3A_52 : i32 to vector<64x2048xi32>
      %add3A_54 = arith.addi %add3A_43, %add3A_53 : vector<64x2048xi32>
      %add3A_55 = arith.constant 466689009 : i32
      %add3A_56 = vector.broadcast %add3A_55 : i32 to vector<64x2048xi32>
      %add3A_57 = arith.addi %xor3A_51, %add3A_56 : vector<64x2048xi32>
      %add3A_58 = arith.addi %add3A_54, %add3A_57 : vector<64x2048xi32>
      %shift_left3A_59 = arith.constant 17 : i32
      %shift_left3A_60 = vector.broadcast %shift_left3A_59 : i32 to vector<64x2048xi32>
      %shift_left3A_61 = arith.shli %add3A_57, %shift_left3A_60 : vector<64x2048xi32>
      %shift_right_logical3A_62 = arith.constant 15 : i32
      %shift_right_logical3A_63 = vector.broadcast %shift_right_logical3A_62 : i32 to vector<64x2048xi32>
      %shift_right_logical3A_64 = arith.shrui %add3A_57, %shift_right_logical3A_63 : vector<64x2048xi32>
      %or3A_65 = arith.ori %shift_left3A_61, %shift_right_logical3A_64 : vector<64x2048xi32>
      %xor3A_66 = arith.xori %add3A_58, %or3A_65 : vector<64x2048xi32>
      %add3A_67 = arith.addi %add3A_58, %xor3A_66 : vector<64x2048xi32>
      %shift_left3A_68 = arith.constant 29 : i32
      %shift_left3A_69 = vector.broadcast %shift_left3A_68 : i32 to vector<64x2048xi32>
      %shift_left3A_70 = arith.shli %xor3A_66, %shift_left3A_69 : vector<64x2048xi32>
      %shift_right_logical3A_71 = arith.constant 3 : i32
      %shift_right_logical3A_72 = vector.broadcast %shift_right_logical3A_71 : i32 to vector<64x2048xi32>
      %shift_right_logical3A_73 = arith.shrui %xor3A_66, %shift_right_logical3A_72 : vector<64x2048xi32>
      %or3A_74 = arith.ori %shift_left3A_70, %shift_right_logical3A_73 : vector<64x2048xi32>
      %xor3A_75 = arith.xori %add3A_67, %or3A_74 : vector<64x2048xi32>
      %add3A_76 = arith.addi %add3A_67, %xor3A_75 : vector<64x2048xi32>
      %shift_left3A_77 = arith.constant 16 : i32
      %shift_left3A_78 = vector.broadcast %shift_left3A_77 : i32 to vector<64x2048xi32>
      %shift_left3A_79 = arith.shli %xor3A_75, %shift_left3A_78 : vector<64x2048xi32>
      %shift_right_logical3A_80 = arith.constant 16 : i32
      %shift_right_logical3A_81 = vector.broadcast %shift_right_logical3A_80 : i32 to vector<64x2048xi32>
      %shift_right_logical3A_82 = arith.shrui %xor3A_75, %shift_right_logical3A_81 : vector<64x2048xi32>
      %or3A_83 = arith.ori %shift_left3A_79, %shift_right_logical3A_82 : vector<64x2048xi32>
      %xor3A_84 = arith.xori %add3A_76, %or3A_83 : vector<64x2048xi32>
      %add3A_85 = arith.addi %add3A_76, %xor3A_84 : vector<64x2048xi32>
      %shift_left3A_86 = arith.constant 24 : i32
      %shift_left3A_87 = vector.broadcast %shift_left3A_86 : i32 to vector<64x2048xi32>
      %shift_left3A_88 = arith.shli %xor3A_84, %shift_left3A_87 : vector<64x2048xi32>
      %shift_right_logical3A_89 = arith.constant 8 : i32
      %shift_right_logical3A_90 = vector.broadcast %shift_right_logical3A_89 : i32 to vector<64x2048xi32>
      %shift_right_logical3A_91 = arith.shrui %xor3A_84, %shift_right_logical3A_90 : vector<64x2048xi32>
      %or3A_92 = arith.ori %shift_left3A_88, %shift_right_logical3A_91 : vector<64x2048xi32>
      %xor3A_93 = arith.xori %add3A_85, %or3A_92 : vector<64x2048xi32>
      %add3A_94 = arith.constant 466689008 : i32
      %add3A_95 = vector.broadcast %add3A_94 : i32 to vector<64x2048xi32>
      %add3A_96 = arith.addi %add3A_85, %add3A_95 : vector<64x2048xi32>
      %add3A_97 = arith.constant 2 : i32
      %add3A_98 = vector.broadcast %add3A_97 : i32 to vector<64x2048xi32>
      %add3A_99 = arith.addi %xor3A_93, %add3A_98 : vector<64x2048xi32>
      %add3A_100 = arith.addi %add3A_96, %add3A_99 : vector<64x2048xi32>
      %shift_left3A_101 = arith.constant 13 : i32
      %shift_left3A_102 = vector.broadcast %shift_left3A_101 : i32 to vector<64x2048xi32>
      %shift_left3A_103 = arith.shli %add3A_99, %shift_left3A_102 : vector<64x2048xi32>
      %shift_right_logical3A_104 = arith.constant 19 : i32
      %shift_right_logical3A_105 = vector.broadcast %shift_right_logical3A_104 : i32 to vector<64x2048xi32>
      %shift_right_logical3A_106 = arith.shrui %add3A_99, %shift_right_logical3A_105 : vector<64x2048xi32>
      %or3A_107 = arith.ori %shift_left3A_103, %shift_right_logical3A_106 : vector<64x2048xi32>
      %xor3A_108 = arith.xori %add3A_100, %or3A_107 : vector<64x2048xi32>
      %add3A_109 = arith.addi %add3A_100, %xor3A_108 : vector<64x2048xi32>
      %shift_left3A_110 = arith.constant 15 : i32
      %shift_left3A_111 = vector.broadcast %shift_left3A_110 : i32 to vector<64x2048xi32>
      %shift_left3A_112 = arith.shli %xor3A_108, %shift_left3A_111 : vector<64x2048xi32>
      %shift_right_logical3A_113 = arith.constant 17 : i32
      %shift_right_logical3A_114 = vector.broadcast %shift_right_logical3A_113 : i32 to vector<64x2048xi32>
      %shift_right_logical3A_115 = arith.shrui %xor3A_108, %shift_right_logical3A_114 : vector<64x2048xi32>
      %or3A_116 = arith.ori %shift_left3A_112, %shift_right_logical3A_115 : vector<64x2048xi32>
      %xor3A_117 = arith.xori %add3A_109, %or3A_116 : vector<64x2048xi32>
      %add3A_118 = arith.addi %add3A_109, %xor3A_117 : vector<64x2048xi32>
      %shift_left3A_119 = arith.constant 26 : i32
      %shift_left3A_120 = vector.broadcast %shift_left3A_119 : i32 to vector<64x2048xi32>
      %shift_left3A_121 = arith.shli %xor3A_117, %shift_left3A_120 : vector<64x2048xi32>
      %shift_right_logical3A_122 = arith.constant 6 : i32
      %shift_right_logical3A_123 = vector.broadcast %shift_right_logical3A_122 : i32 to vector<64x2048xi32>
      %shift_right_logical3A_124 = arith.shrui %xor3A_117, %shift_right_logical3A_123 : vector<64x2048xi32>
      %or3A_125 = arith.ori %shift_left3A_121, %shift_right_logical3A_124 : vector<64x2048xi32>
      %xor3A_126 = arith.xori %add3A_118, %or3A_125 : vector<64x2048xi32>
      %add3A_127 = arith.addi %add3A_118, %xor3A_126 : vector<64x2048xi32>
      %shift_left3A_128 = arith.constant 6 : i32
      %shift_left3A_129 = vector.broadcast %shift_left3A_128 : i32 to vector<64x2048xi32>
      %shift_left3A_130 = arith.shli %xor3A_126, %shift_left3A_129 : vector<64x2048xi32>
      %shift_right_logical3A_131 = arith.constant 26 : i32
      %shift_right_logical3A_132 = vector.broadcast %shift_right_logical3A_131 : i32 to vector<64x2048xi32>
      %shift_right_logical3A_133 = arith.shrui %xor3A_126, %shift_right_logical3A_132 : vector<64x2048xi32>
      %or3A_134 = arith.ori %shift_left3A_130, %shift_right_logical3A_133 : vector<64x2048xi32>
      %xor3A_135 = arith.xori %add3A_127, %or3A_134 : vector<64x2048xi32>
      %add3A_136 = arith.constant 0 : i32
      %add3A_137 = vector.broadcast %add3A_136 : i32 to vector<64x2048xi32>
      %add3A_138 = arith.addi %add3A_127, %add3A_137 : vector<64x2048xi32>
      %add3A_139 = arith.constant 45 : i32
      %add3A_140 = vector.broadcast %add3A_139 : i32 to vector<64x2048xi32>
      %add3A_141 = arith.addi %xor3A_135, %add3A_140 : vector<64x2048xi32>
      %add3A_142 = arith.addi %add3A_138, %add3A_141 : vector<64x2048xi32>
      %shift_left3A_143 = arith.constant 17 : i32
      %shift_left3A_144 = vector.broadcast %shift_left3A_143 : i32 to vector<64x2048xi32>
      %shift_left3A_145 = arith.shli %add3A_141, %shift_left3A_144 : vector<64x2048xi32>
      %shift_right_logical3A_146 = arith.constant 15 : i32
      %shift_right_logical3A_147 = vector.broadcast %shift_right_logical3A_146 : i32 to vector<64x2048xi32>
      %shift_right_logical3A_148 = arith.shrui %add3A_141, %shift_right_logical3A_147 : vector<64x2048xi32>
      %or3A_149 = arith.ori %shift_left3A_145, %shift_right_logical3A_148 : vector<64x2048xi32>
      %xor3A_150 = arith.xori %add3A_142, %or3A_149 : vector<64x2048xi32>
      %add3A_151 = arith.addi %add3A_142, %xor3A_150 : vector<64x2048xi32>
      %shift_left3A_152 = arith.constant 29 : i32
      %shift_left3A_153 = vector.broadcast %shift_left3A_152 : i32 to vector<64x2048xi32>
      %shift_left3A_154 = arith.shli %xor3A_150, %shift_left3A_153 : vector<64x2048xi32>
      %shift_right_logical3A_155 = arith.constant 3 : i32
      %shift_right_logical3A_156 = vector.broadcast %shift_right_logical3A_155 : i32 to vector<64x2048xi32>
      %shift_right_logical3A_157 = arith.shrui %xor3A_150, %shift_right_logical3A_156 : vector<64x2048xi32>
      %or3A_158 = arith.ori %shift_left3A_154, %shift_right_logical3A_157 : vector<64x2048xi32>
      %xor3A_159 = arith.xori %add3A_151, %or3A_158 : vector<64x2048xi32>
      %add3A_160 = arith.addi %add3A_151, %xor3A_159 : vector<64x2048xi32>
      %shift_left3A_161 = arith.constant 16 : i32
      %shift_left3A_162 = vector.broadcast %shift_left3A_161 : i32 to vector<64x2048xi32>
      %shift_left3A_163 = arith.shli %xor3A_159, %shift_left3A_162 : vector<64x2048xi32>
      %shift_right_logical3A_164 = arith.constant 16 : i32
      %shift_right_logical3A_165 = vector.broadcast %shift_right_logical3A_164 : i32 to vector<64x2048xi32>
      %shift_right_logical3A_166 = arith.shrui %xor3A_159, %shift_right_logical3A_165 : vector<64x2048xi32>
      %or3A_167 = arith.ori %shift_left3A_163, %shift_right_logical3A_166 : vector<64x2048xi32>
      %xor3A_168 = arith.xori %add3A_160, %or3A_167 : vector<64x2048xi32>
      %add3A_169 = arith.addi %add3A_160, %xor3A_168 : vector<64x2048xi32>
      %shift_left3A_170 = arith.constant 24 : i32
      %shift_left3A_171 = vector.broadcast %shift_left3A_170 : i32 to vector<64x2048xi32>
      %shift_left3A_172 = arith.shli %xor3A_168, %shift_left3A_171 : vector<64x2048xi32>
      %shift_right_logical3A_173 = arith.constant 8 : i32
      %shift_right_logical3A_174 = vector.broadcast %shift_right_logical3A_173 : i32 to vector<64x2048xi32>
      %shift_right_logical3A_175 = arith.shrui %xor3A_168, %shift_right_logical3A_174 : vector<64x2048xi32>
      %or3A_176 = arith.ori %shift_left3A_172, %shift_right_logical3A_175 : vector<64x2048xi32>
      %xor3A_177 = arith.xori %add3A_169, %or3A_176 : vector<64x2048xi32>
      %add3A_178 = arith.constant 42 : i32
      %add3A_179 = vector.broadcast %add3A_178 : i32 to vector<64x2048xi32>
      %add3A_180 = arith.addi %add3A_169, %add3A_179 : vector<64x2048xi32>
      %add3A_181 = arith.constant 466689012 : i32
      %add3A_182 = vector.broadcast %add3A_181 : i32 to vector<64x2048xi32>
      %add3A_183 = arith.addi %xor3A_177, %add3A_182 : vector<64x2048xi32>
      %add3A_184 = arith.addi %add3A_180, %add3A_183 : vector<64x2048xi32>
      %shift_left3A_185 = arith.constant 13 : i32
      %shift_left3A_186 = vector.broadcast %shift_left3A_185 : i32 to vector<64x2048xi32>
      %shift_left3A_187 = arith.shli %add3A_183, %shift_left3A_186 : vector<64x2048xi32>
      %shift_right_logical3A_188 = arith.constant 19 : i32
      %shift_right_logical3A_189 = vector.broadcast %shift_right_logical3A_188 : i32 to vector<64x2048xi32>
      %shift_right_logical3A_190 = arith.shrui %add3A_183, %shift_right_logical3A_189 : vector<64x2048xi32>
      %or3A_191 = arith.ori %shift_left3A_187, %shift_right_logical3A_190 : vector<64x2048xi32>
      %xor3A_192 = arith.xori %add3A_184, %or3A_191 : vector<64x2048xi32>
      %add3A_193 = arith.addi %add3A_184, %xor3A_192 : vector<64x2048xi32>
      %shift_left3A_194 = arith.constant 15 : i32
      %shift_left3A_195 = vector.broadcast %shift_left3A_194 : i32 to vector<64x2048xi32>
      %shift_left3A_196 = arith.shli %xor3A_192, %shift_left3A_195 : vector<64x2048xi32>
      %shift_right_logical3A_197 = arith.constant 17 : i32
      %shift_right_logical3A_198 = vector.broadcast %shift_right_logical3A_197 : i32 to vector<64x2048xi32>
      %shift_right_logical3A_199 = arith.shrui %xor3A_192, %shift_right_logical3A_198 : vector<64x2048xi32>
      %or3A_200 = arith.ori %shift_left3A_196, %shift_right_logical3A_199 : vector<64x2048xi32>
      %xor3A_201 = arith.xori %add3A_193, %or3A_200 : vector<64x2048xi32>
      %add3A_202 = arith.addi %add3A_193, %xor3A_201 : vector<64x2048xi32>
      %shift_left3A_203 = arith.constant 26 : i32
      %shift_left3A_204 = vector.broadcast %shift_left3A_203 : i32 to vector<64x2048xi32>
      %shift_left3A_205 = arith.shli %xor3A_201, %shift_left3A_204 : vector<64x2048xi32>
      %shift_right_logical3A_206 = arith.constant 6 : i32
      %shift_right_logical3A_207 = vector.broadcast %shift_right_logical3A_206 : i32 to vector<64x2048xi32>
      %shift_right_logical3A_208 = arith.shrui %xor3A_201, %shift_right_logical3A_207 : vector<64x2048xi32>
      %or3A_209 = arith.ori %shift_left3A_205, %shift_right_logical3A_208 : vector<64x2048xi32>
      %xor3A_210 = arith.xori %add3A_202, %or3A_209 : vector<64x2048xi32>
      %add3A_211 = arith.addi %add3A_202, %xor3A_210 : vector<64x2048xi32>
      %shift_left3A_212 = arith.constant 6 : i32
      %shift_left3A_213 = vector.broadcast %shift_left3A_212 : i32 to vector<64x2048xi32>
      %shift_left3A_214 = arith.shli %xor3A_210, %shift_left3A_213 : vector<64x2048xi32>
      %shift_right_logical3A_215 = arith.constant 26 : i32
      %shift_right_logical3A_216 = vector.broadcast %shift_right_logical3A_215 : i32 to vector<64x2048xi32>
      %shift_right_logical3A_217 = arith.shrui %xor3A_210, %shift_right_logical3A_216 : vector<64x2048xi32>
      %or3A_218 = arith.ori %shift_left3A_214, %shift_right_logical3A_217 : vector<64x2048xi32>
      %xor3A_219 = arith.xori %add3A_211, %or3A_218 : vector<64x2048xi32>
      %add3A_220 = arith.constant 466689008 : i32
      %add3A_221 = vector.broadcast %add3A_220 : i32 to vector<64x2048xi32>
      %add3A_222 = arith.addi %add3A_211, %add3A_221 : vector<64x2048xi32>
      %add3A_223 = arith.constant 5 : i32
      %add3A_224 = vector.broadcast %add3A_223 : i32 to vector<64x2048xi32>
      %add3A_225 = arith.addi %xor3A_219, %add3A_224 : vector<64x2048xi32>
      %xor3A_226 = arith.xori %add3A_222, %add3A_225 : vector<64x2048xi32>
      %shift_right_logical3A_227 = arith.constant 9 : i32
      %shift_right_logical3A_228 = vector.broadcast %shift_right_logical3A_227 : i32 to vector<64x2048xi32>
      %shift_right_logical3A_229 = arith.shrui %xor3A_226, %shift_right_logical3A_228 : vector<64x2048xi32>
      %or3A_230 = arith.constant 1065353216 : i32
      %or3A_231 = vector.broadcast %or3A_230 : i32 to vector<64x2048xi32>
      %or3A_232 = arith.ori %shift_right_logical3A_229, %or3A_231 : vector<64x2048xi32>
      %bitcast_convert_type3A = tpu.bitcast %or3A_232 : vector<64x2048xi32> -> vector<64x2048xf32>
      %sub3A = arith.constant 1.000000e+00 : f32
      %sub3A_233 = vector.broadcast %sub3A : f32 to vector<64x2048xf32>
      %sub3A_234 = arith.subf %bitcast_convert_type3A, %sub3A_233 : vector<64x2048xf32>
      %max3A = arith.constant 1.17549435E-38 : f32
      %max3A_235 = vector.broadcast %max3A : f32 to vector<64x2048xf32>
      %max3A_236 = arith.maximumf %sub3A_234, %max3A_235 : vector<64x2048xf32>
      %log3A = math.log %max3A_236 : vector<64x2048xf32>
      %neg3A = arith.constant 0.000000e+00 : f32
      %neg3A_237 = vector.broadcast %neg3A : f32 to vector<64x2048xf32>
      %neg3A_238 = arith.subf %neg3A_237, %log3A : vector<64x2048xf32>
      %log3A_239 = math.log %neg3A_238 : vector<64x2048xf32>
      %neg3A_240 = arith.constant 0.000000e+00 : f32
      %neg3A_241 = vector.broadcast %neg3A_240 : f32 to vector<64x2048xf32>
      %neg3A_242 = arith.subf %neg3A_241, %log3A_239 : vector<64x2048xf32>
      %add3A_243 = arith.addf %neg3A_242, %get3A_20 : vector<64x2048xf32>
      %swap3A_244 = arith.constant 0 : index
      %swap3A_245 = arith.constant 0 : index
      %swap3A_246 = vector.load %arg5[%swap3A_244, %swap3A_245] : memref<64x2048xf32, #tpu.memory_space<vmem>>, vector<64x2048xf32>
      tpu.vector_store %arg5[%swap3A_244, %swap3A_245], %add3A_243 {strides = array<i32>} : memref<64x2048xf32, #tpu.memory_space<vmem>>, vector<64x2048xf32>,
      %broadcast_in_dim3A = arith.constant 0 : i32
      %broadcast_in_dim3A_247 = vector.broadcast %broadcast_in_dim3A : i32 to vector<64x2048xi32>
      %swap3A_248 = arith.constant 0 : index
      %swap3A_249 = arith.constant 0 : index
      %swap3A_250 = vector.load %arg6[%swap3A_248, %swap3A_249] : memref<64x2048xi32, #tpu.memory_space<vmem>>, vector<64x2048xi32>
      tpu.vector_store %arg6[%swap3A_248, %swap3A_249], %broadcast_in_dim3A_247 {strides = array<i32>} : memref<64x2048xi32, #tpu.memory_space<vmem>>, vector<64x2048xi32>,
    } else {
    }
    %gt3A = arith.constant 0 : i32
    %gt3A_2 = arith.cmpi sgt, %arg0, %gt3A : i32
    %convert_element_type3A_3 = arith.extui %gt3A_2 : i1 to i32
    %cond3A_4 = arith.constant 0 : i32
    %cond3A_5 = arith.cmpi ne, %convert_element_type3A_3, %cond3A_4 : i32
    scf.if %cond3A_5 {
      %get3A = arith.constant 0 : index
      %get3A_11 = arith.constant 0 : index
      %get3A_12 = vector.load %arg1[%get3A, %get3A_11] : memref<64x2048xf32, #tpu.memory_space<vmem>>, vector<64x2048xf32>
      %get3A_13 = arith.constant 0 : index
      %get3A_14 = arith.constant 0 : index
      %get3A_15 = vector.load %arg4[%get3A_13, %get3A_14] : memref<64x2048xi32, #tpu.memory_space<vmem>>, vector<64x2048xi32>
      %mul3A = arith.constant 2048 : i32
      %mul3A_16 = arith.muli %arg0, %mul3A : i32
      %add3A = vector.broadcast %mul3A_16 : i32 to vector<64x2048xi32>
      %add3A_17 = arith.addi %get3A_15, %add3A : vector<64x2048xi32>
      %shift_left3A = arith.constant 13 : i32
      %shift_left3A_18 = vector.broadcast %shift_left3A : i32 to vector<64x2048xi32>
      %shift_left3A_19 = arith.shli %add3A_17, %shift_left3A_18 : vector<64x2048xi32>
      %shift_right_logical3A = arith.constant 19 : i32
      %shift_right_logical3A_20 = vector.broadcast %shift_right_logical3A : i32 to vector<64x2048xi32>
      %shift_right_logical3A_21 = arith.shrui %add3A_17, %shift_right_logical3A_20 : vector<64x2048xi32>
      %or3A = arith.ori %shift_left3A_19, %shift_right_logical3A_21 : vector<64x2048xi32>
      %xor3A = arith.xori %add3A_17, %or3A : vector<64x2048xi32>
      %add3A_22 = arith.addi %add3A_17, %xor3A : vector<64x2048xi32>
      %shift_left3A_23 = arith.constant 15 : i32
      %shift_left3A_24 = vector.broadcast %shift_left3A_23 : i32 to vector<64x2048xi32>
      %shift_left3A_25 = arith.shli %xor3A, %shift_left3A_24 : vector<64x2048xi32>
      %shift_right_logical3A_26 = arith.constant 17 : i32
      %shift_right_logical3A_27 = vector.broadcast %shift_right_logical3A_26 : i32 to vector<64x2048xi32>
      %shift_right_logical3A_28 = arith.shrui %xor3A, %shift_right_logical3A_27 : vector<64x2048xi32>
      %or3A_29 = arith.ori %shift_left3A_25, %shift_right_logical3A_28 : vector<64x2048xi32>
      %xor3A_30 = arith.xori %add3A_22, %or3A_29 : vector<64x2048xi32>
      %add3A_31 = arith.addi %add3A_22, %xor3A_30 : vector<64x2048xi32>
      %shift_left3A_32 = arith.constant 26 : i32
      %shift_left3A_33 = vector.broadcast %shift_left3A_32 : i32 to vector<64x2048xi32>
      %shift_left3A_34 = arith.shli %xor3A_30, %shift_left3A_33 : vector<64x2048xi32>
      %shift_right_logical3A_35 = arith.constant 6 : i32
      %shift_right_logical3A_36 = vector.broadcast %shift_right_logical3A_35 : i32 to vector<64x2048xi32>
      %shift_right_logical3A_37 = arith.shrui %xor3A_30, %shift_right_logical3A_36 : vector<64x2048xi32>
      %or3A_38 = arith.ori %shift_left3A_34, %shift_right_logical3A_37 : vector<64x2048xi32>
      %xor3A_39 = arith.xori %add3A_31, %or3A_38 : vector<64x2048xi32>
      %add3A_40 = arith.addi %add3A_31, %xor3A_39 : vector<64x2048xi32>
      %shift_left3A_41 = arith.constant 6 : i32
      %shift_left3A_42 = vector.broadcast %shift_left3A_41 : i32 to vector<64x2048xi32>
      %shift_left3A_43 = arith.shli %xor3A_39, %shift_left3A_42 : vector<64x2048xi32>
      %shift_right_logical3A_44 = arith.constant 26 : i32
      %shift_right_logical3A_45 = vector.broadcast %shift_right_logical3A_44 : i32 to vector<64x2048xi32>
      %shift_right_logical3A_46 = arith.shrui %xor3A_39, %shift_right_logical3A_45 : vector<64x2048xi32>
      %or3A_47 = arith.ori %shift_left3A_43, %shift_right_logical3A_46 : vector<64x2048xi32>
      %xor3A_48 = arith.xori %add3A_40, %or3A_47 : vector<64x2048xi32>
      %add3A_49 = arith.constant 42 : i32
      %add3A_50 = vector.broadcast %add3A_49 : i32 to vector<64x2048xi32>
      %add3A_51 = arith.addi %add3A_40, %add3A_50 : vector<64x2048xi32>
      %add3A_52 = arith.constant 466689009 : i32
      %add3A_53 = vector.broadcast %add3A_52 : i32 to vector<64x2048xi32>
      %add3A_54 = arith.addi %xor3A_48, %add3A_53 : vector<64x2048xi32>
      %add3A_55 = arith.addi %add3A_51, %add3A_54 : vector<64x2048xi32>
      %shift_left3A_56 = arith.constant 17 : i32
      %shift_left3A_57 = vector.broadcast %shift_left3A_56 : i32 to vector<64x2048xi32>
      %shift_left3A_58 = arith.shli %add3A_54, %shift_left3A_57 : vector<64x2048xi32>
      %shift_right_logical3A_59 = arith.constant 15 : i32
      %shift_right_logical3A_60 = vector.broadcast %shift_right_logical3A_59 : i32 to vector<64x2048xi32>
      %shift_right_logical3A_61 = arith.shrui %add3A_54, %shift_right_logical3A_60 : vector<64x2048xi32>
      %or3A_62 = arith.ori %shift_left3A_58, %shift_right_logical3A_61 : vector<64x2048xi32>
      %xor3A_63 = arith.xori %add3A_55, %or3A_62 : vector<64x2048xi32>
      %add3A_64 = arith.addi %add3A_55, %xor3A_63 : vector<64x2048xi32>
      %shift_left3A_65 = arith.constant 29 : i32
      %shift_left3A_66 = vector.broadcast %shift_left3A_65 : i32 to vector<64x2048xi32>
      %shift_left3A_67 = arith.shli %xor3A_63, %shift_left3A_66 : vector<64x2048xi32>
      %shift_right_logical3A_68 = arith.constant 3 : i32
      %shift_right_logical3A_69 = vector.broadcast %shift_right_logical3A_68 : i32 to vector<64x2048xi32>
      %shift_right_logical3A_70 = arith.shrui %xor3A_63, %shift_right_logical3A_69 : vector<64x2048xi32>
      %or3A_71 = arith.ori %shift_left3A_67, %shift_right_logical3A_70 : vector<64x2048xi32>
      %xor3A_72 = arith.xori %add3A_64, %or3A_71 : vector<64x2048xi32>
      %add3A_73 = arith.addi %add3A_64, %xor3A_72 : vector<64x2048xi32>
      %shift_left3A_74 = arith.constant 16 : i32
      %shift_left3A_75 = vector.broadcast %shift_left3A_74 : i32 to vector<64x2048xi32>
      %shift_left3A_76 = arith.shli %xor3A_72, %shift_left3A_75 : vector<64x2048xi32>
      %shift_right_logical3A_77 = arith.constant 16 : i32
      %shift_right_logical3A_78 = vector.broadcast %shift_right_logical3A_77 : i32 to vector<64x2048xi32>
      %shift_right_logical3A_79 = arith.shrui %xor3A_72, %shift_right_logical3A_78 : vector<64x2048xi32>
      %or3A_80 = arith.ori %shift_left3A_76, %shift_right_logical3A_79 : vector<64x2048xi32>
      %xor3A_81 = arith.xori %add3A_73, %or3A_80 : vector<64x2048xi32>
      %add3A_82 = arith.addi %add3A_73, %xor3A_81 : vector<64x2048xi32>
      %shift_left3A_83 = arith.constant 24 : i32
      %shift_left3A_84 = vector.broadcast %shift_left3A_83 : i32 to vector<64x2048xi32>
      %shift_left3A_85 = arith.shli %xor3A_81, %shift_left3A_84 : vector<64x2048xi32>
      %shift_right_logical3A_86 = arith.constant 8 : i32
      %shift_right_logical3A_87 = vector.broadcast %shift_right_logical3A_86 : i32 to vector<64x2048xi32>
      %shift_right_logical3A_88 = arith.shrui %xor3A_81, %shift_right_logical3A_87 : vector<64x2048xi32>
      %or3A_89 = arith.ori %shift_left3A_85, %shift_right_logical3A_88 : vector<64x2048xi32>
      %xor3A_90 = arith.xori %add3A_82, %or3A_89 : vector<64x2048xi32>
      %add3A_91 = arith.constant 466689008 : i32
      %add3A_92 = vector.broadcast %add3A_91 : i32 to vector<64x2048xi32>
      %add3A_93 = arith.addi %add3A_82, %add3A_92 : vector<64x2048xi32>
      %add3A_94 = arith.constant 2 : i32
      %add3A_95 = vector.broadcast %add3A_94 : i32 to vector<64x2048xi32>
      %add3A_96 = arith.addi %xor3A_90, %add3A_95 : vector<64x2048xi32>
      %add3A_97 = arith.addi %add3A_93, %add3A_96 : vector<64x2048xi32>
      %shift_left3A_98 = arith.constant 13 : i32
      %shift_left3A_99 = vector.broadcast %shift_left3A_98 : i32 to vector<64x2048xi32>
      %shift_left3A_100 = arith.shli %add3A_96, %shift_left3A_99 : vector<64x2048xi32>
      %shift_right_logical3A_101 = arith.constant 19 : i32
      %shift_right_logical3A_102 = vector.broadcast %shift_right_logical3A_101 : i32 to vector<64x2048xi32>
      %shift_right_logical3A_103 = arith.shrui %add3A_96, %shift_right_logical3A_102 : vector<64x2048xi32>
      %or3A_104 = arith.ori %shift_left3A_100, %shift_right_logical3A_103 : vector<64x2048xi32>
      %xor3A_105 = arith.xori %add3A_97, %or3A_104 : vector<64x2048xi32>
      %add3A_106 = arith.addi %add3A_97, %xor3A_105 : vector<64x2048xi32>
      %shift_left3A_107 = arith.constant 15 : i32
      %shift_left3A_108 = vector.broadcast %shift_left3A_107 : i32 to vector<64x2048xi32>
      %shift_left3A_109 = arith.shli %xor3A_105, %shift_left3A_108 : vector<64x2048xi32>
      %shift_right_logical3A_110 = arith.constant 17 : i32
      %shift_right_logical3A_111 = vector.broadcast %shift_right_logical3A_110 : i32 to vector<64x2048xi32>
      %shift_right_logical3A_112 = arith.shrui %xor3A_105, %shift_right_logical3A_111 : vector<64x2048xi32>
      %or3A_113 = arith.ori %shift_left3A_109, %shift_right_logical3A_112 : vector<64x2048xi32>
      %xor3A_114 = arith.xori %add3A_106, %or3A_113 : vector<64x2048xi32>
      %add3A_115 = arith.addi %add3A_106, %xor3A_114 : vector<64x2048xi32>
      %shift_left3A_116 = arith.constant 26 : i32
      %shift_left3A_117 = vector.broadcast %shift_left3A_116 : i32 to vector<64x2048xi32>
      %shift_left3A_118 = arith.shli %xor3A_114, %shift_left3A_117 : vector<64x2048xi32>
      %shift_right_logical3A_119 = arith.constant 6 : i32
      %shift_right_logical3A_120 = vector.broadcast %shift_right_logical3A_119 : i32 to vector<64x2048xi32>
      %shift_right_logical3A_121 = arith.shrui %xor3A_114, %shift_right_logical3A_120 : vector<64x2048xi32>
      %or3A_122 = arith.ori %shift_left3A_118, %shift_right_logical3A_121 : vector<64x2048xi32>
      %xor3A_123 = arith.xori %add3A_115, %or3A_122 : vector<64x2048xi32>
      %add3A_124 = arith.addi %add3A_115, %xor3A_123 : vector<64x2048xi32>
      %shift_left3A_125 = arith.constant 6 : i32
      %shift_left3A_126 = vector.broadcast %shift_left3A_125 : i32 to vector<64x2048xi32>
      %shift_left3A_127 = arith.shli %xor3A_123, %shift_left3A_126 : vector<64x2048xi32>
      %shift_right_logical3A_128 = arith.constant 26 : i32
      %shift_right_logical3A_129 = vector.broadcast %shift_right_logical3A_128 : i32 to vector<64x2048xi32>
      %shift_right_logical3A_130 = arith.shrui %xor3A_123, %shift_right_logical3A_129 : vector<64x2048xi32>
      %or3A_131 = arith.ori %shift_left3A_127, %shift_right_logical3A_130 : vector<64x2048xi32>
      %xor3A_132 = arith.xori %add3A_124, %or3A_131 : vector<64x2048xi32>
      %add3A_133 = arith.constant 0 : i32
      %add3A_134 = vector.broadcast %add3A_133 : i32 to vector<64x2048xi32>
      %add3A_135 = arith.addi %add3A_124, %add3A_134 : vector<64x2048xi32>
      %add3A_136 = arith.constant 45 : i32
      %add3A_137 = vector.broadcast %add3A_136 : i32 to vector<64x2048xi32>
      %add3A_138 = arith.addi %xor3A_132, %add3A_137 : vector<64x2048xi32>
      %add3A_139 = arith.addi %add3A_135, %add3A_138 : vector<64x2048xi32>
      %shift_left3A_140 = arith.constant 17 : i32
      %shift_left3A_141 = vector.broadcast %shift_left3A_140 : i32 to vector<64x2048xi32>
      %shift_left3A_142 = arith.shli %add3A_138, %shift_left3A_141 : vector<64x2048xi32>
      %shift_right_logical3A_143 = arith.constant 15 : i32
      %shift_right_logical3A_144 = vector.broadcast %shift_right_logical3A_143 : i32 to vector<64x2048xi32>
      %shift_right_logical3A_145 = arith.shrui %add3A_138, %shift_right_logical3A_144 : vector<64x2048xi32>
      %or3A_146 = arith.ori %shift_left3A_142, %shift_right_logical3A_145 : vector<64x2048xi32>
      %xor3A_147 = arith.xori %add3A_139, %or3A_146 : vector<64x2048xi32>
      %add3A_148 = arith.addi %add3A_139, %xor3A_147 : vector<64x2048xi32>
      %shift_left3A_149 = arith.constant 29 : i32
      %shift_left3A_150 = vector.broadcast %shift_left3A_149 : i32 to vector<64x2048xi32>
      %shift_left3A_151 = arith.shli %xor3A_147, %shift_left3A_150 : vector<64x2048xi32>
      %shift_right_logical3A_152 = arith.constant 3 : i32
      %shift_right_logical3A_153 = vector.broadcast %shift_right_logical3A_152 : i32 to vector<64x2048xi32>
      %shift_right_logical3A_154 = arith.shrui %xor3A_147, %shift_right_logical3A_153 : vector<64x2048xi32>
      %or3A_155 = arith.ori %shift_left3A_151, %shift_right_logical3A_154 : vector<64x2048xi32>
      %xor3A_156 = arith.xori %add3A_148, %or3A_155 : vector<64x2048xi32>
      %add3A_157 = arith.addi %add3A_148, %xor3A_156 : vector<64x2048xi32>
      %shift_left3A_158 = arith.constant 16 : i32
      %shift_left3A_159 = vector.broadcast %shift_left3A_158 : i32 to vector<64x2048xi32>
      %shift_left3A_160 = arith.shli %xor3A_156, %shift_left3A_159 : vector<64x2048xi32>
      %shift_right_logical3A_161 = arith.constant 16 : i32
      %shift_right_logical3A_162 = vector.broadcast %shift_right_logical3A_161 : i32 to vector<64x2048xi32>
      %shift_right_logical3A_163 = arith.shrui %xor3A_156, %shift_right_logical3A_162 : vector<64x2048xi32>
      %or3A_164 = arith.ori %shift_left3A_160, %shift_right_logical3A_163 : vector<64x2048xi32>
      %xor3A_165 = arith.xori %add3A_157, %or3A_164 : vector<64x2048xi32>
      %add3A_166 = arith.addi %add3A_157, %xor3A_165 : vector<64x2048xi32>
      %shift_left3A_167 = arith.constant 24 : i32
      %shift_left3A_168 = vector.broadcast %shift_left3A_167 : i32 to vector<64x2048xi32>
      %shift_left3A_169 = arith.shli %xor3A_165, %shift_left3A_168 : vector<64x2048xi32>
      %shift_right_logical3A_170 = arith.constant 8 : i32
      %shift_right_logical3A_171 = vector.broadcast %shift_right_logical3A_170 : i32 to vector<64x2048xi32>
      %shift_right_logical3A_172 = arith.shrui %xor3A_165, %shift_right_logical3A_171 : vector<64x2048xi32>
      %or3A_173 = arith.ori %shift_left3A_169, %shift_right_logical3A_172 : vector<64x2048xi32>
      %xor3A_174 = arith.xori %add3A_166, %or3A_173 : vector<64x2048xi32>
      %add3A_175 = arith.constant 42 : i32
      %add3A_176 = vector.broadcast %add3A_175 : i32 to vector<64x2048xi32>
      %add3A_177 = arith.addi %add3A_166, %add3A_176 : vector<64x2048xi32>
      %add3A_178 = arith.constant 466689012 : i32
      %add3A_179 = vector.broadcast %add3A_178 : i32 to vector<64x2048xi32>
      %add3A_180 = arith.addi %xor3A_174, %add3A_179 : vector<64x2048xi32>
      %add3A_181 = arith.addi %add3A_177, %add3A_180 : vector<64x2048xi32>
      %shift_left3A_182 = arith.constant 13 : i32
      %shift_left3A_183 = vector.broadcast %shift_left3A_182 : i32 to vector<64x2048xi32>
      %shift_left3A_184 = arith.shli %add3A_180, %shift_left3A_183 : vector<64x2048xi32>
      %shift_right_logical3A_185 = arith.constant 19 : i32
      %shift_right_logical3A_186 = vector.broadcast %shift_right_logical3A_185 : i32 to vector<64x2048xi32>
      %shift_right_logical3A_187 = arith.shrui %add3A_180, %shift_right_logical3A_186 : vector<64x2048xi32>
      %or3A_188 = arith.ori %shift_left3A_184, %shift_right_logical3A_187 : vector<64x2048xi32>
      %xor3A_189 = arith.xori %add3A_181, %or3A_188 : vector<64x2048xi32>
      %add3A_190 = arith.addi %add3A_181, %xor3A_189 : vector<64x2048xi32>
      %shift_left3A_191 = arith.constant 15 : i32
      %shift_left3A_192 = vector.broadcast %shift_left3A_191 : i32 to vector<64x2048xi32>
      %shift_left3A_193 = arith.shli %xor3A_189, %shift_left3A_192 : vector<64x2048xi32>
      %shift_right_logical3A_194 = arith.constant 17 : i32
      %shift_right_logical3A_195 = vector.broadcast %shift_right_logical3A_194 : i32 to vector<64x2048xi32>
      %shift_right_logical3A_196 = arith.shrui %xor3A_189, %shift_right_logical3A_195 : vector<64x2048xi32>
      %or3A_197 = arith.ori %shift_left3A_193, %shift_right_logical3A_196 : vector<64x2048xi32>
      %xor3A_198 = arith.xori %add3A_190, %or3A_197 : vector<64x2048xi32>
      %add3A_199 = arith.addi %add3A_190, %xor3A_198 : vector<64x2048xi32>
      %shift_left3A_200 = arith.constant 26 : i32
      %shift_left3A_201 = vector.broadcast %shift_left3A_200 : i32 to vector<64x2048xi32>
      %shift_left3A_202 = arith.shli %xor3A_198, %shift_left3A_201 : vector<64x2048xi32>
      %shift_right_logical3A_203 = arith.constant 6 : i32
      %shift_right_logical3A_204 = vector.broadcast %shift_right_logical3A_203 : i32 to vector<64x2048xi32>
      %shift_right_logical3A_205 = arith.shrui %xor3A_198, %shift_right_logical3A_204 : vector<64x2048xi32>
      %or3A_206 = arith.ori %shift_left3A_202, %shift_right_logical3A_205 : vector<64x2048xi32>
      %xor3A_207 = arith.xori %add3A_199, %or3A_206 : vector<64x2048xi32>
      %add3A_208 = arith.addi %add3A_199, %xor3A_207 : vector<64x2048xi32>
      %shift_left3A_209 = arith.constant 6 : i32
      %shift_left3A_210 = vector.broadcast %shift_left3A_209 : i32 to vector<64x2048xi32>
      %shift_left3A_211 = arith.shli %xor3A_207, %shift_left3A_210 : vector<64x2048xi32>
      %shift_right_logical3A_212 = arith.constant 26 : i32
      %shift_right_logical3A_213 = vector.broadcast %shift_right_logical3A_212 : i32 to vector<64x2048xi32>
      %shift_right_logical3A_214 = arith.shrui %xor3A_207, %shift_right_logical3A_213 : vector<64x2048xi32>
      %or3A_215 = arith.ori %shift_left3A_211, %shift_right_logical3A_214 : vector<64x2048xi32>
      %xor3A_216 = arith.xori %add3A_208, %or3A_215 : vector<64x2048xi32>
      %add3A_217 = arith.constant 466689008 : i32
      %add3A_218 = vector.broadcast %add3A_217 : i32 to vector<64x2048xi32>
      %add3A_219 = arith.addi %add3A_208, %add3A_218 : vector<64x2048xi32>
      %add3A_220 = arith.constant 5 : i32
      %add3A_221 = vector.broadcast %add3A_220 : i32 to vector<64x2048xi32>
      %add3A_222 = arith.addi %xor3A_216, %add3A_221 : vector<64x2048xi32>
      %xor3A_223 = arith.xori %add3A_219, %add3A_222 : vector<64x2048xi32>
      %shift_right_logical3A_224 = arith.constant 9 : i32
      %shift_right_logical3A_225 = vector.broadcast %shift_right_logical3A_224 : i32 to vector<64x2048xi32>
      %shift_right_logical3A_226 = arith.shrui %xor3A_223, %shift_right_logical3A_225 : vector<64x2048xi32>
      %or3A_227 = arith.constant 1065353216 : i32
      %or3A_228 = vector.broadcast %or3A_227 : i32 to vector<64x2048xi32>
      %or3A_229 = arith.ori %shift_right_logical3A_226, %or3A_228 : vector<64x2048xi32>
      %bitcast_convert_type3A = tpu.bitcast %or3A_229 : vector<64x2048xi32> -> vector<64x2048xf32>
      %sub3A = arith.constant 1.000000e+00 : f32
      %sub3A_230 = vector.broadcast %sub3A : f32 to vector<64x2048xf32>
      %sub3A_231 = arith.subf %bitcast_convert_type3A, %sub3A_230 : vector<64x2048xf32>
      %max3A = arith.constant 1.17549435E-38 : f32
      %max3A_232 = vector.broadcast %max3A : f32 to vector<64x2048xf32>
      %max3A_233 = arith.maximumf %sub3A_231, %max3A_232 : vector<64x2048xf32>
      %log3A = math.log %max3A_233 : vector<64x2048xf32>
      %neg3A = arith.constant 0.000000e+00 : f32
      %neg3A_234 = vector.broadcast %neg3A : f32 to vector<64x2048xf32>
      %neg3A_235 = arith.subf %neg3A_234, %log3A : vector<64x2048xf32>
      %log3A_236 = math.log %neg3A_235 : vector<64x2048xf32>
      %neg3A_237 = arith.constant 0.000000e+00 : f32
      %neg3A_238 = vector.broadcast %neg3A_237 : f32 to vector<64x2048xf32>
      %neg3A_239 = arith.subf %neg3A_238, %log3A_236 : vector<64x2048xf32>
      %add3A_240 = arith.addf %neg3A_239, %get3A_12 : vector<64x2048xf32>
      %get3A_241 = arith.constant 0 : index
      %get3A_242 = arith.constant 0 : index
      %get3A_243 = vector.load %arg5[%get3A_241, %get3A_242] : memref<64x2048xf32, #tpu.memory_space<vmem>>, vector<64x2048xf32>
      %gt3A_244 = arith.cmpf ogt, %add3A_240, %get3A_243 : vector<64x2048xf32>
      %get3A_245 = arith.constant 0 : index
      %get3A_246 = arith.constant 0 : index
      %get3A_247 = vector.load %arg6[%get3A_245, %get3A_246] : memref<64x2048xi32, #tpu.memory_space<vmem>>, vector<64x2048xi32>
      %broadcast_in_dim3A = vector.broadcast %arg0 : i32 to vector<64x2048xi32>
      %select_n3A = arith.select %gt3A_244, %broadcast_in_dim3A, %get3A_247 : vector<64x2048xi1>, vector<64x2048xi32>
      %swap3A = arith.constant 0 : index
      %swap3A_248 = arith.constant 0 : index
      %swap3A_249 = vector.load %arg6[%swap3A, %swap3A_248] : memref<64x2048xi32, #tpu.memory_space<vmem>>, vector<64x2048xi32>
      tpu.vector_store %arg6[%swap3A, %swap3A_248], %select_n3A {strides = array<i32>} : memref<64x2048xi32, #tpu.memory_space<vmem>>, vector<64x2048xi32>,
      %get3A_250 = arith.constant 0 : index
      %get3A_251 = arith.constant 0 : index
      %get3A_252 = vector.load %arg5[%get3A_250, %get3A_251] : memref<64x2048xf32, #tpu.memory_space<vmem>>, vector<64x2048xf32>
      %max3A_253 = arith.maximumf %add3A_240, %get3A_252 : vector<64x2048xf32>
      %swap3A_254 = arith.constant 0 : index
      %swap3A_255 = arith.constant 0 : index
      %swap3A_256 = vector.load %arg5[%swap3A_254, %swap3A_255] : memref<64x2048xf32, #tpu.memory_space<vmem>>, vector<64x2048xf32>
      tpu.vector_store %arg5[%swap3A_254, %swap3A_255], %max3A_253 {strides = array<i32>} : memref<64x2048xf32, #tpu.memory_space<vmem>>, vector<64x2048xf32>,
    } else {
    }
    %eq3A_6 = arith.constant 43 : i32
    %eq3A_7 = arith.cmpi eq, %arg0, %eq3A_6 : i32
    %convert_element_type3A_8 = arith.extui %eq3A_7 : i1 to i32
    %cond3A_9 = arith.constant 0 : i32
    %cond3A_10 = arith.cmpi ne, %convert_element_type3A_8, %cond3A_9 : i32
    scf.if %cond3A_10 {
      %iota3A = tpu.iota {dimensions = array<i32: 1>} : vector<64x2048xi32>
      %get3A = arith.constant 0 : index
      %get3A_11 = arith.constant 0 : index
      %get3A_12 = vector.load %arg5[%get3A, %get3A_11] : memref<64x2048xf32, #tpu.memory_space<vmem>>, vector<64x2048xf32>
      %reduce_max3A = arith.constant dense<0xFF800000> : vector<64xf32>
      %reduce_max3A_13 = vector.multi_reduction <maximumf>, %get3A_12, %reduce_max3A [1] : vector<64x2048xf32> to vector<64xf32>
      %broadcast_in_dim3A = vector.shape_cast %reduce_max3A_13 : vector<64xf32> to vector<64x1xf32>
      %get3A_14 = arith.constant 0 : index
      %get3A_15 = arith.constant 0 : index
      %get3A_16 = vector.load %arg5[%get3A_14, %get3A_15] : memref<64x2048xf32, #tpu.memory_space<vmem>>, vector<64x2048xf32>
      %eq3A_17 = vector.broadcast %broadcast_in_dim3A : vector<64x1xf32> to vector<64x2048xf32>
      %eq3A_18 = arith.cmpf oeq, %get3A_16, %eq3A_17 : vector<64x2048xf32>
      %get3A_19 = arith.constant 0 : index
      %get3A_20 = arith.constant 0 : index
      %get3A_21 = vector.load %arg6[%get3A_19, %get3A_20] : memref<64x2048xi32, #tpu.memory_space<vmem>>, vector<64x2048xi32>
      %mul3A = arith.constant 2048 : i32
      %mul3A_22 = vector.broadcast %mul3A : i32 to vector<64x2048xi32>
      %mul3A_23 = arith.muli %get3A_21, %mul3A_22 : vector<64x2048xi32>
      %add3A = arith.addi %mul3A_23, %iota3A : vector<64x2048xi32>
      %jit3A = arith.constant 2147483647 : i32
      %broadcast_in_dim3A_24 = vector.broadcast %jit3A : i32 to vector<64x2048xi32>
      %select_n3A = arith.select %eq3A_18, %add3A, %broadcast_in_dim3A_24 : vector<64x2048xi1>, vector<64x2048xi32>
      %swap3A = arith.constant 0 : index
      %swap3A_25 = arith.constant 0 : index
      %swap3A_26 = vector.load %arg2[%swap3A, %swap3A_25] : memref<64x1xf32, #tpu.memory_space<vmem>>, vector<64x1xf32>
      tpu.vector_store %arg2[%swap3A, %swap3A_25], %broadcast_in_dim3A {strides = array<i32>} : memref<64x1xf32, #tpu.memory_space<vmem>>, vector<64x1xf32>,
      %reduce_min3A = arith.constant dense<2147483647> : vector<64xi32>
      %reduce_min3A_27 = vector.multi_reduction <minsi>, %select_n3A, %reduce_min3A [1] : vector<64x2048xi32> to vector<64xi32>
      %broadcast_in_dim3A_28 = vector.shape_cast %reduce_min3A_27 : vector<64xi32> to vector<64x1xi32>
      %swap3A_29 = arith.constant 0 : index
      %swap3A_30 = arith.constant 0 : index
      %swap3A_31 = vector.load %arg3[%swap3A_29, %swap3A_30] : memref<64x1xi32, #tpu.memory_space<vmem>>, vector<64x1xi32>
      tpu.vector_store %arg3[%swap3A_29, %swap3A_30], %broadcast_in_dim3A_28 {strides = array<i32>} : memref<64x1xi32, #tpu.memory_space<vmem>>, vector<64x1xi32>,
    } else {
    }
    return
  }
  func.func @transform_0(%arg0: i32) -> (i32, i32) {
    %c0_i32 = arith.constant 0 : i32
    %c0_i32_0 = arith.constant 0 : i32
    return %c0_i32, %arg0 : i32, i32
  }
  func.func @transform_1(%arg0: i32) -> (i32, i32) {
    %c0_i32 = arith.constant 0 : i32
    %c0_i32_0 = arith.constant 0 : i32
    %c0_i32_1 = arith.constant 0 : i32
    return %c0_i32, %c0_i32_0 : i32, i32
  }
  func.func @transform_2(%arg0: i32) -> (i32, i32) {
    %c0_i32 = arith.constant 0 : i32
    %c0_i32_0 = arith.constant 0 : i32
    %c0_i32_1 = arith.constant 0 : i32
    return %c0_i32, %c0_i32_0 : i32, i32
  }
}

</mosaic_0001>

<sc_bundles>
// kernel: kernel.5.cloned.1.call-start
scs
__scs_entry_jumppad:
0x0: {  	(pc) =	sbr.rel $0x88, $3  }
0x1: {  	(tag) =	ssettag $0x0;
	lr =	simm.s32 $0x1  }
0x2: {  	[smem:$0x3FA0] =	sst lr;
	_ =	strace $0xD0000000  }
0x3: {  	_ = 	snop  }
0x4: {  	_ = 	snop  }
0x5: {  	_ = 	snop  }
0x6: {  	_ = 	snop  }
0x7: {  	_ = 	snop  }
__scs_overlays_trampoline_lowered:
0x8: {  	[smem:$0x3FAF] =	sst s0  }
0x9: {  	[smem:$0x3FB0] =	sst s1  }
0xa: {  	[smem:$0x3FB1] =	sst s2  }
0xb: {  	[smem:$0x3FB2] =	sst s3  }
0xc: {  	[smem:$0x3FB3] =	sst s4  }
0xd: {  	[smem:$0x3FB4] =	sst s5  }
0xe: {  	[smem:$0x3FB5] =	sst s6  }
0xf: {  	[smem:$0x3FB6] =	sst s7  }
0x10: {  	[smem:$0x3FB7] =	sst s8  }
0x11: {  	[smem:$0x3FB8] =	sst s9;
	s0 =	simm.s32 @!p0 $0x0  }
0x12: {  	s1 =	sld [smem:$0x3F9E];
	s0 =	simm.s32 @p0 $0x1  }
0x13: {  	[smem:$0x3FB9] =	sst s0;
	s0 =	simm.s32 @!p1 $0x0  }
0x14: {  	s2 =	sld [smem:$0x3F9D];
	s0 =	simm.s32 @p1 $0x1  }
0x15: {  	[smem:$0x3FBA] =	sst s0;
	s0 =	simm.s32 @!p2 $0x0  }
0x16: {  	s3 =	sld [smem:$0x3FDB];
	s0 =	simm.s32 @p2 $0x1  }
0x17: {  	s4 =	simm.s32 $0x1BF5;
	[smem:$0x3FBC] =	sst s0  }
0x18: {  	s0 =	sld [smem:$0x3F9F];
	_ =	swait.ge [sflag:s4], $0x0  }
0x19: {  	s7 =	sld [smem:$0x3FA0]  }
0x1a: {  	s8 =	sadd.s32 $0xFFFFE003, lr  }
0x1b: {  	s9 =	sadd.s32 $0xFFFFFEF7, lr;
	s5 =	simm.s32 $0xFFFFFFFF;
	p2 =	slt.u32 s8, $0xFFFFF086  }
0x1c: {  	p1 =	slt.u32 s9, $0xF7A;
	s5 =	simm.s32 @!p2 $0x0  }
0x1d: {  	s5 =	simm.s32 @p1 $0x1;
	p0 =	seq.s32 s7, s2  }
0x1e: {  	s7 =	smul.u32 @!p0 $0xF7A, s2;
	p2 =	seq.s32 @!p0 s5, $0x0  }
0x1f: {  	s9 =	smul.u32 $0xF7A, s1;
	s8 =	simm.s32 @!p0 $0x1BF5;
	p2 =	por !p2, p0  }
0x20: {  	[sflag:s8] =	ssyncset.s32 @!p0 $0xFFFFF086;
	s6 =	sadd.s32 @!p0 s3, s7;
	s7 =	simm.s32 @!p0 $0x108  }
0x21: {  	s3 =	sadd.s32 s3, s9;
	s6 =	sadd.s32 @!p0 $0x88, s6;
	s7 =	simm.s32 @p2 $0x1082  }
0x22: {  	[simem:s7], [sflag:s8] =	dma.local @!p0 [hbm:s6], $0xF7A  }
0x23: {  	s9 =	sor.u32 $0xD0000000, s2;
	s6 =	simm.s32 $0x108;
	_ =	swait.ge @!p0 [sflag:s8], $0x0  }
0x24: {  	s3 =	sadd.s32 $0x88, s3;
	s6 =	simm.s32 @!p1 $0x1082;
	[sflag:s4] =	ssyncset.s32 $0xFFFFF086  }
0x25: {  	[simem:s6], [sflag:s4] =	dma.local [hbm:s3], $0xF7A  }
0x26: {  	[smem:$0x3FA0] =	sst s1;
	(tag) =	ssettag s2;
	_ =	strace s9  }
0x27: {  	s1 =	sld [smem:$0x3FB0]  }
0x28: {  	s2 =	sld [smem:$0x3FB1]  }
0x29: {  	s4 =	sld [smem:$0x3FB3]  }
0x2a: {  	p0 =	seq.s32 s5, $0x0;
	s5 =	sld [smem:$0x3FB4]  }
0x2b: {  	s6 =	sld [smem:$0x3FB5]  }
0x2c: {  	s7 =	sld [smem:$0x3FB6]  }
0x2d: {  	s3 =	simm.s32 $0x108;
	s8 =	sld [smem:$0x3FB7]  }
0x2e: {  	s3 =	simm.s32 @!p0 $0x1082;
	s9 =	sld [smem:$0x3FB8]  }
0x2f: {  	lr =	sadd.s32 s0, s3;
	s0 =	sld [smem:$0x3FAF]  }
0x30: {  	s3 =	sld [smem:$0x3FB2]  }
0x31: {  	[smem:$0x3FBB] =	sst s10  }
0x32: {  	s10 =	sld [smem:$0x3FB9];
	_ =	sdelay $0x3  }
0x33: {  	p0 =	seq.s32 s10, $0x1;
	s10 =	sld [smem:$0x3FBB];
	_ =	sdelay $0x3  }
0x34: {  	[smem:$0x3FBB] =	sst s10  }
0x35: {  	s10 =	sld [smem:$0x3FBA];
	_ =	sdelay $0x3  }
0x36: {  	p1 =	seq.s32 s10, $0x1;
	s10 =	sld [smem:$0x3FBB];
	_ =	sdelay $0x3  }
0x37: {  	[smem:$0x3FBB] =	sst s10  }
0x38: {  	s10 =	sld [smem:$0x3FBC]  }
0x39: {  	_ = 	snop;
	(pc) =	sbr.ind lr, $3  }
0x3a: {  	_ = 	snop  }
0x3b: {  	_ = 	snop  }
0x3c: {  	p2 =	seq.s32 s10, $0x1;
	s10 =	sld [smem:$0x3FBB]  }
0x3d: {  	_ =	shalt  }
0x3e: {  	_ =	shalt  }
0x3f: {  	_ =	shalt  }
0x40: {  	_ =	shalt  }
0x41: {  	_ =	shalt  }
0x42: {  	_ =	shalt  }
0x43: {  	_ =	shalt  }
0x44: {  	_ =	shalt  }
0x45: {  	_ =	shalt  }
0x46: {  	_ =	shalt  }
0x47: {  	_ =	shalt  }
0x48: {  	_ =	shalt  }
0x49: {  	_ =	shalt  }
0x4a: {  	_ =	shalt  }
0x4b: {  	_ =	shalt  }
0x4c: {  	_ =	shalt  }
0x4d: {  	_ =	shalt  }
0x4e: {  	_ =	shalt  }
0x4f: {  	_ =	shalt  }
0x50: {  	_ =	shalt  }
0x51: {  	_ =	shalt  }
0x52: {  	_ =	shalt  }
0x53: {  	_ =	shalt  }
0x54: {  	_ =	shalt  }
0x55: {  	_ =	shalt  }
0x56: {  	_ =	shalt  }
0x57: {  	_ =	shalt  }
0x58: {  	_ =	shalt  }
0x59: {  	_ =	shalt  }
0x5a: {  	_ =	shalt  }
0x5b: {  	_ =	shalt  }
0x5c: {  	_ =	shalt  }
0x5d: {  	_ =	shalt  }
0x5e: {  	_ =	shalt  }
0x5f: {  	_ =	shalt  }
0x60: {  	_ =	shalt  }
0x61: {  	_ =	shalt  }
0x62: {  	_ =	shalt  }
0x63: {  	_ =	shalt  }
0x64: {  	_ =	shalt  }
0x65: {  	_ =	shalt  }
0x66: {  	_ =	shalt  }
0x67: {  	_ =	shalt  }
0x68: {  	_ =	shalt  }
0x69: {  	_ =	shalt  }
0x6a: {  	_ =	shalt  }
0x6b: {  	_ =	shalt  }
0x6c: {  	_ =	shalt  }
0x6d: {  	_ =	shalt  }
0x6e: {  	_ =	shalt  }
0x6f: {  	_ =	shalt  }
0x70: {  	_ =	shalt  }
0x71: {  	_ =	shalt  }
0x72: {  	_ =	shalt  }
0x73: {  	_ =	shalt  }
0x74: {  	_ =	shalt  }
0x75: {  	_ =	shalt  }
0x76: {  	_ =	shalt  }
0x77: {  	_ =	shalt  }
0x78: {  	_ =	shalt  }
0x79: {  	_ =	shalt  }
0x7a: {  	_ =	shalt  }
0x7b: {  	_ =	shalt  }
0x7c: {  	_ =	shalt  }
0x7d: {  	_ =	shalt  }
0x7e: {  	_ =	shalt  }
0x7f: {  	_ =	shalt  }
0x80: {  	_ =	shalt  }
0x81: {  	_ =	shalt  }
0x82: {  	_ =	shalt  }
0x83: {  	_ =	shalt  }
0x84: {  	_ =	shalt  }
0x85: {  	_ =	shalt  }
0x86: {  	_ =	shalt  }
0x87: {  	_ =	shalt  }
.Lfunc_end0:
.L_simem_size_0:
called_computation_lowered:
.L_overlay_start_0:
0x88: {  	s2 =	sld [smem:$0x3FD9]  }
0x89: {  	s3 =	sld [smem:$0x3FFE];
	_ =	sdelay $0x1  }
0x8a: {  	s1 =	srdreg.scid  }
0x8b: {  	s0 =	sand.u32 $0x1, s1  }
0x8c: {  	s16 =	sshll.u32 s0, $0xA;
	s2 =	sadd.s32 s3, s2  }
0x8d: {  	s2 =	sadd.s32 s2, s16  }
0x8e: {  	[smem:$0x3FC7] =	sst s2  }
0x8f: {  	_ = 	snop  }
0x90: {  	(tm) =	ssettm $0x1  }
0x91: {  	s17 =	sld [smem:$0x3FFB];
	_ =	sdelay $0x3  }
0x92: {  	_ =	strace s17  }
0x93: {  	s2 =	sld [smem:$0x3FFC];
	_ =	sdelay $0x3  }
0x94: {  	_ =	strace s2  }
0x95: {  	s2 =	sld [smem:$0x3FFD];
	_ =	sdelay $0x3  }
0x96: {  	_ =	strace s2  }
0x97: {  	_ =	strace $0x8FFFFFFF  }
0x98: {  	s18 =	sld [smem:$0x3FDB];
	_ =	sdelay $0x1  }
0x99: {  	s19 =	simm.s32 $_scs_section_size  }
0x9a: {  	s4 =	simm.s32 $_size__tile_overlayer_lowered;
	s5 =	simm.s32 $_tile_overlayer_lowered  }
0x9b: {  	s22 =	simm.s32 $0x1BFF;
	s21 =	sshll.u32 s5, $0x1;
	s2 =	sadd.s32 s19, s18  }
0x9c: {  	s6 =	simm.s32 $0x0;
	s20 =	sshll.u32 s4, $0x1;
	s4 =	sadd.s32 s21, s2  }
0x9d: {  	[timem:s6], [sflag:s22] =	dma.local [hbm:s4], s20  }
0x9e: {  	_ =	swait.ge [sflag:s22], s20  }
0x9f: {  	s3 =	ssub.s32 $0x0, s20;
	[sflag:s22] =	ssyncset.done $0x0  }
0xa0: {  	[sflag:s22] =	ssyncadd.s32 s3;
	_ =	sdelay $0x1  }
0xa1: {  	s23 =	simm.s32 $0x1B8B  }
0xa2: {  	_ =	swait.ge [sflag:s23], $0x1  }
0xa3: {  	[sflag:s23] =	ssyncset.done $0x0  }
0xa4: {  	s25 =	simm.s32 $0x1B8E;
	s24 =	sld [smem:$0x3FFE];
	[sflag:s23] =	ssyncadd.s32 $0xFFFFFFFF  }
0xa5: {  	s26 =	simm.s32 $execute0_lowered;
	[smem:$0x3FD2] =	sst s25  }
0xa6: {  	s4 =	sshll.u32 s26, $0x1;
	_ =	strace $0x80000046;
	[dreg:$0x1] =	wrdreg $0xFFFFFFFF  }
0xa7: {  	s28 =	simm.s32 $_size_execute0_lowered;
	s2 =	sadd.s32 s2, s4;
	[dreg:$0x0] =	wrdreg $0x0  }
0xa8: {  	s4 =	sshll.u32 s28, $0x1;
	[dreg:$0x2] =	wrdreg s2  }
0xa9: {  	[dreg:$0x3] =	wrdreg s4  }
0xaa: {  	[dreg:$0x4] =	wrdreg $0xC0  }
0xab: {  	_ =	task [dreg:s6], $0x5FFFF  }
0xac: {  	[dreg:$0x1] =	wrdreg $0xFFFFFFFF  }
0xad: {  	[dreg:$0x0] =	wrdreg $0x60  }
0xae: {  	[dreg:$0x2] =	wrdreg s24  }
0xaf: {  	[dreg:$0x3] =	wrdreg $0x9  }
0xb0: {  	_ =	task.clear_ibuf [dreg:s6], $0x4FFFF;
	_ =	strace $0x90000046  }
0xb1: {  	s29 =	simm.s32 $0x9;
	_ =	strace $0x8000004F  }
0xb2: {  	_ =	swait.ge [sflag:s29], $0x1  }
0xb3: {  	[sflag:s29] =	ssyncadd.s32 $0xFFFFFFFF  }
0xb4: {  	_ =	strace $0x9000004F  }
0xb5: {  	_ =	sfence  }
0xb6: {  	s30 =	sld [smem:$0x0];
	_ =	sdelay $0x2  }
0xb7: {  	s31 =	sshll.u32 s1, $0xD;
	s1 =	sshrl.u32 s1, $0x2  }
0xb8: {  	s3 =	sand.u32 $0x4000, s31;
	s1 =	sadd.s32 s1, s30  }
0xb9: {  	s0 =	sor.u32 s3, s0;
	s1 =	sshll.u32 s1, $0x11  }
0xba: {  	s0 =	sor.u32 s1, s0  }
0xbb: {  	s0 =	sadd.s32 $0x8F2B, s0  }
0xbc: {  	[sflag:s0] =	ssyncadd.remote.s32 $0x1  }
0xbd: {  	_ =	sfence.sel $0xFFFF  }
0xbe: {  	[dreg:$0x0] =	wrdreg $0xFFFFFFFF;
	(pc) =	sbr.abs _section_cstart, $3  }
0xbf: {  	[dreg:$0x1] =	wrdreg $0xFFFFFFFF  }
0xc0: {  	_ =	task.clear_ibuf [dreg:s6], $0x2FFFF;
	_ =	strace $0x9FFFFFFF  }
0xc1: {  	(tm) =	ssettm $0x7FFFFFFF  }
tec
execute0_lowered:
.L_overlay_start_1:
0x0: {  	(tag) =	ssettag $0x1  }
0x1: {  	s0 =	srdreg.scid  }
0x2: {  	s0 =	sand.u32 $0x1, s0  }
0x3: {  	s3 =	stileid.u32;
	s2 =	sshll.u32 s0, $0x4  }
0x4: {  	s2 =	sor.u32 s3, s2  }
0x5: {  	p0 =	sgt.u32 s2, $0x13  }
.Ltmp0:
0x6: {  	_ = 	snop;
	(pc) =	sbr.rel @p0 .LBB2_9-.Ltmp0, $4  }
0x7: {  	_ = 	snop  }
0x8: {  	s4 =	simm.s32 $0x0  }
0x9: {  	[smem:$0x7FF] =	sst s4  }
0xa: {  	s1 =	rddreg [dreg:$0x0];
	_ =	strace $0x80000047  }
0xb: {  	s3 =	sadd.s32 $0x800, s1;
	s29 =	sadd.s32 $0x14800, s1;
	p0 =	slt.u32 s2, $0x14  }
0xc: {  	s5 =	simm.s32 $0x1;
	s0 =	ssub.s32 $0x2, s0;
	s6 =	smin.u32 s2, $0x14  }
0xd: {  	s7 =	simm.s32 $0x7;
	s30 =	sshrl.u32 s0, $0x1;
	s2 =	sshll.u32 s6, $0x9  }
0xe: {  	[dreg:$0x3] =	wrdreg s29;
	s0 =	ssub.s32 s0, s30;
	s31 =	sadd.s32 s3, s2  }
0xf: {  	s21 =	simm.s32 $0x0;
	[dreg:$0x4] =	wrdreg s31;
	s0 =	smax.u32 s0, $0x1  }
0x10: {  	s5 =	simm.s32 @!p0 $0x0;
	s7 =	simm.s32 @!p0 $0xFFFFFFFF;
	[dreg:$0x5] =	wrdreg s0  }
.LBB2_2:
0x11: {  	[dreg:$0x2] =	wrdreg s4;
	s0 =	simm.s32 $0x0  }
0x12: {  	s17 =	simm.s32 $0x0;
	s10 =	simm.s32 $0x0;
	_ =	strace $0x80000048  }
0x13: {  	s11 =	simm.s32 $0x0;
	s12 =	simm.s32 $0x0;
	s1 =	rddreg [dreg:$0x4]  }
0x14: {  	[tilespmem:s0], [sflag:$0x1] =	stream.linear.gather [hbm4b:s1+s0], $0x1000, $0x200038;
	[tilespmem:$0x4000] =	vst v63  }
0x15: {  	s13 =	simm.s32 $0x1;
	s14 =	simm.s32 $0x0;
	_ =	strace $0x90000048  }
.LBB2_3:
0x16: {  	s15 =	sadd.s32 $0x1, s0  }
0x17: {  	s1 =	simm.s32 $0x1;
	p0 =	seq.s32 s15, s5  }
0x18: {  	s1 =	simm.s32 @!p0 $0x0  }
0x19: {  	s16 =	sadd.s32 s1, s17  }
0x1a: {  	s15 =	simm.s32 @p0 $0x0;
	p1 =	seq.s32 s16, $0x8  }
0x1b: {  	p3 =	sne.s32 s0, s15;
	s16 =	simm.s32 @p1 $0x0  }
0x1c: {  	s1 =	simm.s32 $0x1;
	p1 =	seq.s32 s0, $0x0;
	p2 =	sne.s32 s17, s16  }
0x1d: {  	p4 =	slt.s32 s14, s7;
	s1 =	simm.s32 @!p1 $0x0;
	p0 =	por p3, p2  }
0x1e: {  	p5 =	sne.s32 s0, $0x0;
	s1 =	ssub.s32 s17, s1;
	p2 =	por !p4, !p0  }
0x1f: {  	p6 =	seq.s32 s14, $0x0;
	p3 =	seq.s32 s1, $0xFFFFFFFF;
	p2 =	por !p2, !p2  }
0x20: {  	p4 =	sne.s32 s17, $0x7;
	s2 =	smul.u32 @p2 $0x14000, s16;
	s4 =	sadd.s32 @p2 s6, s15  }
0x21: {  	p4 =	por @!p3 p1, p1;
	_ =	strace @p2 $0x80000049;
	s4 =	sshll.u32 @p2 s4, $0xC  }
0x22: {  	s9 =	simm.s32 @p2 $0x0;
	p1 =	por p5, p4;
	s2 =	sadd.s32 @p2 s4, s2  }
0x23: {  	p3 =	por p6, p1;
	s4 =	sand.u32 @p2 $0x1, s13;
	s2 =	sshrl.u32 @p2 s2, $0x3  }
0x24: {  	s8 =	sshll.u32 @p2 s4, $0xC;
	s4 =	sadd.s32 @p2 $0x1, s4;
	s2 =	sadd.s32 @p2 s3, s2  }
0x25: {  	[tilespmem:s8], [sflag:s4] =	stream.linear.gather @p2 [hbm4b:s2+s9], $0x1000, $0x200038;
	[tilespmem:$0x4000] =	vst v63  }
0x26: {  	s18 =	sand.u32 $0x1, s11;
	s1 =	sand.u32 @p3 $0x1, s12;
	_ =	strace @p2 $0x90000049  }
0x27: {  	s30 =	sshll.u32 s18, $0xC;
	s1 =	sadd.s32 @p3 $0x1, s1;
	_ =	strace @p3 $0x8000004A  }
0x28: {  	s29 =	sshll.u32 s12, $0xC;
	s20 =	sor.u32 $0x2000, s30;
	_ =	swait.ge @p3 [sflag:s1], $0x1000  }
0x29: {  	s31 =	sand.u32 $0x1000, s29;
	v1 =	vmov s20;
	[sflag:s1] =	ssyncset.done @p3 $0x0  }
0x2a: {  	s19 =	sadd.s32 s6, s0;
	v0 =	vmov s31;
	s0 =	simm.s32 $0x1;
	[sflag:s1] =	ssyncadd.s32 @p3 $0xFFFFF000  }
0x2b: {  	s0 =	simm.s32 @!p2 $0x0;
	_ =	strace @p3 $0x9000004A  }
0x2c: {  	s22 =	simm.s32 $0x0;
	s13 =	sadd.s32 s0, s13;
	_ =	strace $0x8000004B  }
.LBB2_4:
0x2d: {  	_ = 	snop  }
0x2e: {  	s23 =	sshll.u32 s22, $0x7;
	s1 =	sand.u32 $0x40, s21  }
0x2f: {  	s0 =	sand.u32 $0xC00, s21;
	s2 =	sor.u32 s23, s1  }
0x30: {  	s2 =	sor.u32 s0, s2  }
0x31: {  	v2 =	vld.idx.msk [tilespmem:v0+s2+$0x0 ss:$0x1], $0xffff;
	_ =	sdelay $0x4  }
0x32: {  	v3 =	vshrl.u32 v2, $0x13;
	v4 =	vshll.u32 v2, $0xD  }
0x33: {  	v3 =	vor.u32 v3, v4  }
0x34: {  	v3 =	vxor.u32 v2, v3  }
0x35: {  	v34 =	vshrl.u32 v3, $0x11;
	v5 =	vshll.u32 v3, $0xF  }
0x36: {  	v2 =	vadd.s32 v2, v3;
	v3 =	vor.u32 v34, v5  }
0x37: {  	v3 =	vxor.u32 v3, v2  }
0x38: {  	v35 =	vshrl.u32 v3, $0x6;
	v36 =	vshll.u32 v3, $0x1A  }
0x39: {  	v2 =	vadd.s32 v2, v3;
	v3 =	vor.u32 v35, v36  }
0x3a: {  	v3 =	vxor.u32 v3, v2  }
0x3b: {  	v37 =	vshrl.u32 v3, $0x1A;
	v38 =	vshll.u32 v3, $0x6  }
0x3c: {  	v2 =	vadd.s32 v2, v3;
	v3 =	vor.u32 v37, v38  }
0x3d: {  	v3 =	vxor.u32 v3, v2  }
0x3e: {  	v3 =	vadd.s32 $0x1BD11BF1, v3  }
0x3f: {  	v2 =	vadd.s32 v3, v2;
	v39 =	vshrl.u32 v3, $0xF;
	v3 =	vshll.u32 v3, $0x11  }
0x40: {  	v2 =	vadd.s32 $0x2A, v2;
	v3 =	vor.u32 v39, v3  }
0x41: {  	v3 =	vxor.u32 v3, v2  }
0x42: {  	v40 =	vshrl.u32 v3, $0x3;
	v41 =	vshll.u32 v3, $0x1D  }
0x43: {  	v2 =	vadd.s32 v2, v3;
	v3 =	vor.u32 v40, v41  }
0x44: {  	v3 =	vxor.u32 v3, v2  }
0x45: {  	v42 =	vshrl.u32 v3, $0x10;
	v43 =	vshll.u32 v3, $0x10  }
0x46: {  	v2 =	vadd.s32 v2, v3;
	v3 =	vor.u32 v42, v43  }
0x47: {  	v3 =	vxor.u32 v3, v2  }
0x48: {  	v44 =	vshrl.u32 v3, $0x8;
	v45 =	vshll.u32 v3, $0x18  }
0x49: {  	v2 =	vadd.s32 v2, v3;
	v3 =	vor.u32 v44, v45  }
0x4a: {  	v3 =	vxor.u32 v3, v2  }
0x4b: {  	v3 =	vadd.s32 $0x2, v3  }
0x4c: {  	v2 =	vadd.s32 v3, v2;
	v46 =	vshrl.u32 v3, $0x13;
	v3 =	vshll.u32 v3, $0xD  }
0x4d: {  	v2 =	vadd.s32 $0x1BD11BF0, v2;
	v3 =	vor.u32 v46, v3  }
0x4e: {  	v3 =	vxor.u32 v3, v2  }
0x4f: {  	v47 =	vshrl.u32 v3, $0x11;
	v48 =	vshll.u32 v3, $0xF  }
0x50: {  	v2 =	vadd.s32 v2, v3;
	v3 =	vor.u32 v47, v48  }
0x51: {  	v3 =	vxor.u32 v3, v2  }
0x52: {  	v49 =	vshrl.u32 v3, $0x6;
	v50 =	vshll.u32 v3, $0x1A  }
0x53: {  	v2 =	vadd.s32 v2, v3;
	v3 =	vor.u32 v49, v50  }
0x54: {  	v3 =	vxor.u32 v3, v2  }
0x55: {  	v51 =	vshrl.u32 v3, $0x1A;
	v52 =	vshll.u32 v3, $0x6  }
0x56: {  	v2 =	vadd.s32 v2, v3;
	v3 =	vor.u32 v51, v52  }
0x57: {  	v3 =	vxor.u32 v3, v2  }
0x58: {  	v3 =	vadd.s32 $0x2D, v3  }
0x59: {  	v53 =	vshrl.u32 v3, $0xF;
	v54 =	vshll.u32 v3, $0x11  }
0x5a: {  	v2 =	vadd.s32 v2, v3;
	v3 =	vor.u32 v53, v54  }
0x5b: {  	v3 =	vxor.u32 v3, v2  }
0x5c: {  	v55 =	vshrl.u32 v3, $0x3;
	v56 =	vshll.u32 v3, $0x1D  }
0x5d: {  	v2 =	vadd.s32 v2, v3;
	v3 =	vor.u32 v55, v56  }
0x5e: {  	v3 =	vxor.u32 v3, v2  }
0x5f: {  	v57 =	vshrl.u32 v3, $0x10;
	v58 =	vshll.u32 v3, $0x10  }
0x60: {  	v2 =	vadd.s32 v2, v3;
	v3 =	vor.u32 v57, v58  }
0x61: {  	v3 =	vxor.u32 v3, v2  }
0x62: {  	v59 =	vshrl.u32 v3, $0x8;
	v60 =	vshll.u32 v3, $0x18  }
0x63: {  	v2 =	vadd.s32 v2, v3;
	v3 =	vor.u32 v59, v60  }
0x64: {  	v3 =	vxor.u32 v3, v2  }
0x65: {  	v3 =	vadd.s32 $0x1BD11BF4, v3  }
0x66: {  	v2 =	vadd.s32 v3, v2;
	v61 =	vshrl.u32 v3, $0x13;
	v3 =	vshll.u32 v3, $0xD  }
0x67: {  	v2 =	vadd.s32 $0x2A, v2;
	v3 =	vor.u32 v61, v3  }
0x68: {  	v3 =	vxor.u32 v3, v2  }
0x69: {  	v62 =	vshrl.u32 v3, $0x11;
	v63 =	vshll.u32 v3, $0xF  }
0x6a: {  	v2 =	vadd.s32 v2, v3;
	v3 =	vor.u32 v62, v63  }
0x6b: {  	v3 =	vxor.u32 v3, v2  }
0x6c: {  	v8 =	vshrl.u32 v3, $0x6;
	v9 =	vshll.u32 v3, $0x1A  }
0x6d: {  	v2 =	vadd.s32 v2, v3;
	v3 =	vor.u32 v8, v9  }
0x6e: {  	v3 =	vxor.u32 v3, v2  }
0x6f: {  	v10 =	vshrl.u32 v3, $0x1A;
	v11 =	vshll.u32 v3, $0x6  }
0x70: {  	v2 =	vadd.s32 v2, v3;
	v3 =	vor.u32 v10, v11  }
0x71: {  	v3 =	vxor.u32 v3, v2  }
0x72: {  	s25 =	sor.u32 $0x10, s23;
	v2 =	vadd.s32 $0x1BD11BF0, v2;
	v3 =	vadd.s32 $0x5, v3  }
0x73: {  	s4 =	sor.u32 s25, s1;
	v2 =	vxor.u32 v2, v3  }
0x74: {  	s4 =	sor.u32 s0, s4;
	[tilespmem:v1+s2+$0x0 ss:$0x1] =	vst.idx.msk $0xffff, v2  }
0x75: {  	v2 =	vld.idx.msk [tilespmem:v0+s4+$0x0 ss:$0x1], $0xffff;
	_ =	sdelay $0x4  }
0x76: {  	v3 =	vshrl.u32 v2, $0x13;
	v12 =	vshll.u32 v2, $0xD  }
0x77: {  	v3 =	vor.u32 v3, v12  }
0x78: {  	v3 =	vxor.u32 v2, v3  }
0x79: {  	v13 =	vshrl.u32 v3, $0x11;
	v14 =	vshll.u32 v3, $0xF  }
0x7a: {  	v2 =	vadd.s32 v2, v3;
	v3 =	vor.u32 v13, v14  }
0x7b: {  	v3 =	vxor.u32 v3, v2  }
0x7c: {  	v15 =	vshrl.u32 v3, $0x6;
	v16 =	vshll.u32 v3, $0x1A  }
0x7d: {  	v2 =	vadd.s32 v2, v3;
	v3 =	vor.u32 v15, v16  }
0x7e: {  	v3 =	vxor.u32 v3, v2  }
0x7f: {  	v17 =	vshrl.u32 v3, $0x1A;
	v18 =	vshll.u32 v3, $0x6  }
0x80: {  	v2 =	vadd.s32 v2, v3;
	v3 =	vor.u32 v17, v18  }
0x81: {  	v3 =	vxor.u32 v3, v2  }
0x82: {  	v3 =	vadd.s32 $0x1BD11BF1, v3  }
0x83: {  	v2 =	vadd.s32 v3, v2;
	v19 =	vshrl.u32 v3, $0xF;
	v3 =	vshll.u32 v3, $0x11  }
0x84: {  	v2 =	vadd.s32 $0x2A, v2;
	v3 =	vor.u32 v19, v3  }
0x85: {  	v3 =	vxor.u32 v3, v2  }
0x86: {  	v20 =	vshrl.u32 v3, $0x3;
	v21 =	vshll.u32 v3, $0x1D  }
0x87: {  	v2 =	vadd.s32 v2, v3;
	v3 =	vor.u32 v20, v21  }
0x88: {  	v3 =	vxor.u32 v3, v2  }
0x89: {  	v22 =	vshrl.u32 v3, $0x10;
	v23 =	vshll.u32 v3, $0x10  }
0x8a: {  	v2 =	vadd.s32 v2, v3;
	v3 =	vor.u32 v22, v23  }
0x8b: {  	v3 =	vxor.u32 v3, v2  }
0x8c: {  	v24 =	vshrl.u32 v3, $0x8;
	v25 =	vshll.u32 v3, $0x18  }
0x8d: {  	v2 =	vadd.s32 v2, v3;
	v3 =	vor.u32 v24, v25  }
0x8e: {  	v3 =	vxor.u32 v3, v2  }
0x8f: {  	v3 =	vadd.s32 $0x2, v3  }
0x90: {  	v2 =	vadd.s32 v3, v2;
	v26 =	vshrl.u32 v3, $0x13;
	v3 =	vshll.u32 v3, $0xD  }
0x91: {  	v2 =	vadd.s32 $0x1BD11BF0, v2;
	v3 =	vor.u32 v26, v3  }
0x92: {  	v3 =	vxor.u32 v3, v2  }
0x93: {  	v27 =	vshrl.u32 v3, $0x11;
	v28 =	vshll.u32 v3, $0xF  }
0x94: {  	v2 =	vadd.s32 v2, v3;
	v3 =	vor.u32 v27, v28  }
0x95: {  	v3 =	vxor.u32 v3, v2  }
0x96: {  	v29 =	vshrl.u32 v3, $0x6;
	v30 =	vshll.u32 v3, $0x1A  }
0x97: {  	v2 =	vadd.s32 v2, v3;
	v3 =	vor.u32 v29, v30  }
0x98: {  	v3 =	vxor.u32 v3, v2  }
0x99: {  	v31 =	vshrl.u32 v3, $0x1A;
	v32 =	vshll.u32 v3, $0x6  }
0x9a: {  	v2 =	vadd.s32 v2, v3;
	v3 =	vor.u32 v31, v32  }
0x9b: {  	v3 =	vxor.u32 v3, v2  }
0x9c: {  	v3 =	vadd.s32 $0x2D, v3  }
0x9d: {  	v33 =	vshrl.u32 v3, $0xF;
	v34 =	vshll.u32 v3, $0x11  }
0x9e: {  	v2 =	vadd.s32 v2, v3;
	v3 =	vor.u32 v33, v34  }
0x9f: {  	v3 =	vxor.u32 v3, v2  }
0xa0: {  	v35 =	vshrl.u32 v3, $0x3;
	v36 =	vshll.u32 v3, $0x1D  }
0xa1: {  	v2 =	vadd.s32 v2, v3;
	v3 =	vor.u32 v35, v36  }
0xa2: {  	v3 =	vxor.u32 v3, v2  }
0xa3: {  	v37 =	vshrl.u32 v3, $0x10;
	v38 =	vshll.u32 v3, $0x10  }
0xa4: {  	v2 =	vadd.s32 v2, v3;
	v3 =	vor.u32 v37, v38  }
0xa5: {  	v3 =	vxor.u32 v3, v2  }
0xa6: {  	v39 =	vshrl.u32 v3, $0x8;
	v40 =	vshll.u32 v3, $0x18  }
0xa7: {  	v2 =	vadd.s32 v2, v3;
	v3 =	vor.u32 v39, v40  }
0xa8: {  	v3 =	vxor.u32 v3, v2  }
0xa9: {  	v3 =	vadd.s32 $0x1BD11BF4, v3  }
0xaa: {  	v2 =	vadd.s32 v3, v2;
	v41 =	vshrl.u32 v3, $0x13;
	v3 =	vshll.u32 v3, $0xD  }
0xab: {  	v2 =	vadd.s32 $0x2A, v2;
	v3 =	vor.u32 v41, v3  }
0xac: {  	v3 =	vxor.u32 v3, v2  }
0xad: {  	v42 =	vshrl.u32 v3, $0x11;
	v43 =	vshll.u32 v3, $0xF  }
0xae: {  	v2 =	vadd.s32 v2, v3;
	v3 =	vor.u32 v42, v43  }
0xaf: {  	v3 =	vxor.u32 v3, v2  }
0xb0: {  	v44 =	vshrl.u32 v3, $0x6;
	v45 =	vshll.u32 v3, $0x1A  }
0xb1: {  	v2 =	vadd.s32 v2, v3;
	v3 =	vor.u32 v44, v45  }
0xb2: {  	v3 =	vxor.u32 v3, v2  }
0xb3: {  	v46 =	vshrl.u32 v3, $0x1A;
	v47 =	vshll.u32 v3, $0x6  }
0xb4: {  	v2 =	vadd.s32 v2, v3;
	v3 =	vor.u32 v46, v47  }
0xb5: {  	v3 =	vxor.u32 v3, v2  }
0xb6: {  	s26 =	sor.u32 $0x20, s23;
	v2 =	vadd.s32 $0x1BD11BF0, v2;
	v3 =	vadd.s32 $0x5, v3  }
0xb7: {  	s8 =	sor.u32 s26, s1;
	v2 =	vxor.u32 v2, v3  }
0xb8: {  	s9 =	sor.u32 s0, s8;
	[tilespmem:v1+s4+$0x0 ss:$0x1] =	vst.idx.msk $0xffff, v2  }
0xb9: {  	v2 =	vld.idx.msk [tilespmem:v0+s9+$0x0 ss:$0x1], $0xffff;
	_ =	sdelay $0x4  }
0xba: {  	v3 =	vshrl.u32 v2, $0x13;
	v48 =	vshll.u32 v2, $0xD  }
0xbb: {  	v3 =	vor.u32 v3, v48  }
0xbc: {  	v3 =	vxor.u32 v2, v3  }
0xbd: {  	v49 =	vshrl.u32 v3, $0x11;
	v50 =	vshll.u32 v3, $0xF  }
0xbe: {  	v2 =	vadd.s32 v2, v3;
	v3 =	vor.u32 v49, v50  }
0xbf: {  	v3 =	vxor.u32 v3, v2  }
0xc0: {  	v51 =	vshrl.u32 v3, $0x6;
	v52 =	vshll.u32 v3, $0x1A  }
0xc1: {  	v2 =	vadd.s32 v2, v3;
	v3 =	vor.u32 v51, v52  }
0xc2: {  	v3 =	vxor.u32 v3, v2  }
0xc3: {  	v53 =	vshrl.u32 v3, $0x1A;
	v54 =	vshll.u32 v3, $0x6  }
0xc4: {  	v2 =	vadd.s32 v2, v3;
	v3 =	vor.u32 v53, v54  }
0xc5: {  	v3 =	vxor.u32 v3, v2  }
0xc6: {  	v3 =	vadd.s32 $0x1BD11BF1, v3  }
0xc7: {  	v2 =	vadd.s32 v3, v2;
	v55 =	vshrl.u32 v3, $0xF;
	v3 =	vshll.u32 v3, $0x11  }
0xc8: {  	v2 =	vadd.s32 $0x2A, v2;
	v3 =	vor.u32 v55, v3  }
0xc9: {  	v3 =	vxor.u32 v3, v2  }
0xca: {  	v56 =	vshrl.u32 v3, $0x3;
	v57 =	vshll.u32 v3, $0x1D  }
0xcb: {  	v2 =	vadd.s32 v2, v3;
	v3 =	vor.u32 v56, v57  }
0xcc: {  	v3 =	vxor.u32 v3, v2  }
0xcd: {  	v58 =	vshrl.u32 v3, $0x10;
	v59 =	vshll.u32 v3, $0x10  }
0xce: {  	v2 =	vadd.s32 v2, v3;
	v3 =	vor.u32 v58, v59  }
0xcf: {  	v3 =	vxor.u32 v3, v2  }
0xd0: {  	v60 =	vshrl.u32 v3, $0x8;
	v61 =	vshll.u32 v3, $0x18  }
0xd1: {  	v2 =	vadd.s32 v2, v3;
	v3 =	vor.u32 v60, v61  }
0xd2: {  	v3 =	vxor.u32 v3, v2  }
0xd3: {  	v3 =	vadd.s32 $0x2, v3  }
0xd4: {  	v2 =	vadd.s32 v3, v2;
	v62 =	vshrl.u32 v3, $0x13;
	v3 =	vshll.u32 v3, $0xD  }
0xd5: {  	v2 =	vadd.s32 $0x1BD11BF0, v2;
	v3 =	vor.u32 v62, v3  }
0xd6: {  	v3 =	vxor.u32 v3, v2  }
0xd7: {  	v63 =	vshrl.u32 v3, $0x11;
	v8 =	vshll.u32 v3, $0xF  }
0xd8: {  	v2 =	vadd.s32 v2, v3;
	v3 =	vor.u32 v63, v8  }
0xd9: {  	v3 =	vxor.u32 v3, v2  }
0xda: {  	v9 =	vshrl.u32 v3, $0x6;
	v10 =	vshll.u32 v3, $0x1A  }
0xdb: {  	v2 =	vadd.s32 v2, v3;
	v3 =	vor.u32 v9, v10  }
0xdc: {  	v3 =	vxor.u32 v3, v2  }
0xdd: {  	v11 =	vshrl.u32 v3, $0x1A;
	v12 =	vshll.u32 v3, $0x6  }
0xde: {  	v2 =	vadd.s32 v2, v3;
	v3 =	vor.u32 v11, v12  }
0xdf: {  	v3 =	vxor.u32 v3, v2  }
0xe0: {  	v3 =	vadd.s32 $0x2D, v3  }
0xe1: {  	v13 =	vshrl.u32 v3, $0xF;
	v14 =	vshll.u32 v3, $0x11  }
0xe2: {  	v2 =	vadd.s32 v2, v3;
	v3 =	vor.u32 v13, v14  }
0xe3: {  	v3 =	vxor.u32 v3, v2  }
0xe4: {  	v15 =	vshrl.u32 v3, $0x3;
	v16 =	vshll.u32 v3, $0x1D  }
0xe5: {  	v2 =	vadd.s32 v2, v3;
	v3 =	vor.u32 v15, v16  }
0xe6: {  	v3 =	vxor.u32 v3, v2  }
0xe7: {  	v17 =	vshrl.u32 v3, $0x10;
	v18 =	vshll.u32 v3, $0x10  }
0xe8: {  	v2 =	vadd.s32 v2, v3;
	v3 =	vor.u32 v17, v18  }
0xe9: {  	v3 =	vxor.u32 v3, v2  }
0xea: {  	v19 =	vshrl.u32 v3, $0x8;
	v20 =	vshll.u32 v3, $0x18  }
0xeb: {  	v2 =	vadd.s32 v2, v3;
	v3 =	vor.u32 v19, v20  }
0xec: {  	v3 =	vxor.u32 v3, v2  }
0xed: {  	v3 =	vadd.s32 $0x1BD11BF4, v3  }
0xee: {  	v2 =	vadd.s32 v3, v2;
	v21 =	vshrl.u32 v3, $0x13;
	v3 =	vshll.u32 v3, $0xD  }
0xef: {  	v2 =	vadd.s32 $0x2A, v2;
	v3 =	vor.u32 v21, v3  }
0xf0: {  	v3 =	vxor.u32 v3, v2  }
0xf1: {  	v22 =	vshrl.u32 v3, $0x11;
	v23 =	vshll.u32 v3, $0xF  }
0xf2: {  	v2 =	vadd.s32 v2, v3;
	v3 =	vor.u32 v22, v23  }
0xf3: {  	v3 =	vxor.u32 v3, v2  }
0xf4: {  	v24 =	vshrl.u32 v3, $0x6;
	v25 =	vshll.u32 v3, $0x1A  }
0xf5: {  	v2 =	vadd.s32 v2, v3;
	v3 =	vor.u32 v24, v25  }
0xf6: {  	v3 =	vxor.u32 v3, v2  }
0xf7: {  	v26 =	vshrl.u32 v3, $0x1A;
	v27 =	vshll.u32 v3, $0x6  }
0xf8: {  	v2 =	vadd.s32 v2, v3;
	v3 =	vor.u32 v26, v27  }
0xf9: {  	v3 =	vxor.u32 v3, v2  }
0xfa: {  	s24 =	sor.u32 $0x30, s23;
	v2 =	vadd.s32 $0x1BD11BF0, v2;
	v3 =	vadd.s32 $0x5, v3  }
0xfb: {  	s1 =	sor.u32 s24, s1;
	v2 =	vxor.u32 v2, v3  }
0xfc: {  	s8 =	sor.u32 s0, s1;
	[tilespmem:v1+s9+$0x0 ss:$0x1] =	vst.idx.msk $0xffff, v2  }
0xfd: {  	v2 =	vld.idx.msk [tilespmem:v0+s8+$0x0 ss:$0x1], $0xffff;
	_ =	sdelay $0x4  }
0xfe: {  	v3 =	vshrl.u32 v2, $0x13;
	v28 =	vshll.u32 v2, $0xD  }
0xff: {  	v3 =	vor.u32 v3, v28  }
0x100: {  	v3 =	vxor.u32 v2, v3  }
0x101: {  	v29 =	vshrl.u32 v3, $0x11;
	v30 =	vshll.u32 v3, $0xF  }
0x102: {  	v2 =	vadd.s32 v2, v3;
	v3 =	vor.u32 v29, v30  }
0x103: {  	v3 =	vxor.u32 v3, v2  }
0x104: {  	v31 =	vshrl.u32 v3, $0x6;
	v32 =	vshll.u32 v3, $0x1A  }
0x105: {  	v2 =	vadd.s32 v2, v3;
	v3 =	vor.u32 v31, v32  }
0x106: {  	v3 =	vxor.u32 v3, v2  }
0x107: {  	v33 =	vshrl.u32 v3, $0x1A;
	v34 =	vshll.u32 v3, $0x6  }
0x108: {  	v2 =	vadd.s32 v2, v3;
	v3 =	vor.u32 v33, v34  }
0x109: {  	v3 =	vxor.u32 v3, v2  }
0x10a: {  	v3 =	vadd.s32 $0x1BD11BF1, v3  }
0x10b: {  	v2 =	vadd.s32 v3, v2;
	v35 =	vshrl.u32 v3, $0xF;
	v3 =	vshll.u32 v3, $0x11  }
0x10c: {  	v2 =	vadd.s32 $0x2A, v2;
	v3 =	vor.u32 v35, v3  }
0x10d: {  	v3 =	vxor.u32 v3, v2  }
0x10e: {  	v36 =	vshrl.u32 v3, $0x3;
	v37 =	vshll.u32 v3, $0x1D  }
0x10f: {  	v2 =	vadd.s32 v2, v3;
	v3 =	vor.u32 v36, v37  }
0x110: {  	v3 =	vxor.u32 v3, v2  }
0x111: {  	v38 =	vshrl.u32 v3, $0x10;
	v39 =	vshll.u32 v3, $0x10  }
0x112: {  	v2 =	vadd.s32 v2, v3;
	v3 =	vor.u32 v38, v39  }
0x113: {  	v3 =	vxor.u32 v3, v2  }
0x114: {  	v40 =	vshrl.u32 v3, $0x8;
	v41 =	vshll.u32 v3, $0x18  }
0x115: {  	v2 =	vadd.s32 v2, v3;
	v3 =	vor.u32 v40, v41  }
0x116: {  	v3 =	vxor.u32 v3, v2  }
0x117: {  	v3 =	vadd.s32 $0x2, v3  }
0x118: {  	v2 =	vadd.s32 v3, v2;
	v42 =	vshrl.u32 v3, $0x13;
	v3 =	vshll.u32 v3, $0xD  }
0x119: {  	v2 =	vadd.s32 $0x1BD11BF0, v2;
	v3 =	vor.u32 v42, v3  }
0x11a: {  	v3 =	vxor.u32 v3, v2  }
0x11b: {  	v43 =	vshrl.u32 v3, $0x11;
	v44 =	vshll.u32 v3, $0xF  }
0x11c: {  	v2 =	vadd.s32 v2, v3;
	v3 =	vor.u32 v43, v44  }
0x11d: {  	v3 =	vxor.u32 v3, v2  }
0x11e: {  	v45 =	vshrl.u32 v3, $0x6;
	v46 =	vshll.u32 v3, $0x1A  }
0x11f: {  	v2 =	vadd.s32 v2, v3;
	v3 =	vor.u32 v45, v46  }
0x120: {  	v3 =	vxor.u32 v3, v2  }
0x121: {  	v47 =	vshrl.u32 v3, $0x1A;
	v48 =	vshll.u32 v3, $0x6  }
0x122: {  	v2 =	vadd.s32 v2, v3;
	v3 =	vor.u32 v47, v48  }
0x123: {  	v3 =	vxor.u32 v3, v2  }
0x124: {  	v3 =	vadd.s32 $0x2D, v3  }
0x125: {  	v49 =	vshrl.u32 v3, $0xF;
	v50 =	vshll.u32 v3, $0x11  }
0x126: {  	v2 =	vadd.s32 v2, v3;
	v3 =	vor.u32 v49, v50  }
0x127: {  	v3 =	vxor.u32 v3, v2  }
0x128: {  	v51 =	vshrl.u32 v3, $0x3;
	v52 =	vshll.u32 v3, $0x1D  }
0x129: {  	v2 =	vadd.s32 v2, v3;
	v3 =	vor.u32 v51, v52  }
0x12a: {  	v3 =	vxor.u32 v3, v2  }
0x12b: {  	v53 =	vshrl.u32 v3, $0x10;
	v54 =	vshll.u32 v3, $0x10  }
0x12c: {  	v2 =	vadd.s32 v2, v3;
	v3 =	vor.u32 v53, v54  }
0x12d: {  	v3 =	vxor.u32 v3, v2  }
0x12e: {  	v55 =	vshrl.u32 v3, $0x8;
	v56 =	vshll.u32 v3, $0x18  }
0x12f: {  	v2 =	vadd.s32 v2, v3;
	v3 =	vor.u32 v55, v56  }
0x130: {  	v3 =	vxor.u32 v3, v2  }
0x131: {  	v3 =	vadd.s32 $0x1BD11BF4, v3  }
0x132: {  	v2 =	vadd.s32 v3, v2;
	v57 =	vshrl.u32 v3, $0x13;
	v3 =	vshll.u32 v3, $0xD  }
0x133: {  	v2 =	vadd.s32 $0x2A, v2;
	v3 =	vor.u32 v57, v3  }
0x134: {  	v3 =	vxor.u32 v3, v2  }
0x135: {  	v58 =	vshrl.u32 v3, $0x11;
	v59 =	vshll.u32 v3, $0xF  }
0x136: {  	v2 =	vadd.s32 v2, v3;
	v3 =	vor.u32 v58, v59  }
0x137: {  	v3 =	vxor.u32 v3, v2  }
0x138: {  	v60 =	vshrl.u32 v3, $0x6;
	v61 =	vshll.u32 v3, $0x1A  }
0x139: {  	v2 =	vadd.s32 v2, v3;
	v3 =	vor.u32 v60, v61  }
0x13a: {  	v3 =	vxor.u32 v3, v2  }
0x13b: {  	v62 =	vshrl.u32 v3, $0x1A;
	v63 =	vshll.u32 v3, $0x6  }
0x13c: {  	v2 =	vadd.s32 v2, v3;
	v3 =	vor.u32 v62, v63  }
0x13d: {  	s31 =	simm.s32 $0x40;
	s29 =	simm.s32 $0x200;
	v3 =	vxor.u32 v3, v2  }
0x13e: {  	s30 =	simm.s32 $0x80;
	s28 =	sand.u32 $0xC00, s29;
	s1 =	sand.u32 $0x40, s31;
	v2 =	vadd.s32 $0x1BD11BF0, v2;
	v3 =	vadd.s32 $0x5, v3  }
0x13f: {  	s0 =	sor.u32 s26, s1;
	s2 =	sor.u32 s23, s1;
	s9 =	sor.u32 s25, s1;
	v2 =	vxor.u32 v2, v3  }
.LBB2_5:
0x140: {  	s2 =	sor.u32 s28, s2  }
0x141: {  	s1 =	sor.u32 s24, s1;
	[tilespmem:v1+s8+$0x0 ss:$0x1] =	vst.idx.msk $0xffff, v2;
	s31 =	smov.u32 s30;
	s4 =	sadd.s32 $0x40, s30  }
0x142: {  	p2 =	sne.s32 s30, $0x1C0;
	v2 =	vld.idx.msk [tilespmem:v0+s2+$0x0 ss:$0x1], $0xffff;
	_ =	sdelay $0x5  }
0x143: {  	v3 =	vshrl.u32 v2, $0x13;
	v4 =	vshll.u32 v2, $0xD  }
0x144: {  	v3 =	vor.u32 v3, v4  }
0x145: {  	v3 =	vxor.u32 v2, v3  }
0x146: {  	v2 =	vadd.s32 v2, v3;
	v4 =	vshrl.u32 v3, $0x11;
	v3 =	vshll.u32 v3, $0xF  }
0x147: {  	v3 =	vor.u32 v4, v3  }
0x148: {  	v3 =	vxor.u32 v3, v2  }
0x149: {  	v2 =	vadd.s32 v2, v3;
	v4 =	vshrl.u32 v3, $0x6;
	v3 =	vshll.u32 v3, $0x1A  }
0x14a: {  	v3 =	vor.u32 v4, v3  }
0x14b: {  	v3 =	vxor.u32 v3, v2  }
0x14c: {  	v4 =	vshrl.u32 v3, $0x1A;
	v5 =	vshll.u32 v3, $0x6  }
0x14d: {  	v2 =	vadd.s32 v2, v3;
	v3 =	vor.u32 v4, v5  }
0x14e: {  	v3 =	vxor.u32 v3, v2  }
0x14f: {  	v3 =	vadd.s32 $0x1BD11BF1, v3  }
0x150: {  	v2 =	vadd.s32 v3, v2;
	v4 =	vshrl.u32 v3, $0xF;
	v3 =	vshll.u32 v3, $0x11  }
0x151: {  	v2 =	vadd.s32 $0x2A, v2;
	v3 =	vor.u32 v4, v3  }
0x152: {  	v3 =	vxor.u32 v3, v2  }
0x153: {  	v2 =	vadd.s32 v2, v3;
	v4 =	vshrl.u32 v3, $0x3;
	v3 =	vshll.u32 v3, $0x1D  }
0x154: {  	v3 =	vor.u32 v4, v3  }
0x155: {  	v3 =	vxor.u32 v3, v2  }
0x156: {  	v2 =	vadd.s32 v2, v3;
	v4 =	vshrl.u32 v3, $0x10;
	v3 =	vshll.u32 v3, $0x10  }
0x157: {  	v3 =	vor.u32 v4, v3  }
0x158: {  	v3 =	vxor.u32 v3, v2  }
0x159: {  	v4 =	vshrl.u32 v3, $0x8;
	v5 =	vshll.u32 v3, $0x18  }
0x15a: {  	v2 =	vadd.s32 v2, v3;
	v3 =	vor.u32 v4, v5  }
0x15b: {  	v3 =	vxor.u32 v3, v2  }
0x15c: {  	v3 =	vadd.s32 $0x2, v3  }
0x15d: {  	v2 =	vadd.s32 v3, v2;
	v4 =	vshrl.u32 v3, $0x13;
	v3 =	vshll.u32 v3, $0xD  }
0x15e: {  	v2 =	vadd.s32 $0x1BD11BF0, v2;
	v3 =	vor.u32 v4, v3  }
0x15f: {  	v3 =	vxor.u32 v3, v2  }
0x160: {  	v2 =	vadd.s32 v2, v3;
	v4 =	vshrl.u32 v3, $0x11;
	v3 =	vshll.u32 v3, $0xF  }
0x161: {  	v3 =	vor.u32 v4, v3  }
0x162: {  	v3 =	vxor.u32 v3, v2  }
0x163: {  	v2 =	vadd.s32 v2, v3;
	v4 =	vshrl.u32 v3, $0x6;
	v3 =	vshll.u32 v3, $0x1A  }
0x164: {  	v3 =	vor.u32 v4, v3  }
0x165: {  	v3 =	vxor.u32 v3, v2  }
0x166: {  	v2 =	vadd.s32 v2, v3;
	v4 =	vshrl.u32 v3, $0x1A;
	v3 =	vshll.u32 v3, $0x6  }
0x167: {  	v3 =	vor.u32 v4, v3  }
0x168: {  	v3 =	vxor.u32 v3, v2  }
0x169: {  	v3 =	vadd.s32 $0x2D, v3  }
0x16a: {  	v2 =	vadd.s32 v2, v3;
	v4 =	vshrl.u32 v3, $0xF;
	v3 =	vshll.u32 v3, $0x11  }
0x16b: {  	v3 =	vor.u32 v4, v3  }
0x16c: {  	v3 =	vxor.u32 v3, v2  }
0x16d: {  	v2 =	vadd.s32 v2, v3;
	v4 =	vshrl.u32 v3, $0x3;
	v3 =	vshll.u32 v3, $0x1D  }
0x16e: {  	v3 =	vor.u32 v4, v3  }
0x16f: {  	v3 =	vxor.u32 v3, v2  }
0x170: {  	v2 =	vadd.s32 v2, v3;
	v4 =	vshrl.u32 v3, $0x10;
	v3 =	vshll.u32 v3, $0x10  }
0x171: {  	v3 =	vor.u32 v4, v3  }
0x172: {  	v3 =	vxor.u32 v3, v2  }
0x173: {  	v4 =	vshrl.u32 v3, $0x8;
	v5 =	vshll.u32 v3, $0x18  }
0x174: {  	v2 =	vadd.s32 v2, v3;
	v3 =	vor.u32 v4, v5  }
0x175: {  	v3 =	vxor.u32 v3, v2  }
0x176: {  	v3 =	vadd.s32 $0x1BD11BF4, v3  }
0x177: {  	v2 =	vadd.s32 v3, v2;
	v4 =	vshrl.u32 v3, $0x13;
	v3 =	vshll.u32 v3, $0xD  }
0x178: {  	v2 =	vadd.s32 $0x2A, v2;
	v3 =	vor.u32 v4, v3  }
0x179: {  	v3 =	vxor.u32 v3, v2  }
0x17a: {  	v2 =	vadd.s32 v2, v3;
	v4 =	vshrl.u32 v3, $0x11;
	v3 =	vshll.u32 v3, $0xF  }
0x17b: {  	v3 =	vor.u32 v4, v3  }
0x17c: {  	v3 =	vxor.u32 v3, v2  }
0x17d: {  	v2 =	vadd.s32 v2, v3;
	v4 =	vshrl.u32 v3, $0x6;
	v3 =	vshll.u32 v3, $0x1A  }
0x17e: {  	v3 =	vor.u32 v4, v3  }
0x17f: {  	v3 =	vxor.u32 v3, v2  }
0x180: {  	v2 =	vadd.s32 v2, v3;
	v4 =	vshrl.u32 v3, $0x1A;
	v3 =	vshll.u32 v3, $0x6  }
0x181: {  	v3 =	vor.u32 v4, v3  }
0x182: {  	v3 =	vxor.u32 v3, v2  }
0x183: {  	v2 =	vadd.s32 $0x1BD11BF0, v2;
	v3 =	vadd.s32 $0x5, v3  }
0x184: {  	v2 =	vxor.u32 v2, v3  }
0x185: {  	[tilespmem:v1+s2+$0x0 ss:$0x1] =	vst.idx.msk $0xffff, v2;
	s2 =	sor.u32 s28, s9  }
0x186: {  	v2 =	vld.idx.msk [tilespmem:v0+s2+$0x0 ss:$0x1], $0xffff;
	_ =	sdelay $0x5  }
0x187: {  	v3 =	vshrl.u32 v2, $0x13;
	v4 =	vshll.u32 v2, $0xD  }
0x188: {  	v3 =	vor.u32 v3, v4  }
0x189: {  	v3 =	vxor.u32 v2, v3  }
0x18a: {  	v2 =	vadd.s32 v2, v3;
	v4 =	vshrl.u32 v3, $0x11;
	v3 =	vshll.u32 v3, $0xF  }
0x18b: {  	v3 =	vor.u32 v4, v3  }
0x18c: {  	v3 =	vxor.u32 v3, v2  }
0x18d: {  	v2 =	vadd.s32 v2, v3;
	v4 =	vshrl.u32 v3, $0x6;
	v3 =	vshll.u32 v3, $0x1A  }
0x18e: {  	v3 =	vor.u32 v4, v3  }
0x18f: {  	v3 =	vxor.u32 v3, v2  }
0x190: {  	v4 =	vshrl.u32 v3, $0x1A;
	v5 =	vshll.u32 v3, $0x6  }
0x191: {  	v2 =	vadd.s32 v2, v3;
	v3 =	vor.u32 v4, v5  }
0x192: {  	v3 =	vxor.u32 v3, v2  }
0x193: {  	v3 =	vadd.s32 $0x1BD11BF1, v3  }
0x194: {  	v2 =	vadd.s32 v3, v2;
	v4 =	vshrl.u32 v3, $0xF;
	v3 =	vshll.u32 v3, $0x11  }
0x195: {  	v2 =	vadd.s32 $0x2A, v2;
	v3 =	vor.u32 v4, v3  }
0x196: {  	v3 =	vxor.u32 v3, v2  }
0x197: {  	v2 =	vadd.s32 v2, v3;
	v4 =	vshrl.u32 v3, $0x3;
	v3 =	vshll.u32 v3, $0x1D  }
0x198: {  	v3 =	vor.u32 v4, v3  }
0x199: {  	v3 =	vxor.u32 v3, v2  }
0x19a: {  	v2 =	vadd.s32 v2, v3;
	v4 =	vshrl.u32 v3, $0x10;
	v3 =	vshll.u32 v3, $0x10  }
0x19b: {  	v3 =	vor.u32 v4, v3  }
0x19c: {  	v3 =	vxor.u32 v3, v2  }
0x19d: {  	v4 =	vshrl.u32 v3, $0x8;
	v5 =	vshll.u32 v3, $0x18  }
0x19e: {  	v2 =	vadd.s32 v2, v3;
	v3 =	vor.u32 v4, v5  }
0x19f: {  	v3 =	vxor.u32 v3, v2  }
0x1a0: {  	v3 =	vadd.s32 $0x2, v3  }
0x1a1: {  	v2 =	vadd.s32 v3, v2;
	v4 =	vshrl.u32 v3, $0x13;
	v3 =	vshll.u32 v3, $0xD  }
0x1a2: {  	v2 =	vadd.s32 $0x1BD11BF0, v2;
	v3 =	vor.u32 v4, v3  }
0x1a3: {  	v3 =	vxor.u32 v3, v2  }
0x1a4: {  	v2 =	vadd.s32 v2, v3;
	v4 =	vshrl.u32 v3, $0x11;
	v3 =	vshll.u32 v3, $0xF  }
0x1a5: {  	v3 =	vor.u32 v4, v3  }
0x1a6: {  	v3 =	vxor.u32 v3, v2  }
0x1a7: {  	v2 =	vadd.s32 v2, v3;
	v4 =	vshrl.u32 v3, $0x6;
	v3 =	vshll.u32 v3, $0x1A  }
0x1a8: {  	v3 =	vor.u32 v4, v3  }
0x1a9: {  	v3 =	vxor.u32 v3, v2  }
0x1aa: {  	v2 =	vadd.s32 v2, v3;
	v4 =	vshrl.u32 v3, $0x1A;
	v3 =	vshll.u32 v3, $0x6  }
0x1ab: {  	v3 =	vor.u32 v4, v3  }
0x1ac: {  	v3 =	vxor.u32 v3, v2  }
0x1ad: {  	v3 =	vadd.s32 $0x2D, v3  }
0x1ae: {  	v2 =	vadd.s32 v2, v3;
	v4 =	vshrl.u32 v3, $0xF;
	v3 =	vshll.u32 v3, $0x11  }
0x1af: {  	v3 =	vor.u32 v4, v3  }
0x1b0: {  	v3 =	vxor.u32 v3, v2  }
0x1b1: {  	v2 =	vadd.s32 v2, v3;
	v4 =	vshrl.u32 v3, $0x3;
	v3 =	vshll.u32 v3, $0x1D  }
0x1b2: {  	v3 =	vor.u32 v4, v3  }
0x1b3: {  	v3 =	vxor.u32 v3, v2  }
0x1b4: {  	v2 =	vadd.s32 v2, v3;
	v4 =	vshrl.u32 v3, $0x10;
	v3 =	vshll.u32 v3, $0x10  }
0x1b5: {  	v3 =	vor.u32 v4, v3  }
0x1b6: {  	v3 =	vxor.u32 v3, v2  }
0x1b7: {  	v4 =	vshrl.u32 v3, $0x8;
	v5 =	vshll.u32 v3, $0x18  }
0x1b8: {  	v2 =	vadd.s32 v2, v3;
	v3 =	vor.u32 v4, v5  }
0x1b9: {  	v3 =	vxor.u32 v3, v2  }
0x1ba: {  	v3 =	vadd.s32 $0x1BD11BF4, v3  }
0x1bb: {  	v2 =	vadd.s32 v3, v2;
	v4 =	vshrl.u32 v3, $0x13;
	v3 =	vshll.u32 v3, $0xD  }
0x1bc: {  	v2 =	vadd.s32 $0x2A, v2;
	v3 =	vor.u32 v4, v3  }
0x1bd: {  	v3 =	vxor.u32 v3, v2  }
0x1be: {  	v2 =	vadd.s32 v2, v3;
	v4 =	vshrl.u32 v3, $0x11;
	v3 =	vshll.u32 v3, $0xF  }
0x1bf: {  	v3 =	vor.u32 v4, v3  }
0x1c0: {  	v3 =	vxor.u32 v3, v2  }
0x1c1: {  	v2 =	vadd.s32 v2, v3;
	v4 =	vshrl.u32 v3, $0x6;
	v3 =	vshll.u32 v3, $0x1A  }
0x1c2: {  	v3 =	vor.u32 v4, v3  }
0x1c3: {  	v3 =	vxor.u32 v3, v2  }
0x1c4: {  	v2 =	vadd.s32 v2, v3;
	v4 =	vshrl.u32 v3, $0x1A;
	v3 =	vshll.u32 v3, $0x6  }
0x1c5: {  	v3 =	vor.u32 v4, v3  }
0x1c6: {  	v3 =	vxor.u32 v3, v2  }
0x1c7: {  	v2 =	vadd.s32 $0x1BD11BF0, v2;
	v3 =	vadd.s32 $0x5, v3  }
0x1c8: {  	v2 =	vxor.u32 v2, v3  }
0x1c9: {  	s0 =	sor.u32 s28, s0;
	[tilespmem:v1+s2+$0x0 ss:$0x1] =	vst.idx.msk $0xffff, v2  }
0x1ca: {  	v2 =	vld.idx.msk [tilespmem:v0+s0+$0x0 ss:$0x1], $0xffff;
	_ =	sdelay $0x5  }
0x1cb: {  	v3 =	vshrl.u32 v2, $0x13;
	v4 =	vshll.u32 v2, $0xD  }
0x1cc: {  	v3 =	vor.u32 v3, v4  }
0x1cd: {  	v3 =	vxor.u32 v2, v3  }
0x1ce: {  	v2 =	vadd.s32 v2, v3;
	v4 =	vshrl.u32 v3, $0x11;
	v3 =	vshll.u32 v3, $0xF  }
0x1cf: {  	v3 =	vor.u32 v4, v3  }
0x1d0: {  	v3 =	vxor.u32 v3, v2  }
0x1d1: {  	v2 =	vadd.s32 v2, v3;
	v4 =	vshrl.u32 v3, $0x6;
	v3 =	vshll.u32 v3, $0x1A  }
0x1d2: {  	v3 =	vor.u32 v4, v3  }
0x1d3: {  	v3 =	vxor.u32 v3, v2  }
0x1d4: {  	v4 =	vshrl.u32 v3, $0x1A;
	v5 =	vshll.u32 v3, $0x6  }
0x1d5: {  	v2 =	vadd.s32 v2, v3;
	v3 =	vor.u32 v4, v5  }
0x1d6: {  	v3 =	vxor.u32 v3, v2  }
0x1d7: {  	v3 =	vadd.s32 $0x1BD11BF1, v3  }
0x1d8: {  	v2 =	vadd.s32 v3, v2;
	v4 =	vshrl.u32 v3, $0xF;
	v3 =	vshll.u32 v3, $0x11  }
0x1d9: {  	v2 =	vadd.s32 $0x2A, v2;
	v3 =	vor.u32 v4, v3  }
0x1da: {  	v3 =	vxor.u32 v3, v2  }
0x1db: {  	v2 =	vadd.s32 v2, v3;
	v4 =	vshrl.u32 v3, $0x3;
	v3 =	vshll.u32 v3, $0x1D  }
0x1dc: {  	v3 =	vor.u32 v4, v3  }
0x1dd: {  	v3 =	vxor.u32 v3, v2  }
0x1de: {  	v2 =	vadd.s32 v2, v3;
	v4 =	vshrl.u32 v3, $0x10;
	v3 =	vshll.u32 v3, $0x10  }
0x1df: {  	v3 =	vor.u32 v4, v3  }
0x1e0: {  	v3 =	vxor.u32 v3, v2  }
0x1e1: {  	v4 =	vshrl.u32 v3, $0x8;
	v5 =	vshll.u32 v3, $0x18  }
0x1e2: {  	v2 =	vadd.s32 v2, v3;
	v3 =	vor.u32 v4, v5  }
0x1e3: {  	v3 =	vxor.u32 v3, v2  }
0x1e4: {  	v3 =	vadd.s32 $0x2, v3  }
0x1e5: {  	v2 =	vadd.s32 v3, v2;
	v4 =	vshrl.u32 v3, $0x13;
	v3 =	vshll.u32 v3, $0xD  }
0x1e6: {  	v2 =	vadd.s32 $0x1BD11BF0, v2;
	v3 =	vor.u32 v4, v3  }
0x1e7: {  	v3 =	vxor.u32 v3, v2  }
0x1e8: {  	v2 =	vadd.s32 v2, v3;
	v4 =	vshrl.u32 v3, $0x11;
	v3 =	vshll.u32 v3, $0xF  }
0x1e9: {  	v3 =	vor.u32 v4, v3  }
0x1ea: {  	v3 =	vxor.u32 v3, v2  }
0x1eb: {  	v2 =	vadd.s32 v2, v3;
	v4 =	vshrl.u32 v3, $0x6;
	v3 =	vshll.u32 v3, $0x1A  }
0x1ec: {  	v3 =	vor.u32 v4, v3  }
0x1ed: {  	v3 =	vxor.u32 v3, v2  }
0x1ee: {  	v2 =	vadd.s32 v2, v3;
	v4 =	vshrl.u32 v3, $0x1A;
	v3 =	vshll.u32 v3, $0x6  }
0x1ef: {  	v3 =	vor.u32 v4, v3  }
0x1f0: {  	v3 =	vxor.u32 v3, v2  }
0x1f1: {  	v3 =	vadd.s32 $0x2D, v3  }
0x1f2: {  	v2 =	vadd.s32 v2, v3;
	v4 =	vshrl.u32 v3, $0xF;
	v3 =	vshll.u32 v3, $0x11  }
0x1f3: {  	v3 =	vor.u32 v4, v3  }
0x1f4: {  	v3 =	vxor.u32 v3, v2  }
0x1f5: {  	v2 =	vadd.s32 v2, v3;
	v4 =	vshrl.u32 v3, $0x3;
	v3 =	vshll.u32 v3, $0x1D  }
0x1f6: {  	v3 =	vor.u32 v4, v3  }
0x1f7: {  	v3 =	vxor.u32 v3, v2  }
0x1f8: {  	v2 =	vadd.s32 v2, v3;
	v4 =	vshrl.u32 v3, $0x10;
	v3 =	vshll.u32 v3, $0x10  }
0x1f9: {  	v3 =	vor.u32 v4, v3  }
0x1fa: {  	v3 =	vxor.u32 v3, v2  }
0x1fb: {  	v4 =	vshrl.u32 v3, $0x8;
	v5 =	vshll.u32 v3, $0x18  }
0x1fc: {  	v2 =	vadd.s32 v2, v3;
	v3 =	vor.u32 v4, v5  }
0x1fd: {  	v3 =	vxor.u32 v3, v2  }
0x1fe: {  	v3 =	vadd.s32 $0x1BD11BF4, v3  }
0x1ff: {  	v2 =	vadd.s32 v3, v2;
	v4 =	vshrl.u32 v3, $0x13;
	v3 =	vshll.u32 v3, $0xD  }
0x200: {  	v2 =	vadd.s32 $0x2A, v2;
	v3 =	vor.u32 v4, v3  }
0x201: {  	v3 =	vxor.u32 v3, v2  }
0x202: {  	v2 =	vadd.s32 v2, v3;
	v4 =	vshrl.u32 v3, $0x11;
	v3 =	vshll.u32 v3, $0xF  }
0x203: {  	v3 =	vor.u32 v4, v3  }
0x204: {  	v3 =	vxor.u32 v3, v2  }
0x205: {  	v2 =	vadd.s32 v2, v3;
	v4 =	vshrl.u32 v3, $0x6;
	v3 =	vshll.u32 v3, $0x1A  }
0x206: {  	v3 =	vor.u32 v4, v3  }
0x207: {  	v3 =	vxor.u32 v3, v2  }
0x208: {  	v2 =	vadd.s32 v2, v3;
	v4 =	vshrl.u32 v3, $0x1A;
	v3 =	vshll.u32 v3, $0x6  }
0x209: {  	v3 =	vor.u32 v4, v3  }
0x20a: {  	v3 =	vxor.u32 v3, v2  }
0x20b: {  	v2 =	vadd.s32 $0x1BD11BF0, v2;
	v3 =	vadd.s32 $0x5, v3  }
0x20c: {  	v2 =	vxor.u32 v2, v3  }
0x20d: {  	s8 =	sor.u32 s28, s1;
	[tilespmem:v1+s0+$0x0 ss:$0x1] =	vst.idx.msk $0xffff, v2  }
0x20e: {  	v2 =	vld.idx.msk [tilespmem:v0+s8+$0x0 ss:$0x1], $0xffff;
	_ =	sdelay $0x5  }
0x20f: {  	v3 =	vshrl.u32 v2, $0x13;
	v4 =	vshll.u32 v2, $0xD  }
0x210: {  	v3 =	vor.u32 v3, v4  }
0x211: {  	v3 =	vxor.u32 v2, v3  }
0x212: {  	v2 =	vadd.s32 v2, v3;
	v4 =	vshrl.u32 v3, $0x11;
	v3 =	vshll.u32 v3, $0xF  }
0x213: {  	v3 =	vor.u32 v4, v3  }
0x214: {  	v3 =	vxor.u32 v3, v2  }
0x215: {  	v2 =	vadd.s32 v2, v3;
	v4 =	vshrl.u32 v3, $0x6;
	v3 =	vshll.u32 v3, $0x1A  }
0x216: {  	v3 =	vor.u32 v4, v3  }
0x217: {  	v3 =	vxor.u32 v3, v2  }
0x218: {  	v4 =	vshrl.u32 v3, $0x1A;
	v5 =	vshll.u32 v3, $0x6  }
0x219: {  	v2 =	vadd.s32 v2, v3;
	v3 =	vor.u32 v4, v5  }
0x21a: {  	v3 =	vxor.u32 v3, v2  }
0x21b: {  	v3 =	vadd.s32 $0x1BD11BF1, v3  }
0x21c: {  	v2 =	vadd.s32 v3, v2;
	v4 =	vshrl.u32 v3, $0xF;
	v3 =	vshll.u32 v3, $0x11  }
0x21d: {  	v2 =	vadd.s32 $0x2A, v2;
	v3 =	vor.u32 v4, v3  }
0x21e: {  	v3 =	vxor.u32 v3, v2  }
0x21f: {  	v2 =	vadd.s32 v2, v3;
	v4 =	vshrl.u32 v3, $0x3;
	v3 =	vshll.u32 v3, $0x1D  }
0x220: {  	v3 =	vor.u32 v4, v3  }
0x221: {  	v3 =	vxor.u32 v3, v2  }
0x222: {  	v2 =	vadd.s32 v2, v3;
	v4 =	vshrl.u32 v3, $0x10;
	v3 =	vshll.u32 v3, $0x10  }
0x223: {  	v3 =	vor.u32 v4, v3  }
0x224: {  	v3 =	vxor.u32 v3, v2  }
0x225: {  	v4 =	vshrl.u32 v3, $0x8;
	v5 =	vshll.u32 v3, $0x18  }
0x226: {  	v2 =	vadd.s32 v2, v3;
	v3 =	vor.u32 v4, v5  }
0x227: {  	v3 =	vxor.u32 v3, v2  }
0x228: {  	v3 =	vadd.s32 $0x2, v3  }
0x229: {  	v2 =	vadd.s32 v3, v2;
	v4 =	vshrl.u32 v3, $0x13;
	v3 =	vshll.u32 v3, $0xD  }
0x22a: {  	v2 =	vadd.s32 $0x1BD11BF0, v2;
	v3 =	vor.u32 v4, v3  }
0x22b: {  	v3 =	vxor.u32 v3, v2  }
0x22c: {  	v2 =	vadd.s32 v2, v3;
	v4 =	vshrl.u32 v3, $0x11;
	v3 =	vshll.u32 v3, $0xF  }
0x22d: {  	v3 =	vor.u32 v4, v3  }
0x22e: {  	v3 =	vxor.u32 v3, v2  }
0x22f: {  	v2 =	vadd.s32 v2, v3;
	v4 =	vshrl.u32 v3, $0x6;
	v3 =	vshll.u32 v3, $0x1A  }
0x230: {  	v3 =	vor.u32 v4, v3  }
0x231: {  	v3 =	vxor.u32 v3, v2  }
0x232: {  	v2 =	vadd.s32 v2, v3;
	v4 =	vshrl.u32 v3, $0x1A;
	v3 =	vshll.u32 v3, $0x6  }
0x233: {  	v3 =	vor.u32 v4, v3  }
0x234: {  	v3 =	vxor.u32 v3, v2  }
0x235: {  	v3 =	vadd.s32 $0x2D, v3  }
0x236: {  	v2 =	vadd.s32 v2, v3;
	v4 =	vshrl.u32 v3, $0xF;
	v3 =	vshll.u32 v3, $0x11  }
0x237: {  	v3 =	vor.u32 v4, v3  }
0x238: {  	v3 =	vxor.u32 v3, v2  }
0x239: {  	v2 =	vadd.s32 v2, v3;
	v4 =	vshrl.u32 v3, $0x3;
	v3 =	vshll.u32 v3, $0x1D  }
0x23a: {  	v3 =	vor.u32 v4, v3  }
0x23b: {  	v3 =	vxor.u32 v3, v2  }
0x23c: {  	v2 =	vadd.s32 v2, v3;
	v4 =	vshrl.u32 v3, $0x10;
	v3 =	vshll.u32 v3, $0x10  }
0x23d: {  	v3 =	vor.u32 v4, v3  }
0x23e: {  	v3 =	vxor.u32 v3, v2  }
0x23f: {  	v4 =	vshrl.u32 v3, $0x8;
	v5 =	vshll.u32 v3, $0x18  }
0x240: {  	v2 =	vadd.s32 v2, v3;
	v3 =	vor.u32 v4, v5  }
0x241: {  	v3 =	vxor.u32 v3, v2  }
0x242: {  	v3 =	vadd.s32 $0x1BD11BF4, v3  }
0x243: {  	v2 =	vadd.s32 v3, v2;
	v4 =	vshrl.u32 v3, $0x13;
	v3 =	vshll.u32 v3, $0xD  }
0x244: {  	v2 =	vadd.s32 $0x2A, v2;
	v3 =	vor.u32 v4, v3  }
0x245: {  	v3 =	vxor.u32 v3, v2  }
0x246: {  	v2 =	vadd.s32 v2, v3;
	v4 =	vshrl.u32 v3, $0x11;
	v3 =	vshll.u32 v3, $0xF  }
0x247: {  	v3 =	vor.u32 v4, v3  }
0x248: {  	v3 =	vxor.u32 v3, v2  }
0x249: {  	v2 =	vadd.s32 v2, v3;
	v4 =	vshrl.u32 v3, $0x6;
	v3 =	vshll.u32 v3, $0x1A  }
0x24a: {  	v3 =	vor.u32 v4, v3  }
0x24b: {  	v3 =	vxor.u32 v3, v2  }
.Ltmp1:
0x24c: {  	v2 =	vadd.s32 v2, v3;
	v4 =	vshrl.u32 v3, $0x1A;
	v3 =	vshll.u32 v3, $0x6;
	(pc) =	sbr.rel @p2 .LBB2_5-.Ltmp1, $4  }
0x24d: {  	v3 =	vor.u32 v4, v3  }
0x24e: {  	s29 =	sadd.s32 $0x200, s29;
	v3 =	vxor.u32 v3, v2  }
0x24f: {  	s1 =	sand.u32 $0x40, s31;
	s30 =	smov.u32 s4;
	s28 =	sand.u32 $0xC00, s29;
	v2 =	vadd.s32 $0x1BD11BF0, v2;
	v3 =	vadd.s32 $0x5, v3  }
0x250: {  	s9 =	sor.u32 s25, s1;
	s2 =	sor.u32 s23, s1;
	s0 =	sor.u32 s26, s1;
	v2 =	vxor.u32 v2, v3  }
0x251: {  	_ =	sdelay $0x3  }
0x252: {  	s2 =	sor.u32 s28, s2;
	[tilespmem:v1+s8+$0x0 ss:$0x1] =	vst.idx.msk $0xffff, v2  }
0x253: {  	v2 =	vld.idx.msk [tilespmem:v0+s2+$0x0 ss:$0x1], $0xffff;
	_ =	sdelay $0x4  }
0x254: {  	v3 =	vshrl.u32 v2, $0x13;
	v4 =	vshll.u32 v2, $0xD  }
0x255: {  	v3 =	vor.u32 v3, v4  }
0x256: {  	v3 =	vxor.u32 v2, v3  }
0x257: {  	v34 =	vshrl.u32 v3, $0x11;
	v5 =	vshll.u32 v3, $0xF  }
0x258: {  	v2 =	vadd.s32 v2, v3;
	v3 =	vor.u32 v34, v5  }
0x259: {  	v3 =	vxor.u32 v3, v2  }
0x25a: {  	v35 =	vshrl.u32 v3, $0x6;
	v36 =	vshll.u32 v3, $0x1A  }
0x25b: {  	v2 =	vadd.s32 v2, v3;
	v3 =	vor.u32 v35, v36  }
0x25c: {  	v3 =	vxor.u32 v3, v2  }
0x25d: {  	v37 =	vshrl.u32 v3, $0x1A;
	v38 =	vshll.u32 v3, $0x6  }
0x25e: {  	v2 =	vadd.s32 v2, v3;
	v3 =	vor.u32 v37, v38  }
0x25f: {  	v3 =	vxor.u32 v3, v2  }
0x260: {  	v3 =	vadd.s32 $0x1BD11BF1, v3  }
0x261: {  	v2 =	vadd.s32 v3, v2;
	v39 =	vshrl.u32 v3, $0xF;
	v3 =	vshll.u32 v3, $0x11  }
0x262: {  	v2 =	vadd.s32 $0x2A, v2;
	v3 =	vor.u32 v39, v3  }
0x263: {  	v3 =	vxor.u32 v3, v2  }
0x264: {  	v40 =	vshrl.u32 v3, $0x3;
	v41 =	vshll.u32 v3, $0x1D  }
0x265: {  	v2 =	vadd.s32 v2, v3;
	v3 =	vor.u32 v40, v41  }
0x266: {  	v3 =	vxor.u32 v3, v2  }
0x267: {  	v42 =	vshrl.u32 v3, $0x10;
	v43 =	vshll.u32 v3, $0x10  }
0x268: {  	v2 =	vadd.s32 v2, v3;
	v3 =	vor.u32 v42, v43  }
0x269: {  	v3 =	vxor.u32 v3, v2  }
0x26a: {  	v44 =	vshrl.u32 v3, $0x8;
	v45 =	vshll.u32 v3, $0x18  }
0x26b: {  	v2 =	vadd.s32 v2, v3;
	v3 =	vor.u32 v44, v45  }
0x26c: {  	v3 =	vxor.u32 v3, v2  }
0x26d: {  	v3 =	vadd.s32 $0x2, v3  }
0x26e: {  	v2 =	vadd.s32 v3, v2;
	v46 =	vshrl.u32 v3, $0x13;
	v3 =	vshll.u32 v3, $0xD  }
0x26f: {  	v2 =	vadd.s32 $0x1BD11BF0, v2;
	v3 =	vor.u32 v46, v3  }
0x270: {  	v3 =	vxor.u32 v3, v2  }
0x271: {  	v47 =	vshrl.u32 v3, $0x11;
	v48 =	vshll.u32 v3, $0xF  }
0x272: {  	v2 =	vadd.s32 v2, v3;
	v3 =	vor.u32 v47, v48  }
0x273: {  	v3 =	vxor.u32 v3, v2  }
0x274: {  	v49 =	vshrl.u32 v3, $0x6;
	v50 =	vshll.u32 v3, $0x1A  }
0x275: {  	v2 =	vadd.s32 v2, v3;
	v3 =	vor.u32 v49, v50  }
0x276: {  	v3 =	vxor.u32 v3, v2  }
0x277: {  	v51 =	vshrl.u32 v3, $0x1A;
	v52 =	vshll.u32 v3, $0x6  }
0x278: {  	v2 =	vadd.s32 v2, v3;
	v3 =	vor.u32 v51, v52  }
0x279: {  	v3 =	vxor.u32 v3, v2  }
0x27a: {  	v3 =	vadd.s32 $0x2D, v3  }
0x27b: {  	v53 =	vshrl.u32 v3, $0xF;
	v54 =	vshll.u32 v3, $0x11  }
0x27c: {  	v2 =	vadd.s32 v2, v3;
	v3 =	vor.u32 v53, v54  }
0x27d: {  	v3 =	vxor.u32 v3, v2  }
0x27e: {  	v55 =	vshrl.u32 v3, $0x3;
	v56 =	vshll.u32 v3, $0x1D  }
0x27f: {  	v2 =	vadd.s32 v2, v3;
	v3 =	vor.u32 v55, v56  }
0x280: {  	v3 =	vxor.u32 v3, v2  }
0x281: {  	v57 =	vshrl.u32 v3, $0x10;
	v58 =	vshll.u32 v3, $0x10  }
0x282: {  	v2 =	vadd.s32 v2, v3;
	v3 =	vor.u32 v57, v58  }
0x283: {  	v3 =	vxor.u32 v3, v2  }
0x284: {  	v59 =	vshrl.u32 v3, $0x8;
	v60 =	vshll.u32 v3, $0x18  }
0x285: {  	v2 =	vadd.s32 v2, v3;
	v3 =	vor.u32 v59, v60  }
0x286: {  	v3 =	vxor.u32 v3, v2  }
0x287: {  	v3 =	vadd.s32 $0x1BD11BF4, v3  }
0x288: {  	v2 =	vadd.s32 v3, v2;
	v61 =	vshrl.u32 v3, $0x13;
	v3 =	vshll.u32 v3, $0xD  }
0x289: {  	v2 =	vadd.s32 $0x2A, v2;
	v3 =	vor.u32 v61, v3  }
0x28a: {  	v3 =	vxor.u32 v3, v2  }
0x28b: {  	v62 =	vshrl.u32 v3, $0x11;
	v63 =	vshll.u32 v3, $0xF  }
0x28c: {  	v2 =	vadd.s32 v2, v3;
	v3 =	vor.u32 v62, v63  }
0x28d: {  	v3 =	vxor.u32 v3, v2  }
0x28e: {  	v8 =	vshrl.u32 v3, $0x6;
	v9 =	vshll.u32 v3, $0x1A  }
0x28f: {  	v2 =	vadd.s32 v2, v3;
	v3 =	vor.u32 v8, v9  }
0x290: {  	v3 =	vxor.u32 v3, v2  }
0x291: {  	v10 =	vshrl.u32 v3, $0x1A;
	v11 =	vshll.u32 v3, $0x6  }
0x292: {  	v2 =	vadd.s32 v2, v3;
	v3 =	vor.u32 v10, v11  }
0x293: {  	v3 =	vxor.u32 v3, v2  }
0x294: {  	v2 =	vadd.s32 $0x1BD11BF0, v2;
	v3 =	vadd.s32 $0x5, v3  }
0x295: {  	v2 =	vxor.u32 v2, v3  }
0x296: {  	s30 =	sor.u32 s28, s9;
	[tilespmem:v1+s2+$0x0 ss:$0x1] =	vst.idx.msk $0xffff, v2  }
0x297: {  	v2 =	vld.idx.msk [tilespmem:v0+s30+$0x0 ss:$0x1], $0xffff;
	_ =	sdelay $0x4  }
0x298: {  	v3 =	vshrl.u32 v2, $0x13;
	v12 =	vshll.u32 v2, $0xD  }
0x299: {  	v3 =	vor.u32 v3, v12  }
0x29a: {  	v3 =	vxor.u32 v2, v3  }
0x29b: {  	v13 =	vshrl.u32 v3, $0x11;
	v14 =	vshll.u32 v3, $0xF  }
0x29c: {  	v2 =	vadd.s32 v2, v3;
	v3 =	vor.u32 v13, v14  }
0x29d: {  	v3 =	vxor.u32 v3, v2  }
0x29e: {  	v15 =	vshrl.u32 v3, $0x6;
	v16 =	vshll.u32 v3, $0x1A  }
0x29f: {  	v2 =	vadd.s32 v2, v3;
	v3 =	vor.u32 v15, v16  }
0x2a0: {  	v3 =	vxor.u32 v3, v2  }
0x2a1: {  	v17 =	vshrl.u32 v3, $0x1A;
	v18 =	vshll.u32 v3, $0x6  }
0x2a2: {  	v2 =	vadd.s32 v2, v3;
	v3 =	vor.u32 v17, v18  }
0x2a3: {  	v3 =	vxor.u32 v3, v2  }
0x2a4: {  	v3 =	vadd.s32 $0x1BD11BF1, v3  }
0x2a5: {  	v2 =	vadd.s32 v3, v2;
	v19 =	vshrl.u32 v3, $0xF;
	v3 =	vshll.u32 v3, $0x11  }
0x2a6: {  	v2 =	vadd.s32 $0x2A, v2;
	v3 =	vor.u32 v19, v3  }
0x2a7: {  	v3 =	vxor.u32 v3, v2  }
0x2a8: {  	v20 =	vshrl.u32 v3, $0x3;
	v21 =	vshll.u32 v3, $0x1D  }
0x2a9: {  	v2 =	vadd.s32 v2, v3;
	v3 =	vor.u32 v20, v21  }
0x2aa: {  	v3 =	vxor.u32 v3, v2  }
0x2ab: {  	v22 =	vshrl.u32 v3, $0x10;
	v23 =	vshll.u32 v3, $0x10  }
0x2ac: {  	v2 =	vadd.s32 v2, v3;
	v3 =	vor.u32 v22, v23  }
0x2ad: {  	v3 =	vxor.u32 v3, v2  }
0x2ae: {  	v24 =	vshrl.u32 v3, $0x8;
	v25 =	vshll.u32 v3, $0x18  }
0x2af: {  	v2 =	vadd.s32 v2, v3;
	v3 =	vor.u32 v24, v25  }
0x2b0: {  	v3 =	vxor.u32 v3, v2  }
0x2b1: {  	v3 =	vadd.s32 $0x2, v3  }
0x2b2: {  	v2 =	vadd.s32 v3, v2;
	v26 =	vshrl.u32 v3, $0x13;
	v3 =	vshll.u32 v3, $0xD  }
0x2b3: {  	v2 =	vadd.s32 $0x1BD11BF0, v2;
	v3 =	vor.u32 v26, v3  }
0x2b4: {  	v3 =	vxor.u32 v3, v2  }
0x2b5: {  	v27 =	vshrl.u32 v3, $0x11;
	v28 =	vshll.u32 v3, $0xF  }
0x2b6: {  	v2 =	vadd.s32 v2, v3;
	v3 =	vor.u32 v27, v28  }
0x2b7: {  	v3 =	vxor.u32 v3, v2  }
0x2b8: {  	v29 =	vshrl.u32 v3, $0x6;
	v30 =	vshll.u32 v3, $0x1A  }
0x2b9: {  	v2 =	vadd.s32 v2, v3;
	v3 =	vor.u32 v29, v30  }
0x2ba: {  	v3 =	vxor.u32 v3, v2  }
0x2bb: {  	v31 =	vshrl.u32 v3, $0x1A;
	v32 =	vshll.u32 v3, $0x6  }
0x2bc: {  	v2 =	vadd.s32 v2, v3;
	v3 =	vor.u32 v31, v32  }
0x2bd: {  	v3 =	vxor.u32 v3, v2  }
0x2be: {  	v3 =	vadd.s32 $0x2D, v3  }
0x2bf: {  	v33 =	vshrl.u32 v3, $0xF;
	v34 =	vshll.u32 v3, $0x11  }
0x2c0: {  	v2 =	vadd.s32 v2, v3;
	v3 =	vor.u32 v33, v34  }
0x2c1: {  	v3 =	vxor.u32 v3, v2  }
0x2c2: {  	v35 =	vshrl.u32 v3, $0x3;
	v36 =	vshll.u32 v3, $0x1D  }
0x2c3: {  	v2 =	vadd.s32 v2, v3;
	v3 =	vor.u32 v35, v36  }
0x2c4: {  	v3 =	vxor.u32 v3, v2  }
0x2c5: {  	v37 =	vshrl.u32 v3, $0x10;
	v38 =	vshll.u32 v3, $0x10  }
0x2c6: {  	v2 =	vadd.s32 v2, v3;
	v3 =	vor.u32 v37, v38  }
0x2c7: {  	v3 =	vxor.u32 v3, v2  }
0x2c8: {  	v39 =	vshrl.u32 v3, $0x8;
	v40 =	vshll.u32 v3, $0x18  }
0x2c9: {  	v2 =	vadd.s32 v2, v3;
	v3 =	vor.u32 v39, v40  }
0x2ca: {  	v3 =	vxor.u32 v3, v2  }
0x2cb: {  	v3 =	vadd.s32 $0x1BD11BF4, v3  }
0x2cc: {  	v2 =	vadd.s32 v3, v2;
	v41 =	vshrl.u32 v3, $0x13;
	v3 =	vshll.u32 v3, $0xD  }
0x2cd: {  	v2 =	vadd.s32 $0x2A, v2;
	v3 =	vor.u32 v41, v3  }
0x2ce: {  	v3 =	vxor.u32 v3, v2  }
0x2cf: {  	v42 =	vshrl.u32 v3, $0x11;
	v43 =	vshll.u32 v3, $0xF  }
0x2d0: {  	v2 =	vadd.s32 v2, v3;
	v3 =	vor.u32 v42, v43  }
0x2d1: {  	v3 =	vxor.u32 v3, v2  }
0x2d2: {  	v44 =	vshrl.u32 v3, $0x6;
	v45 =	vshll.u32 v3, $0x1A  }
0x2d3: {  	v2 =	vadd.s32 v2, v3;
	v3 =	vor.u32 v44, v45  }
0x2d4: {  	v3 =	vxor.u32 v3, v2  }
0x2d5: {  	v46 =	vshrl.u32 v3, $0x1A;
	v47 =	vshll.u32 v3, $0x6  }
0x2d6: {  	v2 =	vadd.s32 v2, v3;
	v3 =	vor.u32 v46, v47  }
0x2d7: {  	v3 =	vxor.u32 v3, v2  }
0x2d8: {  	v2 =	vadd.s32 $0x1BD11BF0, v2;
	v3 =	vadd.s32 $0x5, v3  }
0x2d9: {  	v2 =	vxor.u32 v2, v3  }
0x2da: {  	s0 =	sor.u32 s28, s0;
	[tilespmem:v1+s30+$0x0 ss:$0x1] =	vst.idx.msk $0xffff, v2  }
0x2db: {  	v2 =	vld.idx.msk [tilespmem:v0+s0+$0x0 ss:$0x1], $0xffff;
	_ =	sdelay $0x4  }
0x2dc: {  	v3 =	vshrl.u32 v2, $0x13;
	v48 =	vshll.u32 v2, $0xD  }
0x2dd: {  	v3 =	vor.u32 v3, v48  }
0x2de: {  	v3 =	vxor.u32 v2, v3  }
0x2df: {  	v49 =	vshrl.u32 v3, $0x11;
	v50 =	vshll.u32 v3, $0xF  }
0x2e0: {  	v2 =	vadd.s32 v2, v3;
	v3 =	vor.u32 v49, v50  }
0x2e1: {  	v3 =	vxor.u32 v3, v2  }
0x2e2: {  	v51 =	vshrl.u32 v3, $0x6;
	v52 =	vshll.u32 v3, $0x1A  }
0x2e3: {  	v2 =	vadd.s32 v2, v3;
	v3 =	vor.u32 v51, v52  }
0x2e4: {  	v3 =	vxor.u32 v3, v2  }
0x2e5: {  	v53 =	vshrl.u32 v3, $0x1A;
	v54 =	vshll.u32 v3, $0x6  }
0x2e6: {  	v2 =	vadd.s32 v2, v3;
	v3 =	vor.u32 v53, v54  }
0x2e7: {  	v3 =	vxor.u32 v3, v2  }
0x2e8: {  	v3 =	vadd.s32 $0x1BD11BF1, v3  }
0x2e9: {  	v2 =	vadd.s32 v3, v2;
	v55 =	vshrl.u32 v3, $0xF;
	v3 =	vshll.u32 v3, $0x11  }
0x2ea: {  	v2 =	vadd.s32 $0x2A, v2;
	v3 =	vor.u32 v55, v3  }
0x2eb: {  	v3 =	vxor.u32 v3, v2  }
0x2ec: {  	v56 =	vshrl.u32 v3, $0x3;
	v57 =	vshll.u32 v3, $0x1D  }
0x2ed: {  	v2 =	vadd.s32 v2, v3;
	v3 =	vor.u32 v56, v57  }
0x2ee: {  	v3 =	vxor.u32 v3, v2  }
0x2ef: {  	v58 =	vshrl.u32 v3, $0x10;
	v59 =	vshll.u32 v3, $0x10  }
0x2f0: {  	v2 =	vadd.s32 v2, v3;
	v3 =	vor.u32 v58, v59  }
0x2f1: {  	v3 =	vxor.u32 v3, v2  }
0x2f2: {  	v60 =	vshrl.u32 v3, $0x8;
	v61 =	vshll.u32 v3, $0x18  }
0x2f3: {  	v2 =	vadd.s32 v2, v3;
	v3 =	vor.u32 v60, v61  }
0x2f4: {  	v3 =	vxor.u32 v3, v2  }
0x2f5: {  	v3 =	vadd.s32 $0x2, v3  }
0x2f6: {  	v2 =	vadd.s32 v3, v2;
	v62 =	vshrl.u32 v3, $0x13;
	v3 =	vshll.u32 v3, $0xD  }
0x2f7: {  	v2 =	vadd.s32 $0x1BD11BF0, v2;
	v3 =	vor.u32 v62, v3  }
0x2f8: {  	v3 =	vxor.u32 v3, v2  }
0x2f9: {  	v63 =	vshrl.u32 v3, $0x11;
	v8 =	vshll.u32 v3, $0xF  }
0x2fa: {  	v2 =	vadd.s32 v2, v3;
	v3 =	vor.u32 v63, v8  }
0x2fb: {  	v3 =	vxor.u32 v3, v2  }
0x2fc: {  	v9 =	vshrl.u32 v3, $0x6;
	v10 =	vshll.u32 v3, $0x1A  }
0x2fd: {  	v2 =	vadd.s32 v2, v3;
	v3 =	vor.u32 v9, v10  }
0x2fe: {  	v3 =	vxor.u32 v3, v2  }
0x2ff: {  	v11 =	vshrl.u32 v3, $0x1A;
	v12 =	vshll.u32 v3, $0x6  }
0x300: {  	v2 =	vadd.s32 v2, v3;
	v3 =	vor.u32 v11, v12  }
0x301: {  	v3 =	vxor.u32 v3, v2  }
0x302: {  	v3 =	vadd.s32 $0x2D, v3  }
0x303: {  	v13 =	vshrl.u32 v3, $0xF;
	v14 =	vshll.u32 v3, $0x11  }
0x304: {  	v2 =	vadd.s32 v2, v3;
	v3 =	vor.u32 v13, v14  }
0x305: {  	v3 =	vxor.u32 v3, v2  }
0x306: {  	v15 =	vshrl.u32 v3, $0x3;
	v16 =	vshll.u32 v3, $0x1D  }
0x307: {  	v2 =	vadd.s32 v2, v3;
	v3 =	vor.u32 v15, v16  }
0x308: {  	v3 =	vxor.u32 v3, v2  }
0x309: {  	v17 =	vshrl.u32 v3, $0x10;
	v18 =	vshll.u32 v3, $0x10  }
0x30a: {  	v2 =	vadd.s32 v2, v3;
	v3 =	vor.u32 v17, v18  }
0x30b: {  	v3 =	vxor.u32 v3, v2  }
0x30c: {  	v19 =	vshrl.u32 v3, $0x8;
	v20 =	vshll.u32 v3, $0x18  }
0x30d: {  	v2 =	vadd.s32 v2, v3;
	v3 =	vor.u32 v19, v20  }
0x30e: {  	v3 =	vxor.u32 v3, v2  }
0x30f: {  	v3 =	vadd.s32 $0x1BD11BF4, v3  }
0x310: {  	v2 =	vadd.s32 v3, v2;
	v21 =	vshrl.u32 v3, $0x13;
	v3 =	vshll.u32 v3, $0xD  }
0x311: {  	v2 =	vadd.s32 $0x2A, v2;
	v3 =	vor.u32 v21, v3  }
0x312: {  	v3 =	vxor.u32 v3, v2  }
0x313: {  	v22 =	vshrl.u32 v3, $0x11;
	v23 =	vshll.u32 v3, $0xF  }
0x314: {  	v2 =	vadd.s32 v2, v3;
	v3 =	vor.u32 v22, v23  }
0x315: {  	v3 =	vxor.u32 v3, v2  }
0x316: {  	v24 =	vshrl.u32 v3, $0x6;
	v25 =	vshll.u32 v3, $0x1A  }
0x317: {  	v2 =	vadd.s32 v2, v3;
	v3 =	vor.u32 v24, v25  }
0x318: {  	v3 =	vxor.u32 v3, v2  }
0x319: {  	v26 =	vshrl.u32 v3, $0x1A;
	v27 =	vshll.u32 v3, $0x6  }
0x31a: {  	v2 =	vadd.s32 v2, v3;
	v3 =	vor.u32 v26, v27  }
0x31b: {  	v3 =	vxor.u32 v3, v2  }
0x31c: {  	v2 =	vadd.s32 $0x1BD11BF0, v2;
	v3 =	vadd.s32 $0x5, v3  }
0x31d: {  	s1 =	sor.u32 s24, s1;
	v2 =	vxor.u32 v2, v3  }
0x31e: {  	s31 =	sor.u32 s28, s1;
	[tilespmem:v1+s0+$0x0 ss:$0x1] =	vst.idx.msk $0xffff, v2  }
0x31f: {  	v2 =	vld.idx.msk [tilespmem:v0+s31+$0x0 ss:$0x1], $0xffff;
	_ =	sdelay $0x4  }
0x320: {  	v3 =	vshrl.u32 v2, $0x13;
	v28 =	vshll.u32 v2, $0xD  }
0x321: {  	v3 =	vor.u32 v3, v28  }
0x322: {  	v3 =	vxor.u32 v2, v3  }
0x323: {  	v29 =	vshrl.u32 v3, $0x11;
	v30 =	vshll.u32 v3, $0xF  }
0x324: {  	v2 =	vadd.s32 v2, v3;
	v3 =	vor.u32 v29, v30  }
0x325: {  	v3 =	vxor.u32 v3, v2  }
0x326: {  	v31 =	vshrl.u32 v3, $0x6;
	v32 =	vshll.u32 v3, $0x1A  }
0x327: {  	v2 =	vadd.s32 v2, v3;
	v3 =	vor.u32 v31, v32  }
0x328: {  	v3 =	vxor.u32 v3, v2  }
0x329: {  	v33 =	vshrl.u32 v3, $0x1A;
	v34 =	vshll.u32 v3, $0x6  }
0x32a: {  	v2 =	vadd.s32 v2, v3;
	v3 =	vor.u32 v33, v34  }
0x32b: {  	v3 =	vxor.u32 v3, v2  }
0x32c: {  	v3 =	vadd.s32 $0x1BD11BF1, v3  }
0x32d: {  	v2 =	vadd.s32 v3, v2;
	v35 =	vshrl.u32 v3, $0xF;
	v3 =	vshll.u32 v3, $0x11  }
0x32e: {  	v2 =	vadd.s32 $0x2A, v2;
	v3 =	vor.u32 v35, v3  }
0x32f: {  	v3 =	vxor.u32 v3, v2  }
0x330: {  	v36 =	vshrl.u32 v3, $0x3;
	v37 =	vshll.u32 v3, $0x1D  }
0x331: {  	v2 =	vadd.s32 v2, v3;
	v3 =	vor.u32 v36, v37  }
0x332: {  	v3 =	vxor.u32 v3, v2  }
0x333: {  	v38 =	vshrl.u32 v3, $0x10;
	v39 =	vshll.u32 v3, $0x10  }
0x334: {  	v2 =	vadd.s32 v2, v3;
	v3 =	vor.u32 v38, v39  }
0x335: {  	v3 =	vxor.u32 v3, v2  }
0x336: {  	v40 =	vshrl.u32 v3, $0x8;
	v41 =	vshll.u32 v3, $0x18  }
0x337: {  	v2 =	vadd.s32 v2, v3;
	v3 =	vor.u32 v40, v41  }
0x338: {  	v3 =	vxor.u32 v3, v2  }
0x339: {  	v3 =	vadd.s32 $0x2, v3  }
0x33a: {  	v2 =	vadd.s32 v3, v2;
	v42 =	vshrl.u32 v3, $0x13;
	v3 =	vshll.u32 v3, $0xD  }
0x33b: {  	v2 =	vadd.s32 $0x1BD11BF0, v2;
	v3 =	vor.u32 v42, v3  }
0x33c: {  	v3 =	vxor.u32 v3, v2  }
0x33d: {  	v43 =	vshrl.u32 v3, $0x11;
	v44 =	vshll.u32 v3, $0xF  }
0x33e: {  	v2 =	vadd.s32 v2, v3;
	v3 =	vor.u32 v43, v44  }
0x33f: {  	v3 =	vxor.u32 v3, v2  }
0x340: {  	v45 =	vshrl.u32 v3, $0x6;
	v46 =	vshll.u32 v3, $0x1A  }
0x341: {  	v2 =	vadd.s32 v2, v3;
	v3 =	vor.u32 v45, v46  }
0x342: {  	v3 =	vxor.u32 v3, v2  }
0x343: {  	v47 =	vshrl.u32 v3, $0x1A;
	v48 =	vshll.u32 v3, $0x6  }
0x344: {  	v2 =	vadd.s32 v2, v3;
	v3 =	vor.u32 v47, v48  }
0x345: {  	v3 =	vxor.u32 v3, v2  }
0x346: {  	v3 =	vadd.s32 $0x2D, v3  }
0x347: {  	v49 =	vshrl.u32 v3, $0xF;
	v50 =	vshll.u32 v3, $0x11  }
0x348: {  	v2 =	vadd.s32 v2, v3;
	v3 =	vor.u32 v49, v50  }
0x349: {  	v3 =	vxor.u32 v3, v2  }
0x34a: {  	v51 =	vshrl.u32 v3, $0x3;
	v52 =	vshll.u32 v3, $0x1D  }
0x34b: {  	v2 =	vadd.s32 v2, v3;
	v3 =	vor.u32 v51, v52  }
0x34c: {  	v3 =	vxor.u32 v3, v2  }
0x34d: {  	v53 =	vshrl.u32 v3, $0x10;
	v54 =	vshll.u32 v3, $0x10  }
0x34e: {  	v2 =	vadd.s32 v2, v3;
	v3 =	vor.u32 v53, v54  }
0x34f: {  	v3 =	vxor.u32 v3, v2  }
0x350: {  	v55 =	vshrl.u32 v3, $0x8;
	v56 =	vshll.u32 v3, $0x18  }
0x351: {  	v2 =	vadd.s32 v2, v3;
	v3 =	vor.u32 v55, v56  }
0x352: {  	v3 =	vxor.u32 v3, v2  }
0x353: {  	v3 =	vadd.s32 $0x1BD11BF4, v3  }
0x354: {  	v2 =	vadd.s32 v3, v2;
	v57 =	vshrl.u32 v3, $0x13;
	v3 =	vshll.u32 v3, $0xD  }
0x355: {  	v2 =	vadd.s32 $0x2A, v2;
	v3 =	vor.u32 v57, v3  }
0x356: {  	v3 =	vxor.u32 v3, v2  }
0x357: {  	v58 =	vshrl.u32 v3, $0x11;
	v59 =	vshll.u32 v3, $0xF  }
0x358: {  	v2 =	vadd.s32 v2, v3;
	v3 =	vor.u32 v58, v59  }
0x359: {  	v3 =	vxor.u32 v3, v2  }
0x35a: {  	v60 =	vshrl.u32 v3, $0x6;
	v61 =	vshll.u32 v3, $0x1A  }
0x35b: {  	v2 =	vadd.s32 v2, v3;
	v3 =	vor.u32 v60, v61  }
0x35c: {  	s22 =	sadd.s32 $0x1, s22;
	v3 =	vxor.u32 v3, v2  }
0x35d: {  	p2 =	sne.s32 s22, $0x8;
	v62 =	vshrl.u32 v3, $0x1A;
	v63 =	vshll.u32 v3, $0x6  }
.Ltmp2:
0x35e: {  	v2 =	vadd.s32 v2, v3;
	v3 =	vor.u32 v62, v63;
	(pc) =	sbr.rel @p2 .LBB2_4-.Ltmp2, $4  }
0x35f: {  	v3 =	vxor.u32 v3, v2  }
0x360: {  	v2 =	vadd.s32 $0x1BD11BF0, v2;
	v3 =	vadd.s32 $0x5, v3  }
0x361: {  	v2 =	vxor.u32 v2, v3  }
0x362: {  	[tilespmem:v1+s31+$0x0 ss:$0x1] =	vst.idx.msk $0xffff, v2  }
0x363: {  	p2 =	seq.s32 s14, s7  }
0x364: {  	p0 =	por p2, p0  }
0x365: {  	s0 =	smul.u32 @p0 $0x14000, s17  }
0x366: {  	_ =	strace $0x9000004B;
	p6 =	sne.s32 s14, $0x0;
	s1 =	sshll.u32 @p0 s19, $0xC  }
0x367: {  	p1 =	por !p6, !p1;
	_ =	strace @p0 $0x8000004C;
	s0 =	sadd.s32 @p0 s0, s1  }
0x368: {  	p1 =	por !p1, !p1;
	s2 =	rddreg [dreg:$0x3];
	s0 =	sshrl.u32 @p0 s0, $0x3  }
0x369: {  	s1 =	sadd.s32 @p0 $0x3, s18;
	s0 =	sadd.s32 @p0 s2, s0;
	s2 =	simm.s32 @p0 $0x0  }
0x36a: {  	[hbm4b:s0+s2] =	stream.linear.scatter @p0 [tilespmem:s20], [sflag:s1], $0x1000, $0x200038;
	[tilespmem:$0x4000] =	vst v63  }
0x36b: {  	s14 =	sadd.s32 $0x1, s14;
	s0 =	simm.s32 $0x1;
	s1 =	sand.u32 @p1 $0x1, s10  }
0x36c: {  	_ =	strace @p0 $0x9000004C;
	s0 =	simm.s32 @!p0 $0x0;
	p0 =	sne.s32 s14, $0x8  }
.Ltmp3:
0x36d: {  	s1 =	sadd.s32 @p1 $0x3, s1;
	_ =	strace @p1 $0x8000004D;
	(pc) =	sbr.rel @p0 .LBB2_3-.Ltmp3, $4  }
0x36e: {  	s2 =	simm.s32 $0x1;
	_ =	swait.ge @p1 [sflag:s1], $0x1000  }
0x36f: {  	s17 =	smov.u32 s16;
	s2 =	simm.s32 @!p1 $0x0;
	[sflag:s1] =	ssyncset.done @p1 $0x0  }
0x370: {  	s11 =	sadd.s32 s0, s11;
	s10 =	sadd.s32 s2, s10;
	[sflag:s1] =	ssyncadd.s32 @p1 $0xFFFFF000  }
0x371: {  	s12 =	sadd.s32 s0, s12;
	s0 =	smov.u32 s15;
	_ =	strace @p1 $0x9000004D  }
0x372: {  	s0 =	sand.u32 $0x1, s10  }
0x373: {  	_ =	strace $0x8000004E;
	s0 =	sadd.s32 $0x3, s0  }
0x374: {  	_ =	swait.ge [sflag:s0], $0x1000  }
0x375: {  	s4 =	rddreg [dreg:$0x2]  }
0x376: {  	s31 =	rddreg [dreg:$0x5];
	s4 =	sadd.s32 $0x1, s4  }
0x377: {  	p0 =	sne.s32 s4, s31  }
.Ltmp4:
0x378: {  	_ = 	snop;
	(pc) =	sbr.rel @p0 .LBB2_2-.Ltmp4, $4  }
0x379: {  	_ = 	snop  }
0x37a: {  	[sflag:s0] =	ssyncset.done $0x0  }
0x37b: {  	[sflag:s0] =	ssyncadd.s32 $0xFFFFF000  }
0x37c: {  	_ =	strace $0x9000004E  }
.LBB2_9:
0x37d: {  	_ =	sfence.sel $0x180000  }
0x37e: {  	[bflag:$0x0] =	sbarrier.arrive $0xFFFF  }
0x37f: {  	_ =	strace $0x90000047  }
0x380: {  	s0 =	stileid.u32;
	[bflag:$0x2] =	sbarrier.arrive $0xFFFF  }
0x381: {  	p0 =	sne.s32 s0, $0x0;
	s0 =	rddreg [dreg:$0x1]  }
0x382: {  	s0 =	sadd.s32 @!p0 $0x100000, s0  }
0x383: {  	[sflag:s0] =	ssyncadd.tile.s32 @!p0 $0x1;
	_ =	shalt  }
.Lfunc_end2:
_tile_overlayer_lowered:
.L_overlay_start_2:
0x384: {  	(tag) =	ssettag $0x2  }
0x385: {  	s0 =	rddreg [dreg:$0x0];
	s2 =	stileid.u32  }
0x386: {  	s1 =	rddreg [dreg:$0x1];
	p0 =	sne.s32 s2, $0x0  }
0x387: {  	s3 =	rddreg [dreg:$0x2];
	[bflag:$0x3] =	sbarrier.arrive $0xFFFF;
	s2 =	simm.s32 @!p0 $0x1C01  }
0x388: {  	[timem:s3], [sflag:s2] =	dma.local @!p0 [hbm:s0], s1  }
0x389: {  	s0 =	simm.s32 @!p0 $0x1  }
0x38a: {  	_ =	swait.ge @!p0 [sflag:s0], s1  }
0x38b: {  	s1 =	ssub.s32 @!p0 $0x0, s1;
	[sflag:s0] =	ssyncset.done @!p0 $0x0  }
0x38c: {  	[sflag:s0] =	ssyncadd.s32 @!p0 s1  }
0x38d: {  	[bflag:$0x3] =	sbarrier.arrive $0xFFFF  }
0x38e: {  	_ =	shalt  }

</sc_bundles>
